<compile_context>
chip_gen: v7x
topology: tpu7x:2x2x1
jax: 0.10.2.dev20260603
libtpu: 0.0.44.dev20260713+nightly
codegen_flags: <defaults>
</compile_context>

<pallas_src>
import functools

import jax
import jax.numpy as jnp
from jax import lax
from jax.experimental import pallas as pl
from jax.experimental.pallas import tpu as pltpu
from jax.experimental.pallas import tpu_sc as plsc

_N = 16384
_D = 32
_NC = 2
_NS = 16
_NW = _NC * _NS
_BPW = _N // _NW
_CHUNK = 128
_NCHUNK = _BPW // _CHUNK
_GRP = 16
_R = 128


def _sc_scores(u2, i2, j2, p, q, bu, bi):
    mesh = plsc.VectorSubcoreMesh(core_axis_name="c", subcore_axis_name="s")

    @functools.partial(
        pl.kernel,
        mesh=mesh,
        compiler_params=pltpu.CompilerParams(
            use_tc_tiling_on_sc=False, needs_layout_passes=False
        ),
        out_type=(
            jax.ShapeDtypeStruct((_R, _R), jnp.float32),
            jax.ShapeDtypeStruct((_R, _R), jnp.float32),
        ),
        scratch_types=[
            pltpu.VMEM((_NCHUNK, _CHUNK), jnp.int32),
            pltpu.VMEM((_NCHUNK, _CHUNK), jnp.int32),
            pltpu.VMEM((_NCHUNK, _CHUNK), jnp.int32),
            pltpu.VMEM((2, _CHUNK, _D), jnp.float32),
            pltpu.VMEM((2, _CHUNK, _D), jnp.float32),
            pltpu.VMEM((2, _CHUNK, _D), jnp.float32),
            pltpu.VMEM((2, _CHUNK), jnp.float32),
            pltpu.VMEM((2, _CHUNK), jnp.float32),
            pltpu.VMEM((2, _CHUNK), jnp.float32),
            pltpu.VMEM((_NCHUNK, _CHUNK), jnp.float32),
            pltpu.VMEM((_NCHUNK, _CHUNK), jnp.float32),
            pltpu.SemaphoreType.DMA,
        ],
    )
    def k(u_hbm, i_hbm, j_hbm, p_hbm, q_hbm, bu_hbm, bi_hbm,
          rui_hbm, ruj_hbm,
          u_v, i_v, j_v, pu_v, qi_v, qj_v, bu_v, bii_v, bij_v,
          rui_v, ruj_v, sem):
        wid = lax.axis_index("s") * _NC + lax.axis_index("c")
        row0 = wid * _NCHUNK

        pltpu.sync_copy(u_hbm.at[pl.ds(row0, _NCHUNK)], u_v)
        pltpu.sync_copy(i_hbm.at[pl.ds(row0, _NCHUNK)], i_v)
        pltpu.sync_copy(j_hbm.at[pl.ds(row0, _NCHUNK)], j_v)

        def fire(c):
            b = c % 2
            return (
                pltpu.async_copy(p_hbm.at[u_v.at[c]], pu_v.at[b], sem),
                pltpu.async_copy(q_hbm.at[i_v.at[c]], qi_v.at[b], sem),
                pltpu.async_copy(q_hbm.at[j_v.at[c]], qj_v.at[b], sem),
                pltpu.async_copy(bu_hbm.at[u_v.at[c]], bu_v.at[b], sem),
                pltpu.async_copy(bi_hbm.at[i_v.at[c]], bii_v.at[b], sem),
                pltpu.async_copy(bi_hbm.at[j_v.at[c]], bij_v.at[b], sem),
            )

        lane = lax.broadcasted_iota(jnp.int32, (_GRP,), 0)
        cps = {0: fire(0)}
        for c in range(_NCHUNK):
            if c + 1 < _NCHUNK:
                cps[c + 1] = fire(c + 1)
            for cp in cps.pop(c):
                cp.wait()
            b = c % 2
            bvec = jnp.full((_GRP,), b, jnp.int32)
            cvec = jnp.full((_GRP,), c, jnp.int32)

            def body(g, carry, bvec=bvec, cvec=cvec):
                row = g * _GRP + lane
                acc_i = jnp.zeros((_GRP,), jnp.float32)
                acc_j = jnp.zeros((_GRP,), jnp.float32)
                for dd in range(_D):
                    dcol = jnp.full((_GRP,), dd, jnp.int32)
                    pu_d = plsc.load_gather(pu_v, [bvec, row, dcol])
                    qi_d = plsc.load_gather(qi_v, [bvec, row, dcol])
                    qj_d = plsc.load_gather(qj_v, [bvec, row, dcol])
                    acc_i = acc_i + pu_d * qi_d
                    acc_j = acc_j + pu_d * qj_d
                b_u = plsc.load_gather(bu_v, [bvec, row])
                b_i = plsc.load_gather(bii_v, [bvec, row])
                b_j = plsc.load_gather(bij_v, [bvec, row])
                plsc.store_scatter(rui_v, [cvec, row], b_u + b_i + acc_i)
                plsc.store_scatter(ruj_v, [cvec, row], b_u + b_j + acc_j)
                return carry

            lax.fori_loop(0, _CHUNK // _GRP, body, 0)

        pltpu.sync_copy(rui_v, rui_hbm.at[pl.ds(row0, _NCHUNK)])
        pltpu.sync_copy(ruj_v, ruj_hbm.at[pl.ds(row0, _NCHUNK)])

    return k(u2, i2, j2, p, q, bu, bi)


def _loss_body(m_ref, rui_ref, ruj_ref, ui_ref, uj_ref, out_ref):
    m = m_ref[0]
    rui = rui_ref[...] + m
    ruj = ruj_ref[...] + m
    r = rui - ruj
    bpr = jnp.maximum(-r, 0.0) + jnp.log1p(jnp.exp(-jnp.abs(r)))
    d1 = rui - ui_ref[...]
    a1 = jnp.abs(d1)
    s1 = jnp.where(a1 < 1.0, 0.5 * d1 * d1, a1 - 0.5)
    d2 = ruj - uj_ref[...]
    a2 = jnp.abs(d2)
    s2 = jnp.where(a2 < 1.0, 0.5 * d2 * d2, a2 - 0.5)
    out_ref[0, 0] = (0.7 * jnp.mean(bpr)
                     + 0.3 * 0.5 * (jnp.mean(s1) + jnp.mean(s2)))


def kernel(u, i, j, ui, uj, m, bu, bi, p, q):
    u2 = jnp.reshape(u.astype(jnp.int32), (_R, _R))
    i2 = jnp.reshape(i.astype(jnp.int32), (_R, _R))
    j2 = jnp.reshape(j.astype(jnp.int32), (_R, _R))
    rui, ruj = _sc_scores(u2, i2, j2, p, q, bu, bi)
    out = pl.pallas_call(
        _loss_body,
        out_shape=jax.ShapeDtypeStruct((1, 1), jnp.float32),
        in_specs=[
            pl.BlockSpec(memory_space=pltpu.SMEM),
            pl.BlockSpec(memory_space=pltpu.VMEM),
            pl.BlockSpec(memory_space=pltpu.VMEM),
            pl.BlockSpec(memory_space=pltpu.VMEM),
            pl.BlockSpec(memory_space=pltpu.VMEM),
        ],
        out_specs=pl.BlockSpec(memory_space=pltpu.SMEM),
    )(m, rui, ruj, jnp.reshape(ui, (_R, _R)), jnp.reshape(uj, (_R, _R)))
    return out[0, 0]

# --- scband reference (transcript-rebuilt; emitter-appended) ---
"""Pipeline reference for scband-bprnetwork-48172353192169 (READ-ONLY COPY).

The authoritative reference and input builder live on the scoring server;
editing this copy changes nothing except your own understanding.
"""

import jax, jax.numpy as jnp
import numpy as np

U = 1000000
I = 1000000
D = 32
N = 16384


def setup_inputs(seed: int = 0) -> dict:
    key = jax.random.key(seed)
    ks = jax.random.split(key, 10)
    u = jax.random.randint(ks[0], (N,), 0, U, dtype=jnp.int64 if jax.config.jax_enable_x64 else jnp.int32)
    i = jax.random.randint(ks[1], (N,), 0, I, dtype=jnp.int64 if jax.config.jax_enable_x64 else jnp.int32)
    j = jax.random.randint(ks[2], (N,), 0, I, dtype=jnp.int64 if jax.config.jax_enable_x64 else jnp.int32)
    ui = jax.random.uniform(ks[3], (N,), dtype=jnp.float32)
    uj = jax.random.uniform(ks[4], (N,), dtype=jnp.float32)
    # learned parameters (mirrors nn.Parameter init: m zeros, others normal)
    m = jnp.zeros((1,), dtype=jnp.float32)
    bu = jax.random.normal(ks[5], (U,), dtype=jnp.float32)
    bi = jax.random.normal(ks[6], (I,), dtype=jnp.float32)
    p = jax.random.normal(ks[7], (U, D), dtype=jnp.float32)
    q = jax.random.normal(ks[8], (I, D), dtype=jnp.float32)
    return {"u": u, "i": i, "j": j, "ui": ui, "uj": uj, "m": m, "bu": bu, "bi": bi, "p": p, "q": q}


def _smooth_l1(pred, target):
    d = pred - target
    ad = jnp.abs(d)
    return jnp.where(ad < 1.0, 0.5 * d * d, ad - 0.5).mean()


def reference(u, i, j, ui, uj, m, bu, bi, p, q):
    def score(uu, ii):
        r = m[0] + jnp.take(bu, uu, axis=0) + jnp.take(bi, ii, axis=0)
        pu = jnp.take(p, uu, axis=0)
        qi = jnp.take(q, ii, axis=0)
        return r + (pu * qi).sum(axis=1)

    rui = score(u, i)
    ruj = score(u, j)
    r_uij = rui - ruj
    los_bpr = -jax.nn.log_sigmoid(r_uij).mean()
    los_score = 0.5 * (_smooth_l1(rui, ui) + _smooth_l1(ruj, uj))
    bpr_alpha = 0.7
    los_value = bpr_alpha * los_bpr + (1.0 - bpr_alpha) * los_score
    return los_value

if __name__ == "__main__":
    import jax
    _d = setup_inputs()
    print(jax.jit(kernel)(*tuple(_d.values())))

</pallas_src>

<mosaic_0001>
#map = affine_map<(d0, d1) -> (0, 0)>
#map1 = affine_map<(d0, d1) -> (0)>
module attributes {stable_mosaic.version = 14 : i64} {
  func.func @k(%arg0: i32, %arg1: i32, %arg2: memref<128x128xi32, #tpu.memory_space<hbm>>, %arg3: memref<128x128xi32, #tpu.memory_space<hbm>>, %arg4: memref<128x128xi32, #tpu.memory_space<hbm>>, %arg5: memref<1000000x32xf32, #tpu.memory_space<hbm>>, %arg6: memref<1000000x32xf32, #tpu.memory_space<hbm>>, %arg7: memref<1000000xf32, #tpu.memory_space<hbm>>, %arg8: memref<1000000xf32, #tpu.memory_space<hbm>>, %arg9: memref<128x128xf32, #tpu.memory_space<hbm>>, %arg10: memref<128x128xf32, #tpu.memory_space<hbm>>, %arg11: memref<4x128xi32, #tpu.memory_space<vmem>>, %arg12: memref<4x128xi32, #tpu.memory_space<vmem>>, %arg13: memref<4x128xi32, #tpu.memory_space<vmem>>, %arg14: memref<2x128x32xf32, #tpu.memory_space<vmem>>, %arg15: memref<2x128x32xf32, #tpu.memory_space<vmem>>, %arg16: memref<2x128x32xf32, #tpu.memory_space<vmem>>, %arg17: memref<2x128xf32, #tpu.memory_space<vmem>>, %arg18: memref<2x128xf32, #tpu.memory_space<vmem>>, %arg19: memref<2x128xf32, #tpu.memory_space<vmem>>, %arg20: memref<4x128xf32, #tpu.memory_space<vmem>>, %arg21: memref<4x128xf32, #tpu.memory_space<vmem>>, %arg22: memref<!tpu.dma_semaphore, #tpu.memory_space<semaphore_mem>>) attributes {dimension_semantics = [#tpu.dimension_semantics<core_parallel>, #tpu.dimension_semantics<subcore_parallel>], iteration_bounds = array<i64: 2, 16>, scalar_prefetch = 0 : i64, scratch_operands = 12 : i64, tpu.core_type = #tpu.core_type<sc_vector_subcore>, window_params = [{transform_indices = #map}, {transform_indices = #map}, {transform_indices = #map}, {transform_indices = #map}, {transform_indices = #map}, {transform_indices = #map1}, {transform_indices = #map1}, {transform_indices = #map}, {transform_indices = #map}]} {
    %mul3A = arith.constant 2 : i32
    %mul3A_0 = arith.muli %arg1, %mul3A : i32
    %add3A = arith.addi %mul3A_0, %arg0 : i32
    %mul3A_1 = arith.constant 4 : i32
    %mul3A_2 = arith.muli %add3A, %mul3A_1 : i32
    "tpu.region"() ({
      %run_scoped3A = tpu.sem_alloc : memref<!tpu.dma_semaphore, #tpu.memory_space<semaphore_mem>>
      %dma_start3A_567 = arith.constant 0 : i32
      %dma_start3A_568 = tpu.memref_slice %arg2[%mul3A_2, %dma_start3A_567] : memref<128x128xi32, #tpu.memory_space<hbm>> -> memref<4x128xi32, #tpu.memory_space<hbm>>
      %dma_start3A_569 = arith.constant 0 : i32
      %dma_start3A_570 = tpu.memref_slice %arg2[%mul3A_2, %dma_start3A_569] : memref<128x128xi32, #tpu.memory_space<hbm>> -> memref<4x128xi32, #tpu.memory_space<hbm>>
      tpu.enqueue_dma source(%dma_start3A_570 : memref<4x128xi32, #tpu.memory_space<hbm>>) target(%arg11 : memref<4x128xi32, #tpu.memory_space<vmem>>) target_semaphore(%run_scoped3A : memref<!tpu.dma_semaphore, #tpu.memory_space<semaphore_mem>>)
      %dma_wait3A_571 = arith.constant 0 : i32
      %dma_wait3A_572 = tpu.memref_slice %arg2[%mul3A_2, %dma_wait3A_571] : memref<128x128xi32, #tpu.memory_space<hbm>> -> memref<4x128xi32, #tpu.memory_space<hbm>>
      %dma_wait3A_573 = arith.constant 0 : i32
      %dma_wait3A_574 = tpu.memref_slice %arg2[%mul3A_2, %dma_wait3A_573] : memref<128x128xi32, #tpu.memory_space<hbm>> -> memref<4x128xi32, #tpu.memory_space<hbm>>
      tpu.wait_dma2 semaphore(%run_scoped3A : memref<!tpu.dma_semaphore, #tpu.memory_space<semaphore_mem>>) src(%dma_wait3A_574 : memref<4x128xi32, #tpu.memory_space<hbm>>) dst(%arg11 : memref<4x128xi32, #tpu.memory_space<vmem>>)
      tpu.yield
    }) : () -> ()
    "tpu.region"() ({
      %run_scoped3A = tpu.sem_alloc : memref<!tpu.dma_semaphore, #tpu.memory_space<semaphore_mem>>
      %dma_start3A_567 = arith.constant 0 : i32
      %dma_start3A_568 = tpu.memref_slice %arg3[%mul3A_2, %dma_start3A_567] : memref<128x128xi32, #tpu.memory_space<hbm>> -> memref<4x128xi32, #tpu.memory_space<hbm>>
      %dma_start3A_569 = arith.constant 0 : i32
      %dma_start3A_570 = tpu.memref_slice %arg3[%mul3A_2, %dma_start3A_569] : memref<128x128xi32, #tpu.memory_space<hbm>> -> memref<4x128xi32, #tpu.memory_space<hbm>>
      tpu.enqueue_dma source(%dma_start3A_570 : memref<4x128xi32, #tpu.memory_space<hbm>>) target(%arg12 : memref<4x128xi32, #tpu.memory_space<vmem>>) target_semaphore(%run_scoped3A : memref<!tpu.dma_semaphore, #tpu.memory_space<semaphore_mem>>)
      %dma_wait3A_571 = arith.constant 0 : i32
      %dma_wait3A_572 = tpu.memref_slice %arg3[%mul3A_2, %dma_wait3A_571] : memref<128x128xi32, #tpu.memory_space<hbm>> -> memref<4x128xi32, #tpu.memory_space<hbm>>
      %dma_wait3A_573 = arith.constant 0 : i32
      %dma_wait3A_574 = tpu.memref_slice %arg3[%mul3A_2, %dma_wait3A_573] : memref<128x128xi32, #tpu.memory_space<hbm>> -> memref<4x128xi32, #tpu.memory_space<hbm>>
      tpu.wait_dma2 semaphore(%run_scoped3A : memref<!tpu.dma_semaphore, #tpu.memory_space<semaphore_mem>>) src(%dma_wait3A_574 : memref<4x128xi32, #tpu.memory_space<hbm>>) dst(%arg12 : memref<4x128xi32, #tpu.memory_space<vmem>>)
      tpu.yield
    }) : () -> ()
    "tpu.region"() ({
      %run_scoped3A = tpu.sem_alloc : memref<!tpu.dma_semaphore, #tpu.memory_space<semaphore_mem>>
      %dma_start3A_567 = arith.constant 0 : i32
      %dma_start3A_568 = tpu.memref_slice %arg4[%mul3A_2, %dma_start3A_567] : memref<128x128xi32, #tpu.memory_space<hbm>> -> memref<4x128xi32, #tpu.memory_space<hbm>>
      %dma_start3A_569 = arith.constant 0 : i32
      %dma_start3A_570 = tpu.memref_slice %arg4[%mul3A_2, %dma_start3A_569] : memref<128x128xi32, #tpu.memory_space<hbm>> -> memref<4x128xi32, #tpu.memory_space<hbm>>
      tpu.enqueue_dma source(%dma_start3A_570 : memref<4x128xi32, #tpu.memory_space<hbm>>) target(%arg13 : memref<4x128xi32, #tpu.memory_space<vmem>>) target_semaphore(%run_scoped3A : memref<!tpu.dma_semaphore, #tpu.memory_space<semaphore_mem>>)
      %dma_wait3A_571 = arith.constant 0 : i32
      %dma_wait3A_572 = tpu.memref_slice %arg4[%mul3A_2, %dma_wait3A_571] : memref<128x128xi32, #tpu.memory_space<hbm>> -> memref<4x128xi32, #tpu.memory_space<hbm>>
      %dma_wait3A_573 = arith.constant 0 : i32
      %dma_wait3A_574 = tpu.memref_slice %arg4[%mul3A_2, %dma_wait3A_573] : memref<128x128xi32, #tpu.memory_space<hbm>> -> memref<4x128xi32, #tpu.memory_space<hbm>>
      tpu.wait_dma2 semaphore(%run_scoped3A : memref<!tpu.dma_semaphore, #tpu.memory_space<semaphore_mem>>) src(%dma_wait3A_574 : memref<4x128xi32, #tpu.memory_space<hbm>>) dst(%arg13 : memref<4x128xi32, #tpu.memory_space<vmem>>)
      tpu.yield
    }) : () -> ()
    %iota3A = tpu.iota {dimensions = array<i32: 0>} : vector<16xi32>
    %dma_start3A = arith.constant 0 : i32
    %dma_start3A_3 = arith.constant 0 : i32
    %dma_start3A_4 = arith.constant 0 : i32
    %dma_start3A_5 = arith.constant 0 : i32
    %dma_start3A_6 = tpu.memref_slice %arg14[%dma_start3A_3, %dma_start3A_4, %dma_start3A_5] : memref<2x128x32xf32, #tpu.memory_space<vmem>> -> memref<1x128x32xf32, #tpu.memory_space<vmem>>
    %dma_start3A_7 = tpu.memref_squeeze %dma_start3A_6 : memref<1x128x32xf32, #tpu.memory_space<vmem>> -> memref<128x32xf32, #tpu.memory_space<vmem>>
    %dma_start3A_8 = arith.constant 0 : i32
    %dma_start3A_9 = tpu.memref_slice %arg11[%dma_start3A, %dma_start3A_8] : memref<4x128xi32, #tpu.memory_space<vmem>> -> memref<1x128xi32, #tpu.memory_space<vmem>>
    %dma_start3A_10 = tpu.memref_squeeze %dma_start3A_9 : memref<1x128xi32, #tpu.memory_space<vmem>> -> memref<128xi32, #tpu.memory_space<vmem>>
    %dma_start3A_11 = arith.constant 0 : i32
    %dma_start3A_12 = arith.constant 0 : i32
    %dma_start3A_13 = tpu.memref_slice %arg5[%dma_start3A_11, %dma_start3A_12] : memref<1000000x32xf32, #tpu.memory_space<hbm>> -> memref<1000000x32xf32, #tpu.memory_space<hbm>>
    tpu.enqueue_indirect_dma source(%dma_start3A_13 : memref<1000000x32xf32, #tpu.memory_space<hbm>>) target(%dma_start3A_7 : memref<128x32xf32, #tpu.memory_space<vmem>>) offsets(%dma_start3A_10 : memref<128xi32, #tpu.memory_space<vmem>>) semaphore(%arg22 : memref<!tpu.dma_semaphore, #tpu.memory_space<semaphore_mem>>)
    %dma_start3A_14 = arith.constant 0 : i32
    %dma_start3A_15 = arith.constant 0 : i32
    %dma_start3A_16 = arith.constant 0 : i32
    %dma_start3A_17 = arith.constant 0 : i32
    %dma_start3A_18 = tpu.memref_slice %arg15[%dma_start3A_15, %dma_start3A_16, %dma_start3A_17] : memref<2x128x32xf32, #tpu.memory_space<vmem>> -> memref<1x128x32xf32, #tpu.memory_space<vmem>>
    %dma_start3A_19 = tpu.memref_squeeze %dma_start3A_18 : memref<1x128x32xf32, #tpu.memory_space<vmem>> -> memref<128x32xf32, #tpu.memory_space<vmem>>
    %dma_start3A_20 = arith.constant 0 : i32
    %dma_start3A_21 = tpu.memref_slice %arg12[%dma_start3A_14, %dma_start3A_20] : memref<4x128xi32, #tpu.memory_space<vmem>> -> memref<1x128xi32, #tpu.memory_space<vmem>>
    %dma_start3A_22 = tpu.memref_squeeze %dma_start3A_21 : memref<1x128xi32, #tpu.memory_space<vmem>> -> memref<128xi32, #tpu.memory_space<vmem>>
    %dma_start3A_23 = arith.constant 0 : i32
    %dma_start3A_24 = arith.constant 0 : i32
    %dma_start3A_25 = tpu.memref_slice %arg6[%dma_start3A_23, %dma_start3A_24] : memref<1000000x32xf32, #tpu.memory_space<hbm>> -> memref<1000000x32xf32, #tpu.memory_space<hbm>>
    tpu.enqueue_indirect_dma source(%dma_start3A_25 : memref<1000000x32xf32, #tpu.memory_space<hbm>>) target(%dma_start3A_19 : memref<128x32xf32, #tpu.memory_space<vmem>>) offsets(%dma_start3A_22 : memref<128xi32, #tpu.memory_space<vmem>>) semaphore(%arg22 : memref<!tpu.dma_semaphore, #tpu.memory_space<semaphore_mem>>)
    %dma_start3A_26 = arith.constant 0 : i32
    %dma_start3A_27 = arith.constant 0 : i32
    %dma_start3A_28 = arith.constant 0 : i32
    %dma_start3A_29 = arith.constant 0 : i32
    %dma_start3A_30 = tpu.memref_slice %arg16[%dma_start3A_27, %dma_start3A_28, %dma_start3A_29] : memref<2x128x32xf32, #tpu.memory_space<vmem>> -> memref<1x128x32xf32, #tpu.memory_space<vmem>>
    %dma_start3A_31 = tpu.memref_squeeze %dma_start3A_30 : memref<1x128x32xf32, #tpu.memory_space<vmem>> -> memref<128x32xf32, #tpu.memory_space<vmem>>
    %dma_start3A_32 = arith.constant 0 : i32
    %dma_start3A_33 = tpu.memref_slice %arg13[%dma_start3A_26, %dma_start3A_32] : memref<4x128xi32, #tpu.memory_space<vmem>> -> memref<1x128xi32, #tpu.memory_space<vmem>>
    %dma_start3A_34 = tpu.memref_squeeze %dma_start3A_33 : memref<1x128xi32, #tpu.memory_space<vmem>> -> memref<128xi32, #tpu.memory_space<vmem>>
    %dma_start3A_35 = arith.constant 0 : i32
    %dma_start3A_36 = arith.constant 0 : i32
    %dma_start3A_37 = tpu.memref_slice %arg6[%dma_start3A_35, %dma_start3A_36] : memref<1000000x32xf32, #tpu.memory_space<hbm>> -> memref<1000000x32xf32, #tpu.memory_space<hbm>>
    tpu.enqueue_indirect_dma source(%dma_start3A_37 : memref<1000000x32xf32, #tpu.memory_space<hbm>>) target(%dma_start3A_31 : memref<128x32xf32, #tpu.memory_space<vmem>>) offsets(%dma_start3A_34 : memref<128xi32, #tpu.memory_space<vmem>>) semaphore(%arg22 : memref<!tpu.dma_semaphore, #tpu.memory_space<semaphore_mem>>)
    %dma_start3A_38 = arith.constant 0 : i32
    %dma_start3A_39 = arith.constant 0 : i32
    %dma_start3A_40 = arith.constant 0 : i32
    %dma_start3A_41 = tpu.memref_slice %arg17[%dma_start3A_39, %dma_start3A_40] : memref<2x128xf32, #tpu.memory_space<vmem>> -> memref<1x128xf32, #tpu.memory_space<vmem>>
    %dma_start3A_42 = tpu.memref_squeeze %dma_start3A_41 : memref<1x128xf32, #tpu.memory_space<vmem>> -> memref<128xf32, #tpu.memory_space<vmem>>
    %dma_start3A_43 = arith.constant 0 : i32
    %dma_start3A_44 = tpu.memref_slice %arg11[%dma_start3A_38, %dma_start3A_43] : memref<4x128xi32, #tpu.memory_space<vmem>> -> memref<1x128xi32, #tpu.memory_space<vmem>>
    %dma_start3A_45 = tpu.memref_squeeze %dma_start3A_44 : memref<1x128xi32, #tpu.memory_space<vmem>> -> memref<128xi32, #tpu.memory_space<vmem>>
    %dma_start3A_46 = arith.constant 0 : i32
    %dma_start3A_47 = tpu.memref_slice %arg7[%dma_start3A_46] : memref<1000000xf32, #tpu.memory_space<hbm>> -> memref<1000000xf32, #tpu.memory_space<hbm>>
    tpu.enqueue_indirect_dma source(%dma_start3A_47 : memref<1000000xf32, #tpu.memory_space<hbm>>) target(%dma_start3A_42 : memref<128xf32, #tpu.memory_space<vmem>>) offsets(%dma_start3A_45 : memref<128xi32, #tpu.memory_space<vmem>>) semaphore(%arg22 : memref<!tpu.dma_semaphore, #tpu.memory_space<semaphore_mem>>)
    %dma_start3A_48 = arith.constant 0 : i32
    %dma_start3A_49 = arith.constant 0 : i32
    %dma_start3A_50 = arith.constant 0 : i32
    %dma_start3A_51 = tpu.memref_slice %arg18[%dma_start3A_49, %dma_start3A_50] : memref<2x128xf32, #tpu.memory_space<vmem>> -> memref<1x128xf32, #tpu.memory_space<vmem>>
    %dma_start3A_52 = tpu.memref_squeeze %dma_start3A_51 : memref<1x128xf32, #tpu.memory_space<vmem>> -> memref<128xf32, #tpu.memory_space<vmem>>
    %dma_start3A_53 = arith.constant 0 : i32
    %dma_start3A_54 = tpu.memref_slice %arg12[%dma_start3A_48, %dma_start3A_53] : memref<4x128xi32, #tpu.memory_space<vmem>> -> memref<1x128xi32, #tpu.memory_space<vmem>>
    %dma_start3A_55 = tpu.memref_squeeze %dma_start3A_54 : memref<1x128xi32, #tpu.memory_space<vmem>> -> memref<128xi32, #tpu.memory_space<vmem>>
    %dma_start3A_56 = arith.constant 0 : i32
    %dma_start3A_57 = tpu.memref_slice %arg8[%dma_start3A_56] : memref<1000000xf32, #tpu.memory_space<hbm>> -> memref<1000000xf32, #tpu.memory_space<hbm>>
    tpu.enqueue_indirect_dma source(%dma_start3A_57 : memref<1000000xf32, #tpu.memory_space<hbm>>) target(%dma_start3A_52 : memref<128xf32, #tpu.memory_space<vmem>>) offsets(%dma_start3A_55 : memref<128xi32, #tpu.memory_space<vmem>>) semaphore(%arg22 : memref<!tpu.dma_semaphore, #tpu.memory_space<semaphore_mem>>)
    %dma_start3A_58 = arith.constant 0 : i32
    %dma_start3A_59 = arith.constant 0 : i32
    %dma_start3A_60 = arith.constant 0 : i32
    %dma_start3A_61 = tpu.memref_slice %arg19[%dma_start3A_59, %dma_start3A_60] : memref<2x128xf32, #tpu.memory_space<vmem>> -> memref<1x128xf32, #tpu.memory_space<vmem>>
    %dma_start3A_62 = tpu.memref_squeeze %dma_start3A_61 : memref<1x128xf32, #tpu.memory_space<vmem>> -> memref<128xf32, #tpu.memory_space<vmem>>
    %dma_start3A_63 = arith.constant 0 : i32
    %dma_start3A_64 = tpu.memref_slice %arg13[%dma_start3A_58, %dma_start3A_63] : memref<4x128xi32, #tpu.memory_space<vmem>> -> memref<1x128xi32, #tpu.memory_space<vmem>>
    %dma_start3A_65 = tpu.memref_squeeze %dma_start3A_64 : memref<1x128xi32, #tpu.memory_space<vmem>> -> memref<128xi32, #tpu.memory_space<vmem>>
    %dma_start3A_66 = arith.constant 0 : i32
    %dma_start3A_67 = tpu.memref_slice %arg8[%dma_start3A_66] : memref<1000000xf32, #tpu.memory_space<hbm>> -> memref<1000000xf32, #tpu.memory_space<hbm>>
    tpu.enqueue_indirect_dma source(%dma_start3A_67 : memref<1000000xf32, #tpu.memory_space<hbm>>) target(%dma_start3A_62 : memref<128xf32, #tpu.memory_space<vmem>>) offsets(%dma_start3A_65 : memref<128xi32, #tpu.memory_space<vmem>>) semaphore(%arg22 : memref<!tpu.dma_semaphore, #tpu.memory_space<semaphore_mem>>)
    %dma_start3A_68 = arith.constant 1 : i32
    %dma_start3A_69 = arith.constant 1 : i32
    %dma_start3A_70 = arith.constant 0 : i32
    %dma_start3A_71 = arith.constant 0 : i32
    %dma_start3A_72 = tpu.memref_slice %arg14[%dma_start3A_69, %dma_start3A_70, %dma_start3A_71] : memref<2x128x32xf32, #tpu.memory_space<vmem>> -> memref<1x128x32xf32, #tpu.memory_space<vmem>>
    %dma_start3A_73 = tpu.memref_squeeze %dma_start3A_72 : memref<1x128x32xf32, #tpu.memory_space<vmem>> -> memref<128x32xf32, #tpu.memory_space<vmem>>
    %dma_start3A_74 = arith.constant 0 : i32
    %dma_start3A_75 = tpu.memref_slice %arg11[%dma_start3A_68, %dma_start3A_74] : memref<4x128xi32, #tpu.memory_space<vmem>> -> memref<1x128xi32, #tpu.memory_space<vmem>>
    %dma_start3A_76 = tpu.memref_squeeze %dma_start3A_75 : memref<1x128xi32, #tpu.memory_space<vmem>> -> memref<128xi32, #tpu.memory_space<vmem>>
    %dma_start3A_77 = arith.constant 0 : i32
    %dma_start3A_78 = arith.constant 0 : i32
    %dma_start3A_79 = tpu.memref_slice %arg5[%dma_start3A_77, %dma_start3A_78] : memref<1000000x32xf32, #tpu.memory_space<hbm>> -> memref<1000000x32xf32, #tpu.memory_space<hbm>>
    tpu.enqueue_indirect_dma source(%dma_start3A_79 : memref<1000000x32xf32, #tpu.memory_space<hbm>>) target(%dma_start3A_73 : memref<128x32xf32, #tpu.memory_space<vmem>>) offsets(%dma_start3A_76 : memref<128xi32, #tpu.memory_space<vmem>>) semaphore(%arg22 : memref<!tpu.dma_semaphore, #tpu.memory_space<semaphore_mem>>)
    %dma_start3A_80 = arith.constant 1 : i32
    %dma_start3A_81 = arith.constant 1 : i32
    %dma_start3A_82 = arith.constant 0 : i32
    %dma_start3A_83 = arith.constant 0 : i32
    %dma_start3A_84 = tpu.memref_slice %arg15[%dma_start3A_81, %dma_start3A_82, %dma_start3A_83] : memref<2x128x32xf32, #tpu.memory_space<vmem>> -> memref<1x128x32xf32, #tpu.memory_space<vmem>>
    %dma_start3A_85 = tpu.memref_squeeze %dma_start3A_84 : memref<1x128x32xf32, #tpu.memory_space<vmem>> -> memref<128x32xf32, #tpu.memory_space<vmem>>
    %dma_start3A_86 = arith.constant 0 : i32
    %dma_start3A_87 = tpu.memref_slice %arg12[%dma_start3A_80, %dma_start3A_86] : memref<4x128xi32, #tpu.memory_space<vmem>> -> memref<1x128xi32, #tpu.memory_space<vmem>>
    %dma_start3A_88 = tpu.memref_squeeze %dma_start3A_87 : memref<1x128xi32, #tpu.memory_space<vmem>> -> memref<128xi32, #tpu.memory_space<vmem>>
    %dma_start3A_89 = arith.constant 0 : i32
    %dma_start3A_90 = arith.constant 0 : i32
    %dma_start3A_91 = tpu.memref_slice %arg6[%dma_start3A_89, %dma_start3A_90] : memref<1000000x32xf32, #tpu.memory_space<hbm>> -> memref<1000000x32xf32, #tpu.memory_space<hbm>>
    tpu.enqueue_indirect_dma source(%dma_start3A_91 : memref<1000000x32xf32, #tpu.memory_space<hbm>>) target(%dma_start3A_85 : memref<128x32xf32, #tpu.memory_space<vmem>>) offsets(%dma_start3A_88 : memref<128xi32, #tpu.memory_space<vmem>>) semaphore(%arg22 : memref<!tpu.dma_semaphore, #tpu.memory_space<semaphore_mem>>)
    %dma_start3A_92 = arith.constant 1 : i32
    %dma_start3A_93 = arith.constant 1 : i32
    %dma_start3A_94 = arith.constant 0 : i32
    %dma_start3A_95 = arith.constant 0 : i32
    %dma_start3A_96 = tpu.memref_slice %arg16[%dma_start3A_93, %dma_start3A_94, %dma_start3A_95] : memref<2x128x32xf32, #tpu.memory_space<vmem>> -> memref<1x128x32xf32, #tpu.memory_space<vmem>>
    %dma_start3A_97 = tpu.memref_squeeze %dma_start3A_96 : memref<1x128x32xf32, #tpu.memory_space<vmem>> -> memref<128x32xf32, #tpu.memory_space<vmem>>
    %dma_start3A_98 = arith.constant 0 : i32
    %dma_start3A_99 = tpu.memref_slice %arg13[%dma_start3A_92, %dma_start3A_98] : memref<4x128xi32, #tpu.memory_space<vmem>> -> memref<1x128xi32, #tpu.memory_space<vmem>>
    %dma_start3A_100 = tpu.memref_squeeze %dma_start3A_99 : memref<1x128xi32, #tpu.memory_space<vmem>> -> memref<128xi32, #tpu.memory_space<vmem>>
    %dma_start3A_101 = arith.constant 0 : i32
    %dma_start3A_102 = arith.constant 0 : i32
    %dma_start3A_103 = tpu.memref_slice %arg6[%dma_start3A_101, %dma_start3A_102] : memref<1000000x32xf32, #tpu.memory_space<hbm>> -> memref<1000000x32xf32, #tpu.memory_space<hbm>>
    tpu.enqueue_indirect_dma source(%dma_start3A_103 : memref<1000000x32xf32, #tpu.memory_space<hbm>>) target(%dma_start3A_97 : memref<128x32xf32, #tpu.memory_space<vmem>>) offsets(%dma_start3A_100 : memref<128xi32, #tpu.memory_space<vmem>>) semaphore(%arg22 : memref<!tpu.dma_semaphore, #tpu.memory_space<semaphore_mem>>)
    %dma_start3A_104 = arith.constant 1 : i32
    %dma_start3A_105 = arith.constant 1 : i32
    %dma_start3A_106 = arith.constant 0 : i32
    %dma_start3A_107 = tpu.memref_slice %arg17[%dma_start3A_105, %dma_start3A_106] : memref<2x128xf32, #tpu.memory_space<vmem>> -> memref<1x128xf32, #tpu.memory_space<vmem>>
    %dma_start3A_108 = tpu.memref_squeeze %dma_start3A_107 : memref<1x128xf32, #tpu.memory_space<vmem>> -> memref<128xf32, #tpu.memory_space<vmem>>
    %dma_start3A_109 = arith.constant 0 : i32
    %dma_start3A_110 = tpu.memref_slice %arg11[%dma_start3A_104, %dma_start3A_109] : memref<4x128xi32, #tpu.memory_space<vmem>> -> memref<1x128xi32, #tpu.memory_space<vmem>>
    %dma_start3A_111 = tpu.memref_squeeze %dma_start3A_110 : memref<1x128xi32, #tpu.memory_space<vmem>> -> memref<128xi32, #tpu.memory_space<vmem>>
    %dma_start3A_112 = arith.constant 0 : i32
    %dma_start3A_113 = tpu.memref_slice %arg7[%dma_start3A_112] : memref<1000000xf32, #tpu.memory_space<hbm>> -> memref<1000000xf32, #tpu.memory_space<hbm>>
    tpu.enqueue_indirect_dma source(%dma_start3A_113 : memref<1000000xf32, #tpu.memory_space<hbm>>) target(%dma_start3A_108 : memref<128xf32, #tpu.memory_space<vmem>>) offsets(%dma_start3A_111 : memref<128xi32, #tpu.memory_space<vmem>>) semaphore(%arg22 : memref<!tpu.dma_semaphore, #tpu.memory_space<semaphore_mem>>)
    %dma_start3A_114 = arith.constant 1 : i32
    %dma_start3A_115 = arith.constant 1 : i32
    %dma_start3A_116 = arith.constant 0 : i32
    %dma_start3A_117 = tpu.memref_slice %arg18[%dma_start3A_115, %dma_start3A_116] : memref<2x128xf32, #tpu.memory_space<vmem>> -> memref<1x128xf32, #tpu.memory_space<vmem>>
    %dma_start3A_118 = tpu.memref_squeeze %dma_start3A_117 : memref<1x128xf32, #tpu.memory_space<vmem>> -> memref<128xf32, #tpu.memory_space<vmem>>
    %dma_start3A_119 = arith.constant 0 : i32
    %dma_start3A_120 = tpu.memref_slice %arg12[%dma_start3A_114, %dma_start3A_119] : memref<4x128xi32, #tpu.memory_space<vmem>> -> memref<1x128xi32, #tpu.memory_space<vmem>>
    %dma_start3A_121 = tpu.memref_squeeze %dma_start3A_120 : memref<1x128xi32, #tpu.memory_space<vmem>> -> memref<128xi32, #tpu.memory_space<vmem>>
    %dma_start3A_122 = arith.constant 0 : i32
    %dma_start3A_123 = tpu.memref_slice %arg8[%dma_start3A_122] : memref<1000000xf32, #tpu.memory_space<hbm>> -> memref<1000000xf32, #tpu.memory_space<hbm>>
    tpu.enqueue_indirect_dma source(%dma_start3A_123 : memref<1000000xf32, #tpu.memory_space<hbm>>) target(%dma_start3A_118 : memref<128xf32, #tpu.memory_space<vmem>>) offsets(%dma_start3A_121 : memref<128xi32, #tpu.memory_space<vmem>>) semaphore(%arg22 : memref<!tpu.dma_semaphore, #tpu.memory_space<semaphore_mem>>)
    %dma_start3A_124 = arith.constant 1 : i32
    %dma_start3A_125 = arith.constant 1 : i32
    %dma_start3A_126 = arith.constant 0 : i32
    %dma_start3A_127 = tpu.memref_slice %arg19[%dma_start3A_125, %dma_start3A_126] : memref<2x128xf32, #tpu.memory_space<vmem>> -> memref<1x128xf32, #tpu.memory_space<vmem>>
    %dma_start3A_128 = tpu.memref_squeeze %dma_start3A_127 : memref<1x128xf32, #tpu.memory_space<vmem>> -> memref<128xf32, #tpu.memory_space<vmem>>
    %dma_start3A_129 = arith.constant 0 : i32
    %dma_start3A_130 = tpu.memref_slice %arg13[%dma_start3A_124, %dma_start3A_129] : memref<4x128xi32, #tpu.memory_space<vmem>> -> memref<1x128xi32, #tpu.memory_space<vmem>>
    %dma_start3A_131 = tpu.memref_squeeze %dma_start3A_130 : memref<1x128xi32, #tpu.memory_space<vmem>> -> memref<128xi32, #tpu.memory_space<vmem>>
    %dma_start3A_132 = arith.constant 0 : i32
    %dma_start3A_133 = tpu.memref_slice %arg8[%dma_start3A_132] : memref<1000000xf32, #tpu.memory_space<hbm>> -> memref<1000000xf32, #tpu.memory_space<hbm>>
    tpu.enqueue_indirect_dma source(%dma_start3A_133 : memref<1000000xf32, #tpu.memory_space<hbm>>) target(%dma_start3A_128 : memref<128xf32, #tpu.memory_space<vmem>>) offsets(%dma_start3A_131 : memref<128xi32, #tpu.memory_space<vmem>>) semaphore(%arg22 : memref<!tpu.dma_semaphore, #tpu.memory_space<semaphore_mem>>)
    %dma_wait3A = arith.constant 0 : i32
    %dma_wait3A_134 = arith.constant 0 : i32
    %dma_wait3A_135 = arith.constant 0 : i32
    %dma_wait3A_136 = arith.constant 0 : i32
    %dma_wait3A_137 = tpu.memref_slice %arg14[%dma_wait3A_134, %dma_wait3A_135, %dma_wait3A_136] : memref<2x128x32xf32, #tpu.memory_space<vmem>> -> memref<1x128x32xf32, #tpu.memory_space<vmem>>
    %dma_wait3A_138 = tpu.memref_squeeze %dma_wait3A_137 : memref<1x128x32xf32, #tpu.memory_space<vmem>> -> memref<128x32xf32, #tpu.memory_space<vmem>>
    %dma_wait3A_139 = arith.constant 0 : i32
    %dma_wait3A_140 = tpu.memref_slice %arg11[%dma_wait3A, %dma_wait3A_139] : memref<4x128xi32, #tpu.memory_space<vmem>> -> memref<1x128xi32, #tpu.memory_space<vmem>>
    %dma_wait3A_141 = tpu.memref_squeeze %dma_wait3A_140 : memref<1x128xi32, #tpu.memory_space<vmem>> -> memref<128xi32, #tpu.memory_space<vmem>>
    %dma_wait3A_142 = arith.constant 0 : i32
    %dma_wait3A_143 = arith.constant 0 : i32
    %dma_wait3A_144 = tpu.memref_slice %arg5[%dma_wait3A_142, %dma_wait3A_143] : memref<1000000x32xf32, #tpu.memory_space<hbm>> -> memref<1000000x32xf32, #tpu.memory_space<hbm>>
    tpu.wait_indirect_dma semaphore(%arg22 : memref<!tpu.dma_semaphore, #tpu.memory_space<semaphore_mem>>) src(%dma_wait3A_144 : memref<1000000x32xf32, #tpu.memory_space<hbm>>) dst(%dma_wait3A_138 : memref<128x32xf32, #tpu.memory_space<vmem>>)
    %dma_wait3A_145 = arith.constant 0 : i32
    %dma_wait3A_146 = arith.constant 0 : i32
    %dma_wait3A_147 = arith.constant 0 : i32
    %dma_wait3A_148 = arith.constant 0 : i32
    %dma_wait3A_149 = tpu.memref_slice %arg15[%dma_wait3A_146, %dma_wait3A_147, %dma_wait3A_148] : memref<2x128x32xf32, #tpu.memory_space<vmem>> -> memref<1x128x32xf32, #tpu.memory_space<vmem>>
    %dma_wait3A_150 = tpu.memref_squeeze %dma_wait3A_149 : memref<1x128x32xf32, #tpu.memory_space<vmem>> -> memref<128x32xf32, #tpu.memory_space<vmem>>
    %dma_wait3A_151 = arith.constant 0 : i32
    %dma_wait3A_152 = tpu.memref_slice %arg12[%dma_wait3A_145, %dma_wait3A_151] : memref<4x128xi32, #tpu.memory_space<vmem>> -> memref<1x128xi32, #tpu.memory_space<vmem>>
    %dma_wait3A_153 = tpu.memref_squeeze %dma_wait3A_152 : memref<1x128xi32, #tpu.memory_space<vmem>> -> memref<128xi32, #tpu.memory_space<vmem>>
    %dma_wait3A_154 = arith.constant 0 : i32
    %dma_wait3A_155 = arith.constant 0 : i32
    %dma_wait3A_156 = tpu.memref_slice %arg6[%dma_wait3A_154, %dma_wait3A_155] : memref<1000000x32xf32, #tpu.memory_space<hbm>> -> memref<1000000x32xf32, #tpu.memory_space<hbm>>
    tpu.wait_indirect_dma semaphore(%arg22 : memref<!tpu.dma_semaphore, #tpu.memory_space<semaphore_mem>>) src(%dma_wait3A_156 : memref<1000000x32xf32, #tpu.memory_space<hbm>>) dst(%dma_wait3A_150 : memref<128x32xf32, #tpu.memory_space<vmem>>)
    %dma_wait3A_157 = arith.constant 0 : i32
    %dma_wait3A_158 = arith.constant 0 : i32
    %dma_wait3A_159 = arith.constant 0 : i32
    %dma_wait3A_160 = arith.constant 0 : i32
    %dma_wait3A_161 = tpu.memref_slice %arg16[%dma_wait3A_158, %dma_wait3A_159, %dma_wait3A_160] : memref<2x128x32xf32, #tpu.memory_space<vmem>> -> memref<1x128x32xf32, #tpu.memory_space<vmem>>
    %dma_wait3A_162 = tpu.memref_squeeze %dma_wait3A_161 : memref<1x128x32xf32, #tpu.memory_space<vmem>> -> memref<128x32xf32, #tpu.memory_space<vmem>>
    %dma_wait3A_163 = arith.constant 0 : i32
    %dma_wait3A_164 = tpu.memref_slice %arg13[%dma_wait3A_157, %dma_wait3A_163] : memref<4x128xi32, #tpu.memory_space<vmem>> -> memref<1x128xi32, #tpu.memory_space<vmem>>
    %dma_wait3A_165 = tpu.memref_squeeze %dma_wait3A_164 : memref<1x128xi32, #tpu.memory_space<vmem>> -> memref<128xi32, #tpu.memory_space<vmem>>
    %dma_wait3A_166 = arith.constant 0 : i32
    %dma_wait3A_167 = arith.constant 0 : i32
    %dma_wait3A_168 = tpu.memref_slice %arg6[%dma_wait3A_166, %dma_wait3A_167] : memref<1000000x32xf32, #tpu.memory_space<hbm>> -> memref<1000000x32xf32, #tpu.memory_space<hbm>>
    tpu.wait_indirect_dma semaphore(%arg22 : memref<!tpu.dma_semaphore, #tpu.memory_space<semaphore_mem>>) src(%dma_wait3A_168 : memref<1000000x32xf32, #tpu.memory_space<hbm>>) dst(%dma_wait3A_162 : memref<128x32xf32, #tpu.memory_space<vmem>>)
    %dma_wait3A_169 = arith.constant 0 : i32
    %dma_wait3A_170 = arith.constant 0 : i32
    %dma_wait3A_171 = arith.constant 0 : i32
    %dma_wait3A_172 = tpu.memref_slice %arg17[%dma_wait3A_170, %dma_wait3A_171] : memref<2x128xf32, #tpu.memory_space<vmem>> -> memref<1x128xf32, #tpu.memory_space<vmem>>
    %dma_wait3A_173 = tpu.memref_squeeze %dma_wait3A_172 : memref<1x128xf32, #tpu.memory_space<vmem>> -> memref<128xf32, #tpu.memory_space<vmem>>
    %dma_wait3A_174 = arith.constant 0 : i32
    %dma_wait3A_175 = tpu.memref_slice %arg11[%dma_wait3A_169, %dma_wait3A_174] : memref<4x128xi32, #tpu.memory_space<vmem>> -> memref<1x128xi32, #tpu.memory_space<vmem>>
    %dma_wait3A_176 = tpu.memref_squeeze %dma_wait3A_175 : memref<1x128xi32, #tpu.memory_space<vmem>> -> memref<128xi32, #tpu.memory_space<vmem>>
    %dma_wait3A_177 = arith.constant 0 : i32
    %dma_wait3A_178 = tpu.memref_slice %arg7[%dma_wait3A_177] : memref<1000000xf32, #tpu.memory_space<hbm>> -> memref<1000000xf32, #tpu.memory_space<hbm>>
    tpu.wait_indirect_dma semaphore(%arg22 : memref<!tpu.dma_semaphore, #tpu.memory_space<semaphore_mem>>) src(%dma_wait3A_178 : memref<1000000xf32, #tpu.memory_space<hbm>>) dst(%dma_wait3A_173 : memref<128xf32, #tpu.memory_space<vmem>>)
    %dma_wait3A_179 = arith.constant 0 : i32
    %dma_wait3A_180 = arith.constant 0 : i32
    %dma_wait3A_181 = arith.constant 0 : i32
    %dma_wait3A_182 = tpu.memref_slice %arg18[%dma_wait3A_180, %dma_wait3A_181] : memref<2x128xf32, #tpu.memory_space<vmem>> -> memref<1x128xf32, #tpu.memory_space<vmem>>
    %dma_wait3A_183 = tpu.memref_squeeze %dma_wait3A_182 : memref<1x128xf32, #tpu.memory_space<vmem>> -> memref<128xf32, #tpu.memory_space<vmem>>
    %dma_wait3A_184 = arith.constant 0 : i32
    %dma_wait3A_185 = tpu.memref_slice %arg12[%dma_wait3A_179, %dma_wait3A_184] : memref<4x128xi32, #tpu.memory_space<vmem>> -> memref<1x128xi32, #tpu.memory_space<vmem>>
    %dma_wait3A_186 = tpu.memref_squeeze %dma_wait3A_185 : memref<1x128xi32, #tpu.memory_space<vmem>> -> memref<128xi32, #tpu.memory_space<vmem>>
    %dma_wait3A_187 = arith.constant 0 : i32
    %dma_wait3A_188 = tpu.memref_slice %arg8[%dma_wait3A_187] : memref<1000000xf32, #tpu.memory_space<hbm>> -> memref<1000000xf32, #tpu.memory_space<hbm>>
    tpu.wait_indirect_dma semaphore(%arg22 : memref<!tpu.dma_semaphore, #tpu.memory_space<semaphore_mem>>) src(%dma_wait3A_188 : memref<1000000xf32, #tpu.memory_space<hbm>>) dst(%dma_wait3A_183 : memref<128xf32, #tpu.memory_space<vmem>>)
    %dma_wait3A_189 = arith.constant 0 : i32
    %dma_wait3A_190 = arith.constant 0 : i32
    %dma_wait3A_191 = arith.constant 0 : i32
    %dma_wait3A_192 = tpu.memref_slice %arg19[%dma_wait3A_190, %dma_wait3A_191] : memref<2x128xf32, #tpu.memory_space<vmem>> -> memref<1x128xf32, #tpu.memory_space<vmem>>
    %dma_wait3A_193 = tpu.memref_squeeze %dma_wait3A_192 : memref<1x128xf32, #tpu.memory_space<vmem>> -> memref<128xf32, #tpu.memory_space<vmem>>
    %dma_wait3A_194 = arith.constant 0 : i32
    %dma_wait3A_195 = tpu.memref_slice %arg13[%dma_wait3A_189, %dma_wait3A_194] : memref<4x128xi32, #tpu.memory_space<vmem>> -> memref<1x128xi32, #tpu.memory_space<vmem>>
    %dma_wait3A_196 = tpu.memref_squeeze %dma_wait3A_195 : memref<1x128xi32, #tpu.memory_space<vmem>> -> memref<128xi32, #tpu.memory_space<vmem>>
    %dma_wait3A_197 = arith.constant 0 : i32
    %dma_wait3A_198 = tpu.memref_slice %arg8[%dma_wait3A_197] : memref<1000000xf32, #tpu.memory_space<hbm>> -> memref<1000000xf32, #tpu.memory_space<hbm>>
    tpu.wait_indirect_dma semaphore(%arg22 : memref<!tpu.dma_semaphore, #tpu.memory_space<semaphore_mem>>) src(%dma_wait3A_198 : memref<1000000xf32, #tpu.memory_space<hbm>>) dst(%dma_wait3A_193 : memref<128xf32, #tpu.memory_space<vmem>>)
    %broadcast_in_dim3A = arith.constant 0 : i32
    %broadcast_in_dim3A_199 = vector.broadcast %broadcast_in_dim3A : i32 to vector<16xi32>
    %broadcast_in_dim3A_200 = arith.constant 0 : i32
    %broadcast_in_dim3A_201 = vector.broadcast %broadcast_in_dim3A_200 : i32 to vector<16xi32>
    %scan3A = arith.constant 0 : i32
    %scan3A_202 = arith.constant 0 : i32
    %scan3A_203 = arith.constant 8 : i32
    %scan3A_204 = arith.addi %scan3A_202, %scan3A_203 : i32
    %scan3A_205 = arith.constant 1 : i32
    scf.for %scan3A_567 = %scan3A_202 to %scan3A_204 step %scan3A_205  : i32 {
      %mul3A_568 = arith.constant 16 : i32
      %mul3A_569 = arith.muli %scan3A_567, %mul3A_568 : i32
      %add3A_570 = vector.broadcast %mul3A_569 : i32 to vector<16xi32>
      %add3A_571 = arith.addi %add3A_570, %iota3A : vector<16xi32>
      %broadcast_in_dim3A_572 = arith.constant 0.000000e+00 : f32
      %broadcast_in_dim3A_573 = vector.broadcast %broadcast_in_dim3A_572 : f32 to vector<16xf32>
      %broadcast_in_dim3A_574 = arith.constant 0.000000e+00 : f32
      %broadcast_in_dim3A_575 = vector.broadcast %broadcast_in_dim3A_574 : f32 to vector<16xf32>
      %broadcast_in_dim3A_576 = arith.constant 0 : i32
      %broadcast_in_dim3A_577 = vector.broadcast %broadcast_in_dim3A_576 : i32 to vector<16xi32>
      %gather3A = tpu.vector_load_idx %arg14[%broadcast_in_dim3A_199, %add3A_571, %broadcast_in_dim3A_577] : memref<2x128x32xf32, #tpu.memory_space<vmem>>[vector<16xi32>, vector<16xi32>, vector<16xi32>], vector<16xf32>,
      %gather3A_578 = tpu.vector_load_idx %arg15[%broadcast_in_dim3A_199, %add3A_571, %broadcast_in_dim3A_577] : memref<2x128x32xf32, #tpu.memory_space<vmem>>[vector<16xi32>, vector<16xi32>, vector<16xi32>], vector<16xf32>,
      %gather3A_579 = tpu.vector_load_idx %arg16[%broadcast_in_dim3A_199, %add3A_571, %broadcast_in_dim3A_577] : memref<2x128x32xf32, #tpu.memory_space<vmem>>[vector<16xi32>, vector<16xi32>, vector<16xi32>], vector<16xf32>,
      %mul3A_580 = arith.mulf %gather3A, %gather3A_578 : vector<16xf32>
      %add3A_581 = arith.addf %broadcast_in_dim3A_573, %mul3A_580 : vector<16xf32>
      %mul3A_582 = arith.mulf %gather3A, %gather3A_579 : vector<16xf32>
      %add3A_583 = arith.addf %broadcast_in_dim3A_575, %mul3A_582 : vector<16xf32>
      %broadcast_in_dim3A_584 = arith.constant 1 : i32
      %broadcast_in_dim3A_585 = vector.broadcast %broadcast_in_dim3A_584 : i32 to vector<16xi32>
      %gather3A_586 = tpu.vector_load_idx %arg14[%broadcast_in_dim3A_199, %add3A_571, %broadcast_in_dim3A_585] : memref<2x128x32xf32, #tpu.memory_space<vmem>>[vector<16xi32>, vector<16xi32>, vector<16xi32>], vector<16xf32>,
      %gather3A_587 = tpu.vector_load_idx %arg15[%broadcast_in_dim3A_199, %add3A_571, %broadcast_in_dim3A_585] : memref<2x128x32xf32, #tpu.memory_space<vmem>>[vector<16xi32>, vector<16xi32>, vector<16xi32>], vector<16xf32>,
      %gather3A_588 = tpu.vector_load_idx %arg16[%broadcast_in_dim3A_199, %add3A_571, %broadcast_in_dim3A_585] : memref<2x128x32xf32, #tpu.memory_space<vmem>>[vector<16xi32>, vector<16xi32>, vector<16xi32>], vector<16xf32>,
      %mul3A_589 = arith.mulf %gather3A_586, %gather3A_587 : vector<16xf32>
      %add3A_590 = arith.addf %add3A_581, %mul3A_589 : vector<16xf32>
      %mul3A_591 = arith.mulf %gather3A_586, %gather3A_588 : vector<16xf32>
      %add3A_592 = arith.addf %add3A_583, %mul3A_591 : vector<16xf32>
      %broadcast_in_dim3A_593 = arith.constant 2 : i32
      %broadcast_in_dim3A_594 = vector.broadcast %broadcast_in_dim3A_593 : i32 to vector<16xi32>
      %gather3A_595 = tpu.vector_load_idx %arg14[%broadcast_in_dim3A_199, %add3A_571, %broadcast_in_dim3A_594] : memref<2x128x32xf32, #tpu.memory_space<vmem>>[vector<16xi32>, vector<16xi32>, vector<16xi32>], vector<16xf32>,
      %gather3A_596 = tpu.vector_load_idx %arg15[%broadcast_in_dim3A_199, %add3A_571, %broadcast_in_dim3A_594] : memref<2x128x32xf32, #tpu.memory_space<vmem>>[vector<16xi32>, vector<16xi32>, vector<16xi32>], vector<16xf32>,
      %gather3A_597 = tpu.vector_load_idx %arg16[%broadcast_in_dim3A_199, %add3A_571, %broadcast_in_dim3A_594] : memref<2x128x32xf32, #tpu.memory_space<vmem>>[vector<16xi32>, vector<16xi32>, vector<16xi32>], vector<16xf32>,
      %mul3A_598 = arith.mulf %gather3A_595, %gather3A_596 : vector<16xf32>
      %add3A_599 = arith.addf %add3A_590, %mul3A_598 : vector<16xf32>
      %mul3A_600 = arith.mulf %gather3A_595, %gather3A_597 : vector<16xf32>
      %add3A_601 = arith.addf %add3A_592, %mul3A_600 : vector<16xf32>
      %broadcast_in_dim3A_602 = arith.constant 3 : i32
      %broadcast_in_dim3A_603 = vector.broadcast %broadcast_in_dim3A_602 : i32 to vector<16xi32>
      %gather3A_604 = tpu.vector_load_idx %arg14[%broadcast_in_dim3A_199, %add3A_571, %broadcast_in_dim3A_603] : memref<2x128x32xf32, #tpu.memory_space<vmem>>[vector<16xi32>, vector<16xi32>, vector<16xi32>], vector<16xf32>,
      %gather3A_605 = tpu.vector_load_idx %arg15[%broadcast_in_dim3A_199, %add3A_571, %broadcast_in_dim3A_603] : memref<2x128x32xf32, #tpu.memory_space<vmem>>[vector<16xi32>, vector<16xi32>, vector<16xi32>], vector<16xf32>,
      %gather3A_606 = tpu.vector_load_idx %arg16[%broadcast_in_dim3A_199, %add3A_571, %broadcast_in_dim3A_603] : memref<2x128x32xf32, #tpu.memory_space<vmem>>[vector<16xi32>, vector<16xi32>, vector<16xi32>], vector<16xf32>,
      %mul3A_607 = arith.mulf %gather3A_604, %gather3A_605 : vector<16xf32>
      %add3A_608 = arith.addf %add3A_599, %mul3A_607 : vector<16xf32>
      %mul3A_609 = arith.mulf %gather3A_604, %gather3A_606 : vector<16xf32>
      %add3A_610 = arith.addf %add3A_601, %mul3A_609 : vector<16xf32>
      %broadcast_in_dim3A_611 = arith.constant 4 : i32
      %broadcast_in_dim3A_612 = vector.broadcast %broadcast_in_dim3A_611 : i32 to vector<16xi32>
      %gather3A_613 = tpu.vector_load_idx %arg14[%broadcast_in_dim3A_199, %add3A_571, %broadcast_in_dim3A_612] : memref<2x128x32xf32, #tpu.memory_space<vmem>>[vector<16xi32>, vector<16xi32>, vector<16xi32>], vector<16xf32>,
      %gather3A_614 = tpu.vector_load_idx %arg15[%broadcast_in_dim3A_199, %add3A_571, %broadcast_in_dim3A_612] : memref<2x128x32xf32, #tpu.memory_space<vmem>>[vector<16xi32>, vector<16xi32>, vector<16xi32>], vector<16xf32>,
      %gather3A_615 = tpu.vector_load_idx %arg16[%broadcast_in_dim3A_199, %add3A_571, %broadcast_in_dim3A_612] : memref<2x128x32xf32, #tpu.memory_space<vmem>>[vector<16xi32>, vector<16xi32>, vector<16xi32>], vector<16xf32>,
      %mul3A_616 = arith.mulf %gather3A_613, %gather3A_614 : vector<16xf32>
      %add3A_617 = arith.addf %add3A_608, %mul3A_616 : vector<16xf32>
      %mul3A_618 = arith.mulf %gather3A_613, %gather3A_615 : vector<16xf32>
      %add3A_619 = arith.addf %add3A_610, %mul3A_618 : vector<16xf32>
      %broadcast_in_dim3A_620 = arith.constant 5 : i32
      %broadcast_in_dim3A_621 = vector.broadcast %broadcast_in_dim3A_620 : i32 to vector<16xi32>
      %gather3A_622 = tpu.vector_load_idx %arg14[%broadcast_in_dim3A_199, %add3A_571, %broadcast_in_dim3A_621] : memref<2x128x32xf32, #tpu.memory_space<vmem>>[vector<16xi32>, vector<16xi32>, vector<16xi32>], vector<16xf32>,
      %gather3A_623 = tpu.vector_load_idx %arg15[%broadcast_in_dim3A_199, %add3A_571, %broadcast_in_dim3A_621] : memref<2x128x32xf32, #tpu.memory_space<vmem>>[vector<16xi32>, vector<16xi32>, vector<16xi32>], vector<16xf32>,
      %gather3A_624 = tpu.vector_load_idx %arg16[%broadcast_in_dim3A_199, %add3A_571, %broadcast_in_dim3A_621] : memref<2x128x32xf32, #tpu.memory_space<vmem>>[vector<16xi32>, vector<16xi32>, vector<16xi32>], vector<16xf32>,
      %mul3A_625 = arith.mulf %gather3A_622, %gather3A_623 : vector<16xf32>
      %add3A_626 = arith.addf %add3A_617, %mul3A_625 : vector<16xf32>
      %mul3A_627 = arith.mulf %gather3A_622, %gather3A_624 : vector<16xf32>
      %add3A_628 = arith.addf %add3A_619, %mul3A_627 : vector<16xf32>
      %broadcast_in_dim3A_629 = arith.constant 6 : i32
      %broadcast_in_dim3A_630 = vector.broadcast %broadcast_in_dim3A_629 : i32 to vector<16xi32>
      %gather3A_631 = tpu.vector_load_idx %arg14[%broadcast_in_dim3A_199, %add3A_571, %broadcast_in_dim3A_630] : memref<2x128x32xf32, #tpu.memory_space<vmem>>[vector<16xi32>, vector<16xi32>, vector<16xi32>], vector<16xf32>,
      %gather3A_632 = tpu.vector_load_idx %arg15[%broadcast_in_dim3A_199, %add3A_571, %broadcast_in_dim3A_630] : memref<2x128x32xf32, #tpu.memory_space<vmem>>[vector<16xi32>, vector<16xi32>, vector<16xi32>], vector<16xf32>,
      %gather3A_633 = tpu.vector_load_idx %arg16[%broadcast_in_dim3A_199, %add3A_571, %broadcast_in_dim3A_630] : memref<2x128x32xf32, #tpu.memory_space<vmem>>[vector<16xi32>, vector<16xi32>, vector<16xi32>], vector<16xf32>,
      %mul3A_634 = arith.mulf %gather3A_631, %gather3A_632 : vector<16xf32>
      %add3A_635 = arith.addf %add3A_626, %mul3A_634 : vector<16xf32>
      %mul3A_636 = arith.mulf %gather3A_631, %gather3A_633 : vector<16xf32>
      %add3A_637 = arith.addf %add3A_628, %mul3A_636 : vector<16xf32>
      %broadcast_in_dim3A_638 = arith.constant 7 : i32
      %broadcast_in_dim3A_639 = vector.broadcast %broadcast_in_dim3A_638 : i32 to vector<16xi32>
      %gather3A_640 = tpu.vector_load_idx %arg14[%broadcast_in_dim3A_199, %add3A_571, %broadcast_in_dim3A_639] : memref<2x128x32xf32, #tpu.memory_space<vmem>>[vector<16xi32>, vector<16xi32>, vector<16xi32>], vector<16xf32>,
      %gather3A_641 = tpu.vector_load_idx %arg15[%broadcast_in_dim3A_199, %add3A_571, %broadcast_in_dim3A_639] : memref<2x128x32xf32, #tpu.memory_space<vmem>>[vector<16xi32>, vector<16xi32>, vector<16xi32>], vector<16xf32>,
      %gather3A_642 = tpu.vector_load_idx %arg16[%broadcast_in_dim3A_199, %add3A_571, %broadcast_in_dim3A_639] : memref<2x128x32xf32, #tpu.memory_space<vmem>>[vector<16xi32>, vector<16xi32>, vector<16xi32>], vector<16xf32>,
      %mul3A_643 = arith.mulf %gather3A_640, %gather3A_641 : vector<16xf32>
      %add3A_644 = arith.addf %add3A_635, %mul3A_643 : vector<16xf32>
      %mul3A_645 = arith.mulf %gather3A_640, %gather3A_642 : vector<16xf32>
      %add3A_646 = arith.addf %add3A_637, %mul3A_645 : vector<16xf32>
      %broadcast_in_dim3A_647 = arith.constant 8 : i32
      %broadcast_in_dim3A_648 = vector.broadcast %broadcast_in_dim3A_647 : i32 to vector<16xi32>
      %gather3A_649 = tpu.vector_load_idx %arg14[%broadcast_in_dim3A_199, %add3A_571, %broadcast_in_dim3A_648] : memref<2x128x32xf32, #tpu.memory_space<vmem>>[vector<16xi32>, vector<16xi32>, vector<16xi32>], vector<16xf32>,
      %gather3A_650 = tpu.vector_load_idx %arg15[%broadcast_in_dim3A_199, %add3A_571, %broadcast_in_dim3A_648] : memref<2x128x32xf32, #tpu.memory_space<vmem>>[vector<16xi32>, vector<16xi32>, vector<16xi32>], vector<16xf32>,
      %gather3A_651 = tpu.vector_load_idx %arg16[%broadcast_in_dim3A_199, %add3A_571, %broadcast_in_dim3A_648] : memref<2x128x32xf32, #tpu.memory_space<vmem>>[vector<16xi32>, vector<16xi32>, vector<16xi32>], vector<16xf32>,
      %mul3A_652 = arith.mulf %gather3A_649, %gather3A_650 : vector<16xf32>
      %add3A_653 = arith.addf %add3A_644, %mul3A_652 : vector<16xf32>
      %mul3A_654 = arith.mulf %gather3A_649, %gather3A_651 : vector<16xf32>
      %add3A_655 = arith.addf %add3A_646, %mul3A_654 : vector<16xf32>
      %broadcast_in_dim3A_656 = arith.constant 9 : i32
      %broadcast_in_dim3A_657 = vector.broadcast %broadcast_in_dim3A_656 : i32 to vector<16xi32>
      %gather3A_658 = tpu.vector_load_idx %arg14[%broadcast_in_dim3A_199, %add3A_571, %broadcast_in_dim3A_657] : memref<2x128x32xf32, #tpu.memory_space<vmem>>[vector<16xi32>, vector<16xi32>, vector<16xi32>], vector<16xf32>,
      %gather3A_659 = tpu.vector_load_idx %arg15[%broadcast_in_dim3A_199, %add3A_571, %broadcast_in_dim3A_657] : memref<2x128x32xf32, #tpu.memory_space<vmem>>[vector<16xi32>, vector<16xi32>, vector<16xi32>], vector<16xf32>,
      %gather3A_660 = tpu.vector_load_idx %arg16[%broadcast_in_dim3A_199, %add3A_571, %broadcast_in_dim3A_657] : memref<2x128x32xf32, #tpu.memory_space<vmem>>[vector<16xi32>, vector<16xi32>, vector<16xi32>], vector<16xf32>,
      %mul3A_661 = arith.mulf %gather3A_658, %gather3A_659 : vector<16xf32>
      %add3A_662 = arith.addf %add3A_653, %mul3A_661 : vector<16xf32>
      %mul3A_663 = arith.mulf %gather3A_658, %gather3A_660 : vector<16xf32>
      %add3A_664 = arith.addf %add3A_655, %mul3A_663 : vector<16xf32>
      %broadcast_in_dim3A_665 = arith.constant 10 : i32
      %broadcast_in_dim3A_666 = vector.broadcast %broadcast_in_dim3A_665 : i32 to vector<16xi32>
      %gather3A_667 = tpu.vector_load_idx %arg14[%broadcast_in_dim3A_199, %add3A_571, %broadcast_in_dim3A_666] : memref<2x128x32xf32, #tpu.memory_space<vmem>>[vector<16xi32>, vector<16xi32>, vector<16xi32>], vector<16xf32>,
      %gather3A_668 = tpu.vector_load_idx %arg15[%broadcast_in_dim3A_199, %add3A_571, %broadcast_in_dim3A_666] : memref<2x128x32xf32, #tpu.memory_space<vmem>>[vector<16xi32>, vector<16xi32>, vector<16xi32>], vector<16xf32>,
      %gather3A_669 = tpu.vector_load_idx %arg16[%broadcast_in_dim3A_199, %add3A_571, %broadcast_in_dim3A_666] : memref<2x128x32xf32, #tpu.memory_space<vmem>>[vector<16xi32>, vector<16xi32>, vector<16xi32>], vector<16xf32>,
      %mul3A_670 = arith.mulf %gather3A_667, %gather3A_668 : vector<16xf32>
      %add3A_671 = arith.addf %add3A_662, %mul3A_670 : vector<16xf32>
      %mul3A_672 = arith.mulf %gather3A_667, %gather3A_669 : vector<16xf32>
      %add3A_673 = arith.addf %add3A_664, %mul3A_672 : vector<16xf32>
      %broadcast_in_dim3A_674 = arith.constant 11 : i32
      %broadcast_in_dim3A_675 = vector.broadcast %broadcast_in_dim3A_674 : i32 to vector<16xi32>
      %gather3A_676 = tpu.vector_load_idx %arg14[%broadcast_in_dim3A_199, %add3A_571, %broadcast_in_dim3A_675] : memref<2x128x32xf32, #tpu.memory_space<vmem>>[vector<16xi32>, vector<16xi32>, vector<16xi32>], vector<16xf32>,
      %gather3A_677 = tpu.vector_load_idx %arg15[%broadcast_in_dim3A_199, %add3A_571, %broadcast_in_dim3A_675] : memref<2x128x32xf32, #tpu.memory_space<vmem>>[vector<16xi32>, vector<16xi32>, vector<16xi32>], vector<16xf32>,
      %gather3A_678 = tpu.vector_load_idx %arg16[%broadcast_in_dim3A_199, %add3A_571, %broadcast_in_dim3A_675] : memref<2x128x32xf32, #tpu.memory_space<vmem>>[vector<16xi32>, vector<16xi32>, vector<16xi32>], vector<16xf32>,
      %mul3A_679 = arith.mulf %gather3A_676, %gather3A_677 : vector<16xf32>
      %add3A_680 = arith.addf %add3A_671, %mul3A_679 : vector<16xf32>
      %mul3A_681 = arith.mulf %gather3A_676, %gather3A_678 : vector<16xf32>
      %add3A_682 = arith.addf %add3A_673, %mul3A_681 : vector<16xf32>
      %broadcast_in_dim3A_683 = arith.constant 12 : i32
      %broadcast_in_dim3A_684 = vector.broadcast %broadcast_in_dim3A_683 : i32 to vector<16xi32>
      %gather3A_685 = tpu.vector_load_idx %arg14[%broadcast_in_dim3A_199, %add3A_571, %broadcast_in_dim3A_684] : memref<2x128x32xf32, #tpu.memory_space<vmem>>[vector<16xi32>, vector<16xi32>, vector<16xi32>], vector<16xf32>,
      %gather3A_686 = tpu.vector_load_idx %arg15[%broadcast_in_dim3A_199, %add3A_571, %broadcast_in_dim3A_684] : memref<2x128x32xf32, #tpu.memory_space<vmem>>[vector<16xi32>, vector<16xi32>, vector<16xi32>], vector<16xf32>,
      %gather3A_687 = tpu.vector_load_idx %arg16[%broadcast_in_dim3A_199, %add3A_571, %broadcast_in_dim3A_684] : memref<2x128x32xf32, #tpu.memory_space<vmem>>[vector<16xi32>, vector<16xi32>, vector<16xi32>], vector<16xf32>,
      %mul3A_688 = arith.mulf %gather3A_685, %gather3A_686 : vector<16xf32>
      %add3A_689 = arith.addf %add3A_680, %mul3A_688 : vector<16xf32>
      %mul3A_690 = arith.mulf %gather3A_685, %gather3A_687 : vector<16xf32>
      %add3A_691 = arith.addf %add3A_682, %mul3A_690 : vector<16xf32>
      %broadcast_in_dim3A_692 = arith.constant 13 : i32
      %broadcast_in_dim3A_693 = vector.broadcast %broadcast_in_dim3A_692 : i32 to vector<16xi32>
      %gather3A_694 = tpu.vector_load_idx %arg14[%broadcast_in_dim3A_199, %add3A_571, %broadcast_in_dim3A_693] : memref<2x128x32xf32, #tpu.memory_space<vmem>>[vector<16xi32>, vector<16xi32>, vector<16xi32>], vector<16xf32>,
      %gather3A_695 = tpu.vector_load_idx %arg15[%broadcast_in_dim3A_199, %add3A_571, %broadcast_in_dim3A_693] : memref<2x128x32xf32, #tpu.memory_space<vmem>>[vector<16xi32>, vector<16xi32>, vector<16xi32>], vector<16xf32>,
      %gather3A_696 = tpu.vector_load_idx %arg16[%broadcast_in_dim3A_199, %add3A_571, %broadcast_in_dim3A_693] : memref<2x128x32xf32, #tpu.memory_space<vmem>>[vector<16xi32>, vector<16xi32>, vector<16xi32>], vector<16xf32>,
      %mul3A_697 = arith.mulf %gather3A_694, %gather3A_695 : vector<16xf32>
      %add3A_698 = arith.addf %add3A_689, %mul3A_697 : vector<16xf32>
      %mul3A_699 = arith.mulf %gather3A_694, %gather3A_696 : vector<16xf32>
      %add3A_700 = arith.addf %add3A_691, %mul3A_699 : vector<16xf32>
      %broadcast_in_dim3A_701 = arith.constant 14 : i32
      %broadcast_in_dim3A_702 = vector.broadcast %broadcast_in_dim3A_701 : i32 to vector<16xi32>
      %gather3A_703 = tpu.vector_load_idx %arg14[%broadcast_in_dim3A_199, %add3A_571, %broadcast_in_dim3A_702] : memref<2x128x32xf32, #tpu.memory_space<vmem>>[vector<16xi32>, vector<16xi32>, vector<16xi32>], vector<16xf32>,
      %gather3A_704 = tpu.vector_load_idx %arg15[%broadcast_in_dim3A_199, %add3A_571, %broadcast_in_dim3A_702] : memref<2x128x32xf32, #tpu.memory_space<vmem>>[vector<16xi32>, vector<16xi32>, vector<16xi32>], vector<16xf32>,
      %gather3A_705 = tpu.vector_load_idx %arg16[%broadcast_in_dim3A_199, %add3A_571, %broadcast_in_dim3A_702] : memref<2x128x32xf32, #tpu.memory_space<vmem>>[vector<16xi32>, vector<16xi32>, vector<16xi32>], vector<16xf32>,
      %mul3A_706 = arith.mulf %gather3A_703, %gather3A_704 : vector<16xf32>
      %add3A_707 = arith.addf %add3A_698, %mul3A_706 : vector<16xf32>
      %mul3A_708 = arith.mulf %gather3A_703, %gather3A_705 : vector<16xf32>
      %add3A_709 = arith.addf %add3A_700, %mul3A_708 : vector<16xf32>
      %broadcast_in_dim3A_710 = arith.constant 15 : i32
      %broadcast_in_dim3A_711 = vector.broadcast %broadcast_in_dim3A_710 : i32 to vector<16xi32>
      %gather3A_712 = tpu.vector_load_idx %arg14[%broadcast_in_dim3A_199, %add3A_571, %broadcast_in_dim3A_711] : memref<2x128x32xf32, #tpu.memory_space<vmem>>[vector<16xi32>, vector<16xi32>, vector<16xi32>], vector<16xf32>,
      %gather3A_713 = tpu.vector_load_idx %arg15[%broadcast_in_dim3A_199, %add3A_571, %broadcast_in_dim3A_711] : memref<2x128x32xf32, #tpu.memory_space<vmem>>[vector<16xi32>, vector<16xi32>, vector<16xi32>], vector<16xf32>,
      %gather3A_714 = tpu.vector_load_idx %arg16[%broadcast_in_dim3A_199, %add3A_571, %broadcast_in_dim3A_711] : memref<2x128x32xf32, #tpu.memory_space<vmem>>[vector<16xi32>, vector<16xi32>, vector<16xi32>], vector<16xf32>,
      %mul3A_715 = arith.mulf %gather3A_712, %gather3A_713 : vector<16xf32>
      %add3A_716 = arith.addf %add3A_707, %mul3A_715 : vector<16xf32>
      %mul3A_717 = arith.mulf %gather3A_712, %gather3A_714 : vector<16xf32>
      %add3A_718 = arith.addf %add3A_709, %mul3A_717 : vector<16xf32>
      %broadcast_in_dim3A_719 = arith.constant 16 : i32
      %broadcast_in_dim3A_720 = vector.broadcast %broadcast_in_dim3A_719 : i32 to vector<16xi32>
      %gather3A_721 = tpu.vector_load_idx %arg14[%broadcast_in_dim3A_199, %add3A_571, %broadcast_in_dim3A_720] : memref<2x128x32xf32, #tpu.memory_space<vmem>>[vector<16xi32>, vector<16xi32>, vector<16xi32>], vector<16xf32>,
      %gather3A_722 = tpu.vector_load_idx %arg15[%broadcast_in_dim3A_199, %add3A_571, %broadcast_in_dim3A_720] : memref<2x128x32xf32, #tpu.memory_space<vmem>>[vector<16xi32>, vector<16xi32>, vector<16xi32>], vector<16xf32>,
      %gather3A_723 = tpu.vector_load_idx %arg16[%broadcast_in_dim3A_199, %add3A_571, %broadcast_in_dim3A_720] : memref<2x128x32xf32, #tpu.memory_space<vmem>>[vector<16xi32>, vector<16xi32>, vector<16xi32>], vector<16xf32>,
      %mul3A_724 = arith.mulf %gather3A_721, %gather3A_722 : vector<16xf32>
      %add3A_725 = arith.addf %add3A_716, %mul3A_724 : vector<16xf32>
      %mul3A_726 = arith.mulf %gather3A_721, %gather3A_723 : vector<16xf32>
      %add3A_727 = arith.addf %add3A_718, %mul3A_726 : vector<16xf32>
      %broadcast_in_dim3A_728 = arith.constant 17 : i32
      %broadcast_in_dim3A_729 = vector.broadcast %broadcast_in_dim3A_728 : i32 to vector<16xi32>
      %gather3A_730 = tpu.vector_load_idx %arg14[%broadcast_in_dim3A_199, %add3A_571, %broadcast_in_dim3A_729] : memref<2x128x32xf32, #tpu.memory_space<vmem>>[vector<16xi32>, vector<16xi32>, vector<16xi32>], vector<16xf32>,
      %gather3A_731 = tpu.vector_load_idx %arg15[%broadcast_in_dim3A_199, %add3A_571, %broadcast_in_dim3A_729] : memref<2x128x32xf32, #tpu.memory_space<vmem>>[vector<16xi32>, vector<16xi32>, vector<16xi32>], vector<16xf32>,
      %gather3A_732 = tpu.vector_load_idx %arg16[%broadcast_in_dim3A_199, %add3A_571, %broadcast_in_dim3A_729] : memref<2x128x32xf32, #tpu.memory_space<vmem>>[vector<16xi32>, vector<16xi32>, vector<16xi32>], vector<16xf32>,
      %mul3A_733 = arith.mulf %gather3A_730, %gather3A_731 : vector<16xf32>
      %add3A_734 = arith.addf %add3A_725, %mul3A_733 : vector<16xf32>
      %mul3A_735 = arith.mulf %gather3A_730, %gather3A_732 : vector<16xf32>
      %add3A_736 = arith.addf %add3A_727, %mul3A_735 : vector<16xf32>
      %broadcast_in_dim3A_737 = arith.constant 18 : i32
      %broadcast_in_dim3A_738 = vector.broadcast %broadcast_in_dim3A_737 : i32 to vector<16xi32>
      %gather3A_739 = tpu.vector_load_idx %arg14[%broadcast_in_dim3A_199, %add3A_571, %broadcast_in_dim3A_738] : memref<2x128x32xf32, #tpu.memory_space<vmem>>[vector<16xi32>, vector<16xi32>, vector<16xi32>], vector<16xf32>,
      %gather3A_740 = tpu.vector_load_idx %arg15[%broadcast_in_dim3A_199, %add3A_571, %broadcast_in_dim3A_738] : memref<2x128x32xf32, #tpu.memory_space<vmem>>[vector<16xi32>, vector<16xi32>, vector<16xi32>], vector<16xf32>,
      %gather3A_741 = tpu.vector_load_idx %arg16[%broadcast_in_dim3A_199, %add3A_571, %broadcast_in_dim3A_738] : memref<2x128x32xf32, #tpu.memory_space<vmem>>[vector<16xi32>, vector<16xi32>, vector<16xi32>], vector<16xf32>,
      %mul3A_742 = arith.mulf %gather3A_739, %gather3A_740 : vector<16xf32>
      %add3A_743 = arith.addf %add3A_734, %mul3A_742 : vector<16xf32>
      %mul3A_744 = arith.mulf %gather3A_739, %gather3A_741 : vector<16xf32>
      %add3A_745 = arith.addf %add3A_736, %mul3A_744 : vector<16xf32>
      %broadcast_in_dim3A_746 = arith.constant 19 : i32
      %broadcast_in_dim3A_747 = vector.broadcast %broadcast_in_dim3A_746 : i32 to vector<16xi32>
      %gather3A_748 = tpu.vector_load_idx %arg14[%broadcast_in_dim3A_199, %add3A_571, %broadcast_in_dim3A_747] : memref<2x128x32xf32, #tpu.memory_space<vmem>>[vector<16xi32>, vector<16xi32>, vector<16xi32>], vector<16xf32>,
      %gather3A_749 = tpu.vector_load_idx %arg15[%broadcast_in_dim3A_199, %add3A_571, %broadcast_in_dim3A_747] : memref<2x128x32xf32, #tpu.memory_space<vmem>>[vector<16xi32>, vector<16xi32>, vector<16xi32>], vector<16xf32>,
      %gather3A_750 = tpu.vector_load_idx %arg16[%broadcast_in_dim3A_199, %add3A_571, %broadcast_in_dim3A_747] : memref<2x128x32xf32, #tpu.memory_space<vmem>>[vector<16xi32>, vector<16xi32>, vector<16xi32>], vector<16xf32>,
      %mul3A_751 = arith.mulf %gather3A_748, %gather3A_749 : vector<16xf32>
      %add3A_752 = arith.addf %add3A_743, %mul3A_751 : vector<16xf32>
      %mul3A_753 = arith.mulf %gather3A_748, %gather3A_750 : vector<16xf32>
      %add3A_754 = arith.addf %add3A_745, %mul3A_753 : vector<16xf32>
      %broadcast_in_dim3A_755 = arith.constant 20 : i32
      %broadcast_in_dim3A_756 = vector.broadcast %broadcast_in_dim3A_755 : i32 to vector<16xi32>
      %gather3A_757 = tpu.vector_load_idx %arg14[%broadcast_in_dim3A_199, %add3A_571, %broadcast_in_dim3A_756] : memref<2x128x32xf32, #tpu.memory_space<vmem>>[vector<16xi32>, vector<16xi32>, vector<16xi32>], vector<16xf32>,
      %gather3A_758 = tpu.vector_load_idx %arg15[%broadcast_in_dim3A_199, %add3A_571, %broadcast_in_dim3A_756] : memref<2x128x32xf32, #tpu.memory_space<vmem>>[vector<16xi32>, vector<16xi32>, vector<16xi32>], vector<16xf32>,
      %gather3A_759 = tpu.vector_load_idx %arg16[%broadcast_in_dim3A_199, %add3A_571, %broadcast_in_dim3A_756] : memref<2x128x32xf32, #tpu.memory_space<vmem>>[vector<16xi32>, vector<16xi32>, vector<16xi32>], vector<16xf32>,
      %mul3A_760 = arith.mulf %gather3A_757, %gather3A_758 : vector<16xf32>
      %add3A_761 = arith.addf %add3A_752, %mul3A_760 : vector<16xf32>
      %mul3A_762 = arith.mulf %gather3A_757, %gather3A_759 : vector<16xf32>
      %add3A_763 = arith.addf %add3A_754, %mul3A_762 : vector<16xf32>
      %broadcast_in_dim3A_764 = arith.constant 21 : i32
      %broadcast_in_dim3A_765 = vector.broadcast %broadcast_in_dim3A_764 : i32 to vector<16xi32>
      %gather3A_766 = tpu.vector_load_idx %arg14[%broadcast_in_dim3A_199, %add3A_571, %broadcast_in_dim3A_765] : memref<2x128x32xf32, #tpu.memory_space<vmem>>[vector<16xi32>, vector<16xi32>, vector<16xi32>], vector<16xf32>,
      %gather3A_767 = tpu.vector_load_idx %arg15[%broadcast_in_dim3A_199, %add3A_571, %broadcast_in_dim3A_765] : memref<2x128x32xf32, #tpu.memory_space<vmem>>[vector<16xi32>, vector<16xi32>, vector<16xi32>], vector<16xf32>,
      %gather3A_768 = tpu.vector_load_idx %arg16[%broadcast_in_dim3A_199, %add3A_571, %broadcast_in_dim3A_765] : memref<2x128x32xf32, #tpu.memory_space<vmem>>[vector<16xi32>, vector<16xi32>, vector<16xi32>], vector<16xf32>,
      %mul3A_769 = arith.mulf %gather3A_766, %gather3A_767 : vector<16xf32>
      %add3A_770 = arith.addf %add3A_761, %mul3A_769 : vector<16xf32>
      %mul3A_771 = arith.mulf %gather3A_766, %gather3A_768 : vector<16xf32>
      %add3A_772 = arith.addf %add3A_763, %mul3A_771 : vector<16xf32>
      %broadcast_in_dim3A_773 = arith.constant 22 : i32
      %broadcast_in_dim3A_774 = vector.broadcast %broadcast_in_dim3A_773 : i32 to vector<16xi32>
      %gather3A_775 = tpu.vector_load_idx %arg14[%broadcast_in_dim3A_199, %add3A_571, %broadcast_in_dim3A_774] : memref<2x128x32xf32, #tpu.memory_space<vmem>>[vector<16xi32>, vector<16xi32>, vector<16xi32>], vector<16xf32>,
      %gather3A_776 = tpu.vector_load_idx %arg15[%broadcast_in_dim3A_199, %add3A_571, %broadcast_in_dim3A_774] : memref<2x128x32xf32, #tpu.memory_space<vmem>>[vector<16xi32>, vector<16xi32>, vector<16xi32>], vector<16xf32>,
      %gather3A_777 = tpu.vector_load_idx %arg16[%broadcast_in_dim3A_199, %add3A_571, %broadcast_in_dim3A_774] : memref<2x128x32xf32, #tpu.memory_space<vmem>>[vector<16xi32>, vector<16xi32>, vector<16xi32>], vector<16xf32>,
      %mul3A_778 = arith.mulf %gather3A_775, %gather3A_776 : vector<16xf32>
      %add3A_779 = arith.addf %add3A_770, %mul3A_778 : vector<16xf32>
      %mul3A_780 = arith.mulf %gather3A_775, %gather3A_777 : vector<16xf32>
      %add3A_781 = arith.addf %add3A_772, %mul3A_780 : vector<16xf32>
      %broadcast_in_dim3A_782 = arith.constant 23 : i32
      %broadcast_in_dim3A_783 = vector.broadcast %broadcast_in_dim3A_782 : i32 to vector<16xi32>
      %gather3A_784 = tpu.vector_load_idx %arg14[%broadcast_in_dim3A_199, %add3A_571, %broadcast_in_dim3A_783] : memref<2x128x32xf32, #tpu.memory_space<vmem>>[vector<16xi32>, vector<16xi32>, vector<16xi32>], vector<16xf32>,
      %gather3A_785 = tpu.vector_load_idx %arg15[%broadcast_in_dim3A_199, %add3A_571, %broadcast_in_dim3A_783] : memref<2x128x32xf32, #tpu.memory_space<vmem>>[vector<16xi32>, vector<16xi32>, vector<16xi32>], vector<16xf32>,
      %gather3A_786 = tpu.vector_load_idx %arg16[%broadcast_in_dim3A_199, %add3A_571, %broadcast_in_dim3A_783] : memref<2x128x32xf32, #tpu.memory_space<vmem>>[vector<16xi32>, vector<16xi32>, vector<16xi32>], vector<16xf32>,
      %mul3A_787 = arith.mulf %gather3A_784, %gather3A_785 : vector<16xf32>
      %add3A_788 = arith.addf %add3A_779, %mul3A_787 : vector<16xf32>
      %mul3A_789 = arith.mulf %gather3A_784, %gather3A_786 : vector<16xf32>
      %add3A_790 = arith.addf %add3A_781, %mul3A_789 : vector<16xf32>
      %broadcast_in_dim3A_791 = arith.constant 24 : i32
      %broadcast_in_dim3A_792 = vector.broadcast %broadcast_in_dim3A_791 : i32 to vector<16xi32>
      %gather3A_793 = tpu.vector_load_idx %arg14[%broadcast_in_dim3A_199, %add3A_571, %broadcast_in_dim3A_792] : memref<2x128x32xf32, #tpu.memory_space<vmem>>[vector<16xi32>, vector<16xi32>, vector<16xi32>], vector<16xf32>,
      %gather3A_794 = tpu.vector_load_idx %arg15[%broadcast_in_dim3A_199, %add3A_571, %broadcast_in_dim3A_792] : memref<2x128x32xf32, #tpu.memory_space<vmem>>[vector<16xi32>, vector<16xi32>, vector<16xi32>], vector<16xf32>,
      %gather3A_795 = tpu.vector_load_idx %arg16[%broadcast_in_dim3A_199, %add3A_571, %broadcast_in_dim3A_792] : memref<2x128x32xf32, #tpu.memory_space<vmem>>[vector<16xi32>, vector<16xi32>, vector<16xi32>], vector<16xf32>,
      %mul3A_796 = arith.mulf %gather3A_793, %gather3A_794 : vector<16xf32>
      %add3A_797 = arith.addf %add3A_788, %mul3A_796 : vector<16xf32>
      %mul3A_798 = arith.mulf %gather3A_793, %gather3A_795 : vector<16xf32>
      %add3A_799 = arith.addf %add3A_790, %mul3A_798 : vector<16xf32>
      %broadcast_in_dim3A_800 = arith.constant 25 : i32
      %broadcast_in_dim3A_801 = vector.broadcast %broadcast_in_dim3A_800 : i32 to vector<16xi32>
      %gather3A_802 = tpu.vector_load_idx %arg14[%broadcast_in_dim3A_199, %add3A_571, %broadcast_in_dim3A_801] : memref<2x128x32xf32, #tpu.memory_space<vmem>>[vector<16xi32>, vector<16xi32>, vector<16xi32>], vector<16xf32>,
      %gather3A_803 = tpu.vector_load_idx %arg15[%broadcast_in_dim3A_199, %add3A_571, %broadcast_in_dim3A_801] : memref<2x128x32xf32, #tpu.memory_space<vmem>>[vector<16xi32>, vector<16xi32>, vector<16xi32>], vector<16xf32>,
      %gather3A_804 = tpu.vector_load_idx %arg16[%broadcast_in_dim3A_199, %add3A_571, %broadcast_in_dim3A_801] : memref<2x128x32xf32, #tpu.memory_space<vmem>>[vector<16xi32>, vector<16xi32>, vector<16xi32>], vector<16xf32>,
      %mul3A_805 = arith.mulf %gather3A_802, %gather3A_803 : vector<16xf32>
      %add3A_806 = arith.addf %add3A_797, %mul3A_805 : vector<16xf32>
      %mul3A_807 = arith.mulf %gather3A_802, %gather3A_804 : vector<16xf32>
      %add3A_808 = arith.addf %add3A_799, %mul3A_807 : vector<16xf32>
      %broadcast_in_dim3A_809 = arith.constant 26 : i32
      %broadcast_in_dim3A_810 = vector.broadcast %broadcast_in_dim3A_809 : i32 to vector<16xi32>
      %gather3A_811 = tpu.vector_load_idx %arg14[%broadcast_in_dim3A_199, %add3A_571, %broadcast_in_dim3A_810] : memref<2x128x32xf32, #tpu.memory_space<vmem>>[vector<16xi32>, vector<16xi32>, vector<16xi32>], vector<16xf32>,
      %gather3A_812 = tpu.vector_load_idx %arg15[%broadcast_in_dim3A_199, %add3A_571, %broadcast_in_dim3A_810] : memref<2x128x32xf32, #tpu.memory_space<vmem>>[vector<16xi32>, vector<16xi32>, vector<16xi32>], vector<16xf32>,
      %gather3A_813 = tpu.vector_load_idx %arg16[%broadcast_in_dim3A_199, %add3A_571, %broadcast_in_dim3A_810] : memref<2x128x32xf32, #tpu.memory_space<vmem>>[vector<16xi32>, vector<16xi32>, vector<16xi32>], vector<16xf32>,
      %mul3A_814 = arith.mulf %gather3A_811, %gather3A_812 : vector<16xf32>
      %add3A_815 = arith.addf %add3A_806, %mul3A_814 : vector<16xf32>
      %mul3A_816 = arith.mulf %gather3A_811, %gather3A_813 : vector<16xf32>
      %add3A_817 = arith.addf %add3A_808, %mul3A_816 : vector<16xf32>
      %broadcast_in_dim3A_818 = arith.constant 27 : i32
      %broadcast_in_dim3A_819 = vector.broadcast %broadcast_in_dim3A_818 : i32 to vector<16xi32>
      %gather3A_820 = tpu.vector_load_idx %arg14[%broadcast_in_dim3A_199, %add3A_571, %broadcast_in_dim3A_819] : memref<2x128x32xf32, #tpu.memory_space<vmem>>[vector<16xi32>, vector<16xi32>, vector<16xi32>], vector<16xf32>,
      %gather3A_821 = tpu.vector_load_idx %arg15[%broadcast_in_dim3A_199, %add3A_571, %broadcast_in_dim3A_819] : memref<2x128x32xf32, #tpu.memory_space<vmem>>[vector<16xi32>, vector<16xi32>, vector<16xi32>], vector<16xf32>,
      %gather3A_822 = tpu.vector_load_idx %arg16[%broadcast_in_dim3A_199, %add3A_571, %broadcast_in_dim3A_819] : memref<2x128x32xf32, #tpu.memory_space<vmem>>[vector<16xi32>, vector<16xi32>, vector<16xi32>], vector<16xf32>,
      %mul3A_823 = arith.mulf %gather3A_820, %gather3A_821 : vector<16xf32>
      %add3A_824 = arith.addf %add3A_815, %mul3A_823 : vector<16xf32>
      %mul3A_825 = arith.mulf %gather3A_820, %gather3A_822 : vector<16xf32>
      %add3A_826 = arith.addf %add3A_817, %mul3A_825 : vector<16xf32>
      %broadcast_in_dim3A_827 = arith.constant 28 : i32
      %broadcast_in_dim3A_828 = vector.broadcast %broadcast_in_dim3A_827 : i32 to vector<16xi32>
      %gather3A_829 = tpu.vector_load_idx %arg14[%broadcast_in_dim3A_199, %add3A_571, %broadcast_in_dim3A_828] : memref<2x128x32xf32, #tpu.memory_space<vmem>>[vector<16xi32>, vector<16xi32>, vector<16xi32>], vector<16xf32>,
      %gather3A_830 = tpu.vector_load_idx %arg15[%broadcast_in_dim3A_199, %add3A_571, %broadcast_in_dim3A_828] : memref<2x128x32xf32, #tpu.memory_space<vmem>>[vector<16xi32>, vector<16xi32>, vector<16xi32>], vector<16xf32>,
      %gather3A_831 = tpu.vector_load_idx %arg16[%broadcast_in_dim3A_199, %add3A_571, %broadcast_in_dim3A_828] : memref<2x128x32xf32, #tpu.memory_space<vmem>>[vector<16xi32>, vector<16xi32>, vector<16xi32>], vector<16xf32>,
      %mul3A_832 = arith.mulf %gather3A_829, %gather3A_830 : vector<16xf32>
      %add3A_833 = arith.addf %add3A_824, %mul3A_832 : vector<16xf32>
      %mul3A_834 = arith.mulf %gather3A_829, %gather3A_831 : vector<16xf32>
      %add3A_835 = arith.addf %add3A_826, %mul3A_834 : vector<16xf32>
      %broadcast_in_dim3A_836 = arith.constant 29 : i32
      %broadcast_in_dim3A_837 = vector.broadcast %broadcast_in_dim3A_836 : i32 to vector<16xi32>
      %gather3A_838 = tpu.vector_load_idx %arg14[%broadcast_in_dim3A_199, %add3A_571, %broadcast_in_dim3A_837] : memref<2x128x32xf32, #tpu.memory_space<vmem>>[vector<16xi32>, vector<16xi32>, vector<16xi32>], vector<16xf32>,
      %gather3A_839 = tpu.vector_load_idx %arg15[%broadcast_in_dim3A_199, %add3A_571, %broadcast_in_dim3A_837] : memref<2x128x32xf32, #tpu.memory_space<vmem>>[vector<16xi32>, vector<16xi32>, vector<16xi32>], vector<16xf32>,
      %gather3A_840 = tpu.vector_load_idx %arg16[%broadcast_in_dim3A_199, %add3A_571, %broadcast_in_dim3A_837] : memref<2x128x32xf32, #tpu.memory_space<vmem>>[vector<16xi32>, vector<16xi32>, vector<16xi32>], vector<16xf32>,
      %mul3A_841 = arith.mulf %gather3A_838, %gather3A_839 : vector<16xf32>
      %add3A_842 = arith.addf %add3A_833, %mul3A_841 : vector<16xf32>
      %mul3A_843 = arith.mulf %gather3A_838, %gather3A_840 : vector<16xf32>
      %add3A_844 = arith.addf %add3A_835, %mul3A_843 : vector<16xf32>
      %broadcast_in_dim3A_845 = arith.constant 30 : i32
      %broadcast_in_dim3A_846 = vector.broadcast %broadcast_in_dim3A_845 : i32 to vector<16xi32>
      %gather3A_847 = tpu.vector_load_idx %arg14[%broadcast_in_dim3A_199, %add3A_571, %broadcast_in_dim3A_846] : memref<2x128x32xf32, #tpu.memory_space<vmem>>[vector<16xi32>, vector<16xi32>, vector<16xi32>], vector<16xf32>,
      %gather3A_848 = tpu.vector_load_idx %arg15[%broadcast_in_dim3A_199, %add3A_571, %broadcast_in_dim3A_846] : memref<2x128x32xf32, #tpu.memory_space<vmem>>[vector<16xi32>, vector<16xi32>, vector<16xi32>], vector<16xf32>,
      %gather3A_849 = tpu.vector_load_idx %arg16[%broadcast_in_dim3A_199, %add3A_571, %broadcast_in_dim3A_846] : memref<2x128x32xf32, #tpu.memory_space<vmem>>[vector<16xi32>, vector<16xi32>, vector<16xi32>], vector<16xf32>,
      %mul3A_850 = arith.mulf %gather3A_847, %gather3A_848 : vector<16xf32>
      %add3A_851 = arith.addf %add3A_842, %mul3A_850 : vector<16xf32>
      %mul3A_852 = arith.mulf %gather3A_847, %gather3A_849 : vector<16xf32>
      %add3A_853 = arith.addf %add3A_844, %mul3A_852 : vector<16xf32>
      %broadcast_in_dim3A_854 = arith.constant 31 : i32
      %broadcast_in_dim3A_855 = vector.broadcast %broadcast_in_dim3A_854 : i32 to vector<16xi32>
      %gather3A_856 = tpu.vector_load_idx %arg14[%broadcast_in_dim3A_199, %add3A_571, %broadcast_in_dim3A_855] : memref<2x128x32xf32, #tpu.memory_space<vmem>>[vector<16xi32>, vector<16xi32>, vector<16xi32>], vector<16xf32>,
      %gather3A_857 = tpu.vector_load_idx %arg15[%broadcast_in_dim3A_199, %add3A_571, %broadcast_in_dim3A_855] : memref<2x128x32xf32, #tpu.memory_space<vmem>>[vector<16xi32>, vector<16xi32>, vector<16xi32>], vector<16xf32>,
      %gather3A_858 = tpu.vector_load_idx %arg16[%broadcast_in_dim3A_199, %add3A_571, %broadcast_in_dim3A_855] : memref<2x128x32xf32, #tpu.memory_space<vmem>>[vector<16xi32>, vector<16xi32>, vector<16xi32>], vector<16xf32>,
      %mul3A_859 = arith.mulf %gather3A_856, %gather3A_857 : vector<16xf32>
      %add3A_860 = arith.addf %add3A_851, %mul3A_859 : vector<16xf32>
      %mul3A_861 = arith.mulf %gather3A_856, %gather3A_858 : vector<16xf32>
      %add3A_862 = arith.addf %add3A_853, %mul3A_861 : vector<16xf32>
      %gather3A_863 = tpu.vector_load_idx %arg17[%broadcast_in_dim3A_199, %add3A_571] : memref<2x128xf32, #tpu.memory_space<vmem>>[vector<16xi32>, vector<16xi32>], vector<16xf32>,
      %gather3A_864 = tpu.vector_load_idx %arg18[%broadcast_in_dim3A_199, %add3A_571] : memref<2x128xf32, #tpu.memory_space<vmem>>[vector<16xi32>, vector<16xi32>], vector<16xf32>,
      %gather3A_865 = tpu.vector_load_idx %arg19[%broadcast_in_dim3A_199, %add3A_571] : memref<2x128xf32, #tpu.memory_space<vmem>>[vector<16xi32>, vector<16xi32>], vector<16xf32>,
      %add3A_866 = arith.addf %gather3A_863, %gather3A_864 : vector<16xf32>
      %add3A_867 = arith.addf %add3A_866, %add3A_860 : vector<16xf32>
      tpu.vector_store_idx %arg20[%broadcast_in_dim3A_201, %add3A_571], %add3A_867 : memref<4x128xf32, #tpu.memory_space<vmem>>[vector<16xi32>, vector<16xi32>], vector<16xf32>,
      %add3A_868 = arith.addf %gather3A_863, %gather3A_865 : vector<16xf32>
      %add3A_869 = arith.addf %add3A_868, %add3A_862 : vector<16xf32>
      tpu.vector_store_idx %arg21[%broadcast_in_dim3A_201, %add3A_571], %add3A_869 : memref<4x128xf32, #tpu.memory_space<vmem>>[vector<16xi32>, vector<16xi32>], vector<16xf32>,
    }
    %scan3A_206 = arith.constant 8 : i32
    %dma_start3A_207 = arith.constant 2 : i32
    %dma_start3A_208 = arith.constant 0 : i32
    %dma_start3A_209 = arith.constant 0 : i32
    %dma_start3A_210 = arith.constant 0 : i32
    %dma_start3A_211 = tpu.memref_slice %arg14[%dma_start3A_208, %dma_start3A_209, %dma_start3A_210] : memref<2x128x32xf32, #tpu.memory_space<vmem>> -> memref<1x128x32xf32, #tpu.memory_space<vmem>>
    %dma_start3A_212 = tpu.memref_squeeze %dma_start3A_211 : memref<1x128x32xf32, #tpu.memory_space<vmem>> -> memref<128x32xf32, #tpu.memory_space<vmem>>
    %dma_start3A_213 = arith.constant 0 : i32
    %dma_start3A_214 = tpu.memref_slice %arg11[%dma_start3A_207, %dma_start3A_213] : memref<4x128xi32, #tpu.memory_space<vmem>> -> memref<1x128xi32, #tpu.memory_space<vmem>>
    %dma_start3A_215 = tpu.memref_squeeze %dma_start3A_214 : memref<1x128xi32, #tpu.memory_space<vmem>> -> memref<128xi32, #tpu.memory_space<vmem>>
    %dma_start3A_216 = arith.constant 0 : i32
    %dma_start3A_217 = arith.constant 0 : i32
    %dma_start3A_218 = tpu.memref_slice %arg5[%dma_start3A_216, %dma_start3A_217] : memref<1000000x32xf32, #tpu.memory_space<hbm>> -> memref<1000000x32xf32, #tpu.memory_space<hbm>>
    tpu.enqueue_indirect_dma source(%dma_start3A_218 : memref<1000000x32xf32, #tpu.memory_space<hbm>>) target(%dma_start3A_212 : memref<128x32xf32, #tpu.memory_space<vmem>>) offsets(%dma_start3A_215 : memref<128xi32, #tpu.memory_space<vmem>>) semaphore(%arg22 : memref<!tpu.dma_semaphore, #tpu.memory_space<semaphore_mem>>)
    %dma_start3A_219 = arith.constant 2 : i32
    %dma_start3A_220 = arith.constant 0 : i32
    %dma_start3A_221 = arith.constant 0 : i32
    %dma_start3A_222 = arith.constant 0 : i32
    %dma_start3A_223 = tpu.memref_slice %arg15[%dma_start3A_220, %dma_start3A_221, %dma_start3A_222] : memref<2x128x32xf32, #tpu.memory_space<vmem>> -> memref<1x128x32xf32, #tpu.memory_space<vmem>>
    %dma_start3A_224 = tpu.memref_squeeze %dma_start3A_223 : memref<1x128x32xf32, #tpu.memory_space<vmem>> -> memref<128x32xf32, #tpu.memory_space<vmem>>
    %dma_start3A_225 = arith.constant 0 : i32
    %dma_start3A_226 = tpu.memref_slice %arg12[%dma_start3A_219, %dma_start3A_225] : memref<4x128xi32, #tpu.memory_space<vmem>> -> memref<1x128xi32, #tpu.memory_space<vmem>>
    %dma_start3A_227 = tpu.memref_squeeze %dma_start3A_226 : memref<1x128xi32, #tpu.memory_space<vmem>> -> memref<128xi32, #tpu.memory_space<vmem>>
    %dma_start3A_228 = arith.constant 0 : i32
    %dma_start3A_229 = arith.constant 0 : i32
    %dma_start3A_230 = tpu.memref_slice %arg6[%dma_start3A_228, %dma_start3A_229] : memref<1000000x32xf32, #tpu.memory_space<hbm>> -> memref<1000000x32xf32, #tpu.memory_space<hbm>>
    tpu.enqueue_indirect_dma source(%dma_start3A_230 : memref<1000000x32xf32, #tpu.memory_space<hbm>>) target(%dma_start3A_224 : memref<128x32xf32, #tpu.memory_space<vmem>>) offsets(%dma_start3A_227 : memref<128xi32, #tpu.memory_space<vmem>>) semaphore(%arg22 : memref<!tpu.dma_semaphore, #tpu.memory_space<semaphore_mem>>)
    %dma_start3A_231 = arith.constant 2 : i32
    %dma_start3A_232 = arith.constant 0 : i32
    %dma_start3A_233 = arith.constant 0 : i32
    %dma_start3A_234 = arith.constant 0 : i32
    %dma_start3A_235 = tpu.memref_slice %arg16[%dma_start3A_232, %dma_start3A_233, %dma_start3A_234] : memref<2x128x32xf32, #tpu.memory_space<vmem>> -> memref<1x128x32xf32, #tpu.memory_space<vmem>>
    %dma_start3A_236 = tpu.memref_squeeze %dma_start3A_235 : memref<1x128x32xf32, #tpu.memory_space<vmem>> -> memref<128x32xf32, #tpu.memory_space<vmem>>
    %dma_start3A_237 = arith.constant 0 : i32
    %dma_start3A_238 = tpu.memref_slice %arg13[%dma_start3A_231, %dma_start3A_237] : memref<4x128xi32, #tpu.memory_space<vmem>> -> memref<1x128xi32, #tpu.memory_space<vmem>>
    %dma_start3A_239 = tpu.memref_squeeze %dma_start3A_238 : memref<1x128xi32, #tpu.memory_space<vmem>> -> memref<128xi32, #tpu.memory_space<vmem>>
    %dma_start3A_240 = arith.constant 0 : i32
    %dma_start3A_241 = arith.constant 0 : i32
    %dma_start3A_242 = tpu.memref_slice %arg6[%dma_start3A_240, %dma_start3A_241] : memref<1000000x32xf32, #tpu.memory_space<hbm>> -> memref<1000000x32xf32, #tpu.memory_space<hbm>>
    tpu.enqueue_indirect_dma source(%dma_start3A_242 : memref<1000000x32xf32, #tpu.memory_space<hbm>>) target(%dma_start3A_236 : memref<128x32xf32, #tpu.memory_space<vmem>>) offsets(%dma_start3A_239 : memref<128xi32, #tpu.memory_space<vmem>>) semaphore(%arg22 : memref<!tpu.dma_semaphore, #tpu.memory_space<semaphore_mem>>)
    %dma_start3A_243 = arith.constant 2 : i32
    %dma_start3A_244 = arith.constant 0 : i32
    %dma_start3A_245 = arith.constant 0 : i32
    %dma_start3A_246 = tpu.memref_slice %arg17[%dma_start3A_244, %dma_start3A_245] : memref<2x128xf32, #tpu.memory_space<vmem>> -> memref<1x128xf32, #tpu.memory_space<vmem>>
    %dma_start3A_247 = tpu.memref_squeeze %dma_start3A_246 : memref<1x128xf32, #tpu.memory_space<vmem>> -> memref<128xf32, #tpu.memory_space<vmem>>
    %dma_start3A_248 = arith.constant 0 : i32
    %dma_start3A_249 = tpu.memref_slice %arg11[%dma_start3A_243, %dma_start3A_248] : memref<4x128xi32, #tpu.memory_space<vmem>> -> memref<1x128xi32, #tpu.memory_space<vmem>>
    %dma_start3A_250 = tpu.memref_squeeze %dma_start3A_249 : memref<1x128xi32, #tpu.memory_space<vmem>> -> memref<128xi32, #tpu.memory_space<vmem>>
    %dma_start3A_251 = arith.constant 0 : i32
    %dma_start3A_252 = tpu.memref_slice %arg7[%dma_start3A_251] : memref<1000000xf32, #tpu.memory_space<hbm>> -> memref<1000000xf32, #tpu.memory_space<hbm>>
    tpu.enqueue_indirect_dma source(%dma_start3A_252 : memref<1000000xf32, #tpu.memory_space<hbm>>) target(%dma_start3A_247 : memref<128xf32, #tpu.memory_space<vmem>>) offsets(%dma_start3A_250 : memref<128xi32, #tpu.memory_space<vmem>>) semaphore(%arg22 : memref<!tpu.dma_semaphore, #tpu.memory_space<semaphore_mem>>)
    %dma_start3A_253 = arith.constant 2 : i32
    %dma_start3A_254 = arith.constant 0 : i32
    %dma_start3A_255 = arith.constant 0 : i32
    %dma_start3A_256 = tpu.memref_slice %arg18[%dma_start3A_254, %dma_start3A_255] : memref<2x128xf32, #tpu.memory_space<vmem>> -> memref<1x128xf32, #tpu.memory_space<vmem>>
    %dma_start3A_257 = tpu.memref_squeeze %dma_start3A_256 : memref<1x128xf32, #tpu.memory_space<vmem>> -> memref<128xf32, #tpu.memory_space<vmem>>
    %dma_start3A_258 = arith.constant 0 : i32
    %dma_start3A_259 = tpu.memref_slice %arg12[%dma_start3A_253, %dma_start3A_258] : memref<4x128xi32, #tpu.memory_space<vmem>> -> memref<1x128xi32, #tpu.memory_space<vmem>>
    %dma_start3A_260 = tpu.memref_squeeze %dma_start3A_259 : memref<1x128xi32, #tpu.memory_space<vmem>> -> memref<128xi32, #tpu.memory_space<vmem>>
    %dma_start3A_261 = arith.constant 0 : i32
    %dma_start3A_262 = tpu.memref_slice %arg8[%dma_start3A_261] : memref<1000000xf32, #tpu.memory_space<hbm>> -> memref<1000000xf32, #tpu.memory_space<hbm>>
    tpu.enqueue_indirect_dma source(%dma_start3A_262 : memref<1000000xf32, #tpu.memory_space<hbm>>) target(%dma_start3A_257 : memref<128xf32, #tpu.memory_space<vmem>>) offsets(%dma_start3A_260 : memref<128xi32, #tpu.memory_space<vmem>>) semaphore(%arg22 : memref<!tpu.dma_semaphore, #tpu.memory_space<semaphore_mem>>)
    %dma_start3A_263 = arith.constant 2 : i32
    %dma_start3A_264 = arith.constant 0 : i32
    %dma_start3A_265 = arith.constant 0 : i32
    %dma_start3A_266 = tpu.memref_slice %arg19[%dma_start3A_264, %dma_start3A_265] : memref<2x128xf32, #tpu.memory_space<vmem>> -> memref<1x128xf32, #tpu.memory_space<vmem>>
    %dma_start3A_267 = tpu.memref_squeeze %dma_start3A_266 : memref<1x128xf32, #tpu.memory_space<vmem>> -> memref<128xf32, #tpu.memory_space<vmem>>
    %dma_start3A_268 = arith.constant 0 : i32
    %dma_start3A_269 = tpu.memref_slice %arg13[%dma_start3A_263, %dma_start3A_268] : memref<4x128xi32, #tpu.memory_space<vmem>> -> memref<1x128xi32, #tpu.memory_space<vmem>>
    %dma_start3A_270 = tpu.memref_squeeze %dma_start3A_269 : memref<1x128xi32, #tpu.memory_space<vmem>> -> memref<128xi32, #tpu.memory_space<vmem>>
    %dma_start3A_271 = arith.constant 0 : i32
    %dma_start3A_272 = tpu.memref_slice %arg8[%dma_start3A_271] : memref<1000000xf32, #tpu.memory_space<hbm>> -> memref<1000000xf32, #tpu.memory_space<hbm>>
    tpu.enqueue_indirect_dma source(%dma_start3A_272 : memref<1000000xf32, #tpu.memory_space<hbm>>) target(%dma_start3A_267 : memref<128xf32, #tpu.memory_space<vmem>>) offsets(%dma_start3A_270 : memref<128xi32, #tpu.memory_space<vmem>>) semaphore(%arg22 : memref<!tpu.dma_semaphore, #tpu.memory_space<semaphore_mem>>)
    %dma_wait3A_273 = arith.constant 1 : i32
    %dma_wait3A_274 = arith.constant 1 : i32
    %dma_wait3A_275 = arith.constant 0 : i32
    %dma_wait3A_276 = arith.constant 0 : i32
    %dma_wait3A_277 = tpu.memref_slice %arg14[%dma_wait3A_274, %dma_wait3A_275, %dma_wait3A_276] : memref<2x128x32xf32, #tpu.memory_space<vmem>> -> memref<1x128x32xf32, #tpu.memory_space<vmem>>
    %dma_wait3A_278 = tpu.memref_squeeze %dma_wait3A_277 : memref<1x128x32xf32, #tpu.memory_space<vmem>> -> memref<128x32xf32, #tpu.memory_space<vmem>>
    %dma_wait3A_279 = arith.constant 0 : i32
    %dma_wait3A_280 = tpu.memref_slice %arg11[%dma_wait3A_273, %dma_wait3A_279] : memref<4x128xi32, #tpu.memory_space<vmem>> -> memref<1x128xi32, #tpu.memory_space<vmem>>
    %dma_wait3A_281 = tpu.memref_squeeze %dma_wait3A_280 : memref<1x128xi32, #tpu.memory_space<vmem>> -> memref<128xi32, #tpu.memory_space<vmem>>
    %dma_wait3A_282 = arith.constant 0 : i32
    %dma_wait3A_283 = arith.constant 0 : i32
    %dma_wait3A_284 = tpu.memref_slice %arg5[%dma_wait3A_282, %dma_wait3A_283] : memref<1000000x32xf32, #tpu.memory_space<hbm>> -> memref<1000000x32xf32, #tpu.memory_space<hbm>>
    tpu.wait_indirect_dma semaphore(%arg22 : memref<!tpu.dma_semaphore, #tpu.memory_space<semaphore_mem>>) src(%dma_wait3A_284 : memref<1000000x32xf32, #tpu.memory_space<hbm>>) dst(%dma_wait3A_278 : memref<128x32xf32, #tpu.memory_space<vmem>>)
    %dma_wait3A_285 = arith.constant 1 : i32
    %dma_wait3A_286 = arith.constant 1 : i32
    %dma_wait3A_287 = arith.constant 0 : i32
    %dma_wait3A_288 = arith.constant 0 : i32
    %dma_wait3A_289 = tpu.memref_slice %arg15[%dma_wait3A_286, %dma_wait3A_287, %dma_wait3A_288] : memref<2x128x32xf32, #tpu.memory_space<vmem>> -> memref<1x128x32xf32, #tpu.memory_space<vmem>>
    %dma_wait3A_290 = tpu.memref_squeeze %dma_wait3A_289 : memref<1x128x32xf32, #tpu.memory_space<vmem>> -> memref<128x32xf32, #tpu.memory_space<vmem>>
    %dma_wait3A_291 = arith.constant 0 : i32
    %dma_wait3A_292 = tpu.memref_slice %arg12[%dma_wait3A_285, %dma_wait3A_291] : memref<4x128xi32, #tpu.memory_space<vmem>> -> memref<1x128xi32, #tpu.memory_space<vmem>>
    %dma_wait3A_293 = tpu.memref_squeeze %dma_wait3A_292 : memref<1x128xi32, #tpu.memory_space<vmem>> -> memref<128xi32, #tpu.memory_space<vmem>>
    %dma_wait3A_294 = arith.constant 0 : i32
    %dma_wait3A_295 = arith.constant 0 : i32
    %dma_wait3A_296 = tpu.memref_slice %arg6[%dma_wait3A_294, %dma_wait3A_295] : memref<1000000x32xf32, #tpu.memory_space<hbm>> -> memref<1000000x32xf32, #tpu.memory_space<hbm>>
    tpu.wait_indirect_dma semaphore(%arg22 : memref<!tpu.dma_semaphore, #tpu.memory_space<semaphore_mem>>) src(%dma_wait3A_296 : memref<1000000x32xf32, #tpu.memory_space<hbm>>) dst(%dma_wait3A_290 : memref<128x32xf32, #tpu.memory_space<vmem>>)
    %dma_wait3A_297 = arith.constant 1 : i32
    %dma_wait3A_298 = arith.constant 1 : i32
    %dma_wait3A_299 = arith.constant 0 : i32
    %dma_wait3A_300 = arith.constant 0 : i32
    %dma_wait3A_301 = tpu.memref_slice %arg16[%dma_wait3A_298, %dma_wait3A_299, %dma_wait3A_300] : memref<2x128x32xf32, #tpu.memory_space<vmem>> -> memref<1x128x32xf32, #tpu.memory_space<vmem>>
    %dma_wait3A_302 = tpu.memref_squeeze %dma_wait3A_301 : memref<1x128x32xf32, #tpu.memory_space<vmem>> -> memref<128x32xf32, #tpu.memory_space<vmem>>
    %dma_wait3A_303 = arith.constant 0 : i32
    %dma_wait3A_304 = tpu.memref_slice %arg13[%dma_wait3A_297, %dma_wait3A_303] : memref<4x128xi32, #tpu.memory_space<vmem>> -> memref<1x128xi32, #tpu.memory_space<vmem>>
    %dma_wait3A_305 = tpu.memref_squeeze %dma_wait3A_304 : memref<1x128xi32, #tpu.memory_space<vmem>> -> memref<128xi32, #tpu.memory_space<vmem>>
    %dma_wait3A_306 = arith.constant 0 : i32
    %dma_wait3A_307 = arith.constant 0 : i32
    %dma_wait3A_308 = tpu.memref_slice %arg6[%dma_wait3A_306, %dma_wait3A_307] : memref<1000000x32xf32, #tpu.memory_space<hbm>> -> memref<1000000x32xf32, #tpu.memory_space<hbm>>
    tpu.wait_indirect_dma semaphore(%arg22 : memref<!tpu.dma_semaphore, #tpu.memory_space<semaphore_mem>>) src(%dma_wait3A_308 : memref<1000000x32xf32, #tpu.memory_space<hbm>>) dst(%dma_wait3A_302 : memref<128x32xf32, #tpu.memory_space<vmem>>)
    %dma_wait3A_309 = arith.constant 1 : i32
    %dma_wait3A_310 = arith.constant 1 : i32
    %dma_wait3A_311 = arith.constant 0 : i32
    %dma_wait3A_312 = tpu.memref_slice %arg17[%dma_wait3A_310, %dma_wait3A_311] : memref<2x128xf32, #tpu.memory_space<vmem>> -> memref<1x128xf32, #tpu.memory_space<vmem>>
    %dma_wait3A_313 = tpu.memref_squeeze %dma_wait3A_312 : memref<1x128xf32, #tpu.memory_space<vmem>> -> memref<128xf32, #tpu.memory_space<vmem>>
    %dma_wait3A_314 = arith.constant 0 : i32
    %dma_wait3A_315 = tpu.memref_slice %arg11[%dma_wait3A_309, %dma_wait3A_314] : memref<4x128xi32, #tpu.memory_space<vmem>> -> memref<1x128xi32, #tpu.memory_space<vmem>>
    %dma_wait3A_316 = tpu.memref_squeeze %dma_wait3A_315 : memref<1x128xi32, #tpu.memory_space<vmem>> -> memref<128xi32, #tpu.memory_space<vmem>>
    %dma_wait3A_317 = arith.constant 0 : i32
    %dma_wait3A_318 = tpu.memref_slice %arg7[%dma_wait3A_317] : memref<1000000xf32, #tpu.memory_space<hbm>> -> memref<1000000xf32, #tpu.memory_space<hbm>>
    tpu.wait_indirect_dma semaphore(%arg22 : memref<!tpu.dma_semaphore, #tpu.memory_space<semaphore_mem>>) src(%dma_wait3A_318 : memref<1000000xf32, #tpu.memory_space<hbm>>) dst(%dma_wait3A_313 : memref<128xf32, #tpu.memory_space<vmem>>)
    %dma_wait3A_319 = arith.constant 1 : i32
    %dma_wait3A_320 = arith.constant 1 : i32
    %dma_wait3A_321 = arith.constant 0 : i32
    %dma_wait3A_322 = tpu.memref_slice %arg18[%dma_wait3A_320, %dma_wait3A_321] : memref<2x128xf32, #tpu.memory_space<vmem>> -> memref<1x128xf32, #tpu.memory_space<vmem>>
    %dma_wait3A_323 = tpu.memref_squeeze %dma_wait3A_322 : memref<1x128xf32, #tpu.memory_space<vmem>> -> memref<128xf32, #tpu.memory_space<vmem>>
    %dma_wait3A_324 = arith.constant 0 : i32
    %dma_wait3A_325 = tpu.memref_slice %arg12[%dma_wait3A_319, %dma_wait3A_324] : memref<4x128xi32, #tpu.memory_space<vmem>> -> memref<1x128xi32, #tpu.memory_space<vmem>>
    %dma_wait3A_326 = tpu.memref_squeeze %dma_wait3A_325 : memref<1x128xi32, #tpu.memory_space<vmem>> -> memref<128xi32, #tpu.memory_space<vmem>>
    %dma_wait3A_327 = arith.constant 0 : i32
    %dma_wait3A_328 = tpu.memref_slice %arg8[%dma_wait3A_327] : memref<1000000xf32, #tpu.memory_space<hbm>> -> memref<1000000xf32, #tpu.memory_space<hbm>>
    tpu.wait_indirect_dma semaphore(%arg22 : memref<!tpu.dma_semaphore, #tpu.memory_space<semaphore_mem>>) src(%dma_wait3A_328 : memref<1000000xf32, #tpu.memory_space<hbm>>) dst(%dma_wait3A_323 : memref<128xf32, #tpu.memory_space<vmem>>)
    %dma_wait3A_329 = arith.constant 1 : i32
    %dma_wait3A_330 = arith.constant 1 : i32
    %dma_wait3A_331 = arith.constant 0 : i32
    %dma_wait3A_332 = tpu.memref_slice %arg19[%dma_wait3A_330, %dma_wait3A_331] : memref<2x128xf32, #tpu.memory_space<vmem>> -> memref<1x128xf32, #tpu.memory_space<vmem>>
    %dma_wait3A_333 = tpu.memref_squeeze %dma_wait3A_332 : memref<1x128xf32, #tpu.memory_space<vmem>> -> memref<128xf32, #tpu.memory_space<vmem>>
    %dma_wait3A_334 = arith.constant 0 : i32
    %dma_wait3A_335 = tpu.memref_slice %arg13[%dma_wait3A_329, %dma_wait3A_334] : memref<4x128xi32, #tpu.memory_space<vmem>> -> memref<1x128xi32, #tpu.memory_space<vmem>>
    %dma_wait3A_336 = tpu.memref_squeeze %dma_wait3A_335 : memref<1x128xi32, #tpu.memory_space<vmem>> -> memref<128xi32, #tpu.memory_space<vmem>>
    %dma_wait3A_337 = arith.constant 0 : i32
    %dma_wait3A_338 = tpu.memref_slice %arg8[%dma_wait3A_337] : memref<1000000xf32, #tpu.memory_space<hbm>> -> memref<1000000xf32, #tpu.memory_space<hbm>>
    tpu.wait_indirect_dma semaphore(%arg22 : memref<!tpu.dma_semaphore, #tpu.memory_space<semaphore_mem>>) src(%dma_wait3A_338 : memref<1000000xf32, #tpu.memory_space<hbm>>) dst(%dma_wait3A_333 : memref<128xf32, #tpu.memory_space<vmem>>)
    %broadcast_in_dim3A_339 = arith.constant 1 : i32
    %broadcast_in_dim3A_340 = vector.broadcast %broadcast_in_dim3A_339 : i32 to vector<16xi32>
    %broadcast_in_dim3A_341 = arith.constant 1 : i32
    %broadcast_in_dim3A_342 = vector.broadcast %broadcast_in_dim3A_341 : i32 to vector<16xi32>
    %scan3A_343 = arith.constant 0 : i32
    %scan3A_344 = arith.constant 0 : i32
    %scan3A_345 = arith.constant 8 : i32
    %scan3A_346 = arith.addi %scan3A_344, %scan3A_345 : i32
    %scan3A_347 = arith.constant 1 : i32
    scf.for %scan3A_567 = %scan3A_344 to %scan3A_346 step %scan3A_347  : i32 {
      %mul3A_568 = arith.constant 16 : i32
      %mul3A_569 = arith.muli %scan3A_567, %mul3A_568 : i32
      %add3A_570 = vector.broadcast %mul3A_569 : i32 to vector<16xi32>
      %add3A_571 = arith.addi %add3A_570, %iota3A : vector<16xi32>
      %broadcast_in_dim3A_572 = arith.constant 0.000000e+00 : f32
      %broadcast_in_dim3A_573 = vector.broadcast %broadcast_in_dim3A_572 : f32 to vector<16xf32>
      %broadcast_in_dim3A_574 = arith.constant 0.000000e+00 : f32
      %broadcast_in_dim3A_575 = vector.broadcast %broadcast_in_dim3A_574 : f32 to vector<16xf32>
      %broadcast_in_dim3A_576 = arith.constant 0 : i32
      %broadcast_in_dim3A_577 = vector.broadcast %broadcast_in_dim3A_576 : i32 to vector<16xi32>
      %gather3A = tpu.vector_load_idx %arg14[%broadcast_in_dim3A_340, %add3A_571, %broadcast_in_dim3A_577] : memref<2x128x32xf32, #tpu.memory_space<vmem>>[vector<16xi32>, vector<16xi32>, vector<16xi32>], vector<16xf32>,
      %gather3A_578 = tpu.vector_load_idx %arg15[%broadcast_in_dim3A_340, %add3A_571, %broadcast_in_dim3A_577] : memref<2x128x32xf32, #tpu.memory_space<vmem>>[vector<16xi32>, vector<16xi32>, vector<16xi32>], vector<16xf32>,
      %gather3A_579 = tpu.vector_load_idx %arg16[%broadcast_in_dim3A_340, %add3A_571, %broadcast_in_dim3A_577] : memref<2x128x32xf32, #tpu.memory_space<vmem>>[vector<16xi32>, vector<16xi32>, vector<16xi32>], vector<16xf32>,
      %mul3A_580 = arith.mulf %gather3A, %gather3A_578 : vector<16xf32>
      %add3A_581 = arith.addf %broadcast_in_dim3A_573, %mul3A_580 : vector<16xf32>
      %mul3A_582 = arith.mulf %gather3A, %gather3A_579 : vector<16xf32>
      %add3A_583 = arith.addf %broadcast_in_dim3A_575, %mul3A_582 : vector<16xf32>
      %broadcast_in_dim3A_584 = arith.constant 1 : i32
      %broadcast_in_dim3A_585 = vector.broadcast %broadcast_in_dim3A_584 : i32 to vector<16xi32>
      %gather3A_586 = tpu.vector_load_idx %arg14[%broadcast_in_dim3A_340, %add3A_571, %broadcast_in_dim3A_585] : memref<2x128x32xf32, #tpu.memory_space<vmem>>[vector<16xi32>, vector<16xi32>, vector<16xi32>], vector<16xf32>,
      %gather3A_587 = tpu.vector_load_idx %arg15[%broadcast_in_dim3A_340, %add3A_571, %broadcast_in_dim3A_585] : memref<2x128x32xf32, #tpu.memory_space<vmem>>[vector<16xi32>, vector<16xi32>, vector<16xi32>], vector<16xf32>,
      %gather3A_588 = tpu.vector_load_idx %arg16[%broadcast_in_dim3A_340, %add3A_571, %broadcast_in_dim3A_585] : memref<2x128x32xf32, #tpu.memory_space<vmem>>[vector<16xi32>, vector<16xi32>, vector<16xi32>], vector<16xf32>,
      %mul3A_589 = arith.mulf %gather3A_586, %gather3A_587 : vector<16xf32>
      %add3A_590 = arith.addf %add3A_581, %mul3A_589 : vector<16xf32>
      %mul3A_591 = arith.mulf %gather3A_586, %gather3A_588 : vector<16xf32>
      %add3A_592 = arith.addf %add3A_583, %mul3A_591 : vector<16xf32>
      %broadcast_in_dim3A_593 = arith.constant 2 : i32
      %broadcast_in_dim3A_594 = vector.broadcast %broadcast_in_dim3A_593 : i32 to vector<16xi32>
      %gather3A_595 = tpu.vector_load_idx %arg14[%broadcast_in_dim3A_340, %add3A_571, %broadcast_in_dim3A_594] : memref<2x128x32xf32, #tpu.memory_space<vmem>>[vector<16xi32>, vector<16xi32>, vector<16xi32>], vector<16xf32>,
      %gather3A_596 = tpu.vector_load_idx %arg15[%broadcast_in_dim3A_340, %add3A_571, %broadcast_in_dim3A_594] : memref<2x128x32xf32, #tpu.memory_space<vmem>>[vector<16xi32>, vector<16xi32>, vector<16xi32>], vector<16xf32>,
      %gather3A_597 = tpu.vector_load_idx %arg16[%broadcast_in_dim3A_340, %add3A_571, %broadcast_in_dim3A_594] : memref<2x128x32xf32, #tpu.memory_space<vmem>>[vector<16xi32>, vector<16xi32>, vector<16xi32>], vector<16xf32>,
      %mul3A_598 = arith.mulf %gather3A_595, %gather3A_596 : vector<16xf32>
      %add3A_599 = arith.addf %add3A_590, %mul3A_598 : vector<16xf32>
      %mul3A_600 = arith.mulf %gather3A_595, %gather3A_597 : vector<16xf32>
      %add3A_601 = arith.addf %add3A_592, %mul3A_600 : vector<16xf32>
      %broadcast_in_dim3A_602 = arith.constant 3 : i32
      %broadcast_in_dim3A_603 = vector.broadcast %broadcast_in_dim3A_602 : i32 to vector<16xi32>
      %gather3A_604 = tpu.vector_load_idx %arg14[%broadcast_in_dim3A_340, %add3A_571, %broadcast_in_dim3A_603] : memref<2x128x32xf32, #tpu.memory_space<vmem>>[vector<16xi32>, vector<16xi32>, vector<16xi32>], vector<16xf32>,
      %gather3A_605 = tpu.vector_load_idx %arg15[%broadcast_in_dim3A_340, %add3A_571, %broadcast_in_dim3A_603] : memref<2x128x32xf32, #tpu.memory_space<vmem>>[vector<16xi32>, vector<16xi32>, vector<16xi32>], vector<16xf32>,
      %gather3A_606 = tpu.vector_load_idx %arg16[%broadcast_in_dim3A_340, %add3A_571, %broadcast_in_dim3A_603] : memref<2x128x32xf32, #tpu.memory_space<vmem>>[vector<16xi32>, vector<16xi32>, vector<16xi32>], vector<16xf32>,
      %mul3A_607 = arith.mulf %gather3A_604, %gather3A_605 : vector<16xf32>
      %add3A_608 = arith.addf %add3A_599, %mul3A_607 : vector<16xf32>
      %mul3A_609 = arith.mulf %gather3A_604, %gather3A_606 : vector<16xf32>
      %add3A_610 = arith.addf %add3A_601, %mul3A_609 : vector<16xf32>
      %broadcast_in_dim3A_611 = arith.constant 4 : i32
      %broadcast_in_dim3A_612 = vector.broadcast %broadcast_in_dim3A_611 : i32 to vector<16xi32>
      %gather3A_613 = tpu.vector_load_idx %arg14[%broadcast_in_dim3A_340, %add3A_571, %broadcast_in_dim3A_612] : memref<2x128x32xf32, #tpu.memory_space<vmem>>[vector<16xi32>, vector<16xi32>, vector<16xi32>], vector<16xf32>,
      %gather3A_614 = tpu.vector_load_idx %arg15[%broadcast_in_dim3A_340, %add3A_571, %broadcast_in_dim3A_612] : memref<2x128x32xf32, #tpu.memory_space<vmem>>[vector<16xi32>, vector<16xi32>, vector<16xi32>], vector<16xf32>,
      %gather3A_615 = tpu.vector_load_idx %arg16[%broadcast_in_dim3A_340, %add3A_571, %broadcast_in_dim3A_612] : memref<2x128x32xf32, #tpu.memory_space<vmem>>[vector<16xi32>, vector<16xi32>, vector<16xi32>], vector<16xf32>,
      %mul3A_616 = arith.mulf %gather3A_613, %gather3A_614 : vector<16xf32>
      %add3A_617 = arith.addf %add3A_608, %mul3A_616 : vector<16xf32>
      %mul3A_618 = arith.mulf %gather3A_613, %gather3A_615 : vector<16xf32>
      %add3A_619 = arith.addf %add3A_610, %mul3A_618 : vector<16xf32>
      %broadcast_in_dim3A_620 = arith.constant 5 : i32
      %broadcast_in_dim3A_621 = vector.broadcast %broadcast_in_dim3A_620 : i32 to vector<16xi32>
      %gather3A_622 = tpu.vector_load_idx %arg14[%broadcast_in_dim3A_340, %add3A_571, %broadcast_in_dim3A_621] : memref<2x128x32xf32, #tpu.memory_space<vmem>>[vector<16xi32>, vector<16xi32>, vector<16xi32>], vector<16xf32>,
      %gather3A_623 = tpu.vector_load_idx %arg15[%broadcast_in_dim3A_340, %add3A_571, %broadcast_in_dim3A_621] : memref<2x128x32xf32, #tpu.memory_space<vmem>>[vector<16xi32>, vector<16xi32>, vector<16xi32>], vector<16xf32>,
      %gather3A_624 = tpu.vector_load_idx %arg16[%broadcast_in_dim3A_340, %add3A_571, %broadcast_in_dim3A_621] : memref<2x128x32xf32, #tpu.memory_space<vmem>>[vector<16xi32>, vector<16xi32>, vector<16xi32>], vector<16xf32>,
      %mul3A_625 = arith.mulf %gather3A_622, %gather3A_623 : vector<16xf32>
      %add3A_626 = arith.addf %add3A_617, %mul3A_625 : vector<16xf32>
      %mul3A_627 = arith.mulf %gather3A_622, %gather3A_624 : vector<16xf32>
      %add3A_628 = arith.addf %add3A_619, %mul3A_627 : vector<16xf32>
      %broadcast_in_dim3A_629 = arith.constant 6 : i32
      %broadcast_in_dim3A_630 = vector.broadcast %broadcast_in_dim3A_629 : i32 to vector<16xi32>
      %gather3A_631 = tpu.vector_load_idx %arg14[%broadcast_in_dim3A_340, %add3A_571, %broadcast_in_dim3A_630] : memref<2x128x32xf32, #tpu.memory_space<vmem>>[vector<16xi32>, vector<16xi32>, vector<16xi32>], vector<16xf32>,
      %gather3A_632 = tpu.vector_load_idx %arg15[%broadcast_in_dim3A_340, %add3A_571, %broadcast_in_dim3A_630] : memref<2x128x32xf32, #tpu.memory_space<vmem>>[vector<16xi32>, vector<16xi32>, vector<16xi32>], vector<16xf32>,
      %gather3A_633 = tpu.vector_load_idx %arg16[%broadcast_in_dim3A_340, %add3A_571, %broadcast_in_dim3A_630] : memref<2x128x32xf32, #tpu.memory_space<vmem>>[vector<16xi32>, vector<16xi32>, vector<16xi32>], vector<16xf32>,
      %mul3A_634 = arith.mulf %gather3A_631, %gather3A_632 : vector<16xf32>
      %add3A_635 = arith.addf %add3A_626, %mul3A_634 : vector<16xf32>
      %mul3A_636 = arith.mulf %gather3A_631, %gather3A_633 : vector<16xf32>
      %add3A_637 = arith.addf %add3A_628, %mul3A_636 : vector<16xf32>
      %broadcast_in_dim3A_638 = arith.constant 7 : i32
      %broadcast_in_dim3A_639 = vector.broadcast %broadcast_in_dim3A_638 : i32 to vector<16xi32>
      %gather3A_640 = tpu.vector_load_idx %arg14[%broadcast_in_dim3A_340, %add3A_571, %broadcast_in_dim3A_639] : memref<2x128x32xf32, #tpu.memory_space<vmem>>[vector<16xi32>, vector<16xi32>, vector<16xi32>], vector<16xf32>,
      %gather3A_641 = tpu.vector_load_idx %arg15[%broadcast_in_dim3A_340, %add3A_571, %broadcast_in_dim3A_639] : memref<2x128x32xf32, #tpu.memory_space<vmem>>[vector<16xi32>, vector<16xi32>, vector<16xi32>], vector<16xf32>,
      %gather3A_642 = tpu.vector_load_idx %arg16[%broadcast_in_dim3A_340, %add3A_571, %broadcast_in_dim3A_639] : memref<2x128x32xf32, #tpu.memory_space<vmem>>[vector<16xi32>, vector<16xi32>, vector<16xi32>], vector<16xf32>,
      %mul3A_643 = arith.mulf %gather3A_640, %gather3A_641 : vector<16xf32>
      %add3A_644 = arith.addf %add3A_635, %mul3A_643 : vector<16xf32>
      %mul3A_645 = arith.mulf %gather3A_640, %gather3A_642 : vector<16xf32>
      %add3A_646 = arith.addf %add3A_637, %mul3A_645 : vector<16xf32>
      %broadcast_in_dim3A_647 = arith.constant 8 : i32
      %broadcast_in_dim3A_648 = vector.broadcast %broadcast_in_dim3A_647 : i32 to vector<16xi32>
      %gather3A_649 = tpu.vector_load_idx %arg14[%broadcast_in_dim3A_340, %add3A_571, %broadcast_in_dim3A_648] : memref<2x128x32xf32, #tpu.memory_space<vmem>>[vector<16xi32>, vector<16xi32>, vector<16xi32>], vector<16xf32>,
      %gather3A_650 = tpu.vector_load_idx %arg15[%broadcast_in_dim3A_340, %add3A_571, %broadcast_in_dim3A_648] : memref<2x128x32xf32, #tpu.memory_space<vmem>>[vector<16xi32>, vector<16xi32>, vector<16xi32>], vector<16xf32>,
      %gather3A_651 = tpu.vector_load_idx %arg16[%broadcast_in_dim3A_340, %add3A_571, %broadcast_in_dim3A_648] : memref<2x128x32xf32, #tpu.memory_space<vmem>>[vector<16xi32>, vector<16xi32>, vector<16xi32>], vector<16xf32>,
      %mul3A_652 = arith.mulf %gather3A_649, %gather3A_650 : vector<16xf32>
      %add3A_653 = arith.addf %add3A_644, %mul3A_652 : vector<16xf32>
      %mul3A_654 = arith.mulf %gather3A_649, %gather3A_651 : vector<16xf32>
      %add3A_655 = arith.addf %add3A_646, %mul3A_654 : vector<16xf32>
      %broadcast_in_dim3A_656 = arith.constant 9 : i32
      %broadcast_in_dim3A_657 = vector.broadcast %broadcast_in_dim3A_656 : i32 to vector<16xi32>
      %gather3A_658 = tpu.vector_load_idx %arg14[%broadcast_in_dim3A_340, %add3A_571, %broadcast_in_dim3A_657] : memref<2x128x32xf32, #tpu.memory_space<vmem>>[vector<16xi32>, vector<16xi32>, vector<16xi32>], vector<16xf32>,
      %gather3A_659 = tpu.vector_load_idx %arg15[%broadcast_in_dim3A_340, %add3A_571, %broadcast_in_dim3A_657] : memref<2x128x32xf32, #tpu.memory_space<vmem>>[vector<16xi32>, vector<16xi32>, vector<16xi32>], vector<16xf32>,
      %gather3A_660 = tpu.vector_load_idx %arg16[%broadcast_in_dim3A_340, %add3A_571, %broadcast_in_dim3A_657] : memref<2x128x32xf32, #tpu.memory_space<vmem>>[vector<16xi32>, vector<16xi32>, vector<16xi32>], vector<16xf32>,
      %mul3A_661 = arith.mulf %gather3A_658, %gather3A_659 : vector<16xf32>
      %add3A_662 = arith.addf %add3A_653, %mul3A_661 : vector<16xf32>
      %mul3A_663 = arith.mulf %gather3A_658, %gather3A_660 : vector<16xf32>
      %add3A_664 = arith.addf %add3A_655, %mul3A_663 : vector<16xf32>
      %broadcast_in_dim3A_665 = arith.constant 10 : i32
      %broadcast_in_dim3A_666 = vector.broadcast %broadcast_in_dim3A_665 : i32 to vector<16xi32>
      %gather3A_667 = tpu.vector_load_idx %arg14[%broadcast_in_dim3A_340, %add3A_571, %broadcast_in_dim3A_666] : memref<2x128x32xf32, #tpu.memory_space<vmem>>[vector<16xi32>, vector<16xi32>, vector<16xi32>], vector<16xf32>,
      %gather3A_668 = tpu.vector_load_idx %arg15[%broadcast_in_dim3A_340, %add3A_571, %broadcast_in_dim3A_666] : memref<2x128x32xf32, #tpu.memory_space<vmem>>[vector<16xi32>, vector<16xi32>, vector<16xi32>], vector<16xf32>,
      %gather3A_669 = tpu.vector_load_idx %arg16[%broadcast_in_dim3A_340, %add3A_571, %broadcast_in_dim3A_666] : memref<2x128x32xf32, #tpu.memory_space<vmem>>[vector<16xi32>, vector<16xi32>, vector<16xi32>], vector<16xf32>,
      %mul3A_670 = arith.mulf %gather3A_667, %gather3A_668 : vector<16xf32>
      %add3A_671 = arith.addf %add3A_662, %mul3A_670 : vector<16xf32>
      %mul3A_672 = arith.mulf %gather3A_667, %gather3A_669 : vector<16xf32>
      %add3A_673 = arith.addf %add3A_664, %mul3A_672 : vector<16xf32>
      %broadcast_in_dim3A_674 = arith.constant 11 : i32
      %broadcast_in_dim3A_675 = vector.broadcast %broadcast_in_dim3A_674 : i32 to vector<16xi32>
      %gather3A_676 = tpu.vector_load_idx %arg14[%broadcast_in_dim3A_340, %add3A_571, %broadcast_in_dim3A_675] : memref<2x128x32xf32, #tpu.memory_space<vmem>>[vector<16xi32>, vector<16xi32>, vector<16xi32>], vector<16xf32>,
      %gather3A_677 = tpu.vector_load_idx %arg15[%broadcast_in_dim3A_340, %add3A_571, %broadcast_in_dim3A_675] : memref<2x128x32xf32, #tpu.memory_space<vmem>>[vector<16xi32>, vector<16xi32>, vector<16xi32>], vector<16xf32>,
      %gather3A_678 = tpu.vector_load_idx %arg16[%broadcast_in_dim3A_340, %add3A_571, %broadcast_in_dim3A_675] : memref<2x128x32xf32, #tpu.memory_space<vmem>>[vector<16xi32>, vector<16xi32>, vector<16xi32>], vector<16xf32>,
      %mul3A_679 = arith.mulf %gather3A_676, %gather3A_677 : vector<16xf32>
      %add3A_680 = arith.addf %add3A_671, %mul3A_679 : vector<16xf32>
      %mul3A_681 = arith.mulf %gather3A_676, %gather3A_678 : vector<16xf32>
      %add3A_682 = arith.addf %add3A_673, %mul3A_681 : vector<16xf32>
      %broadcast_in_dim3A_683 = arith.constant 12 : i32
      %broadcast_in_dim3A_684 = vector.broadcast %broadcast_in_dim3A_683 : i32 to vector<16xi32>
      %gather3A_685 = tpu.vector_load_idx %arg14[%broadcast_in_dim3A_340, %add3A_571, %broadcast_in_dim3A_684] : memref<2x128x32xf32, #tpu.memory_space<vmem>>[vector<16xi32>, vector<16xi32>, vector<16xi32>], vector<16xf32>,
      %gather3A_686 = tpu.vector_load_idx %arg15[%broadcast_in_dim3A_340, %add3A_571, %broadcast_in_dim3A_684] : memref<2x128x32xf32, #tpu.memory_space<vmem>>[vector<16xi32>, vector<16xi32>, vector<16xi32>], vector<16xf32>,
      %gather3A_687 = tpu.vector_load_idx %arg16[%broadcast_in_dim3A_340, %add3A_571, %broadcast_in_dim3A_684] : memref<2x128x32xf32, #tpu.memory_space<vmem>>[vector<16xi32>, vector<16xi32>, vector<16xi32>], vector<16xf32>,
      %mul3A_688 = arith.mulf %gather3A_685, %gather3A_686 : vector<16xf32>
      %add3A_689 = arith.addf %add3A_680, %mul3A_688 : vector<16xf32>
      %mul3A_690 = arith.mulf %gather3A_685, %gather3A_687 : vector<16xf32>
      %add3A_691 = arith.addf %add3A_682, %mul3A_690 : vector<16xf32>
      %broadcast_in_dim3A_692 = arith.constant 13 : i32
      %broadcast_in_dim3A_693 = vector.broadcast %broadcast_in_dim3A_692 : i32 to vector<16xi32>
      %gather3A_694 = tpu.vector_load_idx %arg14[%broadcast_in_dim3A_340, %add3A_571, %broadcast_in_dim3A_693] : memref<2x128x32xf32, #tpu.memory_space<vmem>>[vector<16xi32>, vector<16xi32>, vector<16xi32>], vector<16xf32>,
      %gather3A_695 = tpu.vector_load_idx %arg15[%broadcast_in_dim3A_340, %add3A_571, %broadcast_in_dim3A_693] : memref<2x128x32xf32, #tpu.memory_space<vmem>>[vector<16xi32>, vector<16xi32>, vector<16xi32>], vector<16xf32>,
      %gather3A_696 = tpu.vector_load_idx %arg16[%broadcast_in_dim3A_340, %add3A_571, %broadcast_in_dim3A_693] : memref<2x128x32xf32, #tpu.memory_space<vmem>>[vector<16xi32>, vector<16xi32>, vector<16xi32>], vector<16xf32>,
      %mul3A_697 = arith.mulf %gather3A_694, %gather3A_695 : vector<16xf32>
      %add3A_698 = arith.addf %add3A_689, %mul3A_697 : vector<16xf32>
      %mul3A_699 = arith.mulf %gather3A_694, %gather3A_696 : vector<16xf32>
      %add3A_700 = arith.addf %add3A_691, %mul3A_699 : vector<16xf32>
      %broadcast_in_dim3A_701 = arith.constant 14 : i32
      %broadcast_in_dim3A_702 = vector.broadcast %broadcast_in_dim3A_701 : i32 to vector<16xi32>
      %gather3A_703 = tpu.vector_load_idx %arg14[%broadcast_in_dim3A_340, %add3A_571, %broadcast_in_dim3A_702] : memref<2x128x32xf32, #tpu.memory_space<vmem>>[vector<16xi32>, vector<16xi32>, vector<16xi32>], vector<16xf32>,
      %gather3A_704 = tpu.vector_load_idx %arg15[%broadcast_in_dim3A_340, %add3A_571, %broadcast_in_dim3A_702] : memref<2x128x32xf32, #tpu.memory_space<vmem>>[vector<16xi32>, vector<16xi32>, vector<16xi32>], vector<16xf32>,
      %gather3A_705 = tpu.vector_load_idx %arg16[%broadcast_in_dim3A_340, %add3A_571, %broadcast_in_dim3A_702] : memref<2x128x32xf32, #tpu.memory_space<vmem>>[vector<16xi32>, vector<16xi32>, vector<16xi32>], vector<16xf32>,
      %mul3A_706 = arith.mulf %gather3A_703, %gather3A_704 : vector<16xf32>
      %add3A_707 = arith.addf %add3A_698, %mul3A_706 : vector<16xf32>
      %mul3A_708 = arith.mulf %gather3A_703, %gather3A_705 : vector<16xf32>
      %add3A_709 = arith.addf %add3A_700, %mul3A_708 : vector<16xf32>
      %broadcast_in_dim3A_710 = arith.constant 15 : i32
      %broadcast_in_dim3A_711 = vector.broadcast %broadcast_in_dim3A_710 : i32 to vector<16xi32>
      %gather3A_712 = tpu.vector_load_idx %arg14[%broadcast_in_dim3A_340, %add3A_571, %broadcast_in_dim3A_711] : memref<2x128x32xf32, #tpu.memory_space<vmem>>[vector<16xi32>, vector<16xi32>, vector<16xi32>], vector<16xf32>,
      %gather3A_713 = tpu.vector_load_idx %arg15[%broadcast_in_dim3A_340, %add3A_571, %broadcast_in_dim3A_711] : memref<2x128x32xf32, #tpu.memory_space<vmem>>[vector<16xi32>, vector<16xi32>, vector<16xi32>], vector<16xf32>,
      %gather3A_714 = tpu.vector_load_idx %arg16[%broadcast_in_dim3A_340, %add3A_571, %broadcast_in_dim3A_711] : memref<2x128x32xf32, #tpu.memory_space<vmem>>[vector<16xi32>, vector<16xi32>, vector<16xi32>], vector<16xf32>,
      %mul3A_715 = arith.mulf %gather3A_712, %gather3A_713 : vector<16xf32>
      %add3A_716 = arith.addf %add3A_707, %mul3A_715 : vector<16xf32>
      %mul3A_717 = arith.mulf %gather3A_712, %gather3A_714 : vector<16xf32>
      %add3A_718 = arith.addf %add3A_709, %mul3A_717 : vector<16xf32>
      %broadcast_in_dim3A_719 = arith.constant 16 : i32
      %broadcast_in_dim3A_720 = vector.broadcast %broadcast_in_dim3A_719 : i32 to vector<16xi32>
      %gather3A_721 = tpu.vector_load_idx %arg14[%broadcast_in_dim3A_340, %add3A_571, %broadcast_in_dim3A_720] : memref<2x128x32xf32, #tpu.memory_space<vmem>>[vector<16xi32>, vector<16xi32>, vector<16xi32>], vector<16xf32>,
      %gather3A_722 = tpu.vector_load_idx %arg15[%broadcast_in_dim3A_340, %add3A_571, %broadcast_in_dim3A_720] : memref<2x128x32xf32, #tpu.memory_space<vmem>>[vector<16xi32>, vector<16xi32>, vector<16xi32>], vector<16xf32>,
      %gather3A_723 = tpu.vector_load_idx %arg16[%broadcast_in_dim3A_340, %add3A_571, %broadcast_in_dim3A_720] : memref<2x128x32xf32, #tpu.memory_space<vmem>>[vector<16xi32>, vector<16xi32>, vector<16xi32>], vector<16xf32>,
      %mul3A_724 = arith.mulf %gather3A_721, %gather3A_722 : vector<16xf32>
      %add3A_725 = arith.addf %add3A_716, %mul3A_724 : vector<16xf32>
      %mul3A_726 = arith.mulf %gather3A_721, %gather3A_723 : vector<16xf32>
      %add3A_727 = arith.addf %add3A_718, %mul3A_726 : vector<16xf32>
      %broadcast_in_dim3A_728 = arith.constant 17 : i32
      %broadcast_in_dim3A_729 = vector.broadcast %broadcast_in_dim3A_728 : i32 to vector<16xi32>
      %gather3A_730 = tpu.vector_load_idx %arg14[%broadcast_in_dim3A_340, %add3A_571, %broadcast_in_dim3A_729] : memref<2x128x32xf32, #tpu.memory_space<vmem>>[vector<16xi32>, vector<16xi32>, vector<16xi32>], vector<16xf32>,
      %gather3A_731 = tpu.vector_load_idx %arg15[%broadcast_in_dim3A_340, %add3A_571, %broadcast_in_dim3A_729] : memref<2x128x32xf32, #tpu.memory_space<vmem>>[vector<16xi32>, vector<16xi32>, vector<16xi32>], vector<16xf32>,
      %gather3A_732 = tpu.vector_load_idx %arg16[%broadcast_in_dim3A_340, %add3A_571, %broadcast_in_dim3A_729] : memref<2x128x32xf32, #tpu.memory_space<vmem>>[vector<16xi32>, vector<16xi32>, vector<16xi32>], vector<16xf32>,
      %mul3A_733 = arith.mulf %gather3A_730, %gather3A_731 : vector<16xf32>
      %add3A_734 = arith.addf %add3A_725, %mul3A_733 : vector<16xf32>
      %mul3A_735 = arith.mulf %gather3A_730, %gather3A_732 : vector<16xf32>
      %add3A_736 = arith.addf %add3A_727, %mul3A_735 : vector<16xf32>
      %broadcast_in_dim3A_737 = arith.constant 18 : i32
      %broadcast_in_dim3A_738 = vector.broadcast %broadcast_in_dim3A_737 : i32 to vector<16xi32>
      %gather3A_739 = tpu.vector_load_idx %arg14[%broadcast_in_dim3A_340, %add3A_571, %broadcast_in_dim3A_738] : memref<2x128x32xf32, #tpu.memory_space<vmem>>[vector<16xi32>, vector<16xi32>, vector<16xi32>], vector<16xf32>,
      %gather3A_740 = tpu.vector_load_idx %arg15[%broadcast_in_dim3A_340, %add3A_571, %broadcast_in_dim3A_738] : memref<2x128x32xf32, #tpu.memory_space<vmem>>[vector<16xi32>, vector<16xi32>, vector<16xi32>], vector<16xf32>,
      %gather3A_741 = tpu.vector_load_idx %arg16[%broadcast_in_dim3A_340, %add3A_571, %broadcast_in_dim3A_738] : memref<2x128x32xf32, #tpu.memory_space<vmem>>[vector<16xi32>, vector<16xi32>, vector<16xi32>], vector<16xf32>,
      %mul3A_742 = arith.mulf %gather3A_739, %gather3A_740 : vector<16xf32>
      %add3A_743 = arith.addf %add3A_734, %mul3A_742 : vector<16xf32>
      %mul3A_744 = arith.mulf %gather3A_739, %gather3A_741 : vector<16xf32>
      %add3A_745 = arith.addf %add3A_736, %mul3A_744 : vector<16xf32>
      %broadcast_in_dim3A_746 = arith.constant 19 : i32
      %broadcast_in_dim3A_747 = vector.broadcast %broadcast_in_dim3A_746 : i32 to vector<16xi32>
      %gather3A_748 = tpu.vector_load_idx %arg14[%broadcast_in_dim3A_340, %add3A_571, %broadcast_in_dim3A_747] : memref<2x128x32xf32, #tpu.memory_space<vmem>>[vector<16xi32>, vector<16xi32>, vector<16xi32>], vector<16xf32>,
      %gather3A_749 = tpu.vector_load_idx %arg15[%broadcast_in_dim3A_340, %add3A_571, %broadcast_in_dim3A_747] : memref<2x128x32xf32, #tpu.memory_space<vmem>>[vector<16xi32>, vector<16xi32>, vector<16xi32>], vector<16xf32>,
      %gather3A_750 = tpu.vector_load_idx %arg16[%broadcast_in_dim3A_340, %add3A_571, %broadcast_in_dim3A_747] : memref<2x128x32xf32, #tpu.memory_space<vmem>>[vector<16xi32>, vector<16xi32>, vector<16xi32>], vector<16xf32>,
      %mul3A_751 = arith.mulf %gather3A_748, %gather3A_749 : vector<16xf32>
      %add3A_752 = arith.addf %add3A_743, %mul3A_751 : vector<16xf32>
      %mul3A_753 = arith.mulf %gather3A_748, %gather3A_750 : vector<16xf32>
      %add3A_754 = arith.addf %add3A_745, %mul3A_753 : vector<16xf32>
      %broadcast_in_dim3A_755 = arith.constant 20 : i32
      %broadcast_in_dim3A_756 = vector.broadcast %broadcast_in_dim3A_755 : i32 to vector<16xi32>
      %gather3A_757 = tpu.vector_load_idx %arg14[%broadcast_in_dim3A_340, %add3A_571, %broadcast_in_dim3A_756] : memref<2x128x32xf32, #tpu.memory_space<vmem>>[vector<16xi32>, vector<16xi32>, vector<16xi32>], vector<16xf32>,
      %gather3A_758 = tpu.vector_load_idx %arg15[%broadcast_in_dim3A_340, %add3A_571, %broadcast_in_dim3A_756] : memref<2x128x32xf32, #tpu.memory_space<vmem>>[vector<16xi32>, vector<16xi32>, vector<16xi32>], vector<16xf32>,
      %gather3A_759 = tpu.vector_load_idx %arg16[%broadcast_in_dim3A_340, %add3A_571, %broadcast_in_dim3A_756] : memref<2x128x32xf32, #tpu.memory_space<vmem>>[vector<16xi32>, vector<16xi32>, vector<16xi32>], vector<16xf32>,
      %mul3A_760 = arith.mulf %gather3A_757, %gather3A_758 : vector<16xf32>
      %add3A_761 = arith.addf %add3A_752, %mul3A_760 : vector<16xf32>
      %mul3A_762 = arith.mulf %gather3A_757, %gather3A_759 : vector<16xf32>
      %add3A_763 = arith.addf %add3A_754, %mul3A_762 : vector<16xf32>
      %broadcast_in_dim3A_764 = arith.constant 21 : i32
      %broadcast_in_dim3A_765 = vector.broadcast %broadcast_in_dim3A_764 : i32 to vector<16xi32>
      %gather3A_766 = tpu.vector_load_idx %arg14[%broadcast_in_dim3A_340, %add3A_571, %broadcast_in_dim3A_765] : memref<2x128x32xf32, #tpu.memory_space<vmem>>[vector<16xi32>, vector<16xi32>, vector<16xi32>], vector<16xf32>,
      %gather3A_767 = tpu.vector_load_idx %arg15[%broadcast_in_dim3A_340, %add3A_571, %broadcast_in_dim3A_765] : memref<2x128x32xf32, #tpu.memory_space<vmem>>[vector<16xi32>, vector<16xi32>, vector<16xi32>], vector<16xf32>,
      %gather3A_768 = tpu.vector_load_idx %arg16[%broadcast_in_dim3A_340, %add3A_571, %broadcast_in_dim3A_765] : memref<2x128x32xf32, #tpu.memory_space<vmem>>[vector<16xi32>, vector<16xi32>, vector<16xi32>], vector<16xf32>,
      %mul3A_769 = arith.mulf %gather3A_766, %gather3A_767 : vector<16xf32>
      %add3A_770 = arith.addf %add3A_761, %mul3A_769 : vector<16xf32>
      %mul3A_771 = arith.mulf %gather3A_766, %gather3A_768 : vector<16xf32>
      %add3A_772 = arith.addf %add3A_763, %mul3A_771 : vector<16xf32>
      %broadcast_in_dim3A_773 = arith.constant 22 : i32
      %broadcast_in_dim3A_774 = vector.broadcast %broadcast_in_dim3A_773 : i32 to vector<16xi32>
      %gather3A_775 = tpu.vector_load_idx %arg14[%broadcast_in_dim3A_340, %add3A_571, %broadcast_in_dim3A_774] : memref<2x128x32xf32, #tpu.memory_space<vmem>>[vector<16xi32>, vector<16xi32>, vector<16xi32>], vector<16xf32>,
      %gather3A_776 = tpu.vector_load_idx %arg15[%broadcast_in_dim3A_340, %add3A_571, %broadcast_in_dim3A_774] : memref<2x128x32xf32, #tpu.memory_space<vmem>>[vector<16xi32>, vector<16xi32>, vector<16xi32>], vector<16xf32>,
      %gather3A_777 = tpu.vector_load_idx %arg16[%broadcast_in_dim3A_340, %add3A_571, %broadcast_in_dim3A_774] : memref<2x128x32xf32, #tpu.memory_space<vmem>>[vector<16xi32>, vector<16xi32>, vector<16xi32>], vector<16xf32>,
      %mul3A_778 = arith.mulf %gather3A_775, %gather3A_776 : vector<16xf32>
      %add3A_779 = arith.addf %add3A_770, %mul3A_778 : vector<16xf32>
      %mul3A_780 = arith.mulf %gather3A_775, %gather3A_777 : vector<16xf32>
      %add3A_781 = arith.addf %add3A_772, %mul3A_780 : vector<16xf32>
      %broadcast_in_dim3A_782 = arith.constant 23 : i32
      %broadcast_in_dim3A_783 = vector.broadcast %broadcast_in_dim3A_782 : i32 to vector<16xi32>
      %gather3A_784 = tpu.vector_load_idx %arg14[%broadcast_in_dim3A_340, %add3A_571, %broadcast_in_dim3A_783] : memref<2x128x32xf32, #tpu.memory_space<vmem>>[vector<16xi32>, vector<16xi32>, vector<16xi32>], vector<16xf32>,
      %gather3A_785 = tpu.vector_load_idx %arg15[%broadcast_in_dim3A_340, %add3A_571, %broadcast_in_dim3A_783] : memref<2x128x32xf32, #tpu.memory_space<vmem>>[vector<16xi32>, vector<16xi32>, vector<16xi32>], vector<16xf32>,
      %gather3A_786 = tpu.vector_load_idx %arg16[%broadcast_in_dim3A_340, %add3A_571, %broadcast_in_dim3A_783] : memref<2x128x32xf32, #tpu.memory_space<vmem>>[vector<16xi32>, vector<16xi32>, vector<16xi32>], vector<16xf32>,
      %mul3A_787 = arith.mulf %gather3A_784, %gather3A_785 : vector<16xf32>
      %add3A_788 = arith.addf %add3A_779, %mul3A_787 : vector<16xf32>
      %mul3A_789 = arith.mulf %gather3A_784, %gather3A_786 : vector<16xf32>
      %add3A_790 = arith.addf %add3A_781, %mul3A_789 : vector<16xf32>
      %broadcast_in_dim3A_791 = arith.constant 24 : i32
      %broadcast_in_dim3A_792 = vector.broadcast %broadcast_in_dim3A_791 : i32 to vector<16xi32>
      %gather3A_793 = tpu.vector_load_idx %arg14[%broadcast_in_dim3A_340, %add3A_571, %broadcast_in_dim3A_792] : memref<2x128x32xf32, #tpu.memory_space<vmem>>[vector<16xi32>, vector<16xi32>, vector<16xi32>], vector<16xf32>,
      %gather3A_794 = tpu.vector_load_idx %arg15[%broadcast_in_dim3A_340, %add3A_571, %broadcast_in_dim3A_792] : memref<2x128x32xf32, #tpu.memory_space<vmem>>[vector<16xi32>, vector<16xi32>, vector<16xi32>], vector<16xf32>,
      %gather3A_795 = tpu.vector_load_idx %arg16[%broadcast_in_dim3A_340, %add3A_571, %broadcast_in_dim3A_792] : memref<2x128x32xf32, #tpu.memory_space<vmem>>[vector<16xi32>, vector<16xi32>, vector<16xi32>], vector<16xf32>,
      %mul3A_796 = arith.mulf %gather3A_793, %gather3A_794 : vector<16xf32>
      %add3A_797 = arith.addf %add3A_788, %mul3A_796 : vector<16xf32>
      %mul3A_798 = arith.mulf %gather3A_793, %gather3A_795 : vector<16xf32>
      %add3A_799 = arith.addf %add3A_790, %mul3A_798 : vector<16xf32>
      %broadcast_in_dim3A_800 = arith.constant 25 : i32
      %broadcast_in_dim3A_801 = vector.broadcast %broadcast_in_dim3A_800 : i32 to vector<16xi32>
      %gather3A_802 = tpu.vector_load_idx %arg14[%broadcast_in_dim3A_340, %add3A_571, %broadcast_in_dim3A_801] : memref<2x128x32xf32, #tpu.memory_space<vmem>>[vector<16xi32>, vector<16xi32>, vector<16xi32>], vector<16xf32>,
      %gather3A_803 = tpu.vector_load_idx %arg15[%broadcast_in_dim3A_340, %add3A_571, %broadcast_in_dim3A_801] : memref<2x128x32xf32, #tpu.memory_space<vmem>>[vector<16xi32>, vector<16xi32>, vector<16xi32>], vector<16xf32>,
      %gather3A_804 = tpu.vector_load_idx %arg16[%broadcast_in_dim3A_340, %add3A_571, %broadcast_in_dim3A_801] : memref<2x128x32xf32, #tpu.memory_space<vmem>>[vector<16xi32>, vector<16xi32>, vector<16xi32>], vector<16xf32>,
      %mul3A_805 = arith.mulf %gather3A_802, %gather3A_803 : vector<16xf32>
      %add3A_806 = arith.addf %add3A_797, %mul3A_805 : vector<16xf32>
      %mul3A_807 = arith.mulf %gather3A_802, %gather3A_804 : vector<16xf32>
      %add3A_808 = arith.addf %add3A_799, %mul3A_807 : vector<16xf32>
      %broadcast_in_dim3A_809 = arith.constant 26 : i32
      %broadcast_in_dim3A_810 = vector.broadcast %broadcast_in_dim3A_809 : i32 to vector<16xi32>
      %gather3A_811 = tpu.vector_load_idx %arg14[%broadcast_in_dim3A_340, %add3A_571, %broadcast_in_dim3A_810] : memref<2x128x32xf32, #tpu.memory_space<vmem>>[vector<16xi32>, vector<16xi32>, vector<16xi32>], vector<16xf32>,
      %gather3A_812 = tpu.vector_load_idx %arg15[%broadcast_in_dim3A_340, %add3A_571, %broadcast_in_dim3A_810] : memref<2x128x32xf32, #tpu.memory_space<vmem>>[vector<16xi32>, vector<16xi32>, vector<16xi32>], vector<16xf32>,
      %gather3A_813 = tpu.vector_load_idx %arg16[%broadcast_in_dim3A_340, %add3A_571, %broadcast_in_dim3A_810] : memref<2x128x32xf32, #tpu.memory_space<vmem>>[vector<16xi32>, vector<16xi32>, vector<16xi32>], vector<16xf32>,
      %mul3A_814 = arith.mulf %gather3A_811, %gather3A_812 : vector<16xf32>
      %add3A_815 = arith.addf %add3A_806, %mul3A_814 : vector<16xf32>
      %mul3A_816 = arith.mulf %gather3A_811, %gather3A_813 : vector<16xf32>
      %add3A_817 = arith.addf %add3A_808, %mul3A_816 : vector<16xf32>
      %broadcast_in_dim3A_818 = arith.constant 27 : i32
      %broadcast_in_dim3A_819 = vector.broadcast %broadcast_in_dim3A_818 : i32 to vector<16xi32>
      %gather3A_820 = tpu.vector_load_idx %arg14[%broadcast_in_dim3A_340, %add3A_571, %broadcast_in_dim3A_819] : memref<2x128x32xf32, #tpu.memory_space<vmem>>[vector<16xi32>, vector<16xi32>, vector<16xi32>], vector<16xf32>,
      %gather3A_821 = tpu.vector_load_idx %arg15[%broadcast_in_dim3A_340, %add3A_571, %broadcast_in_dim3A_819] : memref<2x128x32xf32, #tpu.memory_space<vmem>>[vector<16xi32>, vector<16xi32>, vector<16xi32>], vector<16xf32>,
      %gather3A_822 = tpu.vector_load_idx %arg16[%broadcast_in_dim3A_340, %add3A_571, %broadcast_in_dim3A_819] : memref<2x128x32xf32, #tpu.memory_space<vmem>>[vector<16xi32>, vector<16xi32>, vector<16xi32>], vector<16xf32>,
      %mul3A_823 = arith.mulf %gather3A_820, %gather3A_821 : vector<16xf32>
      %add3A_824 = arith.addf %add3A_815, %mul3A_823 : vector<16xf32>
      %mul3A_825 = arith.mulf %gather3A_820, %gather3A_822 : vector<16xf32>
      %add3A_826 = arith.addf %add3A_817, %mul3A_825 : vector<16xf32>
      %broadcast_in_dim3A_827 = arith.constant 28 : i32
      %broadcast_in_dim3A_828 = vector.broadcast %broadcast_in_dim3A_827 : i32 to vector<16xi32>
      %gather3A_829 = tpu.vector_load_idx %arg14[%broadcast_in_dim3A_340, %add3A_571, %broadcast_in_dim3A_828] : memref<2x128x32xf32, #tpu.memory_space<vmem>>[vector<16xi32>, vector<16xi32>, vector<16xi32>], vector<16xf32>,
      %gather3A_830 = tpu.vector_load_idx %arg15[%broadcast_in_dim3A_340, %add3A_571, %broadcast_in_dim3A_828] : memref<2x128x32xf32, #tpu.memory_space<vmem>>[vector<16xi32>, vector<16xi32>, vector<16xi32>], vector<16xf32>,
      %gather3A_831 = tpu.vector_load_idx %arg16[%broadcast_in_dim3A_340, %add3A_571, %broadcast_in_dim3A_828] : memref<2x128x32xf32, #tpu.memory_space<vmem>>[vector<16xi32>, vector<16xi32>, vector<16xi32>], vector<16xf32>,
      %mul3A_832 = arith.mulf %gather3A_829, %gather3A_830 : vector<16xf32>
      %add3A_833 = arith.addf %add3A_824, %mul3A_832 : vector<16xf32>
      %mul3A_834 = arith.mulf %gather3A_829, %gather3A_831 : vector<16xf32>
      %add3A_835 = arith.addf %add3A_826, %mul3A_834 : vector<16xf32>
      %broadcast_in_dim3A_836 = arith.constant 29 : i32
      %broadcast_in_dim3A_837 = vector.broadcast %broadcast_in_dim3A_836 : i32 to vector<16xi32>
      %gather3A_838 = tpu.vector_load_idx %arg14[%broadcast_in_dim3A_340, %add3A_571, %broadcast_in_dim3A_837] : memref<2x128x32xf32, #tpu.memory_space<vmem>>[vector<16xi32>, vector<16xi32>, vector<16xi32>], vector<16xf32>,
      %gather3A_839 = tpu.vector_load_idx %arg15[%broadcast_in_dim3A_340, %add3A_571, %broadcast_in_dim3A_837] : memref<2x128x32xf32, #tpu.memory_space<vmem>>[vector<16xi32>, vector<16xi32>, vector<16xi32>], vector<16xf32>,
      %gather3A_840 = tpu.vector_load_idx %arg16[%broadcast_in_dim3A_340, %add3A_571, %broadcast_in_dim3A_837] : memref<2x128x32xf32, #tpu.memory_space<vmem>>[vector<16xi32>, vector<16xi32>, vector<16xi32>], vector<16xf32>,
      %mul3A_841 = arith.mulf %gather3A_838, %gather3A_839 : vector<16xf32>
      %add3A_842 = arith.addf %add3A_833, %mul3A_841 : vector<16xf32>
      %mul3A_843 = arith.mulf %gather3A_838, %gather3A_840 : vector<16xf32>
      %add3A_844 = arith.addf %add3A_835, %mul3A_843 : vector<16xf32>
      %broadcast_in_dim3A_845 = arith.constant 30 : i32
      %broadcast_in_dim3A_846 = vector.broadcast %broadcast_in_dim3A_845 : i32 to vector<16xi32>
      %gather3A_847 = tpu.vector_load_idx %arg14[%broadcast_in_dim3A_340, %add3A_571, %broadcast_in_dim3A_846] : memref<2x128x32xf32, #tpu.memory_space<vmem>>[vector<16xi32>, vector<16xi32>, vector<16xi32>], vector<16xf32>,
      %gather3A_848 = tpu.vector_load_idx %arg15[%broadcast_in_dim3A_340, %add3A_571, %broadcast_in_dim3A_846] : memref<2x128x32xf32, #tpu.memory_space<vmem>>[vector<16xi32>, vector<16xi32>, vector<16xi32>], vector<16xf32>,
      %gather3A_849 = tpu.vector_load_idx %arg16[%broadcast_in_dim3A_340, %add3A_571, %broadcast_in_dim3A_846] : memref<2x128x32xf32, #tpu.memory_space<vmem>>[vector<16xi32>, vector<16xi32>, vector<16xi32>], vector<16xf32>,
      %mul3A_850 = arith.mulf %gather3A_847, %gather3A_848 : vector<16xf32>
      %add3A_851 = arith.addf %add3A_842, %mul3A_850 : vector<16xf32>
      %mul3A_852 = arith.mulf %gather3A_847, %gather3A_849 : vector<16xf32>
      %add3A_853 = arith.addf %add3A_844, %mul3A_852 : vector<16xf32>
      %broadcast_in_dim3A_854 = arith.constant 31 : i32
      %broadcast_in_dim3A_855 = vector.broadcast %broadcast_in_dim3A_854 : i32 to vector<16xi32>
      %gather3A_856 = tpu.vector_load_idx %arg14[%broadcast_in_dim3A_340, %add3A_571, %broadcast_in_dim3A_855] : memref<2x128x32xf32, #tpu.memory_space<vmem>>[vector<16xi32>, vector<16xi32>, vector<16xi32>], vector<16xf32>,
      %gather3A_857 = tpu.vector_load_idx %arg15[%broadcast_in_dim3A_340, %add3A_571, %broadcast_in_dim3A_855] : memref<2x128x32xf32, #tpu.memory_space<vmem>>[vector<16xi32>, vector<16xi32>, vector<16xi32>], vector<16xf32>,
      %gather3A_858 = tpu.vector_load_idx %arg16[%broadcast_in_dim3A_340, %add3A_571, %broadcast_in_dim3A_855] : memref<2x128x32xf32, #tpu.memory_space<vmem>>[vector<16xi32>, vector<16xi32>, vector<16xi32>], vector<16xf32>,
      %mul3A_859 = arith.mulf %gather3A_856, %gather3A_857 : vector<16xf32>
      %add3A_860 = arith.addf %add3A_851, %mul3A_859 : vector<16xf32>
      %mul3A_861 = arith.mulf %gather3A_856, %gather3A_858 : vector<16xf32>
      %add3A_862 = arith.addf %add3A_853, %mul3A_861 : vector<16xf32>
      %gather3A_863 = tpu.vector_load_idx %arg17[%broadcast_in_dim3A_340, %add3A_571] : memref<2x128xf32, #tpu.memory_space<vmem>>[vector<16xi32>, vector<16xi32>], vector<16xf32>,
      %gather3A_864 = tpu.vector_load_idx %arg18[%broadcast_in_dim3A_340, %add3A_571] : memref<2x128xf32, #tpu.memory_space<vmem>>[vector<16xi32>, vector<16xi32>], vector<16xf32>,
      %gather3A_865 = tpu.vector_load_idx %arg19[%broadcast_in_dim3A_340, %add3A_571] : memref<2x128xf32, #tpu.memory_space<vmem>>[vector<16xi32>, vector<16xi32>], vector<16xf32>,
      %add3A_866 = arith.addf %gather3A_863, %gather3A_864 : vector<16xf32>
      %add3A_867 = arith.addf %add3A_866, %add3A_860 : vector<16xf32>
      tpu.vector_store_idx %arg20[%broadcast_in_dim3A_342, %add3A_571], %add3A_867 : memref<4x128xf32, #tpu.memory_space<vmem>>[vector<16xi32>, vector<16xi32>], vector<16xf32>,
      %add3A_868 = arith.addf %gather3A_863, %gather3A_865 : vector<16xf32>
      %add3A_869 = arith.addf %add3A_868, %add3A_862 : vector<16xf32>
      tpu.vector_store_idx %arg21[%broadcast_in_dim3A_342, %add3A_571], %add3A_869 : memref<4x128xf32, #tpu.memory_space<vmem>>[vector<16xi32>, vector<16xi32>], vector<16xf32>,
    }
    %scan3A_348 = arith.constant 8 : i32
    %dma_start3A_349 = arith.constant 3 : i32
    %dma_start3A_350 = arith.constant 1 : i32
    %dma_start3A_351 = arith.constant 0 : i32
    %dma_start3A_352 = arith.constant 0 : i32
    %dma_start3A_353 = tpu.memref_slice %arg14[%dma_start3A_350, %dma_start3A_351, %dma_start3A_352] : memref<2x128x32xf32, #tpu.memory_space<vmem>> -> memref<1x128x32xf32, #tpu.memory_space<vmem>>
    %dma_start3A_354 = tpu.memref_squeeze %dma_start3A_353 : memref<1x128x32xf32, #tpu.memory_space<vmem>> -> memref<128x32xf32, #tpu.memory_space<vmem>>
    %dma_start3A_355 = arith.constant 0 : i32
    %dma_start3A_356 = tpu.memref_slice %arg11[%dma_start3A_349, %dma_start3A_355] : memref<4x128xi32, #tpu.memory_space<vmem>> -> memref<1x128xi32, #tpu.memory_space<vmem>>
    %dma_start3A_357 = tpu.memref_squeeze %dma_start3A_356 : memref<1x128xi32, #tpu.memory_space<vmem>> -> memref<128xi32, #tpu.memory_space<vmem>>
    %dma_start3A_358 = arith.constant 0 : i32
    %dma_start3A_359 = arith.constant 0 : i32
    %dma_start3A_360 = tpu.memref_slice %arg5[%dma_start3A_358, %dma_start3A_359] : memref<1000000x32xf32, #tpu.memory_space<hbm>> -> memref<1000000x32xf32, #tpu.memory_space<hbm>>
    tpu.enqueue_indirect_dma source(%dma_start3A_360 : memref<1000000x32xf32, #tpu.memory_space<hbm>>) target(%dma_start3A_354 : memref<128x32xf32, #tpu.memory_space<vmem>>) offsets(%dma_start3A_357 : memref<128xi32, #tpu.memory_space<vmem>>) semaphore(%arg22 : memref<!tpu.dma_semaphore, #tpu.memory_space<semaphore_mem>>)
    %dma_start3A_361 = arith.constant 3 : i32
    %dma_start3A_362 = arith.constant 1 : i32
    %dma_start3A_363 = arith.constant 0 : i32
    %dma_start3A_364 = arith.constant 0 : i32
    %dma_start3A_365 = tpu.memref_slice %arg15[%dma_start3A_362, %dma_start3A_363, %dma_start3A_364] : memref<2x128x32xf32, #tpu.memory_space<vmem>> -> memref<1x128x32xf32, #tpu.memory_space<vmem>>
    %dma_start3A_366 = tpu.memref_squeeze %dma_start3A_365 : memref<1x128x32xf32, #tpu.memory_space<vmem>> -> memref<128x32xf32, #tpu.memory_space<vmem>>
    %dma_start3A_367 = arith.constant 0 : i32
    %dma_start3A_368 = tpu.memref_slice %arg12[%dma_start3A_361, %dma_start3A_367] : memref<4x128xi32, #tpu.memory_space<vmem>> -> memref<1x128xi32, #tpu.memory_space<vmem>>
    %dma_start3A_369 = tpu.memref_squeeze %dma_start3A_368 : memref<1x128xi32, #tpu.memory_space<vmem>> -> memref<128xi32, #tpu.memory_space<vmem>>
    %dma_start3A_370 = arith.constant 0 : i32
    %dma_start3A_371 = arith.constant 0 : i32
    %dma_start3A_372 = tpu.memref_slice %arg6[%dma_start3A_370, %dma_start3A_371] : memref<1000000x32xf32, #tpu.memory_space<hbm>> -> memref<1000000x32xf32, #tpu.memory_space<hbm>>
    tpu.enqueue_indirect_dma source(%dma_start3A_372 : memref<1000000x32xf32, #tpu.memory_space<hbm>>) target(%dma_start3A_366 : memref<128x32xf32, #tpu.memory_space<vmem>>) offsets(%dma_start3A_369 : memref<128xi32, #tpu.memory_space<vmem>>) semaphore(%arg22 : memref<!tpu.dma_semaphore, #tpu.memory_space<semaphore_mem>>)
    %dma_start3A_373 = arith.constant 3 : i32
    %dma_start3A_374 = arith.constant 1 : i32
    %dma_start3A_375 = arith.constant 0 : i32
    %dma_start3A_376 = arith.constant 0 : i32
    %dma_start3A_377 = tpu.memref_slice %arg16[%dma_start3A_374, %dma_start3A_375, %dma_start3A_376] : memref<2x128x32xf32, #tpu.memory_space<vmem>> -> memref<1x128x32xf32, #tpu.memory_space<vmem>>
    %dma_start3A_378 = tpu.memref_squeeze %dma_start3A_377 : memref<1x128x32xf32, #tpu.memory_space<vmem>> -> memref<128x32xf32, #tpu.memory_space<vmem>>
    %dma_start3A_379 = arith.constant 0 : i32
    %dma_start3A_380 = tpu.memref_slice %arg13[%dma_start3A_373, %dma_start3A_379] : memref<4x128xi32, #tpu.memory_space<vmem>> -> memref<1x128xi32, #tpu.memory_space<vmem>>
    %dma_start3A_381 = tpu.memref_squeeze %dma_start3A_380 : memref<1x128xi32, #tpu.memory_space<vmem>> -> memref<128xi32, #tpu.memory_space<vmem>>
    %dma_start3A_382 = arith.constant 0 : i32
    %dma_start3A_383 = arith.constant 0 : i32
    %dma_start3A_384 = tpu.memref_slice %arg6[%dma_start3A_382, %dma_start3A_383] : memref<1000000x32xf32, #tpu.memory_space<hbm>> -> memref<1000000x32xf32, #tpu.memory_space<hbm>>
    tpu.enqueue_indirect_dma source(%dma_start3A_384 : memref<1000000x32xf32, #tpu.memory_space<hbm>>) target(%dma_start3A_378 : memref<128x32xf32, #tpu.memory_space<vmem>>) offsets(%dma_start3A_381 : memref<128xi32, #tpu.memory_space<vmem>>) semaphore(%arg22 : memref<!tpu.dma_semaphore, #tpu.memory_space<semaphore_mem>>)
    %dma_start3A_385 = arith.constant 3 : i32
    %dma_start3A_386 = arith.constant 1 : i32
    %dma_start3A_387 = arith.constant 0 : i32
    %dma_start3A_388 = tpu.memref_slice %arg17[%dma_start3A_386, %dma_start3A_387] : memref<2x128xf32, #tpu.memory_space<vmem>> -> memref<1x128xf32, #tpu.memory_space<vmem>>
    %dma_start3A_389 = tpu.memref_squeeze %dma_start3A_388 : memref<1x128xf32, #tpu.memory_space<vmem>> -> memref<128xf32, #tpu.memory_space<vmem>>
    %dma_start3A_390 = arith.constant 0 : i32
    %dma_start3A_391 = tpu.memref_slice %arg11[%dma_start3A_385, %dma_start3A_390] : memref<4x128xi32, #tpu.memory_space<vmem>> -> memref<1x128xi32, #tpu.memory_space<vmem>>
    %dma_start3A_392 = tpu.memref_squeeze %dma_start3A_391 : memref<1x128xi32, #tpu.memory_space<vmem>> -> memref<128xi32, #tpu.memory_space<vmem>>
    %dma_start3A_393 = arith.constant 0 : i32
    %dma_start3A_394 = tpu.memref_slice %arg7[%dma_start3A_393] : memref<1000000xf32, #tpu.memory_space<hbm>> -> memref<1000000xf32, #tpu.memory_space<hbm>>
    tpu.enqueue_indirect_dma source(%dma_start3A_394 : memref<1000000xf32, #tpu.memory_space<hbm>>) target(%dma_start3A_389 : memref<128xf32, #tpu.memory_space<vmem>>) offsets(%dma_start3A_392 : memref<128xi32, #tpu.memory_space<vmem>>) semaphore(%arg22 : memref<!tpu.dma_semaphore, #tpu.memory_space<semaphore_mem>>)
    %dma_start3A_395 = arith.constant 3 : i32
    %dma_start3A_396 = arith.constant 1 : i32
    %dma_start3A_397 = arith.constant 0 : i32
    %dma_start3A_398 = tpu.memref_slice %arg18[%dma_start3A_396, %dma_start3A_397] : memref<2x128xf32, #tpu.memory_space<vmem>> -> memref<1x128xf32, #tpu.memory_space<vmem>>
    %dma_start3A_399 = tpu.memref_squeeze %dma_start3A_398 : memref<1x128xf32, #tpu.memory_space<vmem>> -> memref<128xf32, #tpu.memory_space<vmem>>
    %dma_start3A_400 = arith.constant 0 : i32
    %dma_start3A_401 = tpu.memref_slice %arg12[%dma_start3A_395, %dma_start3A_400] : memref<4x128xi32, #tpu.memory_space<vmem>> -> memref<1x128xi32, #tpu.memory_space<vmem>>
    %dma_start3A_402 = tpu.memref_squeeze %dma_start3A_401 : memref<1x128xi32, #tpu.memory_space<vmem>> -> memref<128xi32, #tpu.memory_space<vmem>>
    %dma_start3A_403 = arith.constant 0 : i32
    %dma_start3A_404 = tpu.memref_slice %arg8[%dma_start3A_403] : memref<1000000xf32, #tpu.memory_space<hbm>> -> memref<1000000xf32, #tpu.memory_space<hbm>>
    tpu.enqueue_indirect_dma source(%dma_start3A_404 : memref<1000000xf32, #tpu.memory_space<hbm>>) target(%dma_start3A_399 : memref<128xf32, #tpu.memory_space<vmem>>) offsets(%dma_start3A_402 : memref<128xi32, #tpu.memory_space<vmem>>) semaphore(%arg22 : memref<!tpu.dma_semaphore, #tpu.memory_space<semaphore_mem>>)
    %dma_start3A_405 = arith.constant 3 : i32
    %dma_start3A_406 = arith.constant 1 : i32
    %dma_start3A_407 = arith.constant 0 : i32
    %dma_start3A_408 = tpu.memref_slice %arg19[%dma_start3A_406, %dma_start3A_407] : memref<2x128xf32, #tpu.memory_space<vmem>> -> memref<1x128xf32, #tpu.memory_space<vmem>>
    %dma_start3A_409 = tpu.memref_squeeze %dma_start3A_408 : memref<1x128xf32, #tpu.memory_space<vmem>> -> memref<128xf32, #tpu.memory_space<vmem>>
    %dma_start3A_410 = arith.constant 0 : i32
    %dma_start3A_411 = tpu.memref_slice %arg13[%dma_start3A_405, %dma_start3A_410] : memref<4x128xi32, #tpu.memory_space<vmem>> -> memref<1x128xi32, #tpu.memory_space<vmem>>
    %dma_start3A_412 = tpu.memref_squeeze %dma_start3A_411 : memref<1x128xi32, #tpu.memory_space<vmem>> -> memref<128xi32, #tpu.memory_space<vmem>>
    %dma_start3A_413 = arith.constant 0 : i32
    %dma_start3A_414 = tpu.memref_slice %arg8[%dma_start3A_413] : memref<1000000xf32, #tpu.memory_space<hbm>> -> memref<1000000xf32, #tpu.memory_space<hbm>>
    tpu.enqueue_indirect_dma source(%dma_start3A_414 : memref<1000000xf32, #tpu.memory_space<hbm>>) target(%dma_start3A_409 : memref<128xf32, #tpu.memory_space<vmem>>) offsets(%dma_start3A_412 : memref<128xi32, #tpu.memory_space<vmem>>) semaphore(%arg22 : memref<!tpu.dma_semaphore, #tpu.memory_space<semaphore_mem>>)
    %dma_wait3A_415 = arith.constant 2 : i32
    %dma_wait3A_416 = arith.constant 0 : i32
    %dma_wait3A_417 = arith.constant 0 : i32
    %dma_wait3A_418 = arith.constant 0 : i32
    %dma_wait3A_419 = tpu.memref_slice %arg14[%dma_wait3A_416, %dma_wait3A_417, %dma_wait3A_418] : memref<2x128x32xf32, #tpu.memory_space<vmem>> -> memref<1x128x32xf32, #tpu.memory_space<vmem>>
    %dma_wait3A_420 = tpu.memref_squeeze %dma_wait3A_419 : memref<1x128x32xf32, #tpu.memory_space<vmem>> -> memref<128x32xf32, #tpu.memory_space<vmem>>
    %dma_wait3A_421 = arith.constant 0 : i32
    %dma_wait3A_422 = tpu.memref_slice %arg11[%dma_wait3A_415, %dma_wait3A_421] : memref<4x128xi32, #tpu.memory_space<vmem>> -> memref<1x128xi32, #tpu.memory_space<vmem>>
    %dma_wait3A_423 = tpu.memref_squeeze %dma_wait3A_422 : memref<1x128xi32, #tpu.memory_space<vmem>> -> memref<128xi32, #tpu.memory_space<vmem>>
    %dma_wait3A_424 = arith.constant 0 : i32
    %dma_wait3A_425 = arith.constant 0 : i32
    %dma_wait3A_426 = tpu.memref_slice %arg5[%dma_wait3A_424, %dma_wait3A_425] : memref<1000000x32xf32, #tpu.memory_space<hbm>> -> memref<1000000x32xf32, #tpu.memory_space<hbm>>
    tpu.wait_indirect_dma semaphore(%arg22 : memref<!tpu.dma_semaphore, #tpu.memory_space<semaphore_mem>>) src(%dma_wait3A_426 : memref<1000000x32xf32, #tpu.memory_space<hbm>>) dst(%dma_wait3A_420 : memref<128x32xf32, #tpu.memory_space<vmem>>)
    %dma_wait3A_427 = arith.constant 2 : i32
    %dma_wait3A_428 = arith.constant 0 : i32
    %dma_wait3A_429 = arith.constant 0 : i32
    %dma_wait3A_430 = arith.constant 0 : i32
    %dma_wait3A_431 = tpu.memref_slice %arg15[%dma_wait3A_428, %dma_wait3A_429, %dma_wait3A_430] : memref<2x128x32xf32, #tpu.memory_space<vmem>> -> memref<1x128x32xf32, #tpu.memory_space<vmem>>
    %dma_wait3A_432 = tpu.memref_squeeze %dma_wait3A_431 : memref<1x128x32xf32, #tpu.memory_space<vmem>> -> memref<128x32xf32, #tpu.memory_space<vmem>>
    %dma_wait3A_433 = arith.constant 0 : i32
    %dma_wait3A_434 = tpu.memref_slice %arg12[%dma_wait3A_427, %dma_wait3A_433] : memref<4x128xi32, #tpu.memory_space<vmem>> -> memref<1x128xi32, #tpu.memory_space<vmem>>
    %dma_wait3A_435 = tpu.memref_squeeze %dma_wait3A_434 : memref<1x128xi32, #tpu.memory_space<vmem>> -> memref<128xi32, #tpu.memory_space<vmem>>
    %dma_wait3A_436 = arith.constant 0 : i32
    %dma_wait3A_437 = arith.constant 0 : i32
    %dma_wait3A_438 = tpu.memref_slice %arg6[%dma_wait3A_436, %dma_wait3A_437] : memref<1000000x32xf32, #tpu.memory_space<hbm>> -> memref<1000000x32xf32, #tpu.memory_space<hbm>>
    tpu.wait_indirect_dma semaphore(%arg22 : memref<!tpu.dma_semaphore, #tpu.memory_space<semaphore_mem>>) src(%dma_wait3A_438 : memref<1000000x32xf32, #tpu.memory_space<hbm>>) dst(%dma_wait3A_432 : memref<128x32xf32, #tpu.memory_space<vmem>>)
    %dma_wait3A_439 = arith.constant 2 : i32
    %dma_wait3A_440 = arith.constant 0 : i32
    %dma_wait3A_441 = arith.constant 0 : i32
    %dma_wait3A_442 = arith.constant 0 : i32
    %dma_wait3A_443 = tpu.memref_slice %arg16[%dma_wait3A_440, %dma_wait3A_441, %dma_wait3A_442] : memref<2x128x32xf32, #tpu.memory_space<vmem>> -> memref<1x128x32xf32, #tpu.memory_space<vmem>>
    %dma_wait3A_444 = tpu.memref_squeeze %dma_wait3A_443 : memref<1x128x32xf32, #tpu.memory_space<vmem>> -> memref<128x32xf32, #tpu.memory_space<vmem>>
    %dma_wait3A_445 = arith.constant 0 : i32
    %dma_wait3A_446 = tpu.memref_slice %arg13[%dma_wait3A_439, %dma_wait3A_445] : memref<4x128xi32, #tpu.memory_space<vmem>> -> memref<1x128xi32, #tpu.memory_space<vmem>>
    %dma_wait3A_447 = tpu.memref_squeeze %dma_wait3A_446 : memref<1x128xi32, #tpu.memory_space<vmem>> -> memref<128xi32, #tpu.memory_space<vmem>>
    %dma_wait3A_448 = arith.constant 0 : i32
    %dma_wait3A_449 = arith.constant 0 : i32
    %dma_wait3A_450 = tpu.memref_slice %arg6[%dma_wait3A_448, %dma_wait3A_449] : memref<1000000x32xf32, #tpu.memory_space<hbm>> -> memref<1000000x32xf32, #tpu.memory_space<hbm>>
    tpu.wait_indirect_dma semaphore(%arg22 : memref<!tpu.dma_semaphore, #tpu.memory_space<semaphore_mem>>) src(%dma_wait3A_450 : memref<1000000x32xf32, #tpu.memory_space<hbm>>) dst(%dma_wait3A_444 : memref<128x32xf32, #tpu.memory_space<vmem>>)
    %dma_wait3A_451 = arith.constant 2 : i32
    %dma_wait3A_452 = arith.constant 0 : i32
    %dma_wait3A_453 = arith.constant 0 : i32
    %dma_wait3A_454 = tpu.memref_slice %arg17[%dma_wait3A_452, %dma_wait3A_453] : memref<2x128xf32, #tpu.memory_space<vmem>> -> memref<1x128xf32, #tpu.memory_space<vmem>>
    %dma_wait3A_455 = tpu.memref_squeeze %dma_wait3A_454 : memref<1x128xf32, #tpu.memory_space<vmem>> -> memref<128xf32, #tpu.memory_space<vmem>>
    %dma_wait3A_456 = arith.constant 0 : i32
    %dma_wait3A_457 = tpu.memref_slice %arg11[%dma_wait3A_451, %dma_wait3A_456] : memref<4x128xi32, #tpu.memory_space<vmem>> -> memref<1x128xi32, #tpu.memory_space<vmem>>
    %dma_wait3A_458 = tpu.memref_squeeze %dma_wait3A_457 : memref<1x128xi32, #tpu.memory_space<vmem>> -> memref<128xi32, #tpu.memory_space<vmem>>
    %dma_wait3A_459 = arith.constant 0 : i32
    %dma_wait3A_460 = tpu.memref_slice %arg7[%dma_wait3A_459] : memref<1000000xf32, #tpu.memory_space<hbm>> -> memref<1000000xf32, #tpu.memory_space<hbm>>
    tpu.wait_indirect_dma semaphore(%arg22 : memref<!tpu.dma_semaphore, #tpu.memory_space<semaphore_mem>>) src(%dma_wait3A_460 : memref<1000000xf32, #tpu.memory_space<hbm>>) dst(%dma_wait3A_455 : memref<128xf32, #tpu.memory_space<vmem>>)
    %dma_wait3A_461 = arith.constant 2 : i32
    %dma_wait3A_462 = arith.constant 0 : i32
    %dma_wait3A_463 = arith.constant 0 : i32
    %dma_wait3A_464 = tpu.memref_slice %arg18[%dma_wait3A_462, %dma_wait3A_463] : memref<2x128xf32, #tpu.memory_space<vmem>> -> memref<1x128xf32, #tpu.memory_space<vmem>>
    %dma_wait3A_465 = tpu.memref_squeeze %dma_wait3A_464 : memref<1x128xf32, #tpu.memory_space<vmem>> -> memref<128xf32, #tpu.memory_space<vmem>>
    %dma_wait3A_466 = arith.constant 0 : i32
    %dma_wait3A_467 = tpu.memref_slice %arg12[%dma_wait3A_461, %dma_wait3A_466] : memref<4x128xi32, #tpu.memory_space<vmem>> -> memref<1x128xi32, #tpu.memory_space<vmem>>
    %dma_wait3A_468 = tpu.memref_squeeze %dma_wait3A_467 : memref<1x128xi32, #tpu.memory_space<vmem>> -> memref<128xi32, #tpu.memory_space<vmem>>
    %dma_wait3A_469 = arith.constant 0 : i32
    %dma_wait3A_470 = tpu.memref_slice %arg8[%dma_wait3A_469] : memref<1000000xf32, #tpu.memory_space<hbm>> -> memref<1000000xf32, #tpu.memory_space<hbm>>
    tpu.wait_indirect_dma semaphore(%arg22 : memref<!tpu.dma_semaphore, #tpu.memory_space<semaphore_mem>>) src(%dma_wait3A_470 : memref<1000000xf32, #tpu.memory_space<hbm>>) dst(%dma_wait3A_465 : memref<128xf32, #tpu.memory_space<vmem>>)
    %dma_wait3A_471 = arith.constant 2 : i32
    %dma_wait3A_472 = arith.constant 0 : i32
    %dma_wait3A_473 = arith.constant 0 : i32
    %dma_wait3A_474 = tpu.memref_slice %arg19[%dma_wait3A_472, %dma_wait3A_473] : memref<2x128xf32, #tpu.memory_space<vmem>> -> memref<1x128xf32, #tpu.memory_space<vmem>>
    %dma_wait3A_475 = tpu.memref_squeeze %dma_wait3A_474 : memref<1x128xf32, #tpu.memory_space<vmem>> -> memref<128xf32, #tpu.memory_space<vmem>>
    %dma_wait3A_476 = arith.constant 0 : i32
    %dma_wait3A_477 = tpu.memref_slice %arg13[%dma_wait3A_471, %dma_wait3A_476] : memref<4x128xi32, #tpu.memory_space<vmem>> -> memref<1x128xi32, #tpu.memory_space<vmem>>
    %dma_wait3A_478 = tpu.memref_squeeze %dma_wait3A_477 : memref<1x128xi32, #tpu.memory_space<vmem>> -> memref<128xi32, #tpu.memory_space<vmem>>
    %dma_wait3A_479 = arith.constant 0 : i32
    %dma_wait3A_480 = tpu.memref_slice %arg8[%dma_wait3A_479] : memref<1000000xf32, #tpu.memory_space<hbm>> -> memref<1000000xf32, #tpu.memory_space<hbm>>
    tpu.wait_indirect_dma semaphore(%arg22 : memref<!tpu.dma_semaphore, #tpu.memory_space<semaphore_mem>>) src(%dma_wait3A_480 : memref<1000000xf32, #tpu.memory_space<hbm>>) dst(%dma_wait3A_475 : memref<128xf32, #tpu.memory_space<vmem>>)
    %broadcast_in_dim3A_481 = arith.constant 0 : i32
    %broadcast_in_dim3A_482 = vector.broadcast %broadcast_in_dim3A_481 : i32 to vector<16xi32>
    %broadcast_in_dim3A_483 = arith.constant 2 : i32
    %broadcast_in_dim3A_484 = vector.broadcast %broadcast_in_dim3A_483 : i32 to vector<16xi32>
    %scan3A_485 = arith.constant 0 : i32
    %scan3A_486 = arith.constant 0 : i32
    %scan3A_487 = arith.constant 8 : i32
    %scan3A_488 = arith.addi %scan3A_486, %scan3A_487 : i32
    %scan3A_489 = arith.constant 1 : i32
    scf.for %scan3A_567 = %scan3A_486 to %scan3A_488 step %scan3A_489  : i32 {
      %mul3A_568 = arith.constant 16 : i32
      %mul3A_569 = arith.muli %scan3A_567, %mul3A_568 : i32
      %add3A_570 = vector.broadcast %mul3A_569 : i32 to vector<16xi32>
      %add3A_571 = arith.addi %add3A_570, %iota3A : vector<16xi32>
      %broadcast_in_dim3A_572 = arith.constant 0.000000e+00 : f32
      %broadcast_in_dim3A_573 = vector.broadcast %broadcast_in_dim3A_572 : f32 to vector<16xf32>
      %broadcast_in_dim3A_574 = arith.constant 0.000000e+00 : f32
      %broadcast_in_dim3A_575 = vector.broadcast %broadcast_in_dim3A_574 : f32 to vector<16xf32>
      %broadcast_in_dim3A_576 = arith.constant 0 : i32
      %broadcast_in_dim3A_577 = vector.broadcast %broadcast_in_dim3A_576 : i32 to vector<16xi32>
      %gather3A = tpu.vector_load_idx %arg14[%broadcast_in_dim3A_482, %add3A_571, %broadcast_in_dim3A_577] : memref<2x128x32xf32, #tpu.memory_space<vmem>>[vector<16xi32>, vector<16xi32>, vector<16xi32>], vector<16xf32>,
      %gather3A_578 = tpu.vector_load_idx %arg15[%broadcast_in_dim3A_482, %add3A_571, %broadcast_in_dim3A_577] : memref<2x128x32xf32, #tpu.memory_space<vmem>>[vector<16xi32>, vector<16xi32>, vector<16xi32>], vector<16xf32>,
      %gather3A_579 = tpu.vector_load_idx %arg16[%broadcast_in_dim3A_482, %add3A_571, %broadcast_in_dim3A_577] : memref<2x128x32xf32, #tpu.memory_space<vmem>>[vector<16xi32>, vector<16xi32>, vector<16xi32>], vector<16xf32>,
      %mul3A_580 = arith.mulf %gather3A, %gather3A_578 : vector<16xf32>
      %add3A_581 = arith.addf %broadcast_in_dim3A_573, %mul3A_580 : vector<16xf32>
      %mul3A_582 = arith.mulf %gather3A, %gather3A_579 : vector<16xf32>
      %add3A_583 = arith.addf %broadcast_in_dim3A_575, %mul3A_582 : vector<16xf32>
      %broadcast_in_dim3A_584 = arith.constant 1 : i32
      %broadcast_in_dim3A_585 = vector.broadcast %broadcast_in_dim3A_584 : i32 to vector<16xi32>
      %gather3A_586 = tpu.vector_load_idx %arg14[%broadcast_in_dim3A_482, %add3A_571, %broadcast_in_dim3A_585] : memref<2x128x32xf32, #tpu.memory_space<vmem>>[vector<16xi32>, vector<16xi32>, vector<16xi32>], vector<16xf32>,
      %gather3A_587 = tpu.vector_load_idx %arg15[%broadcast_in_dim3A_482, %add3A_571, %broadcast_in_dim3A_585] : memref<2x128x32xf32, #tpu.memory_space<vmem>>[vector<16xi32>, vector<16xi32>, vector<16xi32>], vector<16xf32>,
      %gather3A_588 = tpu.vector_load_idx %arg16[%broadcast_in_dim3A_482, %add3A_571, %broadcast_in_dim3A_585] : memref<2x128x32xf32, #tpu.memory_space<vmem>>[vector<16xi32>, vector<16xi32>, vector<16xi32>], vector<16xf32>,
      %mul3A_589 = arith.mulf %gather3A_586, %gather3A_587 : vector<16xf32>
      %add3A_590 = arith.addf %add3A_581, %mul3A_589 : vector<16xf32>
      %mul3A_591 = arith.mulf %gather3A_586, %gather3A_588 : vector<16xf32>
      %add3A_592 = arith.addf %add3A_583, %mul3A_591 : vector<16xf32>
      %broadcast_in_dim3A_593 = arith.constant 2 : i32
      %broadcast_in_dim3A_594 = vector.broadcast %broadcast_in_dim3A_593 : i32 to vector<16xi32>
      %gather3A_595 = tpu.vector_load_idx %arg14[%broadcast_in_dim3A_482, %add3A_571, %broadcast_in_dim3A_594] : memref<2x128x32xf32, #tpu.memory_space<vmem>>[vector<16xi32>, vector<16xi32>, vector<16xi32>], vector<16xf32>,
      %gather3A_596 = tpu.vector_load_idx %arg15[%broadcast_in_dim3A_482, %add3A_571, %broadcast_in_dim3A_594] : memref<2x128x32xf32, #tpu.memory_space<vmem>>[vector<16xi32>, vector<16xi32>, vector<16xi32>], vector<16xf32>,
      %gather3A_597 = tpu.vector_load_idx %arg16[%broadcast_in_dim3A_482, %add3A_571, %broadcast_in_dim3A_594] : memref<2x128x32xf32, #tpu.memory_space<vmem>>[vector<16xi32>, vector<16xi32>, vector<16xi32>], vector<16xf32>,
      %mul3A_598 = arith.mulf %gather3A_595, %gather3A_596 : vector<16xf32>
      %add3A_599 = arith.addf %add3A_590, %mul3A_598 : vector<16xf32>
      %mul3A_600 = arith.mulf %gather3A_595, %gather3A_597 : vector<16xf32>
      %add3A_601 = arith.addf %add3A_592, %mul3A_600 : vector<16xf32>
      %broadcast_in_dim3A_602 = arith.constant 3 : i32
      %broadcast_in_dim3A_603 = vector.broadcast %broadcast_in_dim3A_602 : i32 to vector<16xi32>
      %gather3A_604 = tpu.vector_load_idx %arg14[%broadcast_in_dim3A_482, %add3A_571, %broadcast_in_dim3A_603] : memref<2x128x32xf32, #tpu.memory_space<vmem>>[vector<16xi32>, vector<16xi32>, vector<16xi32>], vector<16xf32>,
      %gather3A_605 = tpu.vector_load_idx %arg15[%broadcast_in_dim3A_482, %add3A_571, %broadcast_in_dim3A_603] : memref<2x128x32xf32, #tpu.memory_space<vmem>>[vector<16xi32>, vector<16xi32>, vector<16xi32>], vector<16xf32>,
      %gather3A_606 = tpu.vector_load_idx %arg16[%broadcast_in_dim3A_482, %add3A_571, %broadcast_in_dim3A_603] : memref<2x128x32xf32, #tpu.memory_space<vmem>>[vector<16xi32>, vector<16xi32>, vector<16xi32>], vector<16xf32>,
      %mul3A_607 = arith.mulf %gather3A_604, %gather3A_605 : vector<16xf32>
      %add3A_608 = arith.addf %add3A_599, %mul3A_607 : vector<16xf32>
      %mul3A_609 = arith.mulf %gather3A_604, %gather3A_606 : vector<16xf32>
      %add3A_610 = arith.addf %add3A_601, %mul3A_609 : vector<16xf32>
      %broadcast_in_dim3A_611 = arith.constant 4 : i32
      %broadcast_in_dim3A_612 = vector.broadcast %broadcast_in_dim3A_611 : i32 to vector<16xi32>
      %gather3A_613 = tpu.vector_load_idx %arg14[%broadcast_in_dim3A_482, %add3A_571, %broadcast_in_dim3A_612] : memref<2x128x32xf32, #tpu.memory_space<vmem>>[vector<16xi32>, vector<16xi32>, vector<16xi32>], vector<16xf32>,
      %gather3A_614 = tpu.vector_load_idx %arg15[%broadcast_in_dim3A_482, %add3A_571, %broadcast_in_dim3A_612] : memref<2x128x32xf32, #tpu.memory_space<vmem>>[vector<16xi32>, vector<16xi32>, vector<16xi32>], vector<16xf32>,
      %gather3A_615 = tpu.vector_load_idx %arg16[%broadcast_in_dim3A_482, %add3A_571, %broadcast_in_dim3A_612] : memref<2x128x32xf32, #tpu.memory_space<vmem>>[vector<16xi32>, vector<16xi32>, vector<16xi32>], vector<16xf32>,
      %mul3A_616 = arith.mulf %gather3A_613, %gather3A_614 : vector<16xf32>
      %add3A_617 = arith.addf %add3A_608, %mul3A_616 : vector<16xf32>
      %mul3A_618 = arith.mulf %gather3A_613, %gather3A_615 : vector<16xf32>
      %add3A_619 = arith.addf %add3A_610, %mul3A_618 : vector<16xf32>
      %broadcast_in_dim3A_620 = arith.constant 5 : i32
      %broadcast_in_dim3A_621 = vector.broadcast %broadcast_in_dim3A_620 : i32 to vector<16xi32>
      %gather3A_622 = tpu.vector_load_idx %arg14[%broadcast_in_dim3A_482, %add3A_571, %broadcast_in_dim3A_621] : memref<2x128x32xf32, #tpu.memory_space<vmem>>[vector<16xi32>, vector<16xi32>, vector<16xi32>], vector<16xf32>,
      %gather3A_623 = tpu.vector_load_idx %arg15[%broadcast_in_dim3A_482, %add3A_571, %broadcast_in_dim3A_621] : memref<2x128x32xf32, #tpu.memory_space<vmem>>[vector<16xi32>, vector<16xi32>, vector<16xi32>], vector<16xf32>,
      %gather3A_624 = tpu.vector_load_idx %arg16[%broadcast_in_dim3A_482, %add3A_571, %broadcast_in_dim3A_621] : memref<2x128x32xf32, #tpu.memory_space<vmem>>[vector<16xi32>, vector<16xi32>, vector<16xi32>], vector<16xf32>,
      %mul3A_625 = arith.mulf %gather3A_622, %gather3A_623 : vector<16xf32>
      %add3A_626 = arith.addf %add3A_617, %mul3A_625 : vector<16xf32>
      %mul3A_627 = arith.mulf %gather3A_622, %gather3A_624 : vector<16xf32>
      %add3A_628 = arith.addf %add3A_619, %mul3A_627 : vector<16xf32>
      %broadcast_in_dim3A_629 = arith.constant 6 : i32
      %broadcast_in_dim3A_630 = vector.broadcast %broadcast_in_dim3A_629 : i32 to vector<16xi32>
      %gather3A_631 = tpu.vector_load_idx %arg14[%broadcast_in_dim3A_482, %add3A_571, %broadcast_in_dim3A_630] : memref<2x128x32xf32, #tpu.memory_space<vmem>>[vector<16xi32>, vector<16xi32>, vector<16xi32>], vector<16xf32>,
      %gather3A_632 = tpu.vector_load_idx %arg15[%broadcast_in_dim3A_482, %add3A_571, %broadcast_in_dim3A_630] : memref<2x128x32xf32, #tpu.memory_space<vmem>>[vector<16xi32>, vector<16xi32>, vector<16xi32>], vector<16xf32>,
      %gather3A_633 = tpu.vector_load_idx %arg16[%broadcast_in_dim3A_482, %add3A_571, %broadcast_in_dim3A_630] : memref<2x128x32xf32, #tpu.memory_space<vmem>>[vector<16xi32>, vector<16xi32>, vector<16xi32>], vector<16xf32>,
      %mul3A_634 = arith.mulf %gather3A_631, %gather3A_632 : vector<16xf32>
      %add3A_635 = arith.addf %add3A_626, %mul3A_634 : vector<16xf32>
      %mul3A_636 = arith.mulf %gather3A_631, %gather3A_633 : vector<16xf32>
      %add3A_637 = arith.addf %add3A_628, %mul3A_636 : vector<16xf32>
      %broadcast_in_dim3A_638 = arith.constant 7 : i32
      %broadcast_in_dim3A_639 = vector.broadcast %broadcast_in_dim3A_638 : i32 to vector<16xi32>
      %gather3A_640 = tpu.vector_load_idx %arg14[%broadcast_in_dim3A_482, %add3A_571, %broadcast_in_dim3A_639] : memref<2x128x32xf32, #tpu.memory_space<vmem>>[vector<16xi32>, vector<16xi32>, vector<16xi32>], vector<16xf32>,
      %gather3A_641 = tpu.vector_load_idx %arg15[%broadcast_in_dim3A_482, %add3A_571, %broadcast_in_dim3A_639] : memref<2x128x32xf32, #tpu.memory_space<vmem>>[vector<16xi32>, vector<16xi32>, vector<16xi32>], vector<16xf32>,
      %gather3A_642 = tpu.vector_load_idx %arg16[%broadcast_in_dim3A_482, %add3A_571, %broadcast_in_dim3A_639] : memref<2x128x32xf32, #tpu.memory_space<vmem>>[vector<16xi32>, vector<16xi32>, vector<16xi32>], vector<16xf32>,
      %mul3A_643 = arith.mulf %gather3A_640, %gather3A_641 : vector<16xf32>
      %add3A_644 = arith.addf %add3A_635, %mul3A_643 : vector<16xf32>
      %mul3A_645 = arith.mulf %gather3A_640, %gather3A_642 : vector<16xf32>
      %add3A_646 = arith.addf %add3A_637, %mul3A_645 : vector<16xf32>
      %broadcast_in_dim3A_647 = arith.constant 8 : i32
      %broadcast_in_dim3A_648 = vector.broadcast %broadcast_in_dim3A_647 : i32 to vector<16xi32>
      %gather3A_649 = tpu.vector_load_idx %arg14[%broadcast_in_dim3A_482, %add3A_571, %broadcast_in_dim3A_648] : memref<2x128x32xf32, #tpu.memory_space<vmem>>[vector<16xi32>, vector<16xi32>, vector<16xi32>], vector<16xf32>,
      %gather3A_650 = tpu.vector_load_idx %arg15[%broadcast_in_dim3A_482, %add3A_571, %broadcast_in_dim3A_648] : memref<2x128x32xf32, #tpu.memory_space<vmem>>[vector<16xi32>, vector<16xi32>, vector<16xi32>], vector<16xf32>,
      %gather3A_651 = tpu.vector_load_idx %arg16[%broadcast_in_dim3A_482, %add3A_571, %broadcast_in_dim3A_648] : memref<2x128x32xf32, #tpu.memory_space<vmem>>[vector<16xi32>, vector<16xi32>, vector<16xi32>], vector<16xf32>,
      %mul3A_652 = arith.mulf %gather3A_649, %gather3A_650 : vector<16xf32>
      %add3A_653 = arith.addf %add3A_644, %mul3A_652 : vector<16xf32>
      %mul3A_654 = arith.mulf %gather3A_649, %gather3A_651 : vector<16xf32>
      %add3A_655 = arith.addf %add3A_646, %mul3A_654 : vector<16xf32>
      %broadcast_in_dim3A_656 = arith.constant 9 : i32
      %broadcast_in_dim3A_657 = vector.broadcast %broadcast_in_dim3A_656 : i32 to vector<16xi32>
      %gather3A_658 = tpu.vector_load_idx %arg14[%broadcast_in_dim3A_482, %add3A_571, %broadcast_in_dim3A_657] : memref<2x128x32xf32, #tpu.memory_space<vmem>>[vector<16xi32>, vector<16xi32>, vector<16xi32>], vector<16xf32>,
      %gather3A_659 = tpu.vector_load_idx %arg15[%broadcast_in_dim3A_482, %add3A_571, %broadcast_in_dim3A_657] : memref<2x128x32xf32, #tpu.memory_space<vmem>>[vector<16xi32>, vector<16xi32>, vector<16xi32>], vector<16xf32>,
      %gather3A_660 = tpu.vector_load_idx %arg16[%broadcast_in_dim3A_482, %add3A_571, %broadcast_in_dim3A_657] : memref<2x128x32xf32, #tpu.memory_space<vmem>>[vector<16xi32>, vector<16xi32>, vector<16xi32>], vector<16xf32>,
      %mul3A_661 = arith.mulf %gather3A_658, %gather3A_659 : vector<16xf32>
      %add3A_662 = arith.addf %add3A_653, %mul3A_661 : vector<16xf32>
      %mul3A_663 = arith.mulf %gather3A_658, %gather3A_660 : vector<16xf32>
      %add3A_664 = arith.addf %add3A_655, %mul3A_663 : vector<16xf32>
      %broadcast_in_dim3A_665 = arith.constant 10 : i32
      %broadcast_in_dim3A_666 = vector.broadcast %broadcast_in_dim3A_665 : i32 to vector<16xi32>
      %gather3A_667 = tpu.vector_load_idx %arg14[%broadcast_in_dim3A_482, %add3A_571, %broadcast_in_dim3A_666] : memref<2x128x32xf32, #tpu.memory_space<vmem>>[vector<16xi32>, vector<16xi32>, vector<16xi32>], vector<16xf32>,
      %gather3A_668 = tpu.vector_load_idx %arg15[%broadcast_in_dim3A_482, %add3A_571, %broadcast_in_dim3A_666] : memref<2x128x32xf32, #tpu.memory_space<vmem>>[vector<16xi32>, vector<16xi32>, vector<16xi32>], vector<16xf32>,
      %gather3A_669 = tpu.vector_load_idx %arg16[%broadcast_in_dim3A_482, %add3A_571, %broadcast_in_dim3A_666] : memref<2x128x32xf32, #tpu.memory_space<vmem>>[vector<16xi32>, vector<16xi32>, vector<16xi32>], vector<16xf32>,
      %mul3A_670 = arith.mulf %gather3A_667, %gather3A_668 : vector<16xf32>
      %add3A_671 = arith.addf %add3A_662, %mul3A_670 : vector<16xf32>
      %mul3A_672 = arith.mulf %gather3A_667, %gather3A_669 : vector<16xf32>
      %add3A_673 = arith.addf %add3A_664, %mul3A_672 : vector<16xf32>
      %broadcast_in_dim3A_674 = arith.constant 11 : i32
      %broadcast_in_dim3A_675 = vector.broadcast %broadcast_in_dim3A_674 : i32 to vector<16xi32>
      %gather3A_676 = tpu.vector_load_idx %arg14[%broadcast_in_dim3A_482, %add3A_571, %broadcast_in_dim3A_675] : memref<2x128x32xf32, #tpu.memory_space<vmem>>[vector<16xi32>, vector<16xi32>, vector<16xi32>], vector<16xf32>,
      %gather3A_677 = tpu.vector_load_idx %arg15[%broadcast_in_dim3A_482, %add3A_571, %broadcast_in_dim3A_675] : memref<2x128x32xf32, #tpu.memory_space<vmem>>[vector<16xi32>, vector<16xi32>, vector<16xi32>], vector<16xf32>,
      %gather3A_678 = tpu.vector_load_idx %arg16[%broadcast_in_dim3A_482, %add3A_571, %broadcast_in_dim3A_675] : memref<2x128x32xf32, #tpu.memory_space<vmem>>[vector<16xi32>, vector<16xi32>, vector<16xi32>], vector<16xf32>,
      %mul3A_679 = arith.mulf %gather3A_676, %gather3A_677 : vector<16xf32>
      %add3A_680 = arith.addf %add3A_671, %mul3A_679 : vector<16xf32>
      %mul3A_681 = arith.mulf %gather3A_676, %gather3A_678 : vector<16xf32>
      %add3A_682 = arith.addf %add3A_673, %mul3A_681 : vector<16xf32>
      %broadcast_in_dim3A_683 = arith.constant 12 : i32
      %broadcast_in_dim3A_684 = vector.broadcast %broadcast_in_dim3A_683 : i32 to vector<16xi32>
      %gather3A_685 = tpu.vector_load_idx %arg14[%broadcast_in_dim3A_482, %add3A_571, %broadcast_in_dim3A_684] : memref<2x128x32xf32, #tpu.memory_space<vmem>>[vector<16xi32>, vector<16xi32>, vector<16xi32>], vector<16xf32>,
      %gather3A_686 = tpu.vector_load_idx %arg15[%broadcast_in_dim3A_482, %add3A_571, %broadcast_in_dim3A_684] : memref<2x128x32xf32, #tpu.memory_space<vmem>>[vector<16xi32>, vector<16xi32>, vector<16xi32>], vector<16xf32>,
      %gather3A_687 = tpu.vector_load_idx %arg16[%broadcast_in_dim3A_482, %add3A_571, %broadcast_in_dim3A_684] : memref<2x128x32xf32, #tpu.memory_space<vmem>>[vector<16xi32>, vector<16xi32>, vector<16xi32>], vector<16xf32>,
      %mul3A_688 = arith.mulf %gather3A_685, %gather3A_686 : vector<16xf32>
      %add3A_689 = arith.addf %add3A_680, %mul3A_688 : vector<16xf32>
      %mul3A_690 = arith.mulf %gather3A_685, %gather3A_687 : vector<16xf32>
      %add3A_691 = arith.addf %add3A_682, %mul3A_690 : vector<16xf32>
      %broadcast_in_dim3A_692 = arith.constant 13 : i32
      %broadcast_in_dim3A_693 = vector.broadcast %broadcast_in_dim3A_692 : i32 to vector<16xi32>
      %gather3A_694 = tpu.vector_load_idx %arg14[%broadcast_in_dim3A_482, %add3A_571, %broadcast_in_dim3A_693] : memref<2x128x32xf32, #tpu.memory_space<vmem>>[vector<16xi32>, vector<16xi32>, vector<16xi32>], vector<16xf32>,
      %gather3A_695 = tpu.vector_load_idx %arg15[%broadcast_in_dim3A_482, %add3A_571, %broadcast_in_dim3A_693] : memref<2x128x32xf32, #tpu.memory_space<vmem>>[vector<16xi32>, vector<16xi32>, vector<16xi32>], vector<16xf32>,
      %gather3A_696 = tpu.vector_load_idx %arg16[%broadcast_in_dim3A_482, %add3A_571, %broadcast_in_dim3A_693] : memref<2x128x32xf32, #tpu.memory_space<vmem>>[vector<16xi32>, vector<16xi32>, vector<16xi32>], vector<16xf32>,
      %mul3A_697 = arith.mulf %gather3A_694, %gather3A_695 : vector<16xf32>
      %add3A_698 = arith.addf %add3A_689, %mul3A_697 : vector<16xf32>
      %mul3A_699 = arith.mulf %gather3A_694, %gather3A_696 : vector<16xf32>
      %add3A_700 = arith.addf %add3A_691, %mul3A_699 : vector<16xf32>
      %broadcast_in_dim3A_701 = arith.constant 14 : i32
      %broadcast_in_dim3A_702 = vector.broadcast %broadcast_in_dim3A_701 : i32 to vector<16xi32>
      %gather3A_703 = tpu.vector_load_idx %arg14[%broadcast_in_dim3A_482, %add3A_571, %broadcast_in_dim3A_702] : memref<2x128x32xf32, #tpu.memory_space<vmem>>[vector<16xi32>, vector<16xi32>, vector<16xi32>], vector<16xf32>,
      %gather3A_704 = tpu.vector_load_idx %arg15[%broadcast_in_dim3A_482, %add3A_571, %broadcast_in_dim3A_702] : memref<2x128x32xf32, #tpu.memory_space<vmem>>[vector<16xi32>, vector<16xi32>, vector<16xi32>], vector<16xf32>,
      %gather3A_705 = tpu.vector_load_idx %arg16[%broadcast_in_dim3A_482, %add3A_571, %broadcast_in_dim3A_702] : memref<2x128x32xf32, #tpu.memory_space<vmem>>[vector<16xi32>, vector<16xi32>, vector<16xi32>], vector<16xf32>,
      %mul3A_706 = arith.mulf %gather3A_703, %gather3A_704 : vector<16xf32>
      %add3A_707 = arith.addf %add3A_698, %mul3A_706 : vector<16xf32>
      %mul3A_708 = arith.mulf %gather3A_703, %gather3A_705 : vector<16xf32>
      %add3A_709 = arith.addf %add3A_700, %mul3A_708 : vector<16xf32>
      %broadcast_in_dim3A_710 = arith.constant 15 : i32
      %broadcast_in_dim3A_711 = vector.broadcast %broadcast_in_dim3A_710 : i32 to vector<16xi32>
      %gather3A_712 = tpu.vector_load_idx %arg14[%broadcast_in_dim3A_482, %add3A_571, %broadcast_in_dim3A_711] : memref<2x128x32xf32, #tpu.memory_space<vmem>>[vector<16xi32>, vector<16xi32>, vector<16xi32>], vector<16xf32>,
      %gather3A_713 = tpu.vector_load_idx %arg15[%broadcast_in_dim3A_482, %add3A_571, %broadcast_in_dim3A_711] : memref<2x128x32xf32, #tpu.memory_space<vmem>>[vector<16xi32>, vector<16xi32>, vector<16xi32>], vector<16xf32>,
      %gather3A_714 = tpu.vector_load_idx %arg16[%broadcast_in_dim3A_482, %add3A_571, %broadcast_in_dim3A_711] : memref<2x128x32xf32, #tpu.memory_space<vmem>>[vector<16xi32>, vector<16xi32>, vector<16xi32>], vector<16xf32>,
      %mul3A_715 = arith.mulf %gather3A_712, %gather3A_713 : vector<16xf32>
      %add3A_716 = arith.addf %add3A_707, %mul3A_715 : vector<16xf32>
      %mul3A_717 = arith.mulf %gather3A_712, %gather3A_714 : vector<16xf32>
      %add3A_718 = arith.addf %add3A_709, %mul3A_717 : vector<16xf32>
      %broadcast_in_dim3A_719 = arith.constant 16 : i32
      %broadcast_in_dim3A_720 = vector.broadcast %broadcast_in_dim3A_719 : i32 to vector<16xi32>
      %gather3A_721 = tpu.vector_load_idx %arg14[%broadcast_in_dim3A_482, %add3A_571, %broadcast_in_dim3A_720] : memref<2x128x32xf32, #tpu.memory_space<vmem>>[vector<16xi32>, vector<16xi32>, vector<16xi32>], vector<16xf32>,
      %gather3A_722 = tpu.vector_load_idx %arg15[%broadcast_in_dim3A_482, %add3A_571, %broadcast_in_dim3A_720] : memref<2x128x32xf32, #tpu.memory_space<vmem>>[vector<16xi32>, vector<16xi32>, vector<16xi32>], vector<16xf32>,
      %gather3A_723 = tpu.vector_load_idx %arg16[%broadcast_in_dim3A_482, %add3A_571, %broadcast_in_dim3A_720] : memref<2x128x32xf32, #tpu.memory_space<vmem>>[vector<16xi32>, vector<16xi32>, vector<16xi32>], vector<16xf32>,
      %mul3A_724 = arith.mulf %gather3A_721, %gather3A_722 : vector<16xf32>
      %add3A_725 = arith.addf %add3A_716, %mul3A_724 : vector<16xf32>
      %mul3A_726 = arith.mulf %gather3A_721, %gather3A_723 : vector<16xf32>
      %add3A_727 = arith.addf %add3A_718, %mul3A_726 : vector<16xf32>
      %broadcast_in_dim3A_728 = arith.constant 17 : i32
      %broadcast_in_dim3A_729 = vector.broadcast %broadcast_in_dim3A_728 : i32 to vector<16xi32>
      %gather3A_730 = tpu.vector_load_idx %arg14[%broadcast_in_dim3A_482, %add3A_571, %broadcast_in_dim3A_729] : memref<2x128x32xf32, #tpu.memory_space<vmem>>[vector<16xi32>, vector<16xi32>, vector<16xi32>], vector<16xf32>,
      %gather3A_731 = tpu.vector_load_idx %arg15[%broadcast_in_dim3A_482, %add3A_571, %broadcast_in_dim3A_729] : memref<2x128x32xf32, #tpu.memory_space<vmem>>[vector<16xi32>, vector<16xi32>, vector<16xi32>], vector<16xf32>,
      %gather3A_732 = tpu.vector_load_idx %arg16[%broadcast_in_dim3A_482, %add3A_571, %broadcast_in_dim3A_729] : memref<2x128x32xf32, #tpu.memory_space<vmem>>[vector<16xi32>, vector<16xi32>, vector<16xi32>], vector<16xf32>,
      %mul3A_733 = arith.mulf %gather3A_730, %gather3A_731 : vector<16xf32>
      %add3A_734 = arith.addf %add3A_725, %mul3A_733 : vector<16xf32>
      %mul3A_735 = arith.mulf %gather3A_730, %gather3A_732 : vector<16xf32>
      %add3A_736 = arith.addf %add3A_727, %mul3A_735 : vector<16xf32>
      %broadcast_in_dim3A_737 = arith.constant 18 : i32
      %broadcast_in_dim3A_738 = vector.broadcast %broadcast_in_dim3A_737 : i32 to vector<16xi32>
      %gather3A_739 = tpu.vector_load_idx %arg14[%broadcast_in_dim3A_482, %add3A_571, %broadcast_in_dim3A_738] : memref<2x128x32xf32, #tpu.memory_space<vmem>>[vector<16xi32>, vector<16xi32>, vector<16xi32>], vector<16xf32>,
      %gather3A_740 = tpu.vector_load_idx %arg15[%broadcast_in_dim3A_482, %add3A_571, %broadcast_in_dim3A_738] : memref<2x128x32xf32, #tpu.memory_space<vmem>>[vector<16xi32>, vector<16xi32>, vector<16xi32>], vector<16xf32>,
      %gather3A_741 = tpu.vector_load_idx %arg16[%broadcast_in_dim3A_482, %add3A_571, %broadcast_in_dim3A_738] : memref<2x128x32xf32, #tpu.memory_space<vmem>>[vector<16xi32>, vector<16xi32>, vector<16xi32>], vector<16xf32>,
      %mul3A_742 = arith.mulf %gather3A_739, %gather3A_740 : vector<16xf32>
      %add3A_743 = arith.addf %add3A_734, %mul3A_742 : vector<16xf32>
      %mul3A_744 = arith.mulf %gather3A_739, %gather3A_741 : vector<16xf32>
      %add3A_745 = arith.addf %add3A_736, %mul3A_744 : vector<16xf32>
      %broadcast_in_dim3A_746 = arith.constant 19 : i32
      %broadcast_in_dim3A_747 = vector.broadcast %broadcast_in_dim3A_746 : i32 to vector<16xi32>
      %gather3A_748 = tpu.vector_load_idx %arg14[%broadcast_in_dim3A_482, %add3A_571, %broadcast_in_dim3A_747] : memref<2x128x32xf32, #tpu.memory_space<vmem>>[vector<16xi32>, vector<16xi32>, vector<16xi32>], vector<16xf32>,
      %gather3A_749 = tpu.vector_load_idx %arg15[%broadcast_in_dim3A_482, %add3A_571, %broadcast_in_dim3A_747] : memref<2x128x32xf32, #tpu.memory_space<vmem>>[vector<16xi32>, vector<16xi32>, vector<16xi32>], vector<16xf32>,
      %gather3A_750 = tpu.vector_load_idx %arg16[%broadcast_in_dim3A_482, %add3A_571, %broadcast_in_dim3A_747] : memref<2x128x32xf32, #tpu.memory_space<vmem>>[vector<16xi32>, vector<16xi32>, vector<16xi32>], vector<16xf32>,
      %mul3A_751 = arith.mulf %gather3A_748, %gather3A_749 : vector<16xf32>
      %add3A_752 = arith.addf %add3A_743, %mul3A_751 : vector<16xf32>
      %mul3A_753 = arith.mulf %gather3A_748, %gather3A_750 : vector<16xf32>
      %add3A_754 = arith.addf %add3A_745, %mul3A_753 : vector<16xf32>
      %broadcast_in_dim3A_755 = arith.constant 20 : i32
      %broadcast_in_dim3A_756 = vector.broadcast %broadcast_in_dim3A_755 : i32 to vector<16xi32>
      %gather3A_757 = tpu.vector_load_idx %arg14[%broadcast_in_dim3A_482, %add3A_571, %broadcast_in_dim3A_756] : memref<2x128x32xf32, #tpu.memory_space<vmem>>[vector<16xi32>, vector<16xi32>, vector<16xi32>], vector<16xf32>,
      %gather3A_758 = tpu.vector_load_idx %arg15[%broadcast_in_dim3A_482, %add3A_571, %broadcast_in_dim3A_756] : memref<2x128x32xf32, #tpu.memory_space<vmem>>[vector<16xi32>, vector<16xi32>, vector<16xi32>], vector<16xf32>,
      %gather3A_759 = tpu.vector_load_idx %arg16[%broadcast_in_dim3A_482, %add3A_571, %broadcast_in_dim3A_756] : memref<2x128x32xf32, #tpu.memory_space<vmem>>[vector<16xi32>, vector<16xi32>, vector<16xi32>], vector<16xf32>,
      %mul3A_760 = arith.mulf %gather3A_757, %gather3A_758 : vector<16xf32>
      %add3A_761 = arith.addf %add3A_752, %mul3A_760 : vector<16xf32>
      %mul3A_762 = arith.mulf %gather3A_757, %gather3A_759 : vector<16xf32>
      %add3A_763 = arith.addf %add3A_754, %mul3A_762 : vector<16xf32>
      %broadcast_in_dim3A_764 = arith.constant 21 : i32
      %broadcast_in_dim3A_765 = vector.broadcast %broadcast_in_dim3A_764 : i32 to vector<16xi32>
      %gather3A_766 = tpu.vector_load_idx %arg14[%broadcast_in_dim3A_482, %add3A_571, %broadcast_in_dim3A_765] : memref<2x128x32xf32, #tpu.memory_space<vmem>>[vector<16xi32>, vector<16xi32>, vector<16xi32>], vector<16xf32>,
      %gather3A_767 = tpu.vector_load_idx %arg15[%broadcast_in_dim3A_482, %add3A_571, %broadcast_in_dim3A_765] : memref<2x128x32xf32, #tpu.memory_space<vmem>>[vector<16xi32>, vector<16xi32>, vector<16xi32>], vector<16xf32>,
      %gather3A_768 = tpu.vector_load_idx %arg16[%broadcast_in_dim3A_482, %add3A_571, %broadcast_in_dim3A_765] : memref<2x128x32xf32, #tpu.memory_space<vmem>>[vector<16xi32>, vector<16xi32>, vector<16xi32>], vector<16xf32>,
      %mul3A_769 = arith.mulf %gather3A_766, %gather3A_767 : vector<16xf32>
      %add3A_770 = arith.addf %add3A_761, %mul3A_769 : vector<16xf32>
      %mul3A_771 = arith.mulf %gather3A_766, %gather3A_768 : vector<16xf32>
      %add3A_772 = arith.addf %add3A_763, %mul3A_771 : vector<16xf32>
      %broadcast_in_dim3A_773 = arith.constant 22 : i32
      %broadcast_in_dim3A_774 = vector.broadcast %broadcast_in_dim3A_773 : i32 to vector<16xi32>
      %gather3A_775 = tpu.vector_load_idx %arg14[%broadcast_in_dim3A_482, %add3A_571, %broadcast_in_dim3A_774] : memref<2x128x32xf32, #tpu.memory_space<vmem>>[vector<16xi32>, vector<16xi32>, vector<16xi32>], vector<16xf32>,
      %gather3A_776 = tpu.vector_load_idx %arg15[%broadcast_in_dim3A_482, %add3A_571, %broadcast_in_dim3A_774] : memref<2x128x32xf32, #tpu.memory_space<vmem>>[vector<16xi32>, vector<16xi32>, vector<16xi32>], vector<16xf32>,
      %gather3A_777 = tpu.vector_load_idx %arg16[%broadcast_in_dim3A_482, %add3A_571, %broadcast_in_dim3A_774] : memref<2x128x32xf32, #tpu.memory_space<vmem>>[vector<16xi32>, vector<16xi32>, vector<16xi32>], vector<16xf32>,
      %mul3A_778 = arith.mulf %gather3A_775, %gather3A_776 : vector<16xf32>
      %add3A_779 = arith.addf %add3A_770, %mul3A_778 : vector<16xf32>
      %mul3A_780 = arith.mulf %gather3A_775, %gather3A_777 : vector<16xf32>
      %add3A_781 = arith.addf %add3A_772, %mul3A_780 : vector<16xf32>
      %broadcast_in_dim3A_782 = arith.constant 23 : i32
      %broadcast_in_dim3A_783 = vector.broadcast %broadcast_in_dim3A_782 : i32 to vector<16xi32>
      %gather3A_784 = tpu.vector_load_idx %arg14[%broadcast_in_dim3A_482, %add3A_571, %broadcast_in_dim3A_783] : memref<2x128x32xf32, #tpu.memory_space<vmem>>[vector<16xi32>, vector<16xi32>, vector<16xi32>], vector<16xf32>,
      %gather3A_785 = tpu.vector_load_idx %arg15[%broadcast_in_dim3A_482, %add3A_571, %broadcast_in_dim3A_783] : memref<2x128x32xf32, #tpu.memory_space<vmem>>[vector<16xi32>, vector<16xi32>, vector<16xi32>], vector<16xf32>,
      %gather3A_786 = tpu.vector_load_idx %arg16[%broadcast_in_dim3A_482, %add3A_571, %broadcast_in_dim3A_783] : memref<2x128x32xf32, #tpu.memory_space<vmem>>[vector<16xi32>, vector<16xi32>, vector<16xi32>], vector<16xf32>,
      %mul3A_787 = arith.mulf %gather3A_784, %gather3A_785 : vector<16xf32>
      %add3A_788 = arith.addf %add3A_779, %mul3A_787 : vector<16xf32>
      %mul3A_789 = arith.mulf %gather3A_784, %gather3A_786 : vector<16xf32>
      %add3A_790 = arith.addf %add3A_781, %mul3A_789 : vector<16xf32>
      %broadcast_in_dim3A_791 = arith.constant 24 : i32
      %broadcast_in_dim3A_792 = vector.broadcast %broadcast_in_dim3A_791 : i32 to vector<16xi32>
      %gather3A_793 = tpu.vector_load_idx %arg14[%broadcast_in_dim3A_482, %add3A_571, %broadcast_in_dim3A_792] : memref<2x128x32xf32, #tpu.memory_space<vmem>>[vector<16xi32>, vector<16xi32>, vector<16xi32>], vector<16xf32>,
      %gather3A_794 = tpu.vector_load_idx %arg15[%broadcast_in_dim3A_482, %add3A_571, %broadcast_in_dim3A_792] : memref<2x128x32xf32, #tpu.memory_space<vmem>>[vector<16xi32>, vector<16xi32>, vector<16xi32>], vector<16xf32>,
      %gather3A_795 = tpu.vector_load_idx %arg16[%broadcast_in_dim3A_482, %add3A_571, %broadcast_in_dim3A_792] : memref<2x128x32xf32, #tpu.memory_space<vmem>>[vector<16xi32>, vector<16xi32>, vector<16xi32>], vector<16xf32>,
      %mul3A_796 = arith.mulf %gather3A_793, %gather3A_794 : vector<16xf32>
      %add3A_797 = arith.addf %add3A_788, %mul3A_796 : vector<16xf32>
      %mul3A_798 = arith.mulf %gather3A_793, %gather3A_795 : vector<16xf32>
      %add3A_799 = arith.addf %add3A_790, %mul3A_798 : vector<16xf32>
      %broadcast_in_dim3A_800 = arith.constant 25 : i32
      %broadcast_in_dim3A_801 = vector.broadcast %broadcast_in_dim3A_800 : i32 to vector<16xi32>
      %gather3A_802 = tpu.vector_load_idx %arg14[%broadcast_in_dim3A_482, %add3A_571, %broadcast_in_dim3A_801] : memref<2x128x32xf32, #tpu.memory_space<vmem>>[vector<16xi32>, vector<16xi32>, vector<16xi32>], vector<16xf32>,
      %gather3A_803 = tpu.vector_load_idx %arg15[%broadcast_in_dim3A_482, %add3A_571, %broadcast_in_dim3A_801] : memref<2x128x32xf32, #tpu.memory_space<vmem>>[vector<16xi32>, vector<16xi32>, vector<16xi32>], vector<16xf32>,
      %gather3A_804 = tpu.vector_load_idx %arg16[%broadcast_in_dim3A_482, %add3A_571, %broadcast_in_dim3A_801] : memref<2x128x32xf32, #tpu.memory_space<vmem>>[vector<16xi32>, vector<16xi32>, vector<16xi32>], vector<16xf32>,
      %mul3A_805 = arith.mulf %gather3A_802, %gather3A_803 : vector<16xf32>
      %add3A_806 = arith.addf %add3A_797, %mul3A_805 : vector<16xf32>
      %mul3A_807 = arith.mulf %gather3A_802, %gather3A_804 : vector<16xf32>
      %add3A_808 = arith.addf %add3A_799, %mul3A_807 : vector<16xf32>
      %broadcast_in_dim3A_809 = arith.constant 26 : i32
      %broadcast_in_dim3A_810 = vector.broadcast %broadcast_in_dim3A_809 : i32 to vector<16xi32>
      %gather3A_811 = tpu.vector_load_idx %arg14[%broadcast_in_dim3A_482, %add3A_571, %broadcast_in_dim3A_810] : memref<2x128x32xf32, #tpu.memory_space<vmem>>[vector<16xi32>, vector<16xi32>, vector<16xi32>], vector<16xf32>,
      %gather3A_812 = tpu.vector_load_idx %arg15[%broadcast_in_dim3A_482, %add3A_571, %broadcast_in_dim3A_810] : memref<2x128x32xf32, #tpu.memory_space<vmem>>[vector<16xi32>, vector<16xi32>, vector<16xi32>], vector<16xf32>,
      %gather3A_813 = tpu.vector_load_idx %arg16[%broadcast_in_dim3A_482, %add3A_571, %broadcast_in_dim3A_810] : memref<2x128x32xf32, #tpu.memory_space<vmem>>[vector<16xi32>, vector<16xi32>, vector<16xi32>], vector<16xf32>,
      %mul3A_814 = arith.mulf %gather3A_811, %gather3A_812 : vector<16xf32>
      %add3A_815 = arith.addf %add3A_806, %mul3A_814 : vector<16xf32>
      %mul3A_816 = arith.mulf %gather3A_811, %gather3A_813 : vector<16xf32>
      %add3A_817 = arith.addf %add3A_808, %mul3A_816 : vector<16xf32>
      %broadcast_in_dim3A_818 = arith.constant 27 : i32
      %broadcast_in_dim3A_819 = vector.broadcast %broadcast_in_dim3A_818 : i32 to vector<16xi32>
      %gather3A_820 = tpu.vector_load_idx %arg14[%broadcast_in_dim3A_482, %add3A_571, %broadcast_in_dim3A_819] : memref<2x128x32xf32, #tpu.memory_space<vmem>>[vector<16xi32>, vector<16xi32>, vector<16xi32>], vector<16xf32>,
      %gather3A_821 = tpu.vector_load_idx %arg15[%broadcast_in_dim3A_482, %add3A_571, %broadcast_in_dim3A_819] : memref<2x128x32xf32, #tpu.memory_space<vmem>>[vector<16xi32>, vector<16xi32>, vector<16xi32>], vector<16xf32>,
      %gather3A_822 = tpu.vector_load_idx %arg16[%broadcast_in_dim3A_482, %add3A_571, %broadcast_in_dim3A_819] : memref<2x128x32xf32, #tpu.memory_space<vmem>>[vector<16xi32>, vector<16xi32>, vector<16xi32>], vector<16xf32>,
      %mul3A_823 = arith.mulf %gather3A_820, %gather3A_821 : vector<16xf32>
      %add3A_824 = arith.addf %add3A_815, %mul3A_823 : vector<16xf32>
      %mul3A_825 = arith.mulf %gather3A_820, %gather3A_822 : vector<16xf32>
      %add3A_826 = arith.addf %add3A_817, %mul3A_825 : vector<16xf32>
      %broadcast_in_dim3A_827 = arith.constant 28 : i32
      %broadcast_in_dim3A_828 = vector.broadcast %broadcast_in_dim3A_827 : i32 to vector<16xi32>
      %gather3A_829 = tpu.vector_load_idx %arg14[%broadcast_in_dim3A_482, %add3A_571, %broadcast_in_dim3A_828] : memref<2x128x32xf32, #tpu.memory_space<vmem>>[vector<16xi32>, vector<16xi32>, vector<16xi32>], vector<16xf32>,
      %gather3A_830 = tpu.vector_load_idx %arg15[%broadcast_in_dim3A_482, %add3A_571, %broadcast_in_dim3A_828] : memref<2x128x32xf32, #tpu.memory_space<vmem>>[vector<16xi32>, vector<16xi32>, vector<16xi32>], vector<16xf32>,
      %gather3A_831 = tpu.vector_load_idx %arg16[%broadcast_in_dim3A_482, %add3A_571, %broadcast_in_dim3A_828] : memref<2x128x32xf32, #tpu.memory_space<vmem>>[vector<16xi32>, vector<16xi32>, vector<16xi32>], vector<16xf32>,
      %mul3A_832 = arith.mulf %gather3A_829, %gather3A_830 : vector<16xf32>
      %add3A_833 = arith.addf %add3A_824, %mul3A_832 : vector<16xf32>
      %mul3A_834 = arith.mulf %gather3A_829, %gather3A_831 : vector<16xf32>
      %add3A_835 = arith.addf %add3A_826, %mul3A_834 : vector<16xf32>
      %broadcast_in_dim3A_836 = arith.constant 29 : i32
      %broadcast_in_dim3A_837 = vector.broadcast %broadcast_in_dim3A_836 : i32 to vector<16xi32>
      %gather3A_838 = tpu.vector_load_idx %arg14[%broadcast_in_dim3A_482, %add3A_571, %broadcast_in_dim3A_837] : memref<2x128x32xf32, #tpu.memory_space<vmem>>[vector<16xi32>, vector<16xi32>, vector<16xi32>], vector<16xf32>,
      %gather3A_839 = tpu.vector_load_idx %arg15[%broadcast_in_dim3A_482, %add3A_571, %broadcast_in_dim3A_837] : memref<2x128x32xf32, #tpu.memory_space<vmem>>[vector<16xi32>, vector<16xi32>, vector<16xi32>], vector<16xf32>,
      %gather3A_840 = tpu.vector_load_idx %arg16[%broadcast_in_dim3A_482, %add3A_571, %broadcast_in_dim3A_837] : memref<2x128x32xf32, #tpu.memory_space<vmem>>[vector<16xi32>, vector<16xi32>, vector<16xi32>], vector<16xf32>,
      %mul3A_841 = arith.mulf %gather3A_838, %gather3A_839 : vector<16xf32>
      %add3A_842 = arith.addf %add3A_833, %mul3A_841 : vector<16xf32>
      %mul3A_843 = arith.mulf %gather3A_838, %gather3A_840 : vector<16xf32>
      %add3A_844 = arith.addf %add3A_835, %mul3A_843 : vector<16xf32>
      %broadcast_in_dim3A_845 = arith.constant 30 : i32
      %broadcast_in_dim3A_846 = vector.broadcast %broadcast_in_dim3A_845 : i32 to vector<16xi32>
      %gather3A_847 = tpu.vector_load_idx %arg14[%broadcast_in_dim3A_482, %add3A_571, %broadcast_in_dim3A_846] : memref<2x128x32xf32, #tpu.memory_space<vmem>>[vector<16xi32>, vector<16xi32>, vector<16xi32>], vector<16xf32>,
      %gather3A_848 = tpu.vector_load_idx %arg15[%broadcast_in_dim3A_482, %add3A_571, %broadcast_in_dim3A_846] : memref<2x128x32xf32, #tpu.memory_space<vmem>>[vector<16xi32>, vector<16xi32>, vector<16xi32>], vector<16xf32>,
      %gather3A_849 = tpu.vector_load_idx %arg16[%broadcast_in_dim3A_482, %add3A_571, %broadcast_in_dim3A_846] : memref<2x128x32xf32, #tpu.memory_space<vmem>>[vector<16xi32>, vector<16xi32>, vector<16xi32>], vector<16xf32>,
      %mul3A_850 = arith.mulf %gather3A_847, %gather3A_848 : vector<16xf32>
      %add3A_851 = arith.addf %add3A_842, %mul3A_850 : vector<16xf32>
      %mul3A_852 = arith.mulf %gather3A_847, %gather3A_849 : vector<16xf32>
      %add3A_853 = arith.addf %add3A_844, %mul3A_852 : vector<16xf32>
      %broadcast_in_dim3A_854 = arith.constant 31 : i32
      %broadcast_in_dim3A_855 = vector.broadcast %broadcast_in_dim3A_854 : i32 to vector<16xi32>
      %gather3A_856 = tpu.vector_load_idx %arg14[%broadcast_in_dim3A_482, %add3A_571, %broadcast_in_dim3A_855] : memref<2x128x32xf32, #tpu.memory_space<vmem>>[vector<16xi32>, vector<16xi32>, vector<16xi32>], vector<16xf32>,
      %gather3A_857 = tpu.vector_load_idx %arg15[%broadcast_in_dim3A_482, %add3A_571, %broadcast_in_dim3A_855] : memref<2x128x32xf32, #tpu.memory_space<vmem>>[vector<16xi32>, vector<16xi32>, vector<16xi32>], vector<16xf32>,
      %gather3A_858 = tpu.vector_load_idx %arg16[%broadcast_in_dim3A_482, %add3A_571, %broadcast_in_dim3A_855] : memref<2x128x32xf32, #tpu.memory_space<vmem>>[vector<16xi32>, vector<16xi32>, vector<16xi32>], vector<16xf32>,
      %mul3A_859 = arith.mulf %gather3A_856, %gather3A_857 : vector<16xf32>
      %add3A_860 = arith.addf %add3A_851, %mul3A_859 : vector<16xf32>
      %mul3A_861 = arith.mulf %gather3A_856, %gather3A_858 : vector<16xf32>
      %add3A_862 = arith.addf %add3A_853, %mul3A_861 : vector<16xf32>
      %gather3A_863 = tpu.vector_load_idx %arg17[%broadcast_in_dim3A_482, %add3A_571] : memref<2x128xf32, #tpu.memory_space<vmem>>[vector<16xi32>, vector<16xi32>], vector<16xf32>,
      %gather3A_864 = tpu.vector_load_idx %arg18[%broadcast_in_dim3A_482, %add3A_571] : memref<2x128xf32, #tpu.memory_space<vmem>>[vector<16xi32>, vector<16xi32>], vector<16xf32>,
      %gather3A_865 = tpu.vector_load_idx %arg19[%broadcast_in_dim3A_482, %add3A_571] : memref<2x128xf32, #tpu.memory_space<vmem>>[vector<16xi32>, vector<16xi32>], vector<16xf32>,
      %add3A_866 = arith.addf %gather3A_863, %gather3A_864 : vector<16xf32>
      %add3A_867 = arith.addf %add3A_866, %add3A_860 : vector<16xf32>
      tpu.vector_store_idx %arg20[%broadcast_in_dim3A_484, %add3A_571], %add3A_867 : memref<4x128xf32, #tpu.memory_space<vmem>>[vector<16xi32>, vector<16xi32>], vector<16xf32>,
      %add3A_868 = arith.addf %gather3A_863, %gather3A_865 : vector<16xf32>
      %add3A_869 = arith.addf %add3A_868, %add3A_862 : vector<16xf32>
      tpu.vector_store_idx %arg21[%broadcast_in_dim3A_484, %add3A_571], %add3A_869 : memref<4x128xf32, #tpu.memory_space<vmem>>[vector<16xi32>, vector<16xi32>], vector<16xf32>,
    }
    %scan3A_490 = arith.constant 8 : i32
    %dma_wait3A_491 = arith.constant 3 : i32
    %dma_wait3A_492 = arith.constant 1 : i32
    %dma_wait3A_493 = arith.constant 0 : i32
    %dma_wait3A_494 = arith.constant 0 : i32
    %dma_wait3A_495 = tpu.memref_slice %arg14[%dma_wait3A_492, %dma_wait3A_493, %dma_wait3A_494] : memref<2x128x32xf32, #tpu.memory_space<vmem>> -> memref<1x128x32xf32, #tpu.memory_space<vmem>>
    %dma_wait3A_496 = tpu.memref_squeeze %dma_wait3A_495 : memref<1x128x32xf32, #tpu.memory_space<vmem>> -> memref<128x32xf32, #tpu.memory_space<vmem>>
    %dma_wait3A_497 = arith.constant 0 : i32
    %dma_wait3A_498 = tpu.memref_slice %arg11[%dma_wait3A_491, %dma_wait3A_497] : memref<4x128xi32, #tpu.memory_space<vmem>> -> memref<1x128xi32, #tpu.memory_space<vmem>>
    %dma_wait3A_499 = tpu.memref_squeeze %dma_wait3A_498 : memref<1x128xi32, #tpu.memory_space<vmem>> -> memref<128xi32, #tpu.memory_space<vmem>>
    %dma_wait3A_500 = arith.constant 0 : i32
    %dma_wait3A_501 = arith.constant 0 : i32
    %dma_wait3A_502 = tpu.memref_slice %arg5[%dma_wait3A_500, %dma_wait3A_501] : memref<1000000x32xf32, #tpu.memory_space<hbm>> -> memref<1000000x32xf32, #tpu.memory_space<hbm>>
    tpu.wait_indirect_dma semaphore(%arg22 : memref<!tpu.dma_semaphore, #tpu.memory_space<semaphore_mem>>) src(%dma_wait3A_502 : memref<1000000x32xf32, #tpu.memory_space<hbm>>) dst(%dma_wait3A_496 : memref<128x32xf32, #tpu.memory_space<vmem>>)
    %dma_wait3A_503 = arith.constant 3 : i32
    %dma_wait3A_504 = arith.constant 1 : i32
    %dma_wait3A_505 = arith.constant 0 : i32
    %dma_wait3A_506 = arith.constant 0 : i32
    %dma_wait3A_507 = tpu.memref_slice %arg15[%dma_wait3A_504, %dma_wait3A_505, %dma_wait3A_506] : memref<2x128x32xf32, #tpu.memory_space<vmem>> -> memref<1x128x32xf32, #tpu.memory_space<vmem>>
    %dma_wait3A_508 = tpu.memref_squeeze %dma_wait3A_507 : memref<1x128x32xf32, #tpu.memory_space<vmem>> -> memref<128x32xf32, #tpu.memory_space<vmem>>
    %dma_wait3A_509 = arith.constant 0 : i32
    %dma_wait3A_510 = tpu.memref_slice %arg12[%dma_wait3A_503, %dma_wait3A_509] : memref<4x128xi32, #tpu.memory_space<vmem>> -> memref<1x128xi32, #tpu.memory_space<vmem>>
    %dma_wait3A_511 = tpu.memref_squeeze %dma_wait3A_510 : memref<1x128xi32, #tpu.memory_space<vmem>> -> memref<128xi32, #tpu.memory_space<vmem>>
    %dma_wait3A_512 = arith.constant 0 : i32
    %dma_wait3A_513 = arith.constant 0 : i32
    %dma_wait3A_514 = tpu.memref_slice %arg6[%dma_wait3A_512, %dma_wait3A_513] : memref<1000000x32xf32, #tpu.memory_space<hbm>> -> memref<1000000x32xf32, #tpu.memory_space<hbm>>
    tpu.wait_indirect_dma semaphore(%arg22 : memref<!tpu.dma_semaphore, #tpu.memory_space<semaphore_mem>>) src(%dma_wait3A_514 : memref<1000000x32xf32, #tpu.memory_space<hbm>>) dst(%dma_wait3A_508 : memref<128x32xf32, #tpu.memory_space<vmem>>)
    %dma_wait3A_515 = arith.constant 3 : i32
    %dma_wait3A_516 = arith.constant 1 : i32
    %dma_wait3A_517 = arith.constant 0 : i32
    %dma_wait3A_518 = arith.constant 0 : i32
    %dma_wait3A_519 = tpu.memref_slice %arg16[%dma_wait3A_516, %dma_wait3A_517, %dma_wait3A_518] : memref<2x128x32xf32, #tpu.memory_space<vmem>> -> memref<1x128x32xf32, #tpu.memory_space<vmem>>
    %dma_wait3A_520 = tpu.memref_squeeze %dma_wait3A_519 : memref<1x128x32xf32, #tpu.memory_space<vmem>> -> memref<128x32xf32, #tpu.memory_space<vmem>>
    %dma_wait3A_521 = arith.constant 0 : i32
    %dma_wait3A_522 = tpu.memref_slice %arg13[%dma_wait3A_515, %dma_wait3A_521] : memref<4x128xi32, #tpu.memory_space<vmem>> -> memref<1x128xi32, #tpu.memory_space<vmem>>
    %dma_wait3A_523 = tpu.memref_squeeze %dma_wait3A_522 : memref<1x128xi32, #tpu.memory_space<vmem>> -> memref<128xi32, #tpu.memory_space<vmem>>
    %dma_wait3A_524 = arith.constant 0 : i32
    %dma_wait3A_525 = arith.constant 0 : i32
    %dma_wait3A_526 = tpu.memref_slice %arg6[%dma_wait3A_524, %dma_wait3A_525] : memref<1000000x32xf32, #tpu.memory_space<hbm>> -> memref<1000000x32xf32, #tpu.memory_space<hbm>>
    tpu.wait_indirect_dma semaphore(%arg22 : memref<!tpu.dma_semaphore, #tpu.memory_space<semaphore_mem>>) src(%dma_wait3A_526 : memref<1000000x32xf32, #tpu.memory_space<hbm>>) dst(%dma_wait3A_520 : memref<128x32xf32, #tpu.memory_space<vmem>>)
    %dma_wait3A_527 = arith.constant 3 : i32
    %dma_wait3A_528 = arith.constant 1 : i32
    %dma_wait3A_529 = arith.constant 0 : i32
    %dma_wait3A_530 = tpu.memref_slice %arg17[%dma_wait3A_528, %dma_wait3A_529] : memref<2x128xf32, #tpu.memory_space<vmem>> -> memref<1x128xf32, #tpu.memory_space<vmem>>
    %dma_wait3A_531 = tpu.memref_squeeze %dma_wait3A_530 : memref<1x128xf32, #tpu.memory_space<vmem>> -> memref<128xf32, #tpu.memory_space<vmem>>
    %dma_wait3A_532 = arith.constant 0 : i32
    %dma_wait3A_533 = tpu.memref_slice %arg11[%dma_wait3A_527, %dma_wait3A_532] : memref<4x128xi32, #tpu.memory_space<vmem>> -> memref<1x128xi32, #tpu.memory_space<vmem>>
    %dma_wait3A_534 = tpu.memref_squeeze %dma_wait3A_533 : memref<1x128xi32, #tpu.memory_space<vmem>> -> memref<128xi32, #tpu.memory_space<vmem>>
    %dma_wait3A_535 = arith.constant 0 : i32
    %dma_wait3A_536 = tpu.memref_slice %arg7[%dma_wait3A_535] : memref<1000000xf32, #tpu.memory_space<hbm>> -> memref<1000000xf32, #tpu.memory_space<hbm>>
    tpu.wait_indirect_dma semaphore(%arg22 : memref<!tpu.dma_semaphore, #tpu.memory_space<semaphore_mem>>) src(%dma_wait3A_536 : memref<1000000xf32, #tpu.memory_space<hbm>>) dst(%dma_wait3A_531 : memref<128xf32, #tpu.memory_space<vmem>>)
    %dma_wait3A_537 = arith.constant 3 : i32
    %dma_wait3A_538 = arith.constant 1 : i32
    %dma_wait3A_539 = arith.constant 0 : i32
    %dma_wait3A_540 = tpu.memref_slice %arg18[%dma_wait3A_538, %dma_wait3A_539] : memref<2x128xf32, #tpu.memory_space<vmem>> -> memref<1x128xf32, #tpu.memory_space<vmem>>
    %dma_wait3A_541 = tpu.memref_squeeze %dma_wait3A_540 : memref<1x128xf32, #tpu.memory_space<vmem>> -> memref<128xf32, #tpu.memory_space<vmem>>
    %dma_wait3A_542 = arith.constant 0 : i32
    %dma_wait3A_543 = tpu.memref_slice %arg12[%dma_wait3A_537, %dma_wait3A_542] : memref<4x128xi32, #tpu.memory_space<vmem>> -> memref<1x128xi32, #tpu.memory_space<vmem>>
    %dma_wait3A_544 = tpu.memref_squeeze %dma_wait3A_543 : memref<1x128xi32, #tpu.memory_space<vmem>> -> memref<128xi32, #tpu.memory_space<vmem>>
    %dma_wait3A_545 = arith.constant 0 : i32
    %dma_wait3A_546 = tpu.memref_slice %arg8[%dma_wait3A_545] : memref<1000000xf32, #tpu.memory_space<hbm>> -> memref<1000000xf32, #tpu.memory_space<hbm>>
    tpu.wait_indirect_dma semaphore(%arg22 : memref<!tpu.dma_semaphore, #tpu.memory_space<semaphore_mem>>) src(%dma_wait3A_546 : memref<1000000xf32, #tpu.memory_space<hbm>>) dst(%dma_wait3A_541 : memref<128xf32, #tpu.memory_space<vmem>>)
    %dma_wait3A_547 = arith.constant 3 : i32
    %dma_wait3A_548 = arith.constant 1 : i32
    %dma_wait3A_549 = arith.constant 0 : i32
    %dma_wait3A_550 = tpu.memref_slice %arg19[%dma_wait3A_548, %dma_wait3A_549] : memref<2x128xf32, #tpu.memory_space<vmem>> -> memref<1x128xf32, #tpu.memory_space<vmem>>
    %dma_wait3A_551 = tpu.memref_squeeze %dma_wait3A_550 : memref<1x128xf32, #tpu.memory_space<vmem>> -> memref<128xf32, #tpu.memory_space<vmem>>
    %dma_wait3A_552 = arith.constant 0 : i32
    %dma_wait3A_553 = tpu.memref_slice %arg13[%dma_wait3A_547, %dma_wait3A_552] : memref<4x128xi32, #tpu.memory_space<vmem>> -> memref<1x128xi32, #tpu.memory_space<vmem>>
    %dma_wait3A_554 = tpu.memref_squeeze %dma_wait3A_553 : memref<1x128xi32, #tpu.memory_space<vmem>> -> memref<128xi32, #tpu.memory_space<vmem>>
    %dma_wait3A_555 = arith.constant 0 : i32
    %dma_wait3A_556 = tpu.memref_slice %arg8[%dma_wait3A_555] : memref<1000000xf32, #tpu.memory_space<hbm>> -> memref<1000000xf32, #tpu.memory_space<hbm>>
    tpu.wait_indirect_dma semaphore(%arg22 : memref<!tpu.dma_semaphore, #tpu.memory_space<semaphore_mem>>) src(%dma_wait3A_556 : memref<1000000xf32, #tpu.memory_space<hbm>>) dst(%dma_wait3A_551 : memref<128xf32, #tpu.memory_space<vmem>>)
    %broadcast_in_dim3A_557 = arith.constant 1 : i32
    %broadcast_in_dim3A_558 = vector.broadcast %broadcast_in_dim3A_557 : i32 to vector<16xi32>
    %broadcast_in_dim3A_559 = arith.constant 3 : i32
    %broadcast_in_dim3A_560 = vector.broadcast %broadcast_in_dim3A_559 : i32 to vector<16xi32>
    %scan3A_561 = arith.constant 0 : i32
    %scan3A_562 = arith.constant 0 : i32
    %scan3A_563 = arith.constant 8 : i32
    %scan3A_564 = arith.addi %scan3A_562, %scan3A_563 : i32
    %scan3A_565 = arith.constant 1 : i32
    scf.for %scan3A_567 = %scan3A_562 to %scan3A_564 step %scan3A_565  : i32 {
      %mul3A_568 = arith.constant 16 : i32
      %mul3A_569 = arith.muli %scan3A_567, %mul3A_568 : i32
      %add3A_570 = vector.broadcast %mul3A_569 : i32 to vector<16xi32>
      %add3A_571 = arith.addi %add3A_570, %iota3A : vector<16xi32>
      %broadcast_in_dim3A_572 = arith.constant 0.000000e+00 : f32
      %broadcast_in_dim3A_573 = vector.broadcast %broadcast_in_dim3A_572 : f32 to vector<16xf32>
      %broadcast_in_dim3A_574 = arith.constant 0.000000e+00 : f32
      %broadcast_in_dim3A_575 = vector.broadcast %broadcast_in_dim3A_574 : f32 to vector<16xf32>
      %broadcast_in_dim3A_576 = arith.constant 0 : i32
      %broadcast_in_dim3A_577 = vector.broadcast %broadcast_in_dim3A_576 : i32 to vector<16xi32>
      %gather3A = tpu.vector_load_idx %arg14[%broadcast_in_dim3A_558, %add3A_571, %broadcast_in_dim3A_577] : memref<2x128x32xf32, #tpu.memory_space<vmem>>[vector<16xi32>, vector<16xi32>, vector<16xi32>], vector<16xf32>,
      %gather3A_578 = tpu.vector_load_idx %arg15[%broadcast_in_dim3A_558, %add3A_571, %broadcast_in_dim3A_577] : memref<2x128x32xf32, #tpu.memory_space<vmem>>[vector<16xi32>, vector<16xi32>, vector<16xi32>], vector<16xf32>,
      %gather3A_579 = tpu.vector_load_idx %arg16[%broadcast_in_dim3A_558, %add3A_571, %broadcast_in_dim3A_577] : memref<2x128x32xf32, #tpu.memory_space<vmem>>[vector<16xi32>, vector<16xi32>, vector<16xi32>], vector<16xf32>,
      %mul3A_580 = arith.mulf %gather3A, %gather3A_578 : vector<16xf32>
      %add3A_581 = arith.addf %broadcast_in_dim3A_573, %mul3A_580 : vector<16xf32>
      %mul3A_582 = arith.mulf %gather3A, %gather3A_579 : vector<16xf32>
      %add3A_583 = arith.addf %broadcast_in_dim3A_575, %mul3A_582 : vector<16xf32>
      %broadcast_in_dim3A_584 = arith.constant 1 : i32
      %broadcast_in_dim3A_585 = vector.broadcast %broadcast_in_dim3A_584 : i32 to vector<16xi32>
      %gather3A_586 = tpu.vector_load_idx %arg14[%broadcast_in_dim3A_558, %add3A_571, %broadcast_in_dim3A_585] : memref<2x128x32xf32, #tpu.memory_space<vmem>>[vector<16xi32>, vector<16xi32>, vector<16xi32>], vector<16xf32>,
      %gather3A_587 = tpu.vector_load_idx %arg15[%broadcast_in_dim3A_558, %add3A_571, %broadcast_in_dim3A_585] : memref<2x128x32xf32, #tpu.memory_space<vmem>>[vector<16xi32>, vector<16xi32>, vector<16xi32>], vector<16xf32>,
      %gather3A_588 = tpu.vector_load_idx %arg16[%broadcast_in_dim3A_558, %add3A_571, %broadcast_in_dim3A_585] : memref<2x128x32xf32, #tpu.memory_space<vmem>>[vector<16xi32>, vector<16xi32>, vector<16xi32>], vector<16xf32>,
      %mul3A_589 = arith.mulf %gather3A_586, %gather3A_587 : vector<16xf32>
      %add3A_590 = arith.addf %add3A_581, %mul3A_589 : vector<16xf32>
      %mul3A_591 = arith.mulf %gather3A_586, %gather3A_588 : vector<16xf32>
      %add3A_592 = arith.addf %add3A_583, %mul3A_591 : vector<16xf32>
      %broadcast_in_dim3A_593 = arith.constant 2 : i32
      %broadcast_in_dim3A_594 = vector.broadcast %broadcast_in_dim3A_593 : i32 to vector<16xi32>
      %gather3A_595 = tpu.vector_load_idx %arg14[%broadcast_in_dim3A_558, %add3A_571, %broadcast_in_dim3A_594] : memref<2x128x32xf32, #tpu.memory_space<vmem>>[vector<16xi32>, vector<16xi32>, vector<16xi32>], vector<16xf32>,
      %gather3A_596 = tpu.vector_load_idx %arg15[%broadcast_in_dim3A_558, %add3A_571, %broadcast_in_dim3A_594] : memref<2x128x32xf32, #tpu.memory_space<vmem>>[vector<16xi32>, vector<16xi32>, vector<16xi32>], vector<16xf32>,
      %gather3A_597 = tpu.vector_load_idx %arg16[%broadcast_in_dim3A_558, %add3A_571, %broadcast_in_dim3A_594] : memref<2x128x32xf32, #tpu.memory_space<vmem>>[vector<16xi32>, vector<16xi32>, vector<16xi32>], vector<16xf32>,
      %mul3A_598 = arith.mulf %gather3A_595, %gather3A_596 : vector<16xf32>
      %add3A_599 = arith.addf %add3A_590, %mul3A_598 : vector<16xf32>
      %mul3A_600 = arith.mulf %gather3A_595, %gather3A_597 : vector<16xf32>
      %add3A_601 = arith.addf %add3A_592, %mul3A_600 : vector<16xf32>
      %broadcast_in_dim3A_602 = arith.constant 3 : i32
      %broadcast_in_dim3A_603 = vector.broadcast %broadcast_in_dim3A_602 : i32 to vector<16xi32>
      %gather3A_604 = tpu.vector_load_idx %arg14[%broadcast_in_dim3A_558, %add3A_571, %broadcast_in_dim3A_603] : memref<2x128x32xf32, #tpu.memory_space<vmem>>[vector<16xi32>, vector<16xi32>, vector<16xi32>], vector<16xf32>,
      %gather3A_605 = tpu.vector_load_idx %arg15[%broadcast_in_dim3A_558, %add3A_571, %broadcast_in_dim3A_603] : memref<2x128x32xf32, #tpu.memory_space<vmem>>[vector<16xi32>, vector<16xi32>, vector<16xi32>], vector<16xf32>,
      %gather3A_606 = tpu.vector_load_idx %arg16[%broadcast_in_dim3A_558, %add3A_571, %broadcast_in_dim3A_603] : memref<2x128x32xf32, #tpu.memory_space<vmem>>[vector<16xi32>, vector<16xi32>, vector<16xi32>], vector<16xf32>,
      %mul3A_607 = arith.mulf %gather3A_604, %gather3A_605 : vector<16xf32>
      %add3A_608 = arith.addf %add3A_599, %mul3A_607 : vector<16xf32>
      %mul3A_609 = arith.mulf %gather3A_604, %gather3A_606 : vector<16xf32>
      %add3A_610 = arith.addf %add3A_601, %mul3A_609 : vector<16xf32>
      %broadcast_in_dim3A_611 = arith.constant 4 : i32
      %broadcast_in_dim3A_612 = vector.broadcast %broadcast_in_dim3A_611 : i32 to vector<16xi32>
      %gather3A_613 = tpu.vector_load_idx %arg14[%broadcast_in_dim3A_558, %add3A_571, %broadcast_in_dim3A_612] : memref<2x128x32xf32, #tpu.memory_space<vmem>>[vector<16xi32>, vector<16xi32>, vector<16xi32>], vector<16xf32>,
      %gather3A_614 = tpu.vector_load_idx %arg15[%broadcast_in_dim3A_558, %add3A_571, %broadcast_in_dim3A_612] : memref<2x128x32xf32, #tpu.memory_space<vmem>>[vector<16xi32>, vector<16xi32>, vector<16xi32>], vector<16xf32>,
      %gather3A_615 = tpu.vector_load_idx %arg16[%broadcast_in_dim3A_558, %add3A_571, %broadcast_in_dim3A_612] : memref<2x128x32xf32, #tpu.memory_space<vmem>>[vector<16xi32>, vector<16xi32>, vector<16xi32>], vector<16xf32>,
      %mul3A_616 = arith.mulf %gather3A_613, %gather3A_614 : vector<16xf32>
      %add3A_617 = arith.addf %add3A_608, %mul3A_616 : vector<16xf32>
      %mul3A_618 = arith.mulf %gather3A_613, %gather3A_615 : vector<16xf32>
      %add3A_619 = arith.addf %add3A_610, %mul3A_618 : vector<16xf32>
      %broadcast_in_dim3A_620 = arith.constant 5 : i32
      %broadcast_in_dim3A_621 = vector.broadcast %broadcast_in_dim3A_620 : i32 to vector<16xi32>
      %gather3A_622 = tpu.vector_load_idx %arg14[%broadcast_in_dim3A_558, %add3A_571, %broadcast_in_dim3A_621] : memref<2x128x32xf32, #tpu.memory_space<vmem>>[vector<16xi32>, vector<16xi32>, vector<16xi32>], vector<16xf32>,
      %gather3A_623 = tpu.vector_load_idx %arg15[%broadcast_in_dim3A_558, %add3A_571, %broadcast_in_dim3A_621] : memref<2x128x32xf32, #tpu.memory_space<vmem>>[vector<16xi32>, vector<16xi32>, vector<16xi32>], vector<16xf32>,
      %gather3A_624 = tpu.vector_load_idx %arg16[%broadcast_in_dim3A_558, %add3A_571, %broadcast_in_dim3A_621] : memref<2x128x32xf32, #tpu.memory_space<vmem>>[vector<16xi32>, vector<16xi32>, vector<16xi32>], vector<16xf32>,
      %mul3A_625 = arith.mulf %gather3A_622, %gather3A_623 : vector<16xf32>
      %add3A_626 = arith.addf %add3A_617, %mul3A_625 : vector<16xf32>
      %mul3A_627 = arith.mulf %gather3A_622, %gather3A_624 : vector<16xf32>
      %add3A_628 = arith.addf %add3A_619, %mul3A_627 : vector<16xf32>
      %broadcast_in_dim3A_629 = arith.constant 6 : i32
      %broadcast_in_dim3A_630 = vector.broadcast %broadcast_in_dim3A_629 : i32 to vector<16xi32>
      %gather3A_631 = tpu.vector_load_idx %arg14[%broadcast_in_dim3A_558, %add3A_571, %broadcast_in_dim3A_630] : memref<2x128x32xf32, #tpu.memory_space<vmem>>[vector<16xi32>, vector<16xi32>, vector<16xi32>], vector<16xf32>,
      %gather3A_632 = tpu.vector_load_idx %arg15[%broadcast_in_dim3A_558, %add3A_571, %broadcast_in_dim3A_630] : memref<2x128x32xf32, #tpu.memory_space<vmem>>[vector<16xi32>, vector<16xi32>, vector<16xi32>], vector<16xf32>,
      %gather3A_633 = tpu.vector_load_idx %arg16[%broadcast_in_dim3A_558, %add3A_571, %broadcast_in_dim3A_630] : memref<2x128x32xf32, #tpu.memory_space<vmem>>[vector<16xi32>, vector<16xi32>, vector<16xi32>], vector<16xf32>,
      %mul3A_634 = arith.mulf %gather3A_631, %gather3A_632 : vector<16xf32>
      %add3A_635 = arith.addf %add3A_626, %mul3A_634 : vector<16xf32>
      %mul3A_636 = arith.mulf %gather3A_631, %gather3A_633 : vector<16xf32>
      %add3A_637 = arith.addf %add3A_628, %mul3A_636 : vector<16xf32>
      %broadcast_in_dim3A_638 = arith.constant 7 : i32
      %broadcast_in_dim3A_639 = vector.broadcast %broadcast_in_dim3A_638 : i32 to vector<16xi32>
      %gather3A_640 = tpu.vector_load_idx %arg14[%broadcast_in_dim3A_558, %add3A_571, %broadcast_in_dim3A_639] : memref<2x128x32xf32, #tpu.memory_space<vmem>>[vector<16xi32>, vector<16xi32>, vector<16xi32>], vector<16xf32>,
      %gather3A_641 = tpu.vector_load_idx %arg15[%broadcast_in_dim3A_558, %add3A_571, %broadcast_in_dim3A_639] : memref<2x128x32xf32, #tpu.memory_space<vmem>>[vector<16xi32>, vector<16xi32>, vector<16xi32>], vector<16xf32>,
      %gather3A_642 = tpu.vector_load_idx %arg16[%broadcast_in_dim3A_558, %add3A_571, %broadcast_in_dim3A_639] : memref<2x128x32xf32, #tpu.memory_space<vmem>>[vector<16xi32>, vector<16xi32>, vector<16xi32>], vector<16xf32>,
      %mul3A_643 = arith.mulf %gather3A_640, %gather3A_641 : vector<16xf32>
      %add3A_644 = arith.addf %add3A_635, %mul3A_643 : vector<16xf32>
      %mul3A_645 = arith.mulf %gather3A_640, %gather3A_642 : vector<16xf32>
      %add3A_646 = arith.addf %add3A_637, %mul3A_645 : vector<16xf32>
      %broadcast_in_dim3A_647 = arith.constant 8 : i32
      %broadcast_in_dim3A_648 = vector.broadcast %broadcast_in_dim3A_647 : i32 to vector<16xi32>
      %gather3A_649 = tpu.vector_load_idx %arg14[%broadcast_in_dim3A_558, %add3A_571, %broadcast_in_dim3A_648] : memref<2x128x32xf32, #tpu.memory_space<vmem>>[vector<16xi32>, vector<16xi32>, vector<16xi32>], vector<16xf32>,
      %gather3A_650 = tpu.vector_load_idx %arg15[%broadcast_in_dim3A_558, %add3A_571, %broadcast_in_dim3A_648] : memref<2x128x32xf32, #tpu.memory_space<vmem>>[vector<16xi32>, vector<16xi32>, vector<16xi32>], vector<16xf32>,
      %gather3A_651 = tpu.vector_load_idx %arg16[%broadcast_in_dim3A_558, %add3A_571, %broadcast_in_dim3A_648] : memref<2x128x32xf32, #tpu.memory_space<vmem>>[vector<16xi32>, vector<16xi32>, vector<16xi32>], vector<16xf32>,
      %mul3A_652 = arith.mulf %gather3A_649, %gather3A_650 : vector<16xf32>
      %add3A_653 = arith.addf %add3A_644, %mul3A_652 : vector<16xf32>
      %mul3A_654 = arith.mulf %gather3A_649, %gather3A_651 : vector<16xf32>
      %add3A_655 = arith.addf %add3A_646, %mul3A_654 : vector<16xf32>
      %broadcast_in_dim3A_656 = arith.constant 9 : i32
      %broadcast_in_dim3A_657 = vector.broadcast %broadcast_in_dim3A_656 : i32 to vector<16xi32>
      %gather3A_658 = tpu.vector_load_idx %arg14[%broadcast_in_dim3A_558, %add3A_571, %broadcast_in_dim3A_657] : memref<2x128x32xf32, #tpu.memory_space<vmem>>[vector<16xi32>, vector<16xi32>, vector<16xi32>], vector<16xf32>,
      %gather3A_659 = tpu.vector_load_idx %arg15[%broadcast_in_dim3A_558, %add3A_571, %broadcast_in_dim3A_657] : memref<2x128x32xf32, #tpu.memory_space<vmem>>[vector<16xi32>, vector<16xi32>, vector<16xi32>], vector<16xf32>,
      %gather3A_660 = tpu.vector_load_idx %arg16[%broadcast_in_dim3A_558, %add3A_571, %broadcast_in_dim3A_657] : memref<2x128x32xf32, #tpu.memory_space<vmem>>[vector<16xi32>, vector<16xi32>, vector<16xi32>], vector<16xf32>,
      %mul3A_661 = arith.mulf %gather3A_658, %gather3A_659 : vector<16xf32>
      %add3A_662 = arith.addf %add3A_653, %mul3A_661 : vector<16xf32>
      %mul3A_663 = arith.mulf %gather3A_658, %gather3A_660 : vector<16xf32>
      %add3A_664 = arith.addf %add3A_655, %mul3A_663 : vector<16xf32>
      %broadcast_in_dim3A_665 = arith.constant 10 : i32
      %broadcast_in_dim3A_666 = vector.broadcast %broadcast_in_dim3A_665 : i32 to vector<16xi32>
      %gather3A_667 = tpu.vector_load_idx %arg14[%broadcast_in_dim3A_558, %add3A_571, %broadcast_in_dim3A_666] : memref<2x128x32xf32, #tpu.memory_space<vmem>>[vector<16xi32>, vector<16xi32>, vector<16xi32>], vector<16xf32>,
      %gather3A_668 = tpu.vector_load_idx %arg15[%broadcast_in_dim3A_558, %add3A_571, %broadcast_in_dim3A_666] : memref<2x128x32xf32, #tpu.memory_space<vmem>>[vector<16xi32>, vector<16xi32>, vector<16xi32>], vector<16xf32>,
      %gather3A_669 = tpu.vector_load_idx %arg16[%broadcast_in_dim3A_558, %add3A_571, %broadcast_in_dim3A_666] : memref<2x128x32xf32, #tpu.memory_space<vmem>>[vector<16xi32>, vector<16xi32>, vector<16xi32>], vector<16xf32>,
      %mul3A_670 = arith.mulf %gather3A_667, %gather3A_668 : vector<16xf32>
      %add3A_671 = arith.addf %add3A_662, %mul3A_670 : vector<16xf32>
      %mul3A_672 = arith.mulf %gather3A_667, %gather3A_669 : vector<16xf32>
      %add3A_673 = arith.addf %add3A_664, %mul3A_672 : vector<16xf32>
      %broadcast_in_dim3A_674 = arith.constant 11 : i32
      %broadcast_in_dim3A_675 = vector.broadcast %broadcast_in_dim3A_674 : i32 to vector<16xi32>
      %gather3A_676 = tpu.vector_load_idx %arg14[%broadcast_in_dim3A_558, %add3A_571, %broadcast_in_dim3A_675] : memref<2x128x32xf32, #tpu.memory_space<vmem>>[vector<16xi32>, vector<16xi32>, vector<16xi32>], vector<16xf32>,
      %gather3A_677 = tpu.vector_load_idx %arg15[%broadcast_in_dim3A_558, %add3A_571, %broadcast_in_dim3A_675] : memref<2x128x32xf32, #tpu.memory_space<vmem>>[vector<16xi32>, vector<16xi32>, vector<16xi32>], vector<16xf32>,
      %gather3A_678 = tpu.vector_load_idx %arg16[%broadcast_in_dim3A_558, %add3A_571, %broadcast_in_dim3A_675] : memref<2x128x32xf32, #tpu.memory_space<vmem>>[vector<16xi32>, vector<16xi32>, vector<16xi32>], vector<16xf32>,
      %mul3A_679 = arith.mulf %gather3A_676, %gather3A_677 : vector<16xf32>
      %add3A_680 = arith.addf %add3A_671, %mul3A_679 : vector<16xf32>
      %mul3A_681 = arith.mulf %gather3A_676, %gather3A_678 : vector<16xf32>
      %add3A_682 = arith.addf %add3A_673, %mul3A_681 : vector<16xf32>
      %broadcast_in_dim3A_683 = arith.constant 12 : i32
      %broadcast_in_dim3A_684 = vector.broadcast %broadcast_in_dim3A_683 : i32 to vector<16xi32>
      %gather3A_685 = tpu.vector_load_idx %arg14[%broadcast_in_dim3A_558, %add3A_571, %broadcast_in_dim3A_684] : memref<2x128x32xf32, #tpu.memory_space<vmem>>[vector<16xi32>, vector<16xi32>, vector<16xi32>], vector<16xf32>,
      %gather3A_686 = tpu.vector_load_idx %arg15[%broadcast_in_dim3A_558, %add3A_571, %broadcast_in_dim3A_684] : memref<2x128x32xf32, #tpu.memory_space<vmem>>[vector<16xi32>, vector<16xi32>, vector<16xi32>], vector<16xf32>,
      %gather3A_687 = tpu.vector_load_idx %arg16[%broadcast_in_dim3A_558, %add3A_571, %broadcast_in_dim3A_684] : memref<2x128x32xf32, #tpu.memory_space<vmem>>[vector<16xi32>, vector<16xi32>, vector<16xi32>], vector<16xf32>,
      %mul3A_688 = arith.mulf %gather3A_685, %gather3A_686 : vector<16xf32>
      %add3A_689 = arith.addf %add3A_680, %mul3A_688 : vector<16xf32>
      %mul3A_690 = arith.mulf %gather3A_685, %gather3A_687 : vector<16xf32>
      %add3A_691 = arith.addf %add3A_682, %mul3A_690 : vector<16xf32>
      %broadcast_in_dim3A_692 = arith.constant 13 : i32
      %broadcast_in_dim3A_693 = vector.broadcast %broadcast_in_dim3A_692 : i32 to vector<16xi32>
      %gather3A_694 = tpu.vector_load_idx %arg14[%broadcast_in_dim3A_558, %add3A_571, %broadcast_in_dim3A_693] : memref<2x128x32xf32, #tpu.memory_space<vmem>>[vector<16xi32>, vector<16xi32>, vector<16xi32>], vector<16xf32>,
      %gather3A_695 = tpu.vector_load_idx %arg15[%broadcast_in_dim3A_558, %add3A_571, %broadcast_in_dim3A_693] : memref<2x128x32xf32, #tpu.memory_space<vmem>>[vector<16xi32>, vector<16xi32>, vector<16xi32>], vector<16xf32>,
      %gather3A_696 = tpu.vector_load_idx %arg16[%broadcast_in_dim3A_558, %add3A_571, %broadcast_in_dim3A_693] : memref<2x128x32xf32, #tpu.memory_space<vmem>>[vector<16xi32>, vector<16xi32>, vector<16xi32>], vector<16xf32>,
      %mul3A_697 = arith.mulf %gather3A_694, %gather3A_695 : vector<16xf32>
      %add3A_698 = arith.addf %add3A_689, %mul3A_697 : vector<16xf32>
      %mul3A_699 = arith.mulf %gather3A_694, %gather3A_696 : vector<16xf32>
      %add3A_700 = arith.addf %add3A_691, %mul3A_699 : vector<16xf32>
      %broadcast_in_dim3A_701 = arith.constant 14 : i32
      %broadcast_in_dim3A_702 = vector.broadcast %broadcast_in_dim3A_701 : i32 to vector<16xi32>
      %gather3A_703 = tpu.vector_load_idx %arg14[%broadcast_in_dim3A_558, %add3A_571, %broadcast_in_dim3A_702] : memref<2x128x32xf32, #tpu.memory_space<vmem>>[vector<16xi32>, vector<16xi32>, vector<16xi32>], vector<16xf32>,
      %gather3A_704 = tpu.vector_load_idx %arg15[%broadcast_in_dim3A_558, %add3A_571, %broadcast_in_dim3A_702] : memref<2x128x32xf32, #tpu.memory_space<vmem>>[vector<16xi32>, vector<16xi32>, vector<16xi32>], vector<16xf32>,
      %gather3A_705 = tpu.vector_load_idx %arg16[%broadcast_in_dim3A_558, %add3A_571, %broadcast_in_dim3A_702] : memref<2x128x32xf32, #tpu.memory_space<vmem>>[vector<16xi32>, vector<16xi32>, vector<16xi32>], vector<16xf32>,
      %mul3A_706 = arith.mulf %gather3A_703, %gather3A_704 : vector<16xf32>
      %add3A_707 = arith.addf %add3A_698, %mul3A_706 : vector<16xf32>
      %mul3A_708 = arith.mulf %gather3A_703, %gather3A_705 : vector<16xf32>
      %add3A_709 = arith.addf %add3A_700, %mul3A_708 : vector<16xf32>
      %broadcast_in_dim3A_710 = arith.constant 15 : i32
      %broadcast_in_dim3A_711 = vector.broadcast %broadcast_in_dim3A_710 : i32 to vector<16xi32>
      %gather3A_712 = tpu.vector_load_idx %arg14[%broadcast_in_dim3A_558, %add3A_571, %broadcast_in_dim3A_711] : memref<2x128x32xf32, #tpu.memory_space<vmem>>[vector<16xi32>, vector<16xi32>, vector<16xi32>], vector<16xf32>,
      %gather3A_713 = tpu.vector_load_idx %arg15[%broadcast_in_dim3A_558, %add3A_571, %broadcast_in_dim3A_711] : memref<2x128x32xf32, #tpu.memory_space<vmem>>[vector<16xi32>, vector<16xi32>, vector<16xi32>], vector<16xf32>,
      %gather3A_714 = tpu.vector_load_idx %arg16[%broadcast_in_dim3A_558, %add3A_571, %broadcast_in_dim3A_711] : memref<2x128x32xf32, #tpu.memory_space<vmem>>[vector<16xi32>, vector<16xi32>, vector<16xi32>], vector<16xf32>,
      %mul3A_715 = arith.mulf %gather3A_712, %gather3A_713 : vector<16xf32>
      %add3A_716 = arith.addf %add3A_707, %mul3A_715 : vector<16xf32>
      %mul3A_717 = arith.mulf %gather3A_712, %gather3A_714 : vector<16xf32>
      %add3A_718 = arith.addf %add3A_709, %mul3A_717 : vector<16xf32>
      %broadcast_in_dim3A_719 = arith.constant 16 : i32
      %broadcast_in_dim3A_720 = vector.broadcast %broadcast_in_dim3A_719 : i32 to vector<16xi32>
      %gather3A_721 = tpu.vector_load_idx %arg14[%broadcast_in_dim3A_558, %add3A_571, %broadcast_in_dim3A_720] : memref<2x128x32xf32, #tpu.memory_space<vmem>>[vector<16xi32>, vector<16xi32>, vector<16xi32>], vector<16xf32>,
      %gather3A_722 = tpu.vector_load_idx %arg15[%broadcast_in_dim3A_558, %add3A_571, %broadcast_in_dim3A_720] : memref<2x128x32xf32, #tpu.memory_space<vmem>>[vector<16xi32>, vector<16xi32>, vector<16xi32>], vector<16xf32>,
      %gather3A_723 = tpu.vector_load_idx %arg16[%broadcast_in_dim3A_558, %add3A_571, %broadcast_in_dim3A_720] : memref<2x128x32xf32, #tpu.memory_space<vmem>>[vector<16xi32>, vector<16xi32>, vector<16xi32>], vector<16xf32>,
      %mul3A_724 = arith.mulf %gather3A_721, %gather3A_722 : vector<16xf32>
      %add3A_725 = arith.addf %add3A_716, %mul3A_724 : vector<16xf32>
      %mul3A_726 = arith.mulf %gather3A_721, %gather3A_723 : vector<16xf32>
      %add3A_727 = arith.addf %add3A_718, %mul3A_726 : vector<16xf32>
      %broadcast_in_dim3A_728 = arith.constant 17 : i32
      %broadcast_in_dim3A_729 = vector.broadcast %broadcast_in_dim3A_728 : i32 to vector<16xi32>
      %gather3A_730 = tpu.vector_load_idx %arg14[%broadcast_in_dim3A_558, %add3A_571, %broadcast_in_dim3A_729] : memref<2x128x32xf32, #tpu.memory_space<vmem>>[vector<16xi32>, vector<16xi32>, vector<16xi32>], vector<16xf32>,
      %gather3A_731 = tpu.vector_load_idx %arg15[%broadcast_in_dim3A_558, %add3A_571, %broadcast_in_dim3A_729] : memref<2x128x32xf32, #tpu.memory_space<vmem>>[vector<16xi32>, vector<16xi32>, vector<16xi32>], vector<16xf32>,
      %gather3A_732 = tpu.vector_load_idx %arg16[%broadcast_in_dim3A_558, %add3A_571, %broadcast_in_dim3A_729] : memref<2x128x32xf32, #tpu.memory_space<vmem>>[vector<16xi32>, vector<16xi32>, vector<16xi32>], vector<16xf32>,
      %mul3A_733 = arith.mulf %gather3A_730, %gather3A_731 : vector<16xf32>
      %add3A_734 = arith.addf %add3A_725, %mul3A_733 : vector<16xf32>
      %mul3A_735 = arith.mulf %gather3A_730, %gather3A_732 : vector<16xf32>
      %add3A_736 = arith.addf %add3A_727, %mul3A_735 : vector<16xf32>
      %broadcast_in_dim3A_737 = arith.constant 18 : i32
      %broadcast_in_dim3A_738 = vector.broadcast %broadcast_in_dim3A_737 : i32 to vector<16xi32>
      %gather3A_739 = tpu.vector_load_idx %arg14[%broadcast_in_dim3A_558, %add3A_571, %broadcast_in_dim3A_738] : memref<2x128x32xf32, #tpu.memory_space<vmem>>[vector<16xi32>, vector<16xi32>, vector<16xi32>], vector<16xf32>,
      %gather3A_740 = tpu.vector_load_idx %arg15[%broadcast_in_dim3A_558, %add3A_571, %broadcast_in_dim3A_738] : memref<2x128x32xf32, #tpu.memory_space<vmem>>[vector<16xi32>, vector<16xi32>, vector<16xi32>], vector<16xf32>,
      %gather3A_741 = tpu.vector_load_idx %arg16[%broadcast_in_dim3A_558, %add3A_571, %broadcast_in_dim3A_738] : memref<2x128x32xf32, #tpu.memory_space<vmem>>[vector<16xi32>, vector<16xi32>, vector<16xi32>], vector<16xf32>,
      %mul3A_742 = arith.mulf %gather3A_739, %gather3A_740 : vector<16xf32>
      %add3A_743 = arith.addf %add3A_734, %mul3A_742 : vector<16xf32>
      %mul3A_744 = arith.mulf %gather3A_739, %gather3A_741 : vector<16xf32>
      %add3A_745 = arith.addf %add3A_736, %mul3A_744 : vector<16xf32>
      %broadcast_in_dim3A_746 = arith.constant 19 : i32
      %broadcast_in_dim3A_747 = vector.broadcast %broadcast_in_dim3A_746 : i32 to vector<16xi32>
      %gather3A_748 = tpu.vector_load_idx %arg14[%broadcast_in_dim3A_558, %add3A_571, %broadcast_in_dim3A_747] : memref<2x128x32xf32, #tpu.memory_space<vmem>>[vector<16xi32>, vector<16xi32>, vector<16xi32>], vector<16xf32>,
      %gather3A_749 = tpu.vector_load_idx %arg15[%broadcast_in_dim3A_558, %add3A_571, %broadcast_in_dim3A_747] : memref<2x128x32xf32, #tpu.memory_space<vmem>>[vector<16xi32>, vector<16xi32>, vector<16xi32>], vector<16xf32>,
      %gather3A_750 = tpu.vector_load_idx %arg16[%broadcast_in_dim3A_558, %add3A_571, %broadcast_in_dim3A_747] : memref<2x128x32xf32, #tpu.memory_space<vmem>>[vector<16xi32>, vector<16xi32>, vector<16xi32>], vector<16xf32>,
      %mul3A_751 = arith.mulf %gather3A_748, %gather3A_749 : vector<16xf32>
      %add3A_752 = arith.addf %add3A_743, %mul3A_751 : vector<16xf32>
      %mul3A_753 = arith.mulf %gather3A_748, %gather3A_750 : vector<16xf32>
      %add3A_754 = arith.addf %add3A_745, %mul3A_753 : vector<16xf32>
      %broadcast_in_dim3A_755 = arith.constant 20 : i32
      %broadcast_in_dim3A_756 = vector.broadcast %broadcast_in_dim3A_755 : i32 to vector<16xi32>
      %gather3A_757 = tpu.vector_load_idx %arg14[%broadcast_in_dim3A_558, %add3A_571, %broadcast_in_dim3A_756] : memref<2x128x32xf32, #tpu.memory_space<vmem>>[vector<16xi32>, vector<16xi32>, vector<16xi32>], vector<16xf32>,
      %gather3A_758 = tpu.vector_load_idx %arg15[%broadcast_in_dim3A_558, %add3A_571, %broadcast_in_dim3A_756] : memref<2x128x32xf32, #tpu.memory_space<vmem>>[vector<16xi32>, vector<16xi32>, vector<16xi32>], vector<16xf32>,
      %gather3A_759 = tpu.vector_load_idx %arg16[%broadcast_in_dim3A_558, %add3A_571, %broadcast_in_dim3A_756] : memref<2x128x32xf32, #tpu.memory_space<vmem>>[vector<16xi32>, vector<16xi32>, vector<16xi32>], vector<16xf32>,
      %mul3A_760 = arith.mulf %gather3A_757, %gather3A_758 : vector<16xf32>
      %add3A_761 = arith.addf %add3A_752, %mul3A_760 : vector<16xf32>
      %mul3A_762 = arith.mulf %gather3A_757, %gather3A_759 : vector<16xf32>
      %add3A_763 = arith.addf %add3A_754, %mul3A_762 : vector<16xf32>
      %broadcast_in_dim3A_764 = arith.constant 21 : i32
      %broadcast_in_dim3A_765 = vector.broadcast %broadcast_in_dim3A_764 : i32 to vector<16xi32>
      %gather3A_766 = tpu.vector_load_idx %arg14[%broadcast_in_dim3A_558, %add3A_571, %broadcast_in_dim3A_765] : memref<2x128x32xf32, #tpu.memory_space<vmem>>[vector<16xi32>, vector<16xi32>, vector<16xi32>], vector<16xf32>,
      %gather3A_767 = tpu.vector_load_idx %arg15[%broadcast_in_dim3A_558, %add3A_571, %broadcast_in_dim3A_765] : memref<2x128x32xf32, #tpu.memory_space<vmem>>[vector<16xi32>, vector<16xi32>, vector<16xi32>], vector<16xf32>,
      %gather3A_768 = tpu.vector_load_idx %arg16[%broadcast_in_dim3A_558, %add3A_571, %broadcast_in_dim3A_765] : memref<2x128x32xf32, #tpu.memory_space<vmem>>[vector<16xi32>, vector<16xi32>, vector<16xi32>], vector<16xf32>,
      %mul3A_769 = arith.mulf %gather3A_766, %gather3A_767 : vector<16xf32>
      %add3A_770 = arith.addf %add3A_761, %mul3A_769 : vector<16xf32>
      %mul3A_771 = arith.mulf %gather3A_766, %gather3A_768 : vector<16xf32>
      %add3A_772 = arith.addf %add3A_763, %mul3A_771 : vector<16xf32>
      %broadcast_in_dim3A_773 = arith.constant 22 : i32
      %broadcast_in_dim3A_774 = vector.broadcast %broadcast_in_dim3A_773 : i32 to vector<16xi32>
      %gather3A_775 = tpu.vector_load_idx %arg14[%broadcast_in_dim3A_558, %add3A_571, %broadcast_in_dim3A_774] : memref<2x128x32xf32, #tpu.memory_space<vmem>>[vector<16xi32>, vector<16xi32>, vector<16xi32>], vector<16xf32>,
      %gather3A_776 = tpu.vector_load_idx %arg15[%broadcast_in_dim3A_558, %add3A_571, %broadcast_in_dim3A_774] : memref<2x128x32xf32, #tpu.memory_space<vmem>>[vector<16xi32>, vector<16xi32>, vector<16xi32>], vector<16xf32>,
      %gather3A_777 = tpu.vector_load_idx %arg16[%broadcast_in_dim3A_558, %add3A_571, %broadcast_in_dim3A_774] : memref<2x128x32xf32, #tpu.memory_space<vmem>>[vector<16xi32>, vector<16xi32>, vector<16xi32>], vector<16xf32>,
      %mul3A_778 = arith.mulf %gather3A_775, %gather3A_776 : vector<16xf32>
      %add3A_779 = arith.addf %add3A_770, %mul3A_778 : vector<16xf32>
      %mul3A_780 = arith.mulf %gather3A_775, %gather3A_777 : vector<16xf32>
      %add3A_781 = arith.addf %add3A_772, %mul3A_780 : vector<16xf32>
      %broadcast_in_dim3A_782 = arith.constant 23 : i32
      %broadcast_in_dim3A_783 = vector.broadcast %broadcast_in_dim3A_782 : i32 to vector<16xi32>
      %gather3A_784 = tpu.vector_load_idx %arg14[%broadcast_in_dim3A_558, %add3A_571, %broadcast_in_dim3A_783] : memref<2x128x32xf32, #tpu.memory_space<vmem>>[vector<16xi32>, vector<16xi32>, vector<16xi32>], vector<16xf32>,
      %gather3A_785 = tpu.vector_load_idx %arg15[%broadcast_in_dim3A_558, %add3A_571, %broadcast_in_dim3A_783] : memref<2x128x32xf32, #tpu.memory_space<vmem>>[vector<16xi32>, vector<16xi32>, vector<16xi32>], vector<16xf32>,
      %gather3A_786 = tpu.vector_load_idx %arg16[%broadcast_in_dim3A_558, %add3A_571, %broadcast_in_dim3A_783] : memref<2x128x32xf32, #tpu.memory_space<vmem>>[vector<16xi32>, vector<16xi32>, vector<16xi32>], vector<16xf32>,
      %mul3A_787 = arith.mulf %gather3A_784, %gather3A_785 : vector<16xf32>
      %add3A_788 = arith.addf %add3A_779, %mul3A_787 : vector<16xf32>
      %mul3A_789 = arith.mulf %gather3A_784, %gather3A_786 : vector<16xf32>
      %add3A_790 = arith.addf %add3A_781, %mul3A_789 : vector<16xf32>
      %broadcast_in_dim3A_791 = arith.constant 24 : i32
      %broadcast_in_dim3A_792 = vector.broadcast %broadcast_in_dim3A_791 : i32 to vector<16xi32>
      %gather3A_793 = tpu.vector_load_idx %arg14[%broadcast_in_dim3A_558, %add3A_571, %broadcast_in_dim3A_792] : memref<2x128x32xf32, #tpu.memory_space<vmem>>[vector<16xi32>, vector<16xi32>, vector<16xi32>], vector<16xf32>,
      %gather3A_794 = tpu.vector_load_idx %arg15[%broadcast_in_dim3A_558, %add3A_571, %broadcast_in_dim3A_792] : memref<2x128x32xf32, #tpu.memory_space<vmem>>[vector<16xi32>, vector<16xi32>, vector<16xi32>], vector<16xf32>,
      %gather3A_795 = tpu.vector_load_idx %arg16[%broadcast_in_dim3A_558, %add3A_571, %broadcast_in_dim3A_792] : memref<2x128x32xf32, #tpu.memory_space<vmem>>[vector<16xi32>, vector<16xi32>, vector<16xi32>], vector<16xf32>,
      %mul3A_796 = arith.mulf %gather3A_793, %gather3A_794 : vector<16xf32>
      %add3A_797 = arith.addf %add3A_788, %mul3A_796 : vector<16xf32>
      %mul3A_798 = arith.mulf %gather3A_793, %gather3A_795 : vector<16xf32>
      %add3A_799 = arith.addf %add3A_790, %mul3A_798 : vector<16xf32>
      %broadcast_in_dim3A_800 = arith.constant 25 : i32
      %broadcast_in_dim3A_801 = vector.broadcast %broadcast_in_dim3A_800 : i32 to vector<16xi32>
      %gather3A_802 = tpu.vector_load_idx %arg14[%broadcast_in_dim3A_558, %add3A_571, %broadcast_in_dim3A_801] : memref<2x128x32xf32, #tpu.memory_space<vmem>>[vector<16xi32>, vector<16xi32>, vector<16xi32>], vector<16xf32>,
      %gather3A_803 = tpu.vector_load_idx %arg15[%broadcast_in_dim3A_558, %add3A_571, %broadcast_in_dim3A_801] : memref<2x128x32xf32, #tpu.memory_space<vmem>>[vector<16xi32>, vector<16xi32>, vector<16xi32>], vector<16xf32>,
      %gather3A_804 = tpu.vector_load_idx %arg16[%broadcast_in_dim3A_558, %add3A_571, %broadcast_in_dim3A_801] : memref<2x128x32xf32, #tpu.memory_space<vmem>>[vector<16xi32>, vector<16xi32>, vector<16xi32>], vector<16xf32>,
      %mul3A_805 = arith.mulf %gather3A_802, %gather3A_803 : vector<16xf32>
      %add3A_806 = arith.addf %add3A_797, %mul3A_805 : vector<16xf32>
      %mul3A_807 = arith.mulf %gather3A_802, %gather3A_804 : vector<16xf32>
      %add3A_808 = arith.addf %add3A_799, %mul3A_807 : vector<16xf32>
      %broadcast_in_dim3A_809 = arith.constant 26 : i32
      %broadcast_in_dim3A_810 = vector.broadcast %broadcast_in_dim3A_809 : i32 to vector<16xi32>
      %gather3A_811 = tpu.vector_load_idx %arg14[%broadcast_in_dim3A_558, %add3A_571, %broadcast_in_dim3A_810] : memref<2x128x32xf32, #tpu.memory_space<vmem>>[vector<16xi32>, vector<16xi32>, vector<16xi32>], vector<16xf32>,
      %gather3A_812 = tpu.vector_load_idx %arg15[%broadcast_in_dim3A_558, %add3A_571, %broadcast_in_dim3A_810] : memref<2x128x32xf32, #tpu.memory_space<vmem>>[vector<16xi32>, vector<16xi32>, vector<16xi32>], vector<16xf32>,
      %gather3A_813 = tpu.vector_load_idx %arg16[%broadcast_in_dim3A_558, %add3A_571, %broadcast_in_dim3A_810] : memref<2x128x32xf32, #tpu.memory_space<vmem>>[vector<16xi32>, vector<16xi32>, vector<16xi32>], vector<16xf32>,
      %mul3A_814 = arith.mulf %gather3A_811, %gather3A_812 : vector<16xf32>
      %add3A_815 = arith.addf %add3A_806, %mul3A_814 : vector<16xf32>
      %mul3A_816 = arith.mulf %gather3A_811, %gather3A_813 : vector<16xf32>
      %add3A_817 = arith.addf %add3A_808, %mul3A_816 : vector<16xf32>
      %broadcast_in_dim3A_818 = arith.constant 27 : i32
      %broadcast_in_dim3A_819 = vector.broadcast %broadcast_in_dim3A_818 : i32 to vector<16xi32>
      %gather3A_820 = tpu.vector_load_idx %arg14[%broadcast_in_dim3A_558, %add3A_571, %broadcast_in_dim3A_819] : memref<2x128x32xf32, #tpu.memory_space<vmem>>[vector<16xi32>, vector<16xi32>, vector<16xi32>], vector<16xf32>,
      %gather3A_821 = tpu.vector_load_idx %arg15[%broadcast_in_dim3A_558, %add3A_571, %broadcast_in_dim3A_819] : memref<2x128x32xf32, #tpu.memory_space<vmem>>[vector<16xi32>, vector<16xi32>, vector<16xi32>], vector<16xf32>,
      %gather3A_822 = tpu.vector_load_idx %arg16[%broadcast_in_dim3A_558, %add3A_571, %broadcast_in_dim3A_819] : memref<2x128x32xf32, #tpu.memory_space<vmem>>[vector<16xi32>, vector<16xi32>, vector<16xi32>], vector<16xf32>,
      %mul3A_823 = arith.mulf %gather3A_820, %gather3A_821 : vector<16xf32>
      %add3A_824 = arith.addf %add3A_815, %mul3A_823 : vector<16xf32>
      %mul3A_825 = arith.mulf %gather3A_820, %gather3A_822 : vector<16xf32>
      %add3A_826 = arith.addf %add3A_817, %mul3A_825 : vector<16xf32>
      %broadcast_in_dim3A_827 = arith.constant 28 : i32
      %broadcast_in_dim3A_828 = vector.broadcast %broadcast_in_dim3A_827 : i32 to vector<16xi32>
      %gather3A_829 = tpu.vector_load_idx %arg14[%broadcast_in_dim3A_558, %add3A_571, %broadcast_in_dim3A_828] : memref<2x128x32xf32, #tpu.memory_space<vmem>>[vector<16xi32>, vector<16xi32>, vector<16xi32>], vector<16xf32>,
      %gather3A_830 = tpu.vector_load_idx %arg15[%broadcast_in_dim3A_558, %add3A_571, %broadcast_in_dim3A_828] : memref<2x128x32xf32, #tpu.memory_space<vmem>>[vector<16xi32>, vector<16xi32>, vector<16xi32>], vector<16xf32>,
      %gather3A_831 = tpu.vector_load_idx %arg16[%broadcast_in_dim3A_558, %add3A_571, %broadcast_in_dim3A_828] : memref<2x128x32xf32, #tpu.memory_space<vmem>>[vector<16xi32>, vector<16xi32>, vector<16xi32>], vector<16xf32>,
      %mul3A_832 = arith.mulf %gather3A_829, %gather3A_830 : vector<16xf32>
      %add3A_833 = arith.addf %add3A_824, %mul3A_832 : vector<16xf32>
      %mul3A_834 = arith.mulf %gather3A_829, %gather3A_831 : vector<16xf32>
      %add3A_835 = arith.addf %add3A_826, %mul3A_834 : vector<16xf32>
      %broadcast_in_dim3A_836 = arith.constant 29 : i32
      %broadcast_in_dim3A_837 = vector.broadcast %broadcast_in_dim3A_836 : i32 to vector<16xi32>
      %gather3A_838 = tpu.vector_load_idx %arg14[%broadcast_in_dim3A_558, %add3A_571, %broadcast_in_dim3A_837] : memref<2x128x32xf32, #tpu.memory_space<vmem>>[vector<16xi32>, vector<16xi32>, vector<16xi32>], vector<16xf32>,
      %gather3A_839 = tpu.vector_load_idx %arg15[%broadcast_in_dim3A_558, %add3A_571, %broadcast_in_dim3A_837] : memref<2x128x32xf32, #tpu.memory_space<vmem>>[vector<16xi32>, vector<16xi32>, vector<16xi32>], vector<16xf32>,
      %gather3A_840 = tpu.vector_load_idx %arg16[%broadcast_in_dim3A_558, %add3A_571, %broadcast_in_dim3A_837] : memref<2x128x32xf32, #tpu.memory_space<vmem>>[vector<16xi32>, vector<16xi32>, vector<16xi32>], vector<16xf32>,
      %mul3A_841 = arith.mulf %gather3A_838, %gather3A_839 : vector<16xf32>
      %add3A_842 = arith.addf %add3A_833, %mul3A_841 : vector<16xf32>
      %mul3A_843 = arith.mulf %gather3A_838, %gather3A_840 : vector<16xf32>
      %add3A_844 = arith.addf %add3A_835, %mul3A_843 : vector<16xf32>
      %broadcast_in_dim3A_845 = arith.constant 30 : i32
      %broadcast_in_dim3A_846 = vector.broadcast %broadcast_in_dim3A_845 : i32 to vector<16xi32>
      %gather3A_847 = tpu.vector_load_idx %arg14[%broadcast_in_dim3A_558, %add3A_571, %broadcast_in_dim3A_846] : memref<2x128x32xf32, #tpu.memory_space<vmem>>[vector<16xi32>, vector<16xi32>, vector<16xi32>], vector<16xf32>,
      %gather3A_848 = tpu.vector_load_idx %arg15[%broadcast_in_dim3A_558, %add3A_571, %broadcast_in_dim3A_846] : memref<2x128x32xf32, #tpu.memory_space<vmem>>[vector<16xi32>, vector<16xi32>, vector<16xi32>], vector<16xf32>,
      %gather3A_849 = tpu.vector_load_idx %arg16[%broadcast_in_dim3A_558, %add3A_571, %broadcast_in_dim3A_846] : memref<2x128x32xf32, #tpu.memory_space<vmem>>[vector<16xi32>, vector<16xi32>, vector<16xi32>], vector<16xf32>,
      %mul3A_850 = arith.mulf %gather3A_847, %gather3A_848 : vector<16xf32>
      %add3A_851 = arith.addf %add3A_842, %mul3A_850 : vector<16xf32>
      %mul3A_852 = arith.mulf %gather3A_847, %gather3A_849 : vector<16xf32>
      %add3A_853 = arith.addf %add3A_844, %mul3A_852 : vector<16xf32>
      %broadcast_in_dim3A_854 = arith.constant 31 : i32
      %broadcast_in_dim3A_855 = vector.broadcast %broadcast_in_dim3A_854 : i32 to vector<16xi32>
      %gather3A_856 = tpu.vector_load_idx %arg14[%broadcast_in_dim3A_558, %add3A_571, %broadcast_in_dim3A_855] : memref<2x128x32xf32, #tpu.memory_space<vmem>>[vector<16xi32>, vector<16xi32>, vector<16xi32>], vector<16xf32>,
      %gather3A_857 = tpu.vector_load_idx %arg15[%broadcast_in_dim3A_558, %add3A_571, %broadcast_in_dim3A_855] : memref<2x128x32xf32, #tpu.memory_space<vmem>>[vector<16xi32>, vector<16xi32>, vector<16xi32>], vector<16xf32>,
      %gather3A_858 = tpu.vector_load_idx %arg16[%broadcast_in_dim3A_558, %add3A_571, %broadcast_in_dim3A_855] : memref<2x128x32xf32, #tpu.memory_space<vmem>>[vector<16xi32>, vector<16xi32>, vector<16xi32>], vector<16xf32>,
      %mul3A_859 = arith.mulf %gather3A_856, %gather3A_857 : vector<16xf32>
      %add3A_860 = arith.addf %add3A_851, %mul3A_859 : vector<16xf32>
      %mul3A_861 = arith.mulf %gather3A_856, %gather3A_858 : vector<16xf32>
      %add3A_862 = arith.addf %add3A_853, %mul3A_861 : vector<16xf32>
      %gather3A_863 = tpu.vector_load_idx %arg17[%broadcast_in_dim3A_558, %add3A_571] : memref<2x128xf32, #tpu.memory_space<vmem>>[vector<16xi32>, vector<16xi32>], vector<16xf32>,
      %gather3A_864 = tpu.vector_load_idx %arg18[%broadcast_in_dim3A_558, %add3A_571] : memref<2x128xf32, #tpu.memory_space<vmem>>[vector<16xi32>, vector<16xi32>], vector<16xf32>,
      %gather3A_865 = tpu.vector_load_idx %arg19[%broadcast_in_dim3A_558, %add3A_571] : memref<2x128xf32, #tpu.memory_space<vmem>>[vector<16xi32>, vector<16xi32>], vector<16xf32>,
      %add3A_866 = arith.addf %gather3A_863, %gather3A_864 : vector<16xf32>
      %add3A_867 = arith.addf %add3A_866, %add3A_860 : vector<16xf32>
      tpu.vector_store_idx %arg20[%broadcast_in_dim3A_560, %add3A_571], %add3A_867 : memref<4x128xf32, #tpu.memory_space<vmem>>[vector<16xi32>, vector<16xi32>], vector<16xf32>,
      %add3A_868 = arith.addf %gather3A_863, %gather3A_865 : vector<16xf32>
      %add3A_869 = arith.addf %add3A_868, %add3A_862 : vector<16xf32>
      tpu.vector_store_idx %arg21[%broadcast_in_dim3A_560, %add3A_571], %add3A_869 : memref<4x128xf32, #tpu.memory_space<vmem>>[vector<16xi32>, vector<16xi32>], vector<16xf32>,
    }
    %scan3A_566 = arith.constant 8 : i32
    "tpu.region"() ({
      %run_scoped3A = tpu.sem_alloc : memref<!tpu.dma_semaphore, #tpu.memory_space<semaphore_mem>>
      %dma_start3A_567 = arith.constant 0 : i32
      %dma_start3A_568 = tpu.memref_slice %arg9[%mul3A_2, %dma_start3A_567] : memref<128x128xf32, #tpu.memory_space<hbm>> -> memref<4x128xf32, #tpu.memory_space<hbm>>
      %dma_start3A_569 = arith.constant 0 : i32
      %dma_start3A_570 = tpu.memref_slice %arg9[%mul3A_2, %dma_start3A_569] : memref<128x128xf32, #tpu.memory_space<hbm>> -> memref<4x128xf32, #tpu.memory_space<hbm>>
      tpu.enqueue_dma source(%arg20 : memref<4x128xf32, #tpu.memory_space<vmem>>) target(%dma_start3A_570 : memref<4x128xf32, #tpu.memory_space<hbm>>) target_semaphore(%run_scoped3A : memref<!tpu.dma_semaphore, #tpu.memory_space<semaphore_mem>>)
      %dma_wait3A_571 = arith.constant 0 : i32
      %dma_wait3A_572 = tpu.memref_slice %arg9[%mul3A_2, %dma_wait3A_571] : memref<128x128xf32, #tpu.memory_space<hbm>> -> memref<4x128xf32, #tpu.memory_space<hbm>>
      %dma_wait3A_573 = arith.constant 0 : i32
      %dma_wait3A_574 = tpu.memref_slice %arg9[%mul3A_2, %dma_wait3A_573] : memref<128x128xf32, #tpu.memory_space<hbm>> -> memref<4x128xf32, #tpu.memory_space<hbm>>
      tpu.wait_dma2 semaphore(%run_scoped3A : memref<!tpu.dma_semaphore, #tpu.memory_space<semaphore_mem>>) src(%arg20 : memref<4x128xf32, #tpu.memory_space<vmem>>) dst(%dma_wait3A_574 : memref<4x128xf32, #tpu.memory_space<hbm>>)
      tpu.yield
    }) : () -> ()
    "tpu.region"() ({
      %run_scoped3A = tpu.sem_alloc : memref<!tpu.dma_semaphore, #tpu.memory_space<semaphore_mem>>
      %dma_start3A_567 = arith.constant 0 : i32
      %dma_start3A_568 = tpu.memref_slice %arg10[%mul3A_2, %dma_start3A_567] : memref<128x128xf32, #tpu.memory_space<hbm>> -> memref<4x128xf32, #tpu.memory_space<hbm>>
      %dma_start3A_569 = arith.constant 0 : i32
      %dma_start3A_570 = tpu.memref_slice %arg10[%mul3A_2, %dma_start3A_569] : memref<128x128xf32, #tpu.memory_space<hbm>> -> memref<4x128xf32, #tpu.memory_space<hbm>>
      tpu.enqueue_dma source(%arg21 : memref<4x128xf32, #tpu.memory_space<vmem>>) target(%dma_start3A_570 : memref<4x128xf32, #tpu.memory_space<hbm>>) target_semaphore(%run_scoped3A : memref<!tpu.dma_semaphore, #tpu.memory_space<semaphore_mem>>)
      %dma_wait3A_571 = arith.constant 0 : i32
      %dma_wait3A_572 = tpu.memref_slice %arg10[%mul3A_2, %dma_wait3A_571] : memref<128x128xf32, #tpu.memory_space<hbm>> -> memref<4x128xf32, #tpu.memory_space<hbm>>
      %dma_wait3A_573 = arith.constant 0 : i32
      %dma_wait3A_574 = tpu.memref_slice %arg10[%mul3A_2, %dma_wait3A_573] : memref<128x128xf32, #tpu.memory_space<hbm>> -> memref<4x128xf32, #tpu.memory_space<hbm>>
      tpu.wait_dma2 semaphore(%run_scoped3A : memref<!tpu.dma_semaphore, #tpu.memory_space<semaphore_mem>>) src(%arg21 : memref<4x128xf32, #tpu.memory_space<vmem>>) dst(%dma_wait3A_574 : memref<4x128xf32, #tpu.memory_space<hbm>>)
      tpu.yield
    }) : () -> ()
    return
  }
}

module attributes {stable_mosaic.version = 14 : i64} {
  func.func @_loss_body(%arg0: memref<1xf32, #tpu.memory_space<smem>>, %arg1: memref<128x128xf32, #tpu.memory_space<vmem>>, %arg2: memref<128x128xf32, #tpu.memory_space<vmem>>, %arg3: memref<128x128xf32, #tpu.memory_space<vmem>>, %arg4: memref<128x128xf32, #tpu.memory_space<vmem>>, %arg5: memref<1x1xf32, #tpu.memory_space<smem>>) attributes {dimension_semantics = [], scalar_prefetch = 0 : i64, scratch_operands = 0 : i64, tpu.core_type = #tpu.core_type<tc>} {
    %get3A = arith.constant 0 : index
    %get3A_0 = memref.load %arg0[%get3A] : memref<1xf32, #tpu.memory_space<smem>>
    %get3A_1 = arith.constant 0 : index
    %get3A_2 = arith.constant 0 : index
    %get3A_3 = vector.load %arg1[%get3A_1, %get3A_2] : memref<128x128xf32, #tpu.memory_space<vmem>>, vector<128x128xf32>
    %add3A = vector.broadcast %get3A_0 : f32 to vector<128x128xf32>
    %add3A_4 = arith.addf %get3A_3, %add3A : vector<128x128xf32>
    %get3A_5 = arith.constant 0 : index
    %get3A_6 = arith.constant 0 : index
    %get3A_7 = vector.load %arg2[%get3A_5, %get3A_6] : memref<128x128xf32, #tpu.memory_space<vmem>>, vector<128x128xf32>
    %add3A_8 = vector.broadcast %get3A_0 : f32 to vector<128x128xf32>
    %add3A_9 = arith.addf %get3A_7, %add3A_8 : vector<128x128xf32>
    %sub3A = arith.subf %add3A_4, %add3A_9 : vector<128x128xf32>
    %neg3A = arith.constant 0.000000e+00 : f32
    %neg3A_10 = vector.broadcast %neg3A : f32 to vector<128x128xf32>
    %neg3A_11 = arith.subf %neg3A_10, %sub3A : vector<128x128xf32>
    %max3A = arith.constant 0.000000e+00 : f32
    %max3A_12 = vector.broadcast %max3A : f32 to vector<128x128xf32>
    %max3A_13 = arith.maximumf %neg3A_11, %max3A_12 : vector<128x128xf32>
    %abs3A = math.absf %sub3A : vector<128x128xf32>
    %neg3A_14 = arith.constant 0.000000e+00 : f32
    %neg3A_15 = vector.broadcast %neg3A_14 : f32 to vector<128x128xf32>
    %neg3A_16 = arith.subf %neg3A_15, %abs3A : vector<128x128xf32>
    %exp3A = math.exp %neg3A_16 : vector<128x128xf32>
    %log1p3A = math.log1p %exp3A : vector<128x128xf32>
    %add3A_17 = arith.addf %max3A_13, %log1p3A : vector<128x128xf32>
    %get3A_18 = arith.constant 0 : index
    %get3A_19 = arith.constant 0 : index
    %get3A_20 = vector.load %arg3[%get3A_18, %get3A_19] : memref<128x128xf32, #tpu.memory_space<vmem>>, vector<128x128xf32>
    %sub3A_21 = arith.subf %add3A_4, %get3A_20 : vector<128x128xf32>
    %abs3A_22 = math.absf %sub3A_21 : vector<128x128xf32>
    %lt3A = arith.constant 1.000000e+00 : f32
    %lt3A_23 = vector.broadcast %lt3A : f32 to vector<128x128xf32>
    %lt3A_24 = arith.cmpf olt, %abs3A_22, %lt3A_23 : vector<128x128xf32>
    %mul3A = arith.constant 5.000000e-01 : f32
    %mul3A_25 = vector.broadcast %mul3A : f32 to vector<128x128xf32>
    %mul3A_26 = arith.mulf %mul3A_25, %sub3A_21 : vector<128x128xf32>
    %mul3A_27 = arith.mulf %mul3A_26, %sub3A_21 : vector<128x128xf32>
    %sub3A_28 = arith.constant 5.000000e-01 : f32
    %sub3A_29 = vector.broadcast %sub3A_28 : f32 to vector<128x128xf32>
    %sub3A_30 = arith.subf %abs3A_22, %sub3A_29 : vector<128x128xf32>
    %select_n3A = arith.select %lt3A_24, %mul3A_27, %sub3A_30 : vector<128x128xi1>, vector<128x128xf32>
    %get3A_31 = arith.constant 0 : index
    %get3A_32 = arith.constant 0 : index
    %get3A_33 = vector.load %arg4[%get3A_31, %get3A_32] : memref<128x128xf32, #tpu.memory_space<vmem>>, vector<128x128xf32>
    %sub3A_34 = arith.subf %add3A_9, %get3A_33 : vector<128x128xf32>
    %abs3A_35 = math.absf %sub3A_34 : vector<128x128xf32>
    %lt3A_36 = arith.constant 1.000000e+00 : f32
    %lt3A_37 = vector.broadcast %lt3A_36 : f32 to vector<128x128xf32>
    %lt3A_38 = arith.cmpf olt, %abs3A_35, %lt3A_37 : vector<128x128xf32>
    %mul3A_39 = arith.constant 5.000000e-01 : f32
    %mul3A_40 = vector.broadcast %mul3A_39 : f32 to vector<128x128xf32>
    %mul3A_41 = arith.mulf %mul3A_40, %sub3A_34 : vector<128x128xf32>
    %mul3A_42 = arith.mulf %mul3A_41, %sub3A_34 : vector<128x128xf32>
    %sub3A_43 = arith.constant 5.000000e-01 : f32
    %sub3A_44 = vector.broadcast %sub3A_43 : f32 to vector<128x128xf32>
    %sub3A_45 = arith.subf %abs3A_35, %sub3A_44 : vector<128x128xf32>
    %select_n3A_46 = arith.select %lt3A_38, %mul3A_42, %sub3A_45 : vector<128x128xi1>, vector<128x128xf32>
    %reduce_sum3A = vector.shape_cast %add3A_17 : vector<128x128xf32> to vector<1x128x128xf32>
    %reduce_sum3A_47 = arith.constant dense<0.000000e+00> : vector<1xf32>
    %reduce_sum3A_48 = vector.multi_reduction <add>, %reduce_sum3A, %reduce_sum3A_47 [1, 2] : vector<1x128x128xf32> to vector<1xf32>
    %reduce_sum3A_49 = vector.shape_cast %reduce_sum3A_48 : vector<1xf32> to vector<1x1x1xf32>
    %reduce_sum3A_50 = vector.extract %reduce_sum3A_49[0, 0, 0] : f32 from vector<1x1x1xf32>
    %div3A = arith.constant 1.638400e+04 : f32
    %div3A_51 = arith.divf %reduce_sum3A_50, %div3A : f32
    %mul3A_52 = arith.constant 0.699999988 : f32
    %mul3A_53 = arith.mulf %mul3A_52, %div3A_51 : f32
    %reduce_sum3A_54 = vector.shape_cast %select_n3A : vector<128x128xf32> to vector<1x128x128xf32>
    %reduce_sum3A_55 = arith.constant dense<0.000000e+00> : vector<1xf32>
    %reduce_sum3A_56 = vector.multi_reduction <add>, %reduce_sum3A_54, %reduce_sum3A_55 [1, 2] : vector<1x128x128xf32> to vector<1xf32>
    %reduce_sum3A_57 = vector.shape_cast %reduce_sum3A_56 : vector<1xf32> to vector<1x1x1xf32>
    %reduce_sum3A_58 = vector.extract %reduce_sum3A_57[0, 0, 0] : f32 from vector<1x1x1xf32>
    %div3A_59 = arith.constant 1.638400e+04 : f32
    %div3A_60 = arith.divf %reduce_sum3A_58, %div3A_59 : f32
    %reduce_sum3A_61 = vector.shape_cast %select_n3A_46 : vector<128x128xf32> to vector<1x128x128xf32>
    %reduce_sum3A_62 = arith.constant dense<0.000000e+00> : vector<1xf32>
    %reduce_sum3A_63 = vector.multi_reduction <add>, %reduce_sum3A_61, %reduce_sum3A_62 [1, 2] : vector<1x128x128xf32> to vector<1xf32>
    %reduce_sum3A_64 = vector.shape_cast %reduce_sum3A_63 : vector<1xf32> to vector<1x1x1xf32>
    %reduce_sum3A_65 = vector.extract %reduce_sum3A_64[0, 0, 0] : f32 from vector<1x1x1xf32>
    %div3A_66 = arith.constant 1.638400e+04 : f32
    %div3A_67 = arith.divf %reduce_sum3A_65, %div3A_66 : f32
    %add3A_68 = arith.addf %div3A_60, %div3A_67 : f32
    %mul3A_69 = arith.constant 1.500000e-01 : f32
    %mul3A_70 = arith.mulf %mul3A_69, %add3A_68 : f32
    %add3A_71 = arith.addf %mul3A_53, %mul3A_70 : f32
    %swap3A = arith.constant 0 : index
    %swap3A_72 = arith.constant 0 : index
    %swap3A_73 = memref.load %arg5[%swap3A, %swap3A_72] : memref<1x1xf32, #tpu.memory_space<smem>>
    memref.store %add3A_71, %arg5[%swap3A, %swap3A_72] : memref<1x1xf32, #tpu.memory_space<smem>>
    return
  }
}

</mosaic_0001>

<sc_bundles>
// kernel: kernel.4.cloned.1.call-start
scs
__scs_entry_jumppad:
0x0: {  	(pc) =	sbr.rel $0x88, $3  }
0x1: {  	(tag) =	ssettag $0x0;
	lr =	simm.s32 $0x1  }
0x2: {  	[smem:$0x3F97] =	sst lr;
	_ =	strace $0xD0000000  }
0x3: {  	_ = 	snop  }
0x4: {  	_ = 	snop  }
0x5: {  	_ = 	snop  }
0x6: {  	_ = 	snop  }
0x7: {  	_ = 	snop  }
__scs_overlays_trampoline_lowered:
0x8: {  	[smem:$0x3FA6] =	sst s0  }
0x9: {  	[smem:$0x3FA7] =	sst s1  }
0xa: {  	[smem:$0x3FA8] =	sst s2  }
0xb: {  	[smem:$0x3FA9] =	sst s3  }
0xc: {  	[smem:$0x3FAA] =	sst s4  }
0xd: {  	[smem:$0x3FAB] =	sst s5  }
0xe: {  	[smem:$0x3FAC] =	sst s6  }
0xf: {  	[smem:$0x3FAD] =	sst s7  }
0x10: {  	[smem:$0x3FAE] =	sst s8  }
0x11: {  	[smem:$0x3FAF] =	sst s9;
	s0 =	simm.s32 @!p0 $0x0  }
0x12: {  	s1 =	sld [smem:$0x3F95];
	s0 =	simm.s32 @p0 $0x1  }
0x13: {  	[smem:$0x3FB0] =	sst s0;
	s0 =	simm.s32 @!p1 $0x0  }
0x14: {  	s2 =	sld [smem:$0x3F94];
	s0 =	simm.s32 @p1 $0x1  }
0x15: {  	[smem:$0x3FB1] =	sst s0;
	s0 =	simm.s32 @!p2 $0x0  }
0x16: {  	s3 =	sld [smem:$0x3FDB];
	s0 =	simm.s32 @p2 $0x1  }
0x17: {  	s4 =	simm.s32 $0x1BF5;
	[smem:$0x3FB3] =	sst s0  }
0x18: {  	s0 =	sld [smem:$0x3F96];
	_ =	swait.ge [sflag:s4], $0x0  }
0x19: {  	s7 =	sld [smem:$0x3F97]  }
0x1a: {  	s8 =	sadd.s32 $0xFFFFE003, lr  }
0x1b: {  	s9 =	sadd.s32 $0xFFFFFEF7, lr;
	s5 =	simm.s32 $0xFFFFFFFF;
	p2 =	slt.u32 s8, $0xFFFFF086  }
0x1c: {  	p1 =	slt.u32 s9, $0xF7A;
	s5 =	simm.s32 @!p2 $0x0  }
0x1d: {  	s5 =	simm.s32 @p1 $0x1;
	p0 =	seq.s32 s7, s2  }
0x1e: {  	s7 =	smul.u32 @!p0 $0xF7A, s2;
	p2 =	seq.s32 @!p0 s5, $0x0  }
0x1f: {  	s9 =	smul.u32 $0xF7A, s1;
	s8 =	simm.s32 @!p0 $0x1BF5;
	p2 =	por !p2, p0  }
0x20: {  	[sflag:s8] =	ssyncset.s32 @!p0 $0xFFFFF086;
	s6 =	sadd.s32 @!p0 s3, s7;
	s7 =	simm.s32 @!p0 $0x108  }
0x21: {  	s3 =	sadd.s32 s3, s9;
	s6 =	sadd.s32 @!p0 $0x88, s6;
	s7 =	simm.s32 @p2 $0x1082  }
0x22: {  	[simem:s7], [sflag:s8] =	dma.local @!p0 [hbm:s6], $0xF7A  }
0x23: {  	s9 =	sor.u32 $0xD0000000, s2;
	s6 =	simm.s32 $0x108;
	_ =	swait.ge @!p0 [sflag:s8], $0x0  }
0x24: {  	s3 =	sadd.s32 $0x88, s3;
	s6 =	simm.s32 @!p1 $0x1082;
	[sflag:s4] =	ssyncset.s32 $0xFFFFF086  }
0x25: {  	[simem:s6], [sflag:s4] =	dma.local [hbm:s3], $0xF7A  }
0x26: {  	[smem:$0x3F97] =	sst s1;
	(tag) =	ssettag s2;
	_ =	strace s9  }
0x27: {  	s1 =	sld [smem:$0x3FA7]  }
0x28: {  	s2 =	sld [smem:$0x3FA8]  }
0x29: {  	s4 =	sld [smem:$0x3FAA]  }
0x2a: {  	p0 =	seq.s32 s5, $0x0;
	s5 =	sld [smem:$0x3FAB]  }
0x2b: {  	s6 =	sld [smem:$0x3FAC]  }
0x2c: {  	s7 =	sld [smem:$0x3FAD]  }
0x2d: {  	s3 =	simm.s32 $0x108;
	s8 =	sld [smem:$0x3FAE]  }
0x2e: {  	s3 =	simm.s32 @!p0 $0x1082;
	s9 =	sld [smem:$0x3FAF]  }
0x2f: {  	lr =	sadd.s32 s0, s3;
	s0 =	sld [smem:$0x3FA6]  }
0x30: {  	s3 =	sld [smem:$0x3FA9]  }
0x31: {  	[smem:$0x3FB2] =	sst s10  }
0x32: {  	s10 =	sld [smem:$0x3FB0];
	_ =	sdelay $0x3  }
0x33: {  	p0 =	seq.s32 s10, $0x1;
	s10 =	sld [smem:$0x3FB2];
	_ =	sdelay $0x3  }
0x34: {  	[smem:$0x3FB2] =	sst s10  }
0x35: {  	s10 =	sld [smem:$0x3FB1];
	_ =	sdelay $0x3  }
0x36: {  	p1 =	seq.s32 s10, $0x1;
	s10 =	sld [smem:$0x3FB2];
	_ =	sdelay $0x3  }
0x37: {  	[smem:$0x3FB2] =	sst s10  }
0x38: {  	s10 =	sld [smem:$0x3FB3]  }
0x39: {  	_ = 	snop;
	(pc) =	sbr.ind lr, $3  }
0x3a: {  	_ = 	snop  }
0x3b: {  	_ = 	snop  }
0x3c: {  	p2 =	seq.s32 s10, $0x1;
	s10 =	sld [smem:$0x3FB2]  }
0x3d: {  	_ =	shalt  }
0x3e: {  	_ =	shalt  }
0x3f: {  	_ =	shalt  }
0x40: {  	_ =	shalt  }
0x41: {  	_ =	shalt  }
0x42: {  	_ =	shalt  }
0x43: {  	_ =	shalt  }
0x44: {  	_ =	shalt  }
0x45: {  	_ =	shalt  }
0x46: {  	_ =	shalt  }
0x47: {  	_ =	shalt  }
0x48: {  	_ =	shalt  }
0x49: {  	_ =	shalt  }
0x4a: {  	_ =	shalt  }
0x4b: {  	_ =	shalt  }
0x4c: {  	_ =	shalt  }
0x4d: {  	_ =	shalt  }
0x4e: {  	_ =	shalt  }
0x4f: {  	_ =	shalt  }
0x50: {  	_ =	shalt  }
0x51: {  	_ =	shalt  }
0x52: {  	_ =	shalt  }
0x53: {  	_ =	shalt  }
0x54: {  	_ =	shalt  }
0x55: {  	_ =	shalt  }
0x56: {  	_ =	shalt  }
0x57: {  	_ =	shalt  }
0x58: {  	_ =	shalt  }
0x59: {  	_ =	shalt  }
0x5a: {  	_ =	shalt  }
0x5b: {  	_ =	shalt  }
0x5c: {  	_ =	shalt  }
0x5d: {  	_ =	shalt  }
0x5e: {  	_ =	shalt  }
0x5f: {  	_ =	shalt  }
0x60: {  	_ =	shalt  }
0x61: {  	_ =	shalt  }
0x62: {  	_ =	shalt  }
0x63: {  	_ =	shalt  }
0x64: {  	_ =	shalt  }
0x65: {  	_ =	shalt  }
0x66: {  	_ =	shalt  }
0x67: {  	_ =	shalt  }
0x68: {  	_ =	shalt  }
0x69: {  	_ =	shalt  }
0x6a: {  	_ =	shalt  }
0x6b: {  	_ =	shalt  }
0x6c: {  	_ =	shalt  }
0x6d: {  	_ =	shalt  }
0x6e: {  	_ =	shalt  }
0x6f: {  	_ =	shalt  }
0x70: {  	_ =	shalt  }
0x71: {  	_ =	shalt  }
0x72: {  	_ =	shalt  }
0x73: {  	_ =	shalt  }
0x74: {  	_ =	shalt  }
0x75: {  	_ =	shalt  }
0x76: {  	_ =	shalt  }
0x77: {  	_ =	shalt  }
0x78: {  	_ =	shalt  }
0x79: {  	_ =	shalt  }
0x7a: {  	_ =	shalt  }
0x7b: {  	_ =	shalt  }
0x7c: {  	_ =	shalt  }
0x7d: {  	_ =	shalt  }
0x7e: {  	_ =	shalt  }
0x7f: {  	_ =	shalt  }
0x80: {  	_ =	shalt  }
0x81: {  	_ =	shalt  }
0x82: {  	_ =	shalt  }
0x83: {  	_ =	shalt  }
0x84: {  	_ =	shalt  }
0x85: {  	_ =	shalt  }
0x86: {  	_ =	shalt  }
0x87: {  	_ =	shalt  }
.Lfunc_end0:
.L_simem_size_0:
called_computation_lowered:
.L_overlay_start_0:
0x88: {  	s2 =	sld [smem:$0x3FD9]  }
0x89: {  	s3 =	sld [smem:$0x3FFE];
	_ =	sdelay $0x1  }
0x8a: {  	s1 =	srdreg.scid  }
0x8b: {  	s0 =	sand.u32 $0x1, s1  }
0x8c: {  	s17 =	sshll.u32 s0, $0xA;
	s2 =	sadd.s32 s3, s2  }
0x8d: {  	s2 =	sadd.s32 s2, s17  }
0x8e: {  	[smem:$0x3FBE] =	sst s2  }
0x8f: {  	_ = 	snop  }
0x90: {  	s2 =	sld [smem:$0x3FC9]  }
0x91: {  	s18 =	sld [smem:$0x3FC8]  }
0x92: {  	s4 =	sld [smem:$0x3FC7]  }
0x93: {  	s5 =	sld [smem:$0x3FC3]  }
0x94: {  	s6 =	sld [smem:$0x3FC2];
	(tm) =	ssettm $0x1  }
0x95: {  	s7 =	sld [smem:$0x3FFB];
	_ =	sdelay $0x3  }
0x96: {  	_ =	strace s7  }
0x97: {  	s7 =	sld [smem:$0x3FFC];
	_ =	sdelay $0x3  }
0x98: {  	_ =	strace s7  }
0x99: {  	s7 =	sld [smem:$0x3FFD];
	_ =	sdelay $0x3  }
0x9a: {  	_ =	strace s7  }
0x9b: {  	_ =	strace $0x8FFFFFFF  }
0x9c: {  	s19 =	sld [smem:$0x3FDB];
	_ =	sdelay $0x1  }
0x9d: {  	s8 =	simm.s32 $_scs_section_size  }
0x9e: {  	s9 =	simm.s32 $_size__tile_overlayer_lowered;
	s10 =	simm.s32 $_tile_overlayer_lowered  }
0x9f: {  	s22 =	simm.s32 $0x1BFF;
	s21 =	sshll.u32 s10, $0x1;
	s7 =	sadd.s32 s8, s19  }
0xa0: {  	s11 =	simm.s32 $0x0;
	s20 =	sshll.u32 s9, $0x1;
	s9 =	sadd.s32 s21, s7  }
0xa1: {  	[timem:s11], [sflag:s22] =	dma.local [hbm:s9], s20  }
0xa2: {  	_ =	swait.ge [sflag:s22], s20  }
0xa3: {  	s8 =	ssub.s32 $0x0, s20;
	[sflag:s22] =	ssyncset.done $0x0  }
0xa4: {  	[sflag:s22] =	ssyncadd.s32 s8;
	_ =	sdelay $0x1  }
0xa5: {  	s23 =	simm.s32 $0x1B8B  }
0xa6: {  	_ =	swait.ge [sflag:s23], $0x1  }
0xa7: {  	[sflag:s23] =	ssyncset.done $0x0  }
0xa8: {  	s25 =	simm.s32 $0x1B8E;
	s24 =	sld [smem:$0x3FFE];
	[sflag:s23] =	ssyncadd.s32 $0xFFFFFFFF  }
0xa9: {  	s26 =	simm.s32 $execute0_lowered;
	[smem:$0x3FD2] =	sst s25  }
0xaa: {  	s9 =	sshll.u32 s26, $0x1;
	_ =	strace $0x80000046;
	[dreg:$0x1] =	wrdreg $0xFFFFFFFF  }
0xab: {  	s28 =	simm.s32 $_size_execute0_lowered;
	s7 =	sadd.s32 s7, s9;
	[dreg:$0x0] =	wrdreg $0x0  }
0xac: {  	s9 =	sshll.u32 s28, $0x1;
	[dreg:$0x2] =	wrdreg s7  }
0xad: {  	[dreg:$0x3] =	wrdreg s9  }
0xae: {  	[dreg:$0x4] =	wrdreg $0xC0  }
0xaf: {  	_ =	task [dreg:s11], $0x5FFFF  }
0xb0: {  	[dreg:$0x1] =	wrdreg $0xFFFFFFFF  }
0xb1: {  	[dreg:$0x0] =	wrdreg $0x60  }
0xb2: {  	[dreg:$0x2] =	wrdreg s2  }
0xb3: {  	[dreg:$0x3] =	wrdreg s18  }
0xb4: {  	[dreg:$0x4] =	wrdreg s4  }
0xb5: {  	[dreg:$0x5] =	wrdreg s24  }
0xb6: {  	[dreg:$0x6] =	wrdreg s5  }
0xb7: {  	[dreg:$0x7] =	wrdreg s6  }
0xb8: {  	[dreg:$0x8] =	wrdreg $0x9  }
0xb9: {  	_ =	task.clear_ibuf [dreg:s11], $0x9FFFF;
	_ =	strace $0x90000046  }
0xba: {  	s29 =	simm.s32 $0x9;
	_ =	strace $0x80000048  }
0xbb: {  	_ =	swait.ge [sflag:s29], $0x1  }
0xbc: {  	[sflag:s29] =	ssyncadd.s32 $0xFFFFFFFF  }
0xbd: {  	_ =	strace $0x90000048  }
0xbe: {  	_ =	sfence  }
0xbf: {  	s30 =	sld [smem:$0x0];
	_ =	sdelay $0x2  }
0xc0: {  	s31 =	sshll.u32 s1, $0xD;
	s1 =	sshrl.u32 s1, $0x2  }
0xc1: {  	s3 =	sand.u32 $0x4000, s31;
	s1 =	sadd.s32 s1, s30  }
0xc2: {  	s0 =	sor.u32 s3, s0;
	s1 =	sshll.u32 s1, $0x11  }
0xc3: {  	s0 =	sor.u32 s1, s0  }
0xc4: {  	s0 =	sadd.s32 $0x8F2B, s0  }
0xc5: {  	[sflag:s0] =	ssyncadd.remote.s32 $0x1  }
0xc6: {  	_ =	sfence.sel $0xFFFF  }
0xc7: {  	[dreg:$0x0] =	wrdreg $0xFFFFFFFF;
	(pc) =	sbr.abs _section_cstart, $3  }
0xc8: {  	[dreg:$0x1] =	wrdreg $0xFFFFFFFF  }
0xc9: {  	_ =	task.clear_ibuf [dreg:s11], $0x2FFFF;
	_ =	strace $0x9FFFFFFF  }
0xca: {  	(tm) =	ssettm $0x7FFFFFFF  }
0xcb: {  	_ =	shalt  }
tec
execute0_lowered:
.L_overlay_start_1:
0x0: {  	(tag) =	ssettag $0x1  }
0x1: {  	s0 =	rddreg [dreg:$0x0]  }
0x2: {  	s4 =	rddreg [dreg:$0x1]  }
0x3: {  	s9 =	rddreg [dreg:$0x2]  }
0x4: {  	s7 =	rddreg [dreg:$0x3]  }
0x5: {  	s1 =	rddreg [dreg:$0x4]  }
0x6: {  	s2 =	rddreg [dreg:$0x5]  }
0x7: {  	s3 =	simm.s32 $0x0;
	s6 =	srdreg.scid;
	s8 =	stileid.u32  }
0x8: {  	s14 =	simm.s32 $0x200;
	s15 =	simm.s32 $0x400;
	s16 =	simm.s32 $0x80  }
0x9: {  	s17 =	simm.s32 $0x600;
	s18 =	simm.s32 $0x2600;
	s19 =	simm.s32 $0x4600  }
0xa: {  	s20 =	simm.s32 $0x6600;
	s21 =	simm.s32 $0x6700;
	s22 =	simm.s32 $0x6800  }
0xb: {  	s23 =	simm.s32 $0x6B00;
	s30 =	simm.s32 $0x580;
	s31 =	simm.s32 $0x0  }
0xc: {  	[smem:$0x7FF] =	sst s3;
	s5 =	sadd.s32 $0x1313E00, s7;
	s6 =	sand.u32 $0x1, s6  }
0xd: {  	s8 =	sshll.u32 s8, $0x7;
	s10 =	sshll.u32 s6, $0x6;
	s11 =	ssub.s32 $0x2, s6  }
0xe: {  	_ =	strace $0x80000047;
	s10 =	sor.u32 s10, s8;
	s29 =	sshrl.u32 s11, $0x1  }
0xf: {  	s6 =	sadd.s32 $0xF43400, s7;
	s12 =	sadd.s32 s10, s7;
	s13 =	ssub.s32 s11, s29  }
0x10: {  	v0 =	vlaneseq.u32;
	s7 =	sadd.s32 s0, s10;
	s8 =	sadd.s32 s4, s10;
	s9 =	sadd.s32 s9, s10  }
0x11: {  	v1 =	vor.u32 $0xFFFFFFF8, v0;
	s0 =	simm.s32 $0x1;
	s4 =	simm.s32 $0x6900;
	s10 =	sadd.s32 $0x1000, s12  }
0x12: {  	[tilespmem:$0x1FFF0] =	vst v1;
	s11 =	sadd.s32 $0x1800, s12;
	s12 =	smax.u32 s13, $0x1;
	s13 =	simm.s32 $0x2  }
.LBB2_1:
0x13: {  	[tilespmem:s3], [sflag:$0x2] =	stream.linear.gather [hbm4b:s7+s3], $0x200, $0x38;
	[tilespmem:$0x6D00] =	vst v63  }
0x14: {  	_ =	swait.ge [sflag:s13], $0x200  }
0x15: {  	[sflag:s13] =	ssyncset.done $0x0  }
0x16: {  	[sflag:s13] =	ssyncadd.s32 $0xFFFFFE00  }
0x17: {  	[tilespmem:s14], [sflag:$0x2] =	stream.linear.gather [hbm4b:s8+s3], $0x200, $0x38;
	[tilespmem:$0x6D00] =	vst v63  }
0x18: {  	_ =	swait.ge [sflag:s13], $0x200  }
0x19: {  	[sflag:s13] =	ssyncset.done $0x0  }
0x1a: {  	[sflag:s13] =	ssyncadd.s32 $0xFFFFFE00  }
0x1b: {  	[tilespmem:s15], [sflag:$0x2] =	stream.linear.gather [hbm4b:s9+s3], $0x200, $0x38;
	[tilespmem:$0x6D00] =	vst v63  }
0x1c: {  	_ =	swait.ge [sflag:s13], $0x200  }
0x1d: {  	[sflag:s13] =	ssyncset.done $0x0  }
0x1e: {  	[sflag:s13] =	ssyncadd.s32 $0xFFFFFE00  }
0x1f: {  	[tilespmem:s17], [sflag:$0x1] =	stream.indirect.gather [hbm4b:s5+s16], $0x20, s3, s16, $0xb8;
	[tilespmem:$0x6D00] =	vst v63  }
0x20: {  	_ = 	snop  }
0x21: {  	[tilespmem:s18], [sflag:$0x1] =	stream.indirect.gather [hbm4b:s6+s16], $0x20, s14, s16, $0xb8;
	[tilespmem:$0x6D00] =	vst v63  }
0x22: {  	_ = 	snop  }
0x23: {  	[tilespmem:s19], [sflag:$0x1] =	stream.indirect.gather [hbm4b:s6+s16], $0x20, s15, s16, $0xb8;
	[tilespmem:$0x6D00] =	vst v63  }
0x24: {  	_ = 	snop  }
0x25: {  	[tilespmem:s20], [sflag:$0x1] =	stream.indirect.gather [hbm4b:s1+s16], $0x1, s3, s16, $0xb8;
	[tilespmem:$0x6D00] =	vst v63  }
0x26: {  	_ = 	snop  }
0x27: {  	[tilespmem:s21], [sflag:$0x1] =	stream.indirect.gather [hbm4b:s2+s16], $0x1, s14, s16, $0xb8;
	[tilespmem:$0x6D00] =	vst v63  }
0x28: {  	_ = 	snop  }
0x29: {  	[tilespmem:s22], [sflag:$0x1] =	stream.indirect.gather [hbm4b:s2+s16], $0x1, s15, s16, $0xb8;
	[tilespmem:$0x6D00] =	vst v63  }
0x2a: {  	s24 =	simm.s32 $0x1600  }
0x2b: {  	[tilespmem:s24], [sflag:$0x1] =	stream.indirect.gather [hbm4b:s5+s16], $0x20, s16, s16, $0xb8;
	[tilespmem:$0x6D00] =	vst v63  }
0x2c: {  	s25 =	simm.s32 $0x3600;
	s24 =	simm.s32 $0x280  }
0x2d: {  	[tilespmem:s25], [sflag:$0x1] =	stream.indirect.gather [hbm4b:s6+s16], $0x20, s24, s16, $0xb8;
	[tilespmem:$0x6D00] =	vst v63  }
0x2e: {  	s26 =	simm.s32 $0x5600;
	s25 =	simm.s32 $0x480  }
0x2f: {  	[tilespmem:s26], [sflag:$0x1] =	stream.indirect.gather [hbm4b:s6+s16], $0x20, s25, s16, $0xb8;
	[tilespmem:$0x6D00] =	vst v63  }
0x30: {  	s26 =	simm.s32 $0x6680  }
0x31: {  	[tilespmem:s26], [sflag:$0x1] =	stream.indirect.gather [hbm4b:s1+s16], $0x1, s16, s16, $0xb8;
	[tilespmem:$0x6D00] =	vst v63  }
0x32: {  	s28 =	simm.s32 $0x6780  }
0x33: {  	[tilespmem:s28], [sflag:$0x1] =	stream.indirect.gather [hbm4b:s2+s16], $0x1, s24, s16, $0xb8;
	[tilespmem:$0x6D00] =	vst v63  }
0x34: {  	s29 =	simm.s32 $0x6880  }
0x35: {  	[tilespmem:s29], [sflag:$0x1] =	stream.indirect.gather [hbm4b:s2+s16], $0x1, s25, s16, $0xb8;
	[tilespmem:$0x6D00] =	vst v63  }
0x36: {  	_ =	swait.ge [sflag:s0], $0x1000  }
0x37: {  	[sflag:s0] =	ssyncset.done $0x0  }
0x38: {  	[sflag:s0] =	ssyncadd.s32 $0xFFFFF000  }
0x39: {  	_ =	swait.ge [sflag:s0], $0x1000  }
0x3a: {  	[sflag:s0] =	ssyncset.done $0x0  }
0x3b: {  	[sflag:s0] =	ssyncadd.s32 $0xFFFFF000  }
0x3c: {  	_ =	swait.ge [sflag:s0], $0x1000  }
0x3d: {  	[sflag:s0] =	ssyncset.done $0x0  }
0x3e: {  	[sflag:s0] =	ssyncadd.s32 $0xFFFFF000  }
0x3f: {  	_ =	swait.ge [sflag:s0], $0x80  }
0x40: {  	[sflag:s0] =	ssyncset.done $0x0  }
0x41: {  	[sflag:s0] =	ssyncadd.s32 $0xFFFFFF80  }
0x42: {  	v0 =	vor.u32 s3, v0;
	_ =	swait.ge [sflag:s0], $0x80  }
0x43: {  	v2 =	vand.u32 v1, v0;
	[sflag:s0] =	ssyncset.done $0x0  }
0x44: {  	[sflag:s0] =	ssyncadd.s32 $0xFFFFFF80  }
0x45: {  	v48 =	vshll.u32 v0, $0x5;
	_ =	swait.ge [sflag:s0], $0x80  }
0x46: {  	v15 =	vor.u32 $0x1A, v48;
	[sflag:s0] =	ssyncset.done $0x0  }
0x47: {  	v17 =	vor.u32 $0x19, v48;
	[sflag:s0] =	ssyncadd.s32 $0xFFFFFF80  }
0x48: {  	v5 =	vor.u32 $0x1F, v48;
	v0 =	vld.idx.msk [tilespmem:v2+s21+$0x0], $0xffff  }
0x49: {  	v19 =	vor.u32 $0x18, v48  }
0x4a: {  	v21 =	vor.u32 $0x17, v48  }
0x4b: {  	v23 =	vor.u32 $0x16, v48;
	v14 =	vld.idx.msk [tilespmem:v15+s18+$0x0], $0xffff  }
0x4c: {  	v25 =	vor.u32 $0x15, v48;
	v16 =	vld.idx.msk [tilespmem:v17+s18+$0x0], $0xffff  }
0x4d: {  	v7 =	vor.u32 $0x1E, v48;
	[tilespmem:$0x1FF90] =	vst v0;
	v0 =	vld.idx.msk [tilespmem:v5+s18+$0x0], $0xffff  }
0x4e: {  	v27 =	vor.u32 $0x14, v48;
	v18 =	vld.idx.msk [tilespmem:v19+s18+$0x0], $0xffff  }
0x4f: {  	v29 =	vor.u32 $0x13, v48;
	v20 =	vld.idx.msk [tilespmem:v21+s18+$0x0], $0xffff  }
0x50: {  	v31 =	vor.u32 $0x12, v48;
	v22 =	vld.idx.msk [tilespmem:v23+s18+$0x0], $0xffff  }
0x51: {  	v33 =	vor.u32 $0x11, v48;
	v24 =	vld.idx.msk [tilespmem:v25+s18+$0x0], $0xffff  }
0x52: {  	v9 =	vor.u32 $0x1D, v48;
	[tilespmem:$0x1FFA0] =	vst v0;
	v0 =	vld.idx.msk [tilespmem:v7+s18+$0x0], $0xffff  }
0x53: {  	v35 =	vor.u32 $0x10, v48;
	v26 =	vld.idx.msk [tilespmem:v27+s18+$0x0], $0xffff  }
0x54: {  	v37 =	vor.u32 $0xF, v48;
	v28 =	vld.idx.msk [tilespmem:v29+s18+$0x0], $0xffff  }
0x55: {  	v39 =	vor.u32 $0xE, v48;
	v30 =	vld.idx.msk [tilespmem:v31+s18+$0x0], $0xffff  }
0x56: {  	v41 =	vor.u32 $0xD, v48;
	v32 =	vld.idx.msk [tilespmem:v33+s18+$0x0], $0xffff  }
0x57: {  	v11 =	vor.u32 $0x1C, v48;
	[tilespmem:$0x1FFB0] =	vst v0;
	v0 =	vld.idx.msk [tilespmem:v9+s18+$0x0], $0xffff  }
0x58: {  	v43 =	vor.u32 $0xC, v48;
	v34 =	vld.idx.msk [tilespmem:v35+s18+$0x0], $0xffff  }
0x59: {  	v45 =	vor.u32 $0xB, v48;
	v36 =	vld.idx.msk [tilespmem:v37+s18+$0x0], $0xffff  }
0x5a: {  	v47 =	vor.u32 $0xA, v48;
	v38 =	vld.idx.msk [tilespmem:v39+s18+$0x0], $0xffff  }
0x5b: {  	v50 =	vor.u32 $0x9, v48;
	v40 =	vld.idx.msk [tilespmem:v41+s18+$0x0], $0xffff  }
0x5c: {  	v13 =	vor.u32 $0x1B, v48;
	[tilespmem:$0x1FFC0] =	vst v0;
	v0 =	vld.idx.msk [tilespmem:v11+s18+$0x0], $0xffff  }
0x5d: {  	v52 =	vor.u32 $0x8, v48;
	v42 =	vld.idx.msk [tilespmem:v43+s18+$0x0], $0xffff  }
0x5e: {  	v54 =	vor.u32 $0x7, v48;
	v44 =	vld.idx.msk [tilespmem:v45+s18+$0x0], $0xffff  }
0x5f: {  	v56 =	vor.u32 $0x6, v48;
	v46 =	vld.idx.msk [tilespmem:v47+s18+$0x0], $0xffff  }
0x60: {  	v58 =	vor.u32 $0x5, v48;
	v49 =	vld.idx.msk [tilespmem:v50+s18+$0x0], $0xffff  }
0x61: {  	v1 =	vor.u32 $0x4, v48;
	[tilespmem:$0x1FFD0] =	vst v0;
	v0 =	vld.idx.msk [tilespmem:v13+s18+$0x0], $0xffff  }
0x62: {  	v51 =	vld.idx.msk [tilespmem:v52+s18+$0x0], $0xffff  }
0x63: {  	v53 =	vld.idx.msk [tilespmem:v54+s18+$0x0], $0xffff  }
0x64: {  	v55 =	vld.idx.msk [tilespmem:v56+s18+$0x0], $0xffff  }
0x65: {  	v57 =	vld.idx.msk [tilespmem:v58+s18+$0x0], $0xffff  }
0x66: {  	v60 =	vor.u32 $0x2, v48;
	v61 =	vor.u32 $0x1, v48;
	s24 =	simm.s32 $0x10;
	s25 =	simm.s32 $0x6880;
	v59 =	vld.idx.msk [tilespmem:v1+s18+$0x0], $0xffff;
	[tilespmem:$0x1FFE0] =	vst v0;
	v0 =	vor.u32 $0x3, v48  }
.LBB2_2:
0x67: {  	_ =	sdelay $0x3  }
0x68: {  	v62 =	vld.idx.msk [tilespmem:v0+s18+$0x0], $0xffff  }
0x69: {  	v63 =	vld.idx.msk [tilespmem:v60+s18+$0x0], $0xffff  }
0x6a: {  	v3 =	vld.idx.msk [tilespmem:v61+s18+$0x0], $0xffff  }
0x6b: {  	v4 =	vld.idx.msk [tilespmem:v48+s18+$0x0], $0xffff  }
0x6c: {  	v6 =	vld.idx.msk [tilespmem:v48+s17+$0x0], $0xffff  }
0x6d: {  	v48 =	vld.idx.msk [tilespmem:v48+s19+$0x0], $0xffff  }
0x6e: {  	v8 =	vld.idx.msk [tilespmem:v61+s17+$0x0], $0xffff  }
0x6f: {  	v61 =	vld.idx.msk [tilespmem:v61+s19+$0x0], $0xffff  }
0x70: {  	v10 =	vld.idx.msk [tilespmem:v60+s17+$0x0], $0xffff  }
0x71: {  	v60 =	vld.idx.msk [tilespmem:v60+s19+$0x0], $0xffff;
	v4 =	vmul.f32 v4, v6  }
0x72: {  	v12 =	vld.idx.msk [tilespmem:v0+s17+$0x0], $0xffff;
	v6 =	vmul.f32 v48, v6  }
0x73: {  	v0 =	vld.idx.msk [tilespmem:v0+s19+$0x0], $0xffff;
	v3 =	vmul.f32 v3, v8;
	v4 =	vadd.f32 $0.0e+00, v4  }
0x74: {  	v48 =	vld.idx.msk [tilespmem:v1+s17+$0x0], $0xffff;
	v8 =	vmul.f32 v61, v8;
	v6 =	vadd.f32 $0.0e+00, v6  }
0x75: {  	v1 =	vld.idx.msk [tilespmem:v1+s19+$0x0], $0xffff;
	v3 =	vadd.f32 v3, v4;
	v4 =	vmul.f32 v63, v10  }
0x76: {  	v61 =	vld.idx.msk [tilespmem:v58+s17+$0x0], $0xffff;
	v6 =	vadd.f32 v8, v6;
	v8 =	vmul.f32 v60, v10  }
0x77: {  	v10 =	vld.idx.msk [tilespmem:v58+s19+$0x0], $0xffff;
	v3 =	vadd.f32 v4, v3;
	v4 =	vmul.f32 v62, v12  }
0x78: {  	v0 =	vmul.f32 v0, v12;
	v58 =	vld.idx.msk [tilespmem:v56+s17+$0x0], $0xffff;
	v6 =	vadd.f32 v8, v6  }
0x79: {  	v8 =	vld.idx.msk [tilespmem:v56+s19+$0x0], $0xffff;
	v3 =	vadd.f32 v4, v3;
	v4 =	vmul.f32 v59, v48  }
0x7a: {  	v1 =	vmul.f32 v1, v48;
	v12 =	vld.idx.msk [tilespmem:v54+s17+$0x0], $0xffff;
	v0 =	vadd.f32 v0, v6  }
0x7b: {  	v6 =	vld.idx.msk [tilespmem:v54+s19+$0x0], $0xffff;
	v3 =	vadd.f32 v4, v3;
	v4 =	vmul.f32 v57, v61  }
0x7c: {  	v60 =	vld.idx.msk [tilespmem:v52+s17+$0x0], $0xffff;
	v0 =	vadd.f32 v1, v0;
	v1 =	vmul.f32 v10, v61  }
0x7d: {  	v10 =	vld.idx.msk [tilespmem:v52+s19+$0x0], $0xffff;
	v3 =	vadd.f32 v4, v3;
	v4 =	vmul.f32 v55, v58  }
0x7e: {  	v62 =	vld.idx.msk [tilespmem:v50+s17+$0x0], $0xffff;
	v0 =	vadd.f32 v1, v0;
	v1 =	vmul.f32 v8, v58  }
0x7f: {  	v8 =	vld.idx.msk [tilespmem:v50+s19+$0x0], $0xffff;
	v3 =	vadd.f32 v4, v3;
	v4 =	vmul.f32 v53, v12  }
0x80: {  	v56 =	vld.idx.msk [tilespmem:v47+s17+$0x0], $0xffff;
	v0 =	vadd.f32 v1, v0;
	v1 =	vmul.f32 v6, v12  }
0x81: {  	v6 =	vld.idx.msk [tilespmem:v47+s19+$0x0], $0xffff;
	v3 =	vadd.f32 v4, v3;
	v4 =	vmul.f32 v51, v60  }
0x82: {  	v12 =	vld.idx.msk [tilespmem:v45+s17+$0x0], $0xffff;
	v0 =	vadd.f32 v1, v0;
	v1 =	vmul.f32 v10, v60  }
0x83: {  	v10 =	vld.idx.msk [tilespmem:v45+s19+$0x0], $0xffff;
	v3 =	vadd.f32 v4, v3;
	v4 =	vmul.f32 v49, v62  }
0x84: {  	v57 =	vld.idx.msk [tilespmem:v43+s17+$0x0], $0xffff;
	v0 =	vadd.f32 v1, v0;
	v1 =	vmul.f32 v8, v62  }
0x85: {  	v8 =	vld.idx.msk [tilespmem:v43+s19+$0x0], $0xffff;
	v3 =	vadd.f32 v4, v3;
	v4 =	vmul.f32 v46, v56  }
0x86: {  	v58 =	vld.idx.msk [tilespmem:v41+s17+$0x0], $0xffff;
	v0 =	vadd.f32 v1, v0;
	v1 =	vmul.f32 v6, v56  }
0x87: {  	v6 =	vld.idx.msk [tilespmem:v41+s19+$0x0], $0xffff;
	v3 =	vadd.f32 v4, v3;
	v4 =	vmul.f32 v44, v12  }
0x88: {  	v59 =	vld.idx.msk [tilespmem:v39+s17+$0x0], $0xffff;
	v0 =	vadd.f32 v1, v0;
	v1 =	vmul.f32 v10, v12  }
0x89: {  	v10 =	vld.idx.msk [tilespmem:v39+s19+$0x0], $0xffff;
	v3 =	vadd.f32 v4, v3;
	v4 =	vmul.f32 v42, v57  }
0x8a: {  	v12 =	vld.idx.msk [tilespmem:v37+s17+$0x0], $0xffff;
	v0 =	vadd.f32 v1, v0;
	v1 =	vmul.f32 v8, v57  }
0x8b: {  	v8 =	vld.idx.msk [tilespmem:v37+s19+$0x0], $0xffff;
	v3 =	vadd.f32 v4, v3;
	v4 =	vmul.f32 v40, v58  }
0x8c: {  	v60 =	vld.idx.msk [tilespmem:v35+s17+$0x0], $0xffff;
	v0 =	vadd.f32 v1, v0;
	v1 =	vmul.f32 v6, v58  }
0x8d: {  	v6 =	vld.idx.msk [tilespmem:v35+s19+$0x0], $0xffff;
	v3 =	vadd.f32 v4, v3;
	v4 =	vmul.f32 v38, v59  }
0x8e: {  	v61 =	vld.idx.msk [tilespmem:v33+s17+$0x0], $0xffff;
	v0 =	vadd.f32 v1, v0;
	v1 =	vmul.f32 v10, v59  }
0x8f: {  	v10 =	vld.idx.msk [tilespmem:v33+s19+$0x0], $0xffff;
	v3 =	vadd.f32 v4, v3;
	v4 =	vmul.f32 v36, v12  }
0x90: {  	v62 =	vld.idx.msk [tilespmem:v31+s17+$0x0], $0xffff;
	v0 =	vadd.f32 v1, v0;
	v1 =	vmul.f32 v8, v12  }
0x91: {  	v8 =	vld.idx.msk [tilespmem:v31+s19+$0x0], $0xffff;
	v3 =	vadd.f32 v4, v3;
	v4 =	vmul.f32 v34, v60  }
0x92: {  	v12 =	vld.idx.msk [tilespmem:v29+s17+$0x0], $0xffff;
	v0 =	vadd.f32 v1, v0;
	v1 =	vmul.f32 v6, v60  }
0x93: {  	v6 =	vld.idx.msk [tilespmem:v29+s19+$0x0], $0xffff;
	v3 =	vadd.f32 v4, v3;
	v4 =	vmul.f32 v32, v61  }
0x94: {  	v29 =	vld.idx.msk [tilespmem:v27+s17+$0x0], $0xffff;
	v0 =	vadd.f32 v1, v0;
	v1 =	vmul.f32 v10, v61  }
0x95: {  	v10 =	vld.idx.msk [tilespmem:v27+s19+$0x0], $0xffff;
	v3 =	vadd.f32 v4, v3;
	v4 =	vmul.f32 v30, v62  }
0x96: {  	v27 =	vld.idx.msk [tilespmem:v25+s17+$0x0], $0xffff;
	v0 =	vadd.f32 v1, v0;
	v1 =	vmul.f32 v8, v62  }
0x97: {  	v8 =	vld.idx.msk [tilespmem:v25+s19+$0x0], $0xffff;
	v3 =	vadd.f32 v4, v3;
	v4 =	vmul.f32 v28, v12  }
0x98: {  	v25 =	vld.idx.msk [tilespmem:v23+s17+$0x0], $0xffff;
	v0 =	vadd.f32 v1, v0;
	v1 =	vmul.f32 v6, v12  }
0x99: {  	v6 =	vld.idx.msk [tilespmem:v23+s19+$0x0], $0xffff;
	v3 =	vadd.f32 v4, v3;
	v4 =	vmul.f32 v26, v29  }
0x9a: {  	v12 =	vld.idx.msk [tilespmem:v21+s17+$0x0], $0xffff;
	v0 =	vadd.f32 v1, v0;
	v1 =	vmul.f32 v10, v29  }
0x9b: {  	v10 =	vld.idx.msk [tilespmem:v21+s19+$0x0], $0xffff;
	v3 =	vadd.f32 v4, v3;
	v4 =	vmul.f32 v24, v27  }
0x9c: {  	v21 =	vld.idx.msk [tilespmem:v19+s17+$0x0], $0xffff;
	v0 =	vadd.f32 v1, v0;
	v1 =	vmul.f32 v8, v27  }
0x9d: {  	v8 =	vld.idx.msk [tilespmem:v19+s19+$0x0], $0xffff;
	v3 =	vadd.f32 v4, v3;
	v4 =	vmul.f32 v22, v25  }
0x9e: {  	v19 =	vld.idx.msk [tilespmem:v17+s17+$0x0], $0xffff;
	v0 =	vadd.f32 v1, v0  }
0x9f: {  	v1 =	vmul.f32 v6, v25;
	v6 =	vld.idx.msk [tilespmem:v17+s19+$0x0], $0xffff;
	v3 =	vadd.f32 v4, v3;
	v4 =	vmul.f32 v20, v12  }
0xa0: {  	v17 =	vld.idx.msk [tilespmem:v15+s17+$0x0], $0xffff  }
0xa1: {  	v3 =	vadd.f32 v4, v3;
	v4 =	vmul.f32 v18, v21;
	_ =	sdelay $0x1  }
0xa2: {  	v3 =	vadd.f32 v4, v3;
	v4 =	vmul.f32 v16, v19;
	_ =	sdelay $0x1  }
0xa3: {  	v3 =	vadd.f32 v4, v3;
	v4 =	vmul.f32 v14, v17  }
0xa4: {  	v0 =	vadd.f32 v1, v0;
	v1 =	vmul.f32 v10, v12;
	v12 =	vld.idx.msk [tilespmem:v13+s17+$0x0], $0xffff  }
0xa5: {  	v3 =	vadd.f32 v4, v3;
	v4 =	vld [tilespmem:$0x1FFE0];
	_ =	sdelay $0x4  }
0xa6: {  	v0 =	vadd.f32 v1, v0;
	v1 =	vmul.f32 v8, v21;
	v8 =	vld.idx.msk [tilespmem:v13+s19+$0x0], $0xffff;
	v4 =	vmul.f32 v4, v12  }
0xa7: {  	v13 =	vld.idx.msk [tilespmem:v11+s17+$0x0], $0xffff  }
0xa8: {  	v3 =	vadd.f32 v4, v3;
	v4 =	vld [tilespmem:$0x1FFD0];
	_ =	sdelay $0x4  }
0xa9: {  	v0 =	vadd.f32 v1, v0;
	v1 =	vmul.f32 v6, v19;
	v6 =	vld.idx.msk [tilespmem:v11+s19+$0x0], $0xffff;
	v4 =	vmul.f32 v4, v13  }
0xaa: {  	v11 =	vld.idx.msk [tilespmem:v9+s17+$0x0], $0xffff  }
0xab: {  	v3 =	vadd.f32 v4, v3;
	v4 =	vld [tilespmem:$0x1FFC0]  }
0xac: {  	v10 =	vld.idx.msk [tilespmem:v15+s19+$0x0], $0xffff;
	_ =	sdelay $0x3  }
0xad: {  	v4 =	vmul.f32 v4, v11  }
0xae: {  	v0 =	vadd.f32 v1, v0;
	v1 =	vmul.f32 v10, v17;
	v10 =	vld.idx.msk [tilespmem:v7+s17+$0x0], $0xffff  }
0xaf: {  	v3 =	vadd.f32 v4, v3;
	v4 =	vld [tilespmem:$0x1FFB0];
	_ =	sdelay $0x4  }
0xb0: {  	v9 =	vld.idx.msk [tilespmem:v9+s19+$0x0], $0xffff;
	v4 =	vmul.f32 v4, v10  }
0xb1: {  	v0 =	vadd.f32 v1, v0;
	v1 =	vmul.f32 v8, v12;
	v8 =	vld.idx.msk [tilespmem:v5+s17+$0x0], $0xffff  }
0xb2: {  	v3 =	vadd.f32 v4, v3;
	v4 =	vld [tilespmem:$0x1FFA0]  }
0xb3: {  	v7 =	vld.idx.msk [tilespmem:v7+s19+$0x0], $0xffff  }
0xb4: {  	v0 =	vadd.f32 v1, v0;
	v1 =	vmul.f32 v6, v13  }
0xb5: {  	v5 =	vld.idx.msk [tilespmem:v5+s19+$0x0], $0xffff  }
0xb6: {  	v0 =	vadd.f32 v1, v0;
	v1 =	vmul.f32 v9, v11  }
0xb7: {  	v6 =	vld.idx.msk [tilespmem:v2+s20+$0x0], $0xffff;
	v4 =	vmul.f32 v4, v8  }
0xb8: {  	v9 =	vld.idx.msk [tilespmem:v2+s22+$0x0], $0xffff;
	v0 =	vadd.f32 v1, v0;
	v1 =	vmul.f32 v7, v10  }
0xb9: {  	v3 =	vadd.f32 v4, v3;
	v4 =	vld [tilespmem:$0x1FF90]  }
0xba: {  	v0 =	vadd.f32 v1, v0;
	v1 =	vmul.f32 v5, v8;
	v5 =	vld [tilespmem:$0x1FFF0];
	_ =	sdelay $0x2  }
0xbb: {  	v63 =	vlaneseq.u32  }
0xbc: {  	v7 =	vor.u32 s24, v63;
	v4 =	vadd.f32 v4, v6  }
0xbd: {  	v0 =	vadd.f32 v1, v0;
	v1 =	vadd.f32 v9, v6;
	v8 =	vand.u32 v5, v7  }
0xbe: {  	v3 =	vadd.f32 v4, v3  }
0xbf: {  	v48 =	vshll.u32 v7, $0x5;
	v0 =	vadd.f32 v1, v0  }
0xc0: {  	v15 =	vor.u32 $0x1A, v48;
	[tilespmem:v2+s4+$0x0] =	vst.idx.msk $0xffff, v3  }
0xc1: {  	v17 =	vor.u32 $0x19, v48;
	[tilespmem:v2+s23+$0x0] =	vst.idx.msk $0xffff, v0  }
0xc2: {  	v5 =	vor.u32 $0x1F, v48;
	v0 =	vld.idx.msk [tilespmem:v8+s21+$0x0], $0xffff  }
0xc3: {  	v19 =	vor.u32 $0x18, v48  }
0xc4: {  	v21 =	vor.u32 $0x17, v48  }
0xc5: {  	v23 =	vor.u32 $0x16, v48;
	v14 =	vld.idx.msk [tilespmem:v15+s18+$0x0], $0xffff  }
0xc6: {  	v25 =	vor.u32 $0x15, v48;
	v16 =	vld.idx.msk [tilespmem:v17+s18+$0x0], $0xffff  }
0xc7: {  	v7 =	vor.u32 $0x1E, v48;
	[tilespmem:$0x1FF90] =	vst v0;
	v0 =	vld.idx.msk [tilespmem:v5+s18+$0x0], $0xffff  }
0xc8: {  	v27 =	vor.u32 $0x14, v48;
	v18 =	vld.idx.msk [tilespmem:v19+s18+$0x0], $0xffff  }
0xc9: {  	v29 =	vor.u32 $0x13, v48;
	v20 =	vld.idx.msk [tilespmem:v21+s18+$0x0], $0xffff  }
0xca: {  	v31 =	vor.u32 $0x12, v48;
	v22 =	vld.idx.msk [tilespmem:v23+s18+$0x0], $0xffff  }
0xcb: {  	v33 =	vor.u32 $0x11, v48;
	v24 =	vld.idx.msk [tilespmem:v25+s18+$0x0], $0xffff  }
0xcc: {  	v9 =	vor.u32 $0x1D, v48;
	[tilespmem:$0x1FFA0] =	vst v0;
	v0 =	vld.idx.msk [tilespmem:v7+s18+$0x0], $0xffff  }
0xcd: {  	v35 =	vor.u32 $0x10, v48;
	v26 =	vld.idx.msk [tilespmem:v27+s18+$0x0], $0xffff  }
0xce: {  	v37 =	vor.u32 $0xF, v48;
	v28 =	vld.idx.msk [tilespmem:v29+s18+$0x0], $0xffff  }
0xcf: {  	v39 =	vor.u32 $0xE, v48;
	v30 =	vld.idx.msk [tilespmem:v31+s18+$0x0], $0xffff  }
0xd0: {  	v41 =	vor.u32 $0xD, v48;
	v32 =	vld.idx.msk [tilespmem:v33+s18+$0x0], $0xffff  }
0xd1: {  	v11 =	vor.u32 $0x1C, v48;
	[tilespmem:$0x1FFB0] =	vst v0;
	v0 =	vld.idx.msk [tilespmem:v9+s18+$0x0], $0xffff  }
0xd2: {  	v43 =	vor.u32 $0xC, v48;
	v34 =	vld.idx.msk [tilespmem:v35+s18+$0x0], $0xffff  }
0xd3: {  	v45 =	vor.u32 $0xB, v48;
	v36 =	vld.idx.msk [tilespmem:v37+s18+$0x0], $0xffff  }
0xd4: {  	v47 =	vor.u32 $0xA, v48;
	v38 =	vld.idx.msk [tilespmem:v39+s18+$0x0], $0xffff  }
0xd5: {  	v50 =	vor.u32 $0x9, v48;
	v40 =	vld.idx.msk [tilespmem:v41+s18+$0x0], $0xffff  }
0xd6: {  	v13 =	vor.u32 $0x1B, v48;
	[tilespmem:$0x1FFC0] =	vst v0;
	v0 =	vld.idx.msk [tilespmem:v11+s18+$0x0], $0xffff  }
0xd7: {  	v52 =	vor.u32 $0x8, v48;
	v42 =	vld.idx.msk [tilespmem:v43+s18+$0x0], $0xffff  }
0xd8: {  	v54 =	vor.u32 $0x7, v48;
	v44 =	vld.idx.msk [tilespmem:v45+s18+$0x0], $0xffff  }
0xd9: {  	v56 =	vor.u32 $0x6, v48;
	v46 =	vld.idx.msk [tilespmem:v47+s18+$0x0], $0xffff  }
0xda: {  	v58 =	vor.u32 $0x5, v48;
	v49 =	vld.idx.msk [tilespmem:v50+s18+$0x0], $0xffff  }
0xdb: {  	p0 =	sne.s32 s24, $0x70;
	v1 =	vor.u32 $0x4, v48;
	[tilespmem:$0x1FFD0] =	vst v0;
	v0 =	vld.idx.msk [tilespmem:v13+s18+$0x0], $0xffff  }
.Ltmp0:
0xdc: {  	v51 =	vld.idx.msk [tilespmem:v52+s18+$0x0], $0xffff;
	(pc) =	sbr.rel @p0 .LBB2_2-.Ltmp0, $4  }
0xdd: {  	v53 =	vld.idx.msk [tilespmem:v54+s18+$0x0], $0xffff  }
0xde: {  	v55 =	vld.idx.msk [tilespmem:v56+s18+$0x0], $0xffff  }
0xdf: {  	v57 =	vld.idx.msk [tilespmem:v58+s18+$0x0], $0xffff  }
0xe0: {  	s24 =	sadd.s32 $0x10, s24;
	v60 =	vor.u32 $0x2, v48;
	v61 =	vor.u32 $0x1, v48;
	v2 =	vmovc v8;
	v59 =	vld.idx.msk [tilespmem:v1+s18+$0x0], $0xffff;
	[tilespmem:$0x1FFE0] =	vst v0;
	v0 =	vor.u32 $0x3, v48  }
0xe1: {  	_ =	sdelay $0x3  }
0xe2: {  	v3 =	vld.idx.msk [tilespmem:v48+s18+$0x0], $0xffff  }
0xe3: {  	v4 =	vld.idx.msk [tilespmem:v48+s17+$0x0], $0xffff  }
0xe4: {  	v6 =	vld.idx.msk [tilespmem:v48+s19+$0x0], $0xffff  }
0xe5: {  	v8 =	vld.idx.msk [tilespmem:v61+s18+$0x0], $0xffff  }
0xe6: {  	v10 =	vld.idx.msk [tilespmem:v61+s17+$0x0], $0xffff  }
0xe7: {  	v12 =	vld.idx.msk [tilespmem:v61+s19+$0x0], $0xffff  }
0xe8: {  	v48 =	vld.idx.msk [tilespmem:v60+s18+$0x0], $0xffff  }
0xe9: {  	v61 =	vld.idx.msk [tilespmem:v60+s17+$0x0], $0xffff  }
0xea: {  	v60 =	vld.idx.msk [tilespmem:v60+s19+$0x0], $0xffff  }
0xeb: {  	v62 =	vld.idx.msk [tilespmem:v0+s18+$0x0], $0xffff  }
0xec: {  	v3 =	vmul.f32 v3, v4;
	v4 =	vmul.f32 v6, v4;
	v6 =	vld.idx.msk [tilespmem:v0+s17+$0x0], $0xffff  }
0xed: {  	v0 =	vld.idx.msk [tilespmem:v0+s19+$0x0], $0xffff  }
0xee: {  	v8 =	vmul.f32 v8, v10;
	v10 =	vmul.f32 v12, v10;
	v12 =	vld.idx.msk [tilespmem:v1+s17+$0x0], $0xffff;
	v3 =	vadd.f32 $0.0e+00, v3  }
0xef: {  	v1 =	vld.idx.msk [tilespmem:v1+s19+$0x0], $0xffff;
	v4 =	vadd.f32 $0.0e+00, v4  }
0xf0: {  	v3 =	vadd.f32 v8, v3  }
0xf1: {  	v8 =	vmul.f32 v48, v61;
	v4 =	vadd.f32 v10, v4;
	v10 =	vmul.f32 v60, v61;
	v48 =	vld.idx.msk [tilespmem:v58+s17+$0x0], $0xffff  }
0xf2: {  	v60 =	vmul.f32 v62, v6;
	v0 =	vmul.f32 v0, v6;
	v6 =	vld.idx.msk [tilespmem:v56+s17+$0x0], $0xffff  }
0xf3: {  	v3 =	vadd.f32 v8, v3;
	v8 =	vld.idx.msk [tilespmem:v58+s19+$0x0], $0xffff  }
0xf4: {  	v61 =	vmul.f32 v59, v12;
	v1 =	vmul.f32 v1, v12;
	v12 =	vld.idx.msk [tilespmem:v54+s19+$0x0], $0xffff;
	v4 =	vadd.f32 v10, v4  }
0xf5: {  	v10 =	vld.idx.msk [tilespmem:v56+s19+$0x0], $0xffff  }
0xf6: {  	v59 =	vld.idx.msk [tilespmem:v39+s17+$0x0], $0xffff;
	v3 =	vadd.f32 v60, v3;
	v0 =	vadd.f32 v0, v4  }
0xf7: {  	v4 =	vld.idx.msk [tilespmem:v54+s17+$0x0], $0xffff;
	v62 =	vmul.f32 v57, v48  }
0xf8: {  	v60 =	vld.idx.msk [tilespmem:v52+s17+$0x0], $0xffff;
	v3 =	vadd.f32 v61, v3;
	v0 =	vadd.f32 v1, v0;
	v1 =	vmul.f32 v8, v48  }
0xf9: {  	v8 =	vld.idx.msk [tilespmem:v52+s19+$0x0], $0xffff  }
0xfa: {  	v3 =	vadd.f32 v62, v3;
	v62 =	vld.idx.msk [tilespmem:v50+s17+$0x0], $0xffff;
	v0 =	vadd.f32 v1, v0;
	v1 =	vmul.f32 v10, v6  }
0xfb: {  	v61 =	vmul.f32 v55, v6;
	v6 =	vld.idx.msk [tilespmem:v50+s19+$0x0], $0xffff  }
0xfc: {  	v55 =	vld.idx.msk [tilespmem:v47+s17+$0x0], $0xffff;
	v0 =	vadd.f32 v1, v0;
	v1 =	vmul.f32 v12, v4  }
0xfd: {  	v10 =	vmul.f32 v53, v4;
	v3 =	vadd.f32 v61, v3;
	v4 =	vld.idx.msk [tilespmem:v47+s19+$0x0], $0xffff  }
0xfe: {  	v12 =	vld.idx.msk [tilespmem:v45+s17+$0x0], $0xffff;
	v0 =	vadd.f32 v1, v0;
	v1 =	vmul.f32 v8, v60  }
0xff: {  	v3 =	vadd.f32 v10, v3;
	v10 =	vmul.f32 v51, v60;
	v8 =	vld.idx.msk [tilespmem:v45+s19+$0x0], $0xffff  }
0x100: {  	v57 =	vld.idx.msk [tilespmem:v43+s17+$0x0], $0xffff;
	v0 =	vadd.f32 v1, v0;
	v1 =	vmul.f32 v6, v62  }
0x101: {  	v3 =	vadd.f32 v10, v3;
	v10 =	vmul.f32 v49, v62;
	v6 =	vld.idx.msk [tilespmem:v43+s19+$0x0], $0xffff  }
0x102: {  	v58 =	vld.idx.msk [tilespmem:v41+s17+$0x0], $0xffff;
	v0 =	vadd.f32 v1, v0;
	v1 =	vmul.f32 v4, v55  }
0x103: {  	v3 =	vadd.f32 v10, v3;
	v10 =	vmul.f32 v46, v55;
	v4 =	vld.idx.msk [tilespmem:v41+s19+$0x0], $0xffff  }
0x104: {  	v61 =	vld.idx.msk [tilespmem:v33+s17+$0x0], $0xffff;
	v0 =	vadd.f32 v1, v0;
	v1 =	vmul.f32 v8, v12  }
0x105: {  	v3 =	vadd.f32 v10, v3;
	v10 =	vmul.f32 v44, v12;
	v8 =	vld.idx.msk [tilespmem:v39+s19+$0x0], $0xffff  }
0x106: {  	v12 =	vld.idx.msk [tilespmem:v37+s17+$0x0], $0xffff;
	v0 =	vadd.f32 v1, v0;
	v1 =	vmul.f32 v6, v57  }
0x107: {  	v3 =	vadd.f32 v10, v3;
	v10 =	vmul.f32 v42, v57;
	v6 =	vld.idx.msk [tilespmem:v37+s19+$0x0], $0xffff  }
0x108: {  	v60 =	vld.idx.msk [tilespmem:v35+s17+$0x0], $0xffff;
	v0 =	vadd.f32 v1, v0;
	v1 =	vmul.f32 v4, v58  }
0x109: {  	v3 =	vadd.f32 v10, v3;
	v10 =	vmul.f32 v40, v58;
	v4 =	vld.idx.msk [tilespmem:v35+s19+$0x0], $0xffff  }
0x10a: {  	v62 =	vld.idx.msk [tilespmem:v31+s17+$0x0], $0xffff;
	v0 =	vadd.f32 v1, v0;
	v1 =	vmul.f32 v8, v59  }
0x10b: {  	v3 =	vadd.f32 v10, v3;
	v10 =	vmul.f32 v38, v59;
	v8 =	vld.idx.msk [tilespmem:v33+s19+$0x0], $0xffff  }
0x10c: {  	v0 =	vadd.f32 v1, v0;
	v1 =	vmul.f32 v6, v12;
	v6 =	vld.idx.msk [tilespmem:v31+s19+$0x0], $0xffff  }
0x10d: {  	v3 =	vadd.f32 v10, v3;
	v10 =	vmul.f32 v36, v12;
	v12 =	vld.idx.msk [tilespmem:v29+s17+$0x0], $0xffff  }
0x10e: {  	v0 =	vadd.f32 v1, v0;
	v1 =	vmul.f32 v4, v60;
	v4 =	vld.idx.msk [tilespmem:v29+s19+$0x0], $0xffff  }
0x10f: {  	v3 =	vadd.f32 v10, v3;
	v10 =	vmul.f32 v34, v60;
	v29 =	vld.idx.msk [tilespmem:v27+s17+$0x0], $0xffff  }
0x110: {  	v0 =	vadd.f32 v1, v0;
	v1 =	vmul.f32 v8, v61;
	v8 =	vld.idx.msk [tilespmem:v27+s19+$0x0], $0xffff  }
0x111: {  	v3 =	vadd.f32 v10, v3;
	v10 =	vmul.f32 v32, v61;
	v27 =	vld.idx.msk [tilespmem:v25+s17+$0x0], $0xffff  }
0x112: {  	v0 =	vadd.f32 v1, v0;
	v1 =	vmul.f32 v6, v62;
	v6 =	vld.idx.msk [tilespmem:v25+s19+$0x0], $0xffff  }
0x113: {  	v3 =	vadd.f32 v10, v3;
	v10 =	vmul.f32 v30, v62;
	v25 =	vld.idx.msk [tilespmem:v23+s17+$0x0], $0xffff  }
0x114: {  	v0 =	vadd.f32 v1, v0;
	v1 =	vmul.f32 v4, v12;
	v4 =	vld.idx.msk [tilespmem:v23+s19+$0x0], $0xffff  }
0x115: {  	v3 =	vadd.f32 v10, v3;
	v10 =	vmul.f32 v28, v12;
	v12 =	vld.idx.msk [tilespmem:v21+s17+$0x0], $0xffff  }
0x116: {  	v0 =	vadd.f32 v1, v0;
	v1 =	vmul.f32 v8, v29;
	v8 =	vld.idx.msk [tilespmem:v21+s19+$0x0], $0xffff  }
0x117: {  	v3 =	vadd.f32 v10, v3;
	v10 =	vmul.f32 v26, v29;
	v21 =	vld.idx.msk [tilespmem:v19+s17+$0x0], $0xffff  }
0x118: {  	v0 =	vadd.f32 v1, v0;
	v1 =	vmul.f32 v6, v27;
	v6 =	vld.idx.msk [tilespmem:v19+s19+$0x0], $0xffff  }
0x119: {  	v3 =	vadd.f32 v10, v3;
	v10 =	vmul.f32 v24, v27;
	v19 =	vld.idx.msk [tilespmem:v17+s17+$0x0], $0xffff  }
0x11a: {  	v0 =	vadd.f32 v1, v0;
	v1 =	vmul.f32 v4, v25;
	v4 =	vld.idx.msk [tilespmem:v17+s19+$0x0], $0xffff  }
0x11b: {  	v3 =	vadd.f32 v10, v3;
	v10 =	vmul.f32 v22, v25;
	v17 =	vld.idx.msk [tilespmem:v15+s17+$0x0], $0xffff  }
0x11c: {  	v0 =	vadd.f32 v1, v0;
	v1 =	vmul.f32 v8, v12;
	v8 =	vld.idx.msk [tilespmem:v15+s19+$0x0], $0xffff  }
0x11d: {  	v3 =	vadd.f32 v10, v3;
	v10 =	vmul.f32 v20, v12;
	v12 =	vld.idx.msk [tilespmem:v13+s17+$0x0], $0xffff  }
0x11e: {  	v0 =	vadd.f32 v1, v0;
	v1 =	vmul.f32 v6, v21;
	v6 =	vld.idx.msk [tilespmem:v13+s19+$0x0], $0xffff  }
0x11f: {  	v3 =	vadd.f32 v10, v3;
	v10 =	vmul.f32 v18, v21;
	v13 =	vld.idx.msk [tilespmem:v11+s17+$0x0], $0xffff  }
0x120: {  	v0 =	vadd.f32 v1, v0;
	v1 =	vmul.f32 v4, v19;
	v4 =	vld.idx.msk [tilespmem:v11+s19+$0x0], $0xffff  }
0x121: {  	v3 =	vadd.f32 v10, v3;
	v11 =	vld.idx.msk [tilespmem:v9+s17+$0x0], $0xffff  }
0x122: {  	v10 =	vmul.f32 v16, v19;
	v0 =	vadd.f32 v1, v0;
	v1 =	vmul.f32 v8, v17;
	v8 =	vld.idx.msk [tilespmem:v9+s19+$0x0], $0xffff  }
0x123: {  	v9 =	vld [tilespmem:$0x1FFE0]  }
0x124: {  	v3 =	vadd.f32 v10, v3;
	v10 =	vmul.f32 v14, v17;
	_ =	sdelay $0x1  }
0x125: {  	v3 =	vadd.f32 v10, v3;
	v10 =	vld.idx.msk [tilespmem:v7+s17+$0x0], $0xffff  }
0x126: {  	v0 =	vadd.f32 v1, v0;
	v1 =	vmul.f32 v6, v12;
	v6 =	vld.idx.msk [tilespmem:v7+s19+$0x0], $0xffff  }
0x127: {  	v7 =	vld [tilespmem:$0x1FFD0];
	v9 =	vmul.f32 v9, v12  }
0x128: {  	v0 =	vadd.f32 v1, v0;
	v1 =	vmul.f32 v4, v13;
	v4 =	vld.idx.msk [tilespmem:v5+s19+$0x0], $0xffff  }
0x129: {  	v3 =	vadd.f32 v9, v3;
	v9 =	vld.idx.msk [tilespmem:v5+s17+$0x0], $0xffff  }
0x12a: {  	v5 =	vld [tilespmem:$0x1FFC0];
	_ =	sdelay $0x2  }
0x12b: {  	v7 =	vmul.f32 v7, v13;
	_ =	sdelay $0x1  }
0x12c: {  	v3 =	vadd.f32 v7, v3;
	v5 =	vmul.f32 v5, v11;
	_ =	sdelay $0x1  }
0x12d: {  	v3 =	vadd.f32 v5, v3;
	v5 =	vld [tilespmem:$0x1FFB0];
	_ =	sdelay $0x4  }
0x12e: {  	v0 =	vadd.f32 v1, v0;
	v1 =	vmul.f32 v8, v11;
	v5 =	vmul.f32 v5, v10;
	_ =	sdelay $0x1  }
0x12f: {  	v0 =	vadd.f32 v1, v0;
	v1 =	vmul.f32 v6, v10;
	v3 =	vadd.f32 v5, v3;
	v5 =	vld [tilespmem:$0x1FFA0]  }
0x130: {  	v7 =	vld.idx.msk [tilespmem:v2+s20+$0x0], $0xffff  }
0x131: {  	v0 =	vadd.f32 v1, v0;
	v1 =	vmul.f32 v4, v9;
	v4 =	vld [tilespmem:$0x1FF90]  }
0x132: {  	v8 =	vld.idx.msk [tilespmem:v2+s22+$0x0], $0xffff;
	_ =	sdelay $0x1  }
0x133: {  	v5 =	vmul.f32 v5, v9;
	_ =	sdelay $0x1  }
0x134: {  	v4 =	vadd.f32 v4, v7;
	v3 =	vadd.f32 v5, v3  }
0x135: {  	v0 =	vadd.f32 v1, v0;
	v1 =	vadd.f32 v8, v7  }
0x136: {  	v3 =	vadd.f32 v4, v3  }
0x137: {  	v0 =	vadd.f32 v1, v0  }
0x138: {  	[tilespmem:v2+s4+$0x0] =	vst.idx.msk $0xffff, v3  }
0x139: {  	s24 =	simm.s32 $0x100;
	[tilespmem:v2+s23+$0x0] =	vst.idx.msk $0xffff, v0  }
0x13a: {  	[tilespmem:s17], [sflag:$0x1] =	stream.indirect.gather [hbm4b:s5+s16], $0x20, s24, s16, $0xb8;
	[tilespmem:$0x6D00] =	vst v63  }
0x13b: {  	s28 =	simm.s32 $0x300  }
0x13c: {  	[tilespmem:s18], [sflag:$0x1] =	stream.indirect.gather [hbm4b:s6+s16], $0x20, s28, s16, $0xb8;
	[tilespmem:$0x6D00] =	vst v63  }
0x13d: {  	s29 =	simm.s32 $0x500  }
0x13e: {  	[tilespmem:s19], [sflag:$0x1] =	stream.indirect.gather [hbm4b:s6+s16], $0x20, s29, s16, $0xb8;
	[tilespmem:$0x6D00] =	vst v63  }
0x13f: {  	_ = 	snop  }
0x140: {  	[tilespmem:s20], [sflag:$0x1] =	stream.indirect.gather [hbm4b:s1+s16], $0x1, s24, s16, $0xb8;
	[tilespmem:$0x6D00] =	vst v63  }
0x141: {  	_ = 	snop  }
0x142: {  	[tilespmem:s21], [sflag:$0x1] =	stream.indirect.gather [hbm4b:s2+s16], $0x1, s28, s16, $0xb8;
	[tilespmem:$0x6D00] =	vst v63  }
0x143: {  	_ = 	snop  }
0x144: {  	[tilespmem:s22], [sflag:$0x1] =	stream.indirect.gather [hbm4b:s2+s16], $0x1, s29, s16, $0xb8;
	[tilespmem:$0x6D00] =	vst v63  }
0x145: {  	_ =	swait.ge [sflag:s0], $0x1000  }
0x146: {  	[sflag:s0] =	ssyncset.done $0x0  }
0x147: {  	[sflag:s0] =	ssyncadd.s32 $0xFFFFF000  }
0x148: {  	_ =	swait.ge [sflag:s0], $0x1000  }
0x149: {  	[sflag:s0] =	ssyncset.done $0x0  }
0x14a: {  	[sflag:s0] =	ssyncadd.s32 $0xFFFFF000  }
0x14b: {  	_ =	swait.ge [sflag:s0], $0x1000  }
0x14c: {  	[sflag:s0] =	ssyncset.done $0x0  }
0x14d: {  	[sflag:s0] =	ssyncadd.s32 $0xFFFFF000  }
0x14e: {  	_ =	swait.ge [sflag:s0], $0x80  }
0x14f: {  	[sflag:s0] =	ssyncset.done $0x0  }
0x150: {  	s29 =	simm.s32 $0x0;
	[sflag:s0] =	ssyncadd.s32 $0xFFFFFF80  }
0x151: {  	v2 =	vand.u32 $0x7, v63;
	v0 =	vor.u32 s29, v63;
	_ =	swait.ge [sflag:s0], $0x80  }
0x152: {  	v1 =	vand.u32 $0x78, v0;
	[tilespmem:$0x1FF10] =	vst v2;
	v2 =	vor.u32 $0x80, v2  }
0x153: {  	[sflag:s0] =	ssyncset.done $0x0;
	v4 =	vor.u32 v2, v1  }
0x154: {  	[tilespmem:$0x1FF20] =	vst v2;
	[sflag:s0] =	ssyncadd.s32 $0xFFFFFF80  }
0x155: {  	_ =	swait.ge [sflag:s0], $0x80  }
0x156: {  	v63 =	vshll.u32 v0, $0x5;
	[sflag:s0] =	ssyncset.done $0x0  }
0x157: {  	v17 =	vor.u32 $0x101A, v63;
	[sflag:s0] =	ssyncadd.s32 $0xFFFFFF80  }
0x158: {  	v7 =	vor.u32 $0x101F, v63;
	v0 =	vld.idx.msk [tilespmem:v4+s21+$0x0], $0xffff  }
0x159: {  	v19 =	vor.u32 $0x1019, v63  }
0x15a: {  	v21 =	vor.u32 $0x1018, v63  }
0x15b: {  	v23 =	vor.u32 $0x1017, v63  }
0x15c: {  	v25 =	vor.u32 $0x1016, v63;
	v16 =	vld.idx.msk [tilespmem:v17+s18+$0x0], $0xffff  }
0x15d: {  	v9 =	vor.u32 $0x101E, v63;
	[tilespmem:$0x1FF30] =	vst v0;
	v0 =	vld.idx.msk [tilespmem:v7+s18+$0x0], $0xffff  }
0x15e: {  	v27 =	vor.u32 $0x1015, v63;
	v18 =	vld.idx.msk [tilespmem:v19+s18+$0x0], $0xffff  }
0x15f: {  	v29 =	vor.u32 $0x1014, v63;
	v20 =	vld.idx.msk [tilespmem:v21+s18+$0x0], $0xffff  }
0x160: {  	v31 =	vor.u32 $0x1013, v63;
	v22 =	vld.idx.msk [tilespmem:v23+s18+$0x0], $0xffff  }
0x161: {  	v33 =	vor.u32 $0x1012, v63;
	v24 =	vld.idx.msk [tilespmem:v25+s18+$0x0], $0xffff  }
0x162: {  	v11 =	vor.u32 $0x101D, v63;
	[tilespmem:$0x1FF40] =	vst v0;
	v0 =	vld.idx.msk [tilespmem:v9+s18+$0x0], $0xffff  }
0x163: {  	v35 =	vor.u32 $0x1011, v63;
	v26 =	vld.idx.msk [tilespmem:v27+s18+$0x0], $0xffff  }
0x164: {  	v37 =	vor.u32 $0x1010, v63;
	v28 =	vld.idx.msk [tilespmem:v29+s18+$0x0], $0xffff  }
0x165: {  	v39 =	vor.u32 $0x100F, v63;
	v30 =	vld.idx.msk [tilespmem:v31+s18+$0x0], $0xffff  }
0x166: {  	v41 =	vor.u32 $0x100E, v63;
	v32 =	vld.idx.msk [tilespmem:v33+s18+$0x0], $0xffff  }
0x167: {  	v13 =	vor.u32 $0x101C, v63;
	[tilespmem:$0x1FF50] =	vst v0;
	v0 =	vld.idx.msk [tilespmem:v11+s18+$0x0], $0xffff  }
0x168: {  	v43 =	vor.u32 $0x100D, v63;
	v34 =	vld.idx.msk [tilespmem:v35+s18+$0x0], $0xffff  }
0x169: {  	v45 =	vor.u32 $0x100C, v63;
	v36 =	vld.idx.msk [tilespmem:v37+s18+$0x0], $0xffff  }
0x16a: {  	v47 =	vor.u32 $0x100B, v63;
	v38 =	vld.idx.msk [tilespmem:v39+s18+$0x0], $0xffff  }
0x16b: {  	v49 =	vor.u32 $0x100A, v63;
	v40 =	vld.idx.msk [tilespmem:v41+s18+$0x0], $0xffff  }
0x16c: {  	v15 =	vor.u32 $0x101B, v63;
	[tilespmem:$0x1FF60] =	vst v0;
	v0 =	vld.idx.msk [tilespmem:v13+s18+$0x0], $0xffff  }
0x16d: {  	v51 =	vor.u32 $0x1009, v63;
	v42 =	vld.idx.msk [tilespmem:v43+s18+$0x0], $0xffff  }
0x16e: {  	v53 =	vor.u32 $0x1008, v63;
	v44 =	vld.idx.msk [tilespmem:v45+s18+$0x0], $0xffff  }
0x16f: {  	v55 =	vor.u32 $0x1007, v63;
	v46 =	vld.idx.msk [tilespmem:v47+s18+$0x0], $0xffff  }
0x170: {  	v57 =	vor.u32 $0x1006, v63;
	v48 =	vld.idx.msk [tilespmem:v49+s18+$0x0], $0xffff  }
0x171: {  	v59 =	vor.u32 $0x1005, v63;
	[tilespmem:$0x1FF70] =	vst v0;
	v0 =	vld.idx.msk [tilespmem:v15+s18+$0x0], $0xffff  }
0x172: {  	v50 =	vld.idx.msk [tilespmem:v51+s18+$0x0], $0xffff  }
0x173: {  	v52 =	vld.idx.msk [tilespmem:v53+s18+$0x0], $0xffff  }
0x174: {  	v54 =	vld.idx.msk [tilespmem:v55+s18+$0x0], $0xffff  }
0x175: {  	v3 =	vor.u32 $0x1001, v63;
	v60 =	vor.u32 $0x1000, v63;
	v56 =	vld.idx.msk [tilespmem:v57+s18+$0x0], $0xffff  }
0x176: {  	s24 =	simm.s32 $0x10;
	v1 =	vor.u32 $0x1003, v63;
	v2 =	vor.u32 $0x1002, v63;
	v58 =	vld.idx.msk [tilespmem:v59+s18+$0x0], $0xffff;
	[tilespmem:$0x1FF80] =	vst v0;
	v0 =	vor.u32 $0x1004, v63  }
.LBB2_4:
0x177: {  	_ =	sdelay $0x3  }
0x178: {  	v61 =	vld.idx.msk [tilespmem:v0+s18+$0x0], $0xffff  }
0x179: {  	v62 =	vld.idx.msk [tilespmem:v1+s18+$0x0], $0xffff  }
0x17a: {  	v63 =	vld.idx.msk [tilespmem:v2+s18+$0x0], $0xffff  }
0x17b: {  	v5 =	vld.idx.msk [tilespmem:v3+s18+$0x0], $0xffff  }
0x17c: {  	v6 =	vld.idx.msk [tilespmem:v60+s18+$0x0], $0xffff  }
0x17d: {  	v8 =	vld.idx.msk [tilespmem:v60+s17+$0x0], $0xffff  }
0x17e: {  	v60 =	vld.idx.msk [tilespmem:v60+s19+$0x0], $0xffff  }
0x17f: {  	v10 =	vld.idx.msk [tilespmem:v3+s17+$0x0], $0xffff  }
0x180: {  	v3 =	vld.idx.msk [tilespmem:v3+s19+$0x0], $0xffff  }
0x181: {  	v12 =	vld.idx.msk [tilespmem:v2+s17+$0x0], $0xffff  }
0x182: {  	v2 =	vld.idx.msk [tilespmem:v2+s19+$0x0], $0xffff;
	v6 =	vmul.f32 v6, v8  }
0x183: {  	v14 =	vld.idx.msk [tilespmem:v1+s17+$0x0], $0xffff;
	v8 =	vmul.f32 v60, v8  }
0x184: {  	v1 =	vld.idx.msk [tilespmem:v1+s19+$0x0], $0xffff;
	v5 =	vmul.f32 v5, v10;
	v6 =	vadd.f32 $0.0e+00, v6  }
0x185: {  	v60 =	vld.idx.msk [tilespmem:v0+s17+$0x0], $0xffff;
	v3 =	vmul.f32 v3, v10;
	v8 =	vadd.f32 $0.0e+00, v8  }
0x186: {  	v0 =	vld.idx.msk [tilespmem:v0+s19+$0x0], $0xffff;
	v5 =	vadd.f32 v5, v6;
	v6 =	vmul.f32 v63, v12  }
0x187: {  	v10 =	vld.idx.msk [tilespmem:v59+s17+$0x0], $0xffff;
	v2 =	vmul.f32 v2, v12;
	v3 =	vadd.f32 v3, v8  }
0x188: {  	v8 =	vld.idx.msk [tilespmem:v59+s19+$0x0], $0xffff;
	v5 =	vadd.f32 v6, v5;
	v6 =	vmul.f32 v62, v14  }
0x189: {  	v1 =	vmul.f32 v1, v14;
	v12 =	vld.idx.msk [tilespmem:v57+s17+$0x0], $0xffff;
	v2 =	vadd.f32 v2, v3  }
0x18a: {  	v3 =	vld.idx.msk [tilespmem:v57+s19+$0x0], $0xffff;
	v5 =	vadd.f32 v6, v5;
	v6 =	vmul.f32 v61, v60  }
0x18b: {  	v0 =	vmul.f32 v0, v60;
	v14 =	vld.idx.msk [tilespmem:v55+s17+$0x0], $0xffff;
	v1 =	vadd.f32 v1, v2  }
0x18c: {  	v2 =	vld.idx.msk [tilespmem:v55+s19+$0x0], $0xffff;
	v5 =	vadd.f32 v6, v5;
	v6 =	vmul.f32 v58, v10  }
0x18d: {  	v60 =	vld.idx.msk [tilespmem:v53+s17+$0x0], $0xffff;
	v0 =	vadd.f32 v0, v1;
	v1 =	vmul.f32 v8, v10  }
0x18e: {  	v8 =	vld.idx.msk [tilespmem:v53+s19+$0x0], $0xffff;
	v5 =	vadd.f32 v6, v5;
	v6 =	vmul.f32 v56, v12  }
0x18f: {  	v10 =	vld.idx.msk [tilespmem:v51+s17+$0x0], $0xffff;
	v0 =	vadd.f32 v1, v0;
	v1 =	vmul.f32 v3, v12  }
0x190: {  	v3 =	vld.idx.msk [tilespmem:v51+s19+$0x0], $0xffff;
	v5 =	vadd.f32 v6, v5;
	v6 =	vmul.f32 v54, v14  }
0x191: {  	v12 =	vld.idx.msk [tilespmem:v49+s17+$0x0], $0xffff;
	v0 =	vadd.f32 v1, v0;
	v1 =	vmul.f32 v2, v14  }
0x192: {  	v2 =	vld.idx.msk [tilespmem:v49+s19+$0x0], $0xffff;
	v5 =	vadd.f32 v6, v5;
	v6 =	vmul.f32 v52, v60  }
0x193: {  	v14 =	vld.idx.msk [tilespmem:v47+s17+$0x0], $0xffff;
	v0 =	vadd.f32 v1, v0;
	v1 =	vmul.f32 v8, v60  }
0x194: {  	v8 =	vld.idx.msk [tilespmem:v47+s19+$0x0], $0xffff;
	v5 =	vadd.f32 v6, v5;
	v6 =	vmul.f32 v50, v10  }
0x195: {  	v61 =	vld.idx.msk [tilespmem:v45+s17+$0x0], $0xffff;
	v0 =	vadd.f32 v1, v0;
	v1 =	vmul.f32 v3, v10  }
0x196: {  	v3 =	vld.idx.msk [tilespmem:v45+s19+$0x0], $0xffff;
	v5 =	vadd.f32 v6, v5;
	v6 =	vmul.f32 v48, v12  }
0x197: {  	v10 =	vld.idx.msk [tilespmem:v43+s17+$0x0], $0xffff;
	v0 =	vadd.f32 v1, v0;
	v1 =	vmul.f32 v2, v12  }
0x198: {  	v2 =	vld.idx.msk [tilespmem:v43+s19+$0x0], $0xffff;
	v5 =	vadd.f32 v6, v5;
	v6 =	vmul.f32 v46, v14  }
0x199: {  	v12 =	vld.idx.msk [tilespmem:v41+s17+$0x0], $0xffff;
	v0 =	vadd.f32 v1, v0;
	v1 =	vmul.f32 v8, v14  }
0x19a: {  	v8 =	vld.idx.msk [tilespmem:v41+s19+$0x0], $0xffff;
	v5 =	vadd.f32 v6, v5;
	v6 =	vmul.f32 v44, v61  }
0x19b: {  	v14 =	vld.idx.msk [tilespmem:v39+s17+$0x0], $0xffff;
	v0 =	vadd.f32 v1, v0;
	v1 =	vmul.f32 v3, v61  }
0x19c: {  	v3 =	vld.idx.msk [tilespmem:v39+s19+$0x0], $0xffff;
	v5 =	vadd.f32 v6, v5;
	v6 =	vmul.f32 v42, v10  }
0x19d: {  	v62 =	vld.idx.msk [tilespmem:v37+s17+$0x0], $0xffff;
	v0 =	vadd.f32 v1, v0;
	v1 =	vmul.f32 v2, v10  }
0x19e: {  	v2 =	vld.idx.msk [tilespmem:v37+s19+$0x0], $0xffff;
	v5 =	vadd.f32 v6, v5;
	v6 =	vmul.f32 v40, v12  }
0x19f: {  	v10 =	vld.idx.msk [tilespmem:v35+s17+$0x0], $0xffff;
	v0 =	vadd.f32 v1, v0;
	v1 =	vmul.f32 v8, v12  }
0x1a0: {  	v8 =	vld.idx.msk [tilespmem:v35+s19+$0x0], $0xffff;
	v5 =	vadd.f32 v6, v5;
	v6 =	vmul.f32 v38, v14  }
0x1a1: {  	v12 =	vld.idx.msk [tilespmem:v33+s17+$0x0], $0xffff;
	v0 =	vadd.f32 v1, v0;
	v1 =	vmul.f32 v3, v14  }
0x1a2: {  	v3 =	vld.idx.msk [tilespmem:v33+s19+$0x0], $0xffff;
	v5 =	vadd.f32 v6, v5;
	v6 =	vmul.f32 v36, v62  }
0x1a3: {  	v14 =	vld.idx.msk [tilespmem:v31+s17+$0x0], $0xffff;
	v0 =	vadd.f32 v1, v0;
	v1 =	vmul.f32 v2, v62  }
0x1a4: {  	v2 =	vld.idx.msk [tilespmem:v31+s19+$0x0], $0xffff;
	v5 =	vadd.f32 v6, v5;
	v6 =	vmul.f32 v34, v10  }
0x1a5: {  	v31 =	vld.idx.msk [tilespmem:v29+s17+$0x0], $0xffff;
	v0 =	vadd.f32 v1, v0;
	v1 =	vmul.f32 v8, v10  }
0x1a6: {  	v8 =	vld.idx.msk [tilespmem:v29+s19+$0x0], $0xffff;
	v5 =	vadd.f32 v6, v5;
	v6 =	vmul.f32 v32, v12  }
0x1a7: {  	v10 =	vld.idx.msk [tilespmem:v27+s17+$0x0], $0xffff;
	v0 =	vadd.f32 v1, v0;
	v1 =	vmul.f32 v3, v12  }
0x1a8: {  	v3 =	vld.idx.msk [tilespmem:v27+s19+$0x0], $0xffff;
	v5 =	vadd.f32 v6, v5;
	v6 =	vmul.f32 v30, v14  }
0x1a9: {  	v12 =	vld.idx.msk [tilespmem:v25+s17+$0x0], $0xffff;
	v0 =	vadd.f32 v1, v0;
	v1 =	vmul.f32 v2, v14  }
0x1aa: {  	v2 =	vld.idx.msk [tilespmem:v25+s19+$0x0], $0xffff;
	v5 =	vadd.f32 v6, v5;
	v6 =	vmul.f32 v28, v31  }
0x1ab: {  	v14 =	vld.idx.msk [tilespmem:v23+s17+$0x0], $0xffff;
	v0 =	vadd.f32 v1, v0  }
0x1ac: {  	v1 =	vmul.f32 v8, v31;
	v8 =	vld.idx.msk [tilespmem:v23+s19+$0x0], $0xffff;
	v5 =	vadd.f32 v6, v5;
	v6 =	vmul.f32 v26, v10  }
0x1ad: {  	v23 =	vld.idx.msk [tilespmem:v21+s17+$0x0], $0xffff  }
0x1ae: {  	v5 =	vadd.f32 v6, v5;
	v6 =	vmul.f32 v24, v12  }
0x1af: {  	v0 =	vadd.f32 v1, v0;
	v1 =	vmul.f32 v3, v10;
	v10 =	vld.idx.msk [tilespmem:v19+s17+$0x0], $0xffff  }
0x1b0: {  	v5 =	vadd.f32 v6, v5;
	v6 =	vmul.f32 v22, v14  }
0x1b1: {  	v0 =	vadd.f32 v1, v0;
	v1 =	vmul.f32 v2, v12;
	v12 =	vld.idx.msk [tilespmem:v17+s17+$0x0], $0xffff  }
0x1b2: {  	v5 =	vadd.f32 v6, v5;
	v6 =	vmul.f32 v20, v23;
	_ =	sdelay $0x1  }
0x1b3: {  	v5 =	vadd.f32 v6, v5;
	v6 =	vmul.f32 v18, v10;
	_ =	sdelay $0x1  }
0x1b4: {  	v3 =	vld.idx.msk [tilespmem:v21+s19+$0x0], $0xffff;
	v5 =	vadd.f32 v6, v5;
	v6 =	vmul.f32 v16, v12  }
0x1b5: {  	v0 =	vadd.f32 v1, v0;
	v1 =	vmul.f32 v8, v14;
	v14 =	vld.idx.msk [tilespmem:v15+s17+$0x0], $0xffff  }
0x1b6: {  	v5 =	vadd.f32 v6, v5;
	v6 =	vld [tilespmem:$0x1FF80];
	_ =	sdelay $0x4  }
0x1b7: {  	v0 =	vadd.f32 v1, v0;
	v1 =	vmul.f32 v3, v23;
	v3 =	vld.idx.msk [tilespmem:v15+s19+$0x0], $0xffff;
	v6 =	vmul.f32 v6, v14  }
0x1b8: {  	v15 =	vld.idx.msk [tilespmem:v13+s17+$0x0], $0xffff  }
0x1b9: {  	v5 =	vadd.f32 v6, v5;
	v6 =	vld [tilespmem:$0x1FF70]  }
0x1ba: {  	v2 =	vld.idx.msk [tilespmem:v19+s19+$0x0], $0xffff;
	_ =	sdelay $0x3  }
0x1bb: {  	v8 =	vld.idx.msk [tilespmem:v17+s19+$0x0], $0xffff;
	v6 =	vmul.f32 v6, v15  }
0x1bc: {  	v0 =	vadd.f32 v1, v0;
	v1 =	vmul.f32 v2, v10;
	v10 =	vld.idx.msk [tilespmem:v11+s17+$0x0], $0xffff  }
0x1bd: {  	v5 =	vadd.f32 v6, v5;
	v6 =	vld [tilespmem:$0x1FF60];
	_ =	sdelay $0x4  }
0x1be: {  	v0 =	vadd.f32 v1, v0;
	v1 =	vmul.f32 v8, v12;
	v8 =	vld.idx.msk [tilespmem:v11+s19+$0x0], $0xffff;
	v6 =	vmul.f32 v6, v10  }
0x1bf: {  	v11 =	vld.idx.msk [tilespmem:v9+s17+$0x0], $0xffff  }
0x1c0: {  	v5 =	vadd.f32 v6, v5;
	v6 =	vld [tilespmem:$0x1FF50];
	_ =	sdelay $0x2  }
0x1c1: {  	v2 =	vld.idx.msk [tilespmem:v13+s19+$0x0], $0xffff;
	_ =	sdelay $0x1  }
0x1c2: {  	v0 =	vadd.f32 v1, v0;
	v1 =	vmul.f32 v3, v14;
	v3 =	vld.idx.msk [tilespmem:v9+s19+$0x0], $0xffff;
	v6 =	vmul.f32 v6, v11  }
0x1c3: {  	v9 =	vld.idx.msk [tilespmem:v7+s17+$0x0], $0xffff  }
0x1c4: {  	v5 =	vadd.f32 v6, v5;
	v6 =	vld [tilespmem:$0x1FF40]  }
0x1c5: {  	v0 =	vadd.f32 v1, v0;
	v1 =	vmul.f32 v2, v15  }
0x1c6: {  	v2 =	vld.idx.msk [tilespmem:v7+s19+$0x0], $0xffff  }
0x1c7: {  	v0 =	vadd.f32 v1, v0;
	v1 =	vmul.f32 v8, v10;
	_ =	sdelay $0x1  }
0x1c8: {  	v7 =	vld.idx.msk [tilespmem:v4+s20+$0x0], $0xffff;
	v0 =	vadd.f32 v1, v0;
	v1 =	vmul.f32 v3, v11;
	v6 =	vmul.f32 v6, v9  }
0x1c9: {  	v8 =	vld.idx.msk [tilespmem:v4+s22+$0x0], $0xffff  }
0x1ca: {  	v0 =	vadd.f32 v1, v0;
	v1 =	vmul.f32 v2, v9;
	v2 =	vadd.f32 v6, v5;
	v5 =	vld [tilespmem:$0x1FF30]  }
0x1cb: {  	v6 =	vld [tilespmem:$0x1FF20];
	_ =	sdelay $0x1  }
0x1cc: {  	v63 =	vlaneseq.u32  }
0x1cd: {  	v10 =	vor.u32 s24, v63  }
0x1ce: {  	v3 =	vand.u32 $0x78, v10;
	v5 =	vadd.f32 v5, v7  }
0x1cf: {  	v0 =	vadd.f32 v1, v0;
	v1 =	vadd.f32 v8, v7;
	v3 =	vor.u32 v6, v3  }
0x1d0: {  	v2 =	vadd.f32 v5, v2  }
0x1d1: {  	v0 =	vadd.f32 v1, v0  }
0x1d2: {  	v10 =	vshll.u32 v10, $0x5;
	[tilespmem:v4+s4+$0x0] =	vst.idx.msk $0xffff, v2  }
0x1d3: {  	v17 =	vor.u32 $0x101A, v10;
	[tilespmem:v4+s23+$0x0] =	vst.idx.msk $0xffff, v0  }
0x1d4: {  	v7 =	vor.u32 $0x101F, v10;
	v0 =	vld.idx.msk [tilespmem:v3+s21+$0x0], $0xffff  }
0x1d5: {  	v19 =	vor.u32 $0x1019, v10  }
0x1d6: {  	v21 =	vor.u32 $0x1018, v10  }
0x1d7: {  	v23 =	vor.u32 $0x1017, v10  }
0x1d8: {  	v25 =	vor.u32 $0x1016, v10;
	v16 =	vld.idx.msk [tilespmem:v17+s18+$0x0], $0xffff  }
0x1d9: {  	v9 =	vor.u32 $0x101E, v10;
	[tilespmem:$0x1FF30] =	vst v0;
	v0 =	vld.idx.msk [tilespmem:v7+s18+$0x0], $0xffff  }
0x1da: {  	v27 =	vor.u32 $0x1015, v10;
	v18 =	vld.idx.msk [tilespmem:v19+s18+$0x0], $0xffff  }
0x1db: {  	v29 =	vor.u32 $0x1014, v10;
	v20 =	vld.idx.msk [tilespmem:v21+s18+$0x0], $0xffff  }
0x1dc: {  	v31 =	vor.u32 $0x1013, v10;
	v22 =	vld.idx.msk [tilespmem:v23+s18+$0x0], $0xffff  }
0x1dd: {  	v33 =	vor.u32 $0x1012, v10;
	v24 =	vld.idx.msk [tilespmem:v25+s18+$0x0], $0xffff  }
0x1de: {  	v11 =	vor.u32 $0x101D, v10;
	[tilespmem:$0x1FF40] =	vst v0;
	v0 =	vld.idx.msk [tilespmem:v9+s18+$0x0], $0xffff  }
0x1df: {  	v35 =	vor.u32 $0x1011, v10;
	v26 =	vld.idx.msk [tilespmem:v27+s18+$0x0], $0xffff  }
0x1e0: {  	v37 =	vor.u32 $0x1010, v10;
	v28 =	vld.idx.msk [tilespmem:v29+s18+$0x0], $0xffff  }
0x1e1: {  	v39 =	vor.u32 $0x100F, v10;
	v30 =	vld.idx.msk [tilespmem:v31+s18+$0x0], $0xffff  }
0x1e2: {  	v41 =	vor.u32 $0x100E, v10;
	v32 =	vld.idx.msk [tilespmem:v33+s18+$0x0], $0xffff  }
0x1e3: {  	v13 =	vor.u32 $0x101C, v10;
	[tilespmem:$0x1FF50] =	vst v0;
	v0 =	vld.idx.msk [tilespmem:v11+s18+$0x0], $0xffff  }
0x1e4: {  	v43 =	vor.u32 $0x100D, v10;
	v34 =	vld.idx.msk [tilespmem:v35+s18+$0x0], $0xffff  }
0x1e5: {  	v45 =	vor.u32 $0x100C, v10;
	v36 =	vld.idx.msk [tilespmem:v37+s18+$0x0], $0xffff  }
0x1e6: {  	v47 =	vor.u32 $0x100B, v10;
	v38 =	vld.idx.msk [tilespmem:v39+s18+$0x0], $0xffff  }
0x1e7: {  	v49 =	vor.u32 $0x100A, v10;
	v40 =	vld.idx.msk [tilespmem:v41+s18+$0x0], $0xffff  }
0x1e8: {  	v15 =	vor.u32 $0x101B, v10;
	[tilespmem:$0x1FF60] =	vst v0;
	v0 =	vld.idx.msk [tilespmem:v13+s18+$0x0], $0xffff  }
0x1e9: {  	v51 =	vor.u32 $0x1009, v10;
	v42 =	vld.idx.msk [tilespmem:v43+s18+$0x0], $0xffff  }
0x1ea: {  	v53 =	vor.u32 $0x1008, v10;
	v44 =	vld.idx.msk [tilespmem:v45+s18+$0x0], $0xffff  }
0x1eb: {  	v55 =	vor.u32 $0x1007, v10;
	v46 =	vld.idx.msk [tilespmem:v47+s18+$0x0], $0xffff  }
0x1ec: {  	v57 =	vor.u32 $0x1006, v10;
	v48 =	vld.idx.msk [tilespmem:v49+s18+$0x0], $0xffff  }
0x1ed: {  	p0 =	sne.s32 s24, $0x70;
	v59 =	vor.u32 $0x1005, v10;
	[tilespmem:$0x1FF70] =	vst v0;
	v0 =	vld.idx.msk [tilespmem:v15+s18+$0x0], $0xffff  }
.Ltmp1:
0x1ee: {  	v50 =	vld.idx.msk [tilespmem:v51+s18+$0x0], $0xffff;
	(pc) =	sbr.rel @p0 .LBB2_4-.Ltmp1, $4  }
0x1ef: {  	v52 =	vld.idx.msk [tilespmem:v53+s18+$0x0], $0xffff  }
0x1f0: {  	v54 =	vld.idx.msk [tilespmem:v55+s18+$0x0], $0xffff  }
0x1f1: {  	v1 =	vor.u32 $0x1003, v10;
	v60 =	vor.u32 $0x1000, v10;
	v56 =	vld.idx.msk [tilespmem:v57+s18+$0x0], $0xffff  }
0x1f2: {  	s24 =	sadd.s32 $0x10, s24;
	v2 =	vor.u32 $0x1002, v10;
	v4 =	vmovc v3;
	v3 =	vor.u32 $0x1001, v10;
	v58 =	vld.idx.msk [tilespmem:v59+s18+$0x0], $0xffff;
	[tilespmem:$0x1FF80] =	vst v0;
	v0 =	vor.u32 $0x1004, v10  }
0x1f3: {  	_ =	sdelay $0x3  }
0x1f4: {  	v5 =	vld.idx.msk [tilespmem:v3+s18+$0x0], $0xffff  }
0x1f5: {  	v6 =	vld.idx.msk [tilespmem:v60+s18+$0x0], $0xffff  }
0x1f6: {  	v8 =	vld.idx.msk [tilespmem:v60+s17+$0x0], $0xffff  }
0x1f7: {  	v10 =	vld.idx.msk [tilespmem:v60+s19+$0x0], $0xffff  }
0x1f8: {  	v12 =	vld.idx.msk [tilespmem:v3+s17+$0x0], $0xffff  }
0x1f9: {  	v3 =	vld.idx.msk [tilespmem:v3+s19+$0x0], $0xffff  }
0x1fa: {  	v14 =	vld.idx.msk [tilespmem:v2+s18+$0x0], $0xffff  }
0x1fb: {  	v60 =	vld.idx.msk [tilespmem:v2+s17+$0x0], $0xffff  }
0x1fc: {  	v2 =	vld.idx.msk [tilespmem:v2+s19+$0x0], $0xffff  }
0x1fd: {  	v61 =	vld.idx.msk [tilespmem:v1+s18+$0x0], $0xffff  }
0x1fe: {  	v62 =	vld.idx.msk [tilespmem:v1+s17+$0x0], $0xffff;
	v6 =	vmul.f32 v6, v8  }
0x1ff: {  	v1 =	vld.idx.msk [tilespmem:v1+s19+$0x0], $0xffff;
	v8 =	vmul.f32 v10, v8  }
0x200: {  	v5 =	vmul.f32 v5, v12;
	v10 =	vld.idx.msk [tilespmem:v0+s18+$0x0], $0xffff;
	v6 =	vadd.f32 $0.0e+00, v6  }
0x201: {  	v3 =	vmul.f32 v3, v12;
	v12 =	vld.idx.msk [tilespmem:v0+s17+$0x0], $0xffff;
	v8 =	vadd.f32 $0.0e+00, v8  }
0x202: {  	v0 =	vld.idx.msk [tilespmem:v0+s19+$0x0], $0xffff;
	v5 =	vadd.f32 v5, v6;
	v6 =	vmul.f32 v14, v60  }
0x203: {  	v2 =	vmul.f32 v2, v60;
	v3 =	vadd.f32 v3, v8;
	v8 =	vld.idx.msk [tilespmem:v59+s17+$0x0], $0xffff  }
0x204: {  	v14 =	vmul.f32 v61, v62;
	v5 =	vadd.f32 v6, v5;
	v6 =	vld.idx.msk [tilespmem:v59+s19+$0x0], $0xffff  }
0x205: {  	v1 =	vmul.f32 v1, v62;
	v2 =	vadd.f32 v2, v3;
	v3 =	vld.idx.msk [tilespmem:v57+s17+$0x0], $0xffff  }
0x206: {  	v10 =	vmul.f32 v10, v12;
	v5 =	vadd.f32 v14, v5;
	v14 =	vld.idx.msk [tilespmem:v57+s19+$0x0], $0xffff  }
0x207: {  	v0 =	vmul.f32 v0, v12;
	v1 =	vadd.f32 v1, v2;
	v2 =	vld.idx.msk [tilespmem:v55+s17+$0x0], $0xffff  }
0x208: {  	v12 =	vld.idx.msk [tilespmem:v55+s19+$0x0], $0xffff;
	v5 =	vadd.f32 v10, v5;
	v10 =	vmul.f32 v58, v8  }
0x209: {  	v60 =	vld.idx.msk [tilespmem:v53+s17+$0x0], $0xffff;
	v0 =	vadd.f32 v0, v1;
	v1 =	vmul.f32 v6, v8  }
0x20a: {  	v6 =	vld.idx.msk [tilespmem:v53+s19+$0x0], $0xffff;
	v8 =	vmul.f32 v56, v3;
	v5 =	vadd.f32 v10, v5  }
0x20b: {  	v10 =	vld.idx.msk [tilespmem:v51+s17+$0x0], $0xffff;
	v0 =	vadd.f32 v1, v0;
	v1 =	vmul.f32 v14, v3  }
0x20c: {  	v3 =	vld.idx.msk [tilespmem:v51+s19+$0x0], $0xffff;
	v5 =	vadd.f32 v8, v5;
	v8 =	vmul.f32 v54, v2  }
0x20d: {  	v14 =	vld.idx.msk [tilespmem:v49+s17+$0x0], $0xffff;
	v0 =	vadd.f32 v1, v0;
	v1 =	vmul.f32 v12, v2  }
0x20e: {  	v2 =	vld.idx.msk [tilespmem:v49+s19+$0x0], $0xffff;
	v5 =	vadd.f32 v8, v5;
	v8 =	vmul.f32 v52, v60  }
0x20f: {  	v12 =	vld.idx.msk [tilespmem:v47+s17+$0x0], $0xffff;
	v0 =	vadd.f32 v1, v0;
	v1 =	vmul.f32 v6, v60  }
0x210: {  	v6 =	vld.idx.msk [tilespmem:v47+s19+$0x0], $0xffff;
	v5 =	vadd.f32 v8, v5;
	v8 =	vmul.f32 v50, v10  }
0x211: {  	v61 =	vld.idx.msk [tilespmem:v45+s17+$0x0], $0xffff;
	v0 =	vadd.f32 v1, v0;
	v1 =	vmul.f32 v3, v10  }
0x212: {  	v3 =	vld.idx.msk [tilespmem:v45+s19+$0x0], $0xffff;
	v5 =	vadd.f32 v8, v5;
	v8 =	vmul.f32 v48, v14  }
0x213: {  	v10 =	vld.idx.msk [tilespmem:v43+s17+$0x0], $0xffff;
	v0 =	vadd.f32 v1, v0;
	v1 =	vmul.f32 v2, v14  }
0x214: {  	v2 =	vld.idx.msk [tilespmem:v43+s19+$0x0], $0xffff;
	v5 =	vadd.f32 v8, v5;
	v8 =	vmul.f32 v46, v12  }
0x215: {  	v14 =	vld.idx.msk [tilespmem:v41+s17+$0x0], $0xffff;
	v0 =	vadd.f32 v1, v0;
	v1 =	vmul.f32 v6, v12  }
0x216: {  	v6 =	vld.idx.msk [tilespmem:v41+s19+$0x0], $0xffff;
	v5 =	vadd.f32 v8, v5;
	v8 =	vmul.f32 v44, v61  }
0x217: {  	v12 =	vld.idx.msk [tilespmem:v39+s17+$0x0], $0xffff;
	v0 =	vadd.f32 v1, v0;
	v1 =	vmul.f32 v3, v61  }
0x218: {  	v3 =	vld.idx.msk [tilespmem:v39+s19+$0x0], $0xffff;
	v5 =	vadd.f32 v8, v5;
	v8 =	vmul.f32 v42, v10  }
0x219: {  	v62 =	vld.idx.msk [tilespmem:v37+s17+$0x0], $0xffff;
	v0 =	vadd.f32 v1, v0;
	v1 =	vmul.f32 v2, v10  }
0x21a: {  	v2 =	vld.idx.msk [tilespmem:v37+s19+$0x0], $0xffff;
	v5 =	vadd.f32 v8, v5;
	v8 =	vmul.f32 v40, v14  }
0x21b: {  	v10 =	vld.idx.msk [tilespmem:v35+s17+$0x0], $0xffff;
	v0 =	vadd.f32 v1, v0;
	v1 =	vmul.f32 v6, v14  }
0x21c: {  	v6 =	vld.idx.msk [tilespmem:v35+s19+$0x0], $0xffff;
	v5 =	vadd.f32 v8, v5;
	v8 =	vmul.f32 v38, v12  }
0x21d: {  	v14 =	vld.idx.msk [tilespmem:v33+s17+$0x0], $0xffff;
	v0 =	vadd.f32 v1, v0;
	v1 =	vmul.f32 v3, v12  }
0x21e: {  	v3 =	vld.idx.msk [tilespmem:v33+s19+$0x0], $0xffff;
	v5 =	vadd.f32 v8, v5;
	v8 =	vmul.f32 v36, v62  }
0x21f: {  	v12 =	vld.idx.msk [tilespmem:v31+s17+$0x0], $0xffff;
	v0 =	vadd.f32 v1, v0;
	v1 =	vmul.f32 v2, v62  }
0x220: {  	v2 =	vld.idx.msk [tilespmem:v31+s19+$0x0], $0xffff;
	v5 =	vadd.f32 v8, v5;
	v8 =	vmul.f32 v34, v10  }
0x221: {  	v31 =	vld.idx.msk [tilespmem:v29+s17+$0x0], $0xffff;
	v0 =	vadd.f32 v1, v0;
	v1 =	vmul.f32 v6, v10  }
0x222: {  	v6 =	vld.idx.msk [tilespmem:v29+s19+$0x0], $0xffff;
	v5 =	vadd.f32 v8, v5;
	v8 =	vmul.f32 v32, v14  }
0x223: {  	v10 =	vld.idx.msk [tilespmem:v27+s17+$0x0], $0xffff;
	v0 =	vadd.f32 v1, v0;
	v1 =	vmul.f32 v3, v14  }
0x224: {  	v3 =	vld.idx.msk [tilespmem:v27+s19+$0x0], $0xffff;
	v5 =	vadd.f32 v8, v5;
	v8 =	vmul.f32 v30, v12  }
0x225: {  	v14 =	vld.idx.msk [tilespmem:v25+s17+$0x0], $0xffff;
	v0 =	vadd.f32 v1, v0;
	v1 =	vmul.f32 v2, v12  }
0x226: {  	v2 =	vld.idx.msk [tilespmem:v25+s19+$0x0], $0xffff;
	v5 =	vadd.f32 v8, v5;
	v8 =	vmul.f32 v28, v31  }
0x227: {  	v12 =	vld.idx.msk [tilespmem:v23+s17+$0x0], $0xffff;
	v0 =	vadd.f32 v1, v0  }
0x228: {  	v1 =	vmul.f32 v6, v31;
	v6 =	vld.idx.msk [tilespmem:v23+s19+$0x0], $0xffff;
	v5 =	vadd.f32 v8, v5;
	v8 =	vmul.f32 v26, v10  }
0x229: {  	v23 =	vld.idx.msk [tilespmem:v21+s17+$0x0], $0xffff  }
0x22a: {  	v5 =	vadd.f32 v8, v5;
	v8 =	vmul.f32 v24, v14  }
0x22b: {  	v0 =	vadd.f32 v1, v0;
	v1 =	vmul.f32 v3, v10;
	v10 =	vld.idx.msk [tilespmem:v19+s17+$0x0], $0xffff  }
0x22c: {  	v3 =	vld.idx.msk [tilespmem:v21+s19+$0x0], $0xffff;
	v5 =	vadd.f32 v8, v5;
	v8 =	vmul.f32 v22, v12  }
0x22d: {  	v0 =	vadd.f32 v1, v0;
	v1 =	vmul.f32 v2, v14;
	v14 =	vld.idx.msk [tilespmem:v17+s17+$0x0], $0xffff  }
0x22e: {  	v5 =	vadd.f32 v8, v5;
	v8 =	vmul.f32 v20, v23  }
0x22f: {  	v2 =	vld.idx.msk [tilespmem:v19+s19+$0x0], $0xffff;
	v0 =	vadd.f32 v1, v0;
	v1 =	vmul.f32 v6, v12  }
0x230: {  	v6 =	vld.idx.msk [tilespmem:v17+s19+$0x0], $0xffff;
	v5 =	vadd.f32 v8, v5;
	v8 =	vmul.f32 v18, v10  }
0x231: {  	v12 =	vld.idx.msk [tilespmem:v15+s17+$0x0], $0xffff;
	v0 =	vadd.f32 v1, v0  }
0x232: {  	v1 =	vmul.f32 v3, v23;
	v3 =	vld.idx.msk [tilespmem:v15+s19+$0x0], $0xffff;
	v5 =	vadd.f32 v8, v5;
	v8 =	vmul.f32 v16, v14  }
0x233: {  	v15 =	vld.idx.msk [tilespmem:v13+s17+$0x0], $0xffff  }
0x234: {  	v5 =	vadd.f32 v8, v5;
	v8 =	vld [tilespmem:$0x1FF80]  }
0x235: {  	v0 =	vadd.f32 v1, v0;
	v1 =	vmul.f32 v2, v10;
	v2 =	vld.idx.msk [tilespmem:v13+s19+$0x0], $0xffff  }
0x236: {  	v10 =	vld.idx.msk [tilespmem:v11+s17+$0x0], $0xffff  }
0x237: {  	v0 =	vadd.f32 v1, v0;
	v1 =	vmul.f32 v6, v14;
	v6 =	vld.idx.msk [tilespmem:v11+s19+$0x0], $0xffff  }
0x238: {  	v11 =	vld.idx.msk [tilespmem:v9+s17+$0x0], $0xffff  }
0x239: {  	v0 =	vadd.f32 v1, v0;
	v1 =	vmul.f32 v3, v12;
	v3 =	vld.idx.msk [tilespmem:v9+s19+$0x0], $0xffff;
	v8 =	vmul.f32 v8, v12  }
0x23a: {  	v9 =	vld.idx.msk [tilespmem:v7+s17+$0x0], $0xffff  }
0x23b: {  	v5 =	vadd.f32 v8, v5;
	v8 =	vld [tilespmem:$0x1FF70]  }
0x23c: {  	v0 =	vadd.f32 v1, v0;
	v1 =	vmul.f32 v2, v15;
	v2 =	vld.idx.msk [tilespmem:v7+s19+$0x0], $0xffff  }
0x23d: {  	v7 =	vld [tilespmem:$0x1FF60];
	_ =	sdelay $0x2  }
0x23e: {  	v8 =	vmul.f32 v8, v15;
	_ =	sdelay $0x1  }
0x23f: {  	v7 =	vmul.f32 v7, v10;
	v5 =	vadd.f32 v8, v5;
	_ =	sdelay $0x1  }
0x240: {  	v5 =	vadd.f32 v7, v5;
	v7 =	vld [tilespmem:$0x1FF50];
	_ =	sdelay $0x4  }
0x241: {  	v0 =	vadd.f32 v1, v0;
	v1 =	vmul.f32 v6, v10;
	v7 =	vmul.f32 v7, v11;
	_ =	sdelay $0x1  }
0x242: {  	v0 =	vadd.f32 v1, v0;
	v1 =	vmul.f32 v3, v11;
	v3 =	vadd.f32 v7, v5;
	v5 =	vld [tilespmem:$0x1FF40];
	_ =	sdelay $0x4  }
0x243: {  	v5 =	vmul.f32 v5, v9  }
0x244: {  	v8 =	vld.idx.msk [tilespmem:v4+s20+$0x0], $0xffff  }
0x245: {  	v0 =	vadd.f32 v1, v0;
	v1 =	vmul.f32 v2, v9;
	v2 =	vadd.f32 v5, v3;
	v3 =	vld [tilespmem:$0x1FF30]  }
0x246: {  	v6 =	vld.idx.msk [tilespmem:v4+s22+$0x0], $0xffff;
	_ =	sdelay $0x3  }
0x247: {  	v3 =	vadd.f32 v3, v8  }
0x248: {  	v0 =	vadd.f32 v1, v0;
	v1 =	vadd.f32 v6, v8  }
0x249: {  	v2 =	vadd.f32 v3, v2  }
0x24a: {  	v0 =	vadd.f32 v1, v0  }
0x24b: {  	[tilespmem:v4+s4+$0x0] =	vst.idx.msk $0xffff, v2  }
0x24c: {  	s24 =	simm.s32 $0x1600;
	s28 =	simm.s32 $0x180;
	[tilespmem:v4+s23+$0x0] =	vst.idx.msk $0xffff, v0  }
0x24d: {  	[tilespmem:s24], [sflag:$0x1] =	stream.indirect.gather [hbm4b:s5+s16], $0x20, s28, s16, $0xb8;
	[tilespmem:$0x6D00] =	vst v63  }
0x24e: {  	s29 =	simm.s32 $0x380;
	s24 =	simm.s32 $0x3600  }
0x24f: {  	[tilespmem:s24], [sflag:$0x1] =	stream.indirect.gather [hbm4b:s6+s16], $0x20, s29, s16, $0xb8;
	[tilespmem:$0x6D00] =	vst v63  }
0x250: {  	s24 =	simm.s32 $0x5600  }
0x251: {  	[tilespmem:s24], [sflag:$0x1] =	stream.indirect.gather [hbm4b:s6+s16], $0x20, s30, s16, $0xb8;
	[tilespmem:$0x6D00] =	vst v63  }
0x252: {  	_ = 	snop  }
0x253: {  	[tilespmem:s26], [sflag:$0x1] =	stream.indirect.gather [hbm4b:s1+s16], $0x1, s28, s16, $0xb8;
	[tilespmem:$0x6D00] =	vst v63  }
0x254: {  	s28 =	simm.s32 $0x6780  }
0x255: {  	[tilespmem:s28], [sflag:$0x1] =	stream.indirect.gather [hbm4b:s2+s16], $0x1, s29, s16, $0xb8;
	[tilespmem:$0x6D00] =	vst v63  }
0x256: {  	_ = 	snop  }
0x257: {  	[tilespmem:s25], [sflag:$0x1] =	stream.indirect.gather [hbm4b:s2+s16], $0x1, s30, s16, $0xb8;
	[tilespmem:$0x6D00] =	vst v63  }
0x258: {  	_ =	swait.ge [sflag:s0], $0x1000  }
0x259: {  	[sflag:s0] =	ssyncset.done $0x0  }
0x25a: {  	[sflag:s0] =	ssyncadd.s32 $0xFFFFF000  }
0x25b: {  	_ =	swait.ge [sflag:s0], $0x1000  }
0x25c: {  	[sflag:s0] =	ssyncset.done $0x0  }
0x25d: {  	[sflag:s0] =	ssyncadd.s32 $0xFFFFF000  }
0x25e: {  	_ =	swait.ge [sflag:s0], $0x1000  }
0x25f: {  	[sflag:s0] =	ssyncset.done $0x0  }
0x260: {  	[sflag:s0] =	ssyncadd.s32 $0xFFFFF000  }
0x261: {  	_ =	swait.ge [sflag:s0], $0x80  }
0x262: {  	[sflag:s0] =	ssyncset.done $0x0  }
0x263: {  	[sflag:s0] =	ssyncadd.s32 $0xFFFFFF80  }
0x264: {  	_ =	swait.ge [sflag:s0], $0x80  }
0x265: {  	v0 =	vld [tilespmem:$0x1FF10];
	_ =	sdelay $0x3  }
0x266: {  	s29 =	simm.s32 $0x0  }
0x267: {  	v4 =	vor.u32 s29, v63;
	v0 =	vor.u32 $0xFFFFFFF8, v0  }
0x268: {  	[sflag:s0] =	ssyncset.done $0x0;
	v6 =	vand.u32 v0, v4  }
0x269: {  	[sflag:s0] =	ssyncadd.s32 $0xFFFFFF80;
	[tilespmem:$0x1FE90] =	vst v0  }
0x26a: {  	_ =	swait.ge [sflag:s0], $0x80  }
0x26b: {  	[sflag:s0] =	ssyncset.done $0x0  }
0x26c: {  	v53 =	vshll.u32 v4, $0x5;
	[sflag:s0] =	ssyncadd.s32 $0xFFFFFF80  }
0x26d: {  	v8 =	vor.u32 $0x1F, v53;
	v0 =	vld.idx.msk [tilespmem:v6+s21+$0x0], $0xffff;
	_ =	sdelay $0x4  }
0x26e: {  	v10 =	vor.u32 $0x1E, v53;
	[tilespmem:$0x1FEA0] =	vst v0;
	v0 =	vld.idx.msk [tilespmem:v8+s18+$0x0], $0xffff;
	_ =	sdelay $0x4  }
0x26f: {  	v12 =	vor.u32 $0x1D, v53;
	[tilespmem:$0x1FEB0] =	vst v0;
	v0 =	vld.idx.msk [tilespmem:v10+s18+$0x0], $0xffff  }
0x270: {  	v20 =	vor.u32 $0x19, v53  }
0x271: {  	v22 =	vor.u32 $0x18, v53  }
0x272: {  	v25 =	vor.u32 $0x17, v53  }
0x273: {  	v27 =	vor.u32 $0x16, v53  }
0x274: {  	v14 =	vor.u32 $0x1C, v53;
	[tilespmem:$0x1FEC0] =	vst v0;
	v0 =	vld.idx.msk [tilespmem:v12+s18+$0x0], $0xffff  }
0x275: {  	v29 =	vor.u32 $0x15, v53;
	v19 =	vld.idx.msk [tilespmem:v20+s18+$0x0], $0xffff  }
0x276: {  	v31 =	vor.u32 $0x14, v53;
	v21 =	vld.idx.msk [tilespmem:v22+s18+$0x0], $0xffff  }
0x277: {  	v33 =	vor.u32 $0x13, v53;
	v24 =	vld.idx.msk [tilespmem:v25+s18+$0x0], $0xffff  }
0x278: {  	v35 =	vor.u32 $0x12, v53;
	v26 =	vld.idx.msk [tilespmem:v27+s18+$0x0], $0xffff  }
0x279: {  	v16 =	vor.u32 $0x1B, v53;
	[tilespmem:$0x1FED0] =	vst v0;
	v0 =	vld.idx.msk [tilespmem:v14+s18+$0x0], $0xffff  }
0x27a: {  	v37 =	vor.u32 $0x11, v53;
	v28 =	vld.idx.msk [tilespmem:v29+s18+$0x0], $0xffff  }
0x27b: {  	v40 =	vor.u32 $0x10, v53;
	v30 =	vld.idx.msk [tilespmem:v31+s18+$0x0], $0xffff  }
0x27c: {  	v42 =	vor.u32 $0xF, v53;
	v32 =	vld.idx.msk [tilespmem:v33+s18+$0x0], $0xffff  }
0x27d: {  	v44 =	vor.u32 $0xE, v53;
	v34 =	vld.idx.msk [tilespmem:v35+s18+$0x0], $0xffff  }
0x27e: {  	v18 =	vor.u32 $0x1A, v53;
	[tilespmem:$0x1FEE0] =	vst v0;
	v0 =	vld.idx.msk [tilespmem:v16+s18+$0x0], $0xffff  }
0x27f: {  	v46 =	vor.u32 $0xD, v53;
	v36 =	vld.idx.msk [tilespmem:v37+s18+$0x0], $0xffff  }
0x280: {  	v48 =	vor.u32 $0xC, v53;
	v39 =	vld.idx.msk [tilespmem:v40+s18+$0x0], $0xffff  }
0x281: {  	v50 =	vor.u32 $0xB, v53;
	v41 =	vld.idx.msk [tilespmem:v42+s18+$0x0], $0xffff  }
0x282: {  	v52 =	vor.u32 $0xA, v53;
	v43 =	vld.idx.msk [tilespmem:v44+s18+$0x0], $0xffff  }
0x283: {  	v55 =	vor.u32 $0x9, v53;
	[tilespmem:$0x1FEF0] =	vst v0;
	v0 =	vld.idx.msk [tilespmem:v18+s18+$0x0], $0xffff  }
0x284: {  	v57 =	vor.u32 $0x8, v53;
	v45 =	vld.idx.msk [tilespmem:v46+s18+$0x0], $0xffff  }
0x285: {  	v59 =	vor.u32 $0x7, v53;
	v47 =	vld.idx.msk [tilespmem:v48+s18+$0x0], $0xffff  }
0x286: {  	v61 =	vor.u32 $0x6, v53;
	v49 =	vld.idx.msk [tilespmem:v50+s18+$0x0], $0xffff  }
0x287: {  	v63 =	vor.u32 $0x5, v53;
	v51 =	vld.idx.msk [tilespmem:v52+s18+$0x0], $0xffff  }
0x288: {  	v54 =	vld.idx.msk [tilespmem:v55+s18+$0x0], $0xffff;
	[tilespmem:$0x1FF00] =	vst v0;
	v0 =	vor.u32 $0x4, v53  }
0x289: {  	v56 =	vld.idx.msk [tilespmem:v57+s18+$0x0], $0xffff  }
0x28a: {  	v58 =	vld.idx.msk [tilespmem:v59+s18+$0x0], $0xffff  }
0x28b: {  	v60 =	vld.idx.msk [tilespmem:v61+s18+$0x0], $0xffff  }
0x28c: {  	v62 =	vld.idx.msk [tilespmem:v63+s18+$0x0], $0xffff  }
0x28d: {  	s24 =	simm.s32 $0x10;
	v2 =	vor.u32 $0x3, v53;
	v3 =	vor.u32 $0x2, v53;
	v23 =	vor.u32 $0x1, v53;
	v1 =	vld.idx.msk [tilespmem:v0+s18+$0x0], $0xffff  }
.LBB2_6:
0x28e: {  	_ =	sdelay $0x3  }
0x28f: {  	v38 =	vld.idx.msk [tilespmem:v2+s18+$0x0], $0xffff  }
0x290: {  	v5 =	vld.idx.msk [tilespmem:v3+s18+$0x0], $0xffff  }
0x291: {  	v9 =	vld.idx.msk [tilespmem:v53+s18+$0x0], $0xffff  }
0x292: {  	v11 =	vld.idx.msk [tilespmem:v53+s17+$0x0], $0xffff  }
0x293: {  	v7 =	vld.idx.msk [tilespmem:v23+s18+$0x0], $0xffff  }
0x294: {  	v13 =	vld.idx.msk [tilespmem:v23+s17+$0x0], $0xffff  }
0x295: {  	v53 =	vld.idx.msk [tilespmem:v53+s19+$0x0], $0xffff  }
0x296: {  	v15 =	vld.idx.msk [tilespmem:v3+s17+$0x0], $0xffff  }
0x297: {  	v23 =	vld.idx.msk [tilespmem:v23+s19+$0x0], $0xffff;
	v9 =	vmul.f32 v9, v11  }
0x298: {  	v17 =	vld.idx.msk [tilespmem:v2+s17+$0x0], $0xffff  }
0x299: {  	v3 =	vld.idx.msk [tilespmem:v3+s19+$0x0], $0xffff;
	v7 =	vmul.f32 v7, v13;
	v9 =	vadd.f32 $0.0e+00, v9  }
0x29a: {  	v11 =	vmul.f32 v53, v11;
	v53 =	vld.idx.msk [tilespmem:v0+s17+$0x0], $0xffff  }
0x29b: {  	v2 =	vld.idx.msk [tilespmem:v2+s19+$0x0], $0xffff;
	v5 =	vmul.f32 v5, v15;
	v7 =	vadd.f32 v7, v9  }
0x29c: {  	v13 =	vmul.f32 v23, v13;
	v11 =	vadd.f32 $0.0e+00, v11;
	v9 =	vld.idx.msk [tilespmem:v63+s17+$0x0], $0xffff  }
0x29d: {  	v0 =	vld.idx.msk [tilespmem:v0+s19+$0x0], $0xffff;
	v5 =	vadd.f32 v5, v7;
	v7 =	vmul.f32 v38, v17  }
0x29e: {  	v3 =	vmul.f32 v3, v15;
	v15 =	vld.idx.msk [tilespmem:v61+s17+$0x0], $0xffff;
	v11 =	vadd.f32 v13, v11  }
0x29f: {  	v13 =	vld.idx.msk [tilespmem:v63+s19+$0x0], $0xffff;
	v1 =	vmul.f32 v1, v53;
	v5 =	vadd.f32 v7, v5  }
0x2a0: {  	v2 =	vmul.f32 v2, v17;
	v3 =	vadd.f32 v3, v11;
	v7 =	vld.idx.msk [tilespmem:v59+s17+$0x0], $0xffff  }
0x2a1: {  	v11 =	vld.idx.msk [tilespmem:v61+s19+$0x0], $0xffff;
	v1 =	vadd.f32 v1, v5;
	v5 =	vmul.f32 v62, v9  }
0x2a2: {  	v0 =	vmul.f32 v0, v53;
	v17 =	vld.idx.msk [tilespmem:v57+s17+$0x0], $0xffff;
	v2 =	vadd.f32 v2, v3  }
0x2a3: {  	v3 =	vld.idx.msk [tilespmem:v59+s19+$0x0], $0xffff;
	v1 =	vadd.f32 v5, v1;
	v5 =	vmul.f32 v60, v15  }
0x2a4: {  	v0 =	vadd.f32 v0, v2;
	v2 =	vmul.f32 v13, v9;
	v13 =	vld.idx.msk [tilespmem:v55+s17+$0x0], $0xffff  }
0x2a5: {  	v9 =	vld.idx.msk [tilespmem:v57+s19+$0x0], $0xffff;
	v1 =	vadd.f32 v5, v1;
	v5 =	vmul.f32 v58, v7  }
0x2a6: {  	v0 =	vadd.f32 v2, v0;
	v2 =	vmul.f32 v11, v15;
	v15 =	vld.idx.msk [tilespmem:v52+s17+$0x0], $0xffff  }
0x2a7: {  	v11 =	vld.idx.msk [tilespmem:v55+s19+$0x0], $0xffff;
	v1 =	vadd.f32 v5, v1;
	v5 =	vmul.f32 v56, v17  }
0x2a8: {  	v0 =	vadd.f32 v2, v0;
	v2 =	vmul.f32 v3, v7;
	v7 =	vld.idx.msk [tilespmem:v50+s17+$0x0], $0xffff  }
0x2a9: {  	v3 =	vld.idx.msk [tilespmem:v52+s19+$0x0], $0xffff;
	v1 =	vadd.f32 v5, v1;
	v5 =	vmul.f32 v54, v13  }
0x2aa: {  	v0 =	vadd.f32 v2, v0;
	v2 =	vmul.f32 v9, v17;
	v17 =	vld.idx.msk [tilespmem:v48+s17+$0x0], $0xffff  }
0x2ab: {  	v9 =	vld.idx.msk [tilespmem:v50+s19+$0x0], $0xffff;
	v1 =	vadd.f32 v5, v1;
	v5 =	vmul.f32 v51, v15  }
0x2ac: {  	v0 =	vadd.f32 v2, v0;
	v2 =	vmul.f32 v11, v13;
	v13 =	vld.idx.msk [tilespmem:v46+s17+$0x0], $0xffff  }
0x2ad: {  	v11 =	vld.idx.msk [tilespmem:v48+s19+$0x0], $0xffff;
	v1 =	vadd.f32 v5, v1;
	v5 =	vmul.f32 v49, v7  }
0x2ae: {  	v0 =	vadd.f32 v2, v0;
	v2 =	vmul.f32 v3, v15;
	v15 =	vld.idx.msk [tilespmem:v44+s17+$0x0], $0xffff  }
0x2af: {  	v3 =	vld.idx.msk [tilespmem:v46+s19+$0x0], $0xffff;
	v1 =	vadd.f32 v5, v1;
	v5 =	vmul.f32 v47, v17  }
0x2b0: {  	v0 =	vadd.f32 v2, v0;
	v2 =	vmul.f32 v9, v7;
	v9 =	vld.idx.msk [tilespmem:v42+s17+$0x0], $0xffff  }
0x2b1: {  	v7 =	vld.idx.msk [tilespmem:v44+s19+$0x0], $0xffff;
	v1 =	vadd.f32 v5, v1;
	v5 =	vmul.f32 v45, v13  }
0x2b2: {  	v0 =	vadd.f32 v2, v0;
	v2 =	vmul.f32 v11, v17;
	v17 =	vld.idx.msk [tilespmem:v40+s17+$0x0], $0xffff  }
0x2b3: {  	v11 =	vld.idx.msk [tilespmem:v42+s19+$0x0], $0xffff;
	v1 =	vadd.f32 v5, v1;
	v5 =	vmul.f32 v43, v15  }
0x2b4: {  	v0 =	vadd.f32 v2, v0;
	v2 =	vmul.f32 v3, v13;
	v13 =	vld.idx.msk [tilespmem:v37+s17+$0x0], $0xffff  }
0x2b5: {  	v3 =	vld.idx.msk [tilespmem:v40+s19+$0x0], $0xffff;
	v1 =	vadd.f32 v5, v1;
	v5 =	vmul.f32 v41, v9  }
0x2b6: {  	v0 =	vadd.f32 v2, v0;
	v2 =	vmul.f32 v7, v15;
	v15 =	vld.idx.msk [tilespmem:v35+s17+$0x0], $0xffff  }
0x2b7: {  	v7 =	vld.idx.msk [tilespmem:v37+s19+$0x0], $0xffff;
	v1 =	vadd.f32 v5, v1;
	v5 =	vmul.f32 v39, v17  }
0x2b8: {  	v0 =	vadd.f32 v2, v0;
	v2 =	vmul.f32 v11, v9;
	v11 =	vld.idx.msk [tilespmem:v33+s17+$0x0], $0xffff  }
0x2b9: {  	v9 =	vld.idx.msk [tilespmem:v35+s19+$0x0], $0xffff;
	v1 =	vadd.f32 v5, v1;
	v5 =	vmul.f32 v36, v13  }
0x2ba: {  	v0 =	vadd.f32 v2, v0;
	v2 =	vmul.f32 v3, v17;
	v17 =	vld.idx.msk [tilespmem:v31+s17+$0x0], $0xffff  }
0x2bb: {  	v3 =	vld.idx.msk [tilespmem:v33+s19+$0x0], $0xffff;
	v1 =	vadd.f32 v5, v1;
	v5 =	vmul.f32 v34, v15  }
0x2bc: {  	v0 =	vadd.f32 v2, v0;
	v2 =	vmul.f32 v7, v13;
	v13 =	vld.idx.msk [tilespmem:v29+s17+$0x0], $0xffff  }
0x2bd: {  	v7 =	vld.idx.msk [tilespmem:v31+s19+$0x0], $0xffff;
	v1 =	vadd.f32 v5, v1;
	v5 =	vmul.f32 v32, v11  }
0x2be: {  	v0 =	vadd.f32 v2, v0;
	v2 =	vmul.f32 v9, v15;
	v15 =	vld.idx.msk [tilespmem:v27+s17+$0x0], $0xffff  }
0x2bf: {  	v9 =	vld.idx.msk [tilespmem:v29+s19+$0x0], $0xffff;
	v1 =	vadd.f32 v5, v1;
	v5 =	vmul.f32 v30, v17  }
0x2c0: {  	v0 =	vadd.f32 v2, v0;
	v2 =	vmul.f32 v3, v11;
	v11 =	vld.idx.msk [tilespmem:v25+s17+$0x0], $0xffff  }
0x2c1: {  	v1 =	vadd.f32 v5, v1;
	v5 =	vmul.f32 v28, v13  }
0x2c2: {  	v0 =	vadd.f32 v2, v0;
	v2 =	vmul.f32 v7, v17;
	v17 =	vld.idx.msk [tilespmem:v22+s17+$0x0], $0xffff  }
0x2c3: {  	v1 =	vadd.f32 v5, v1;
	v5 =	vmul.f32 v26, v15  }
0x2c4: {  	v0 =	vadd.f32 v2, v0;
	v2 =	vmul.f32 v9, v13;
	v13 =	vld.idx.msk [tilespmem:v20+s17+$0x0], $0xffff  }
0x2c5: {  	v3 =	vld.idx.msk [tilespmem:v27+s19+$0x0], $0xffff;
	v1 =	vadd.f32 v5, v1;
	v5 =	vmul.f32 v24, v11;
	_ =	sdelay $0x1  }
0x2c6: {  	v1 =	vadd.f32 v5, v1;
	v5 =	vmul.f32 v21, v17;
	_ =	sdelay $0x1  }
0x2c7: {  	v1 =	vadd.f32 v5, v1;
	v5 =	vmul.f32 v19, v13  }
0x2c8: {  	v0 =	vadd.f32 v2, v0;
	v2 =	vmul.f32 v3, v15;
	v15 =	vld.idx.msk [tilespmem:v18+s17+$0x0], $0xffff  }
0x2c9: {  	v1 =	vadd.f32 v5, v1;
	v5 =	vld [tilespmem:$0x1FF00]  }
0x2ca: {  	v7 =	vld.idx.msk [tilespmem:v25+s19+$0x0], $0xffff;
	_ =	sdelay $0x3  }
0x2cb: {  	v9 =	vld.idx.msk [tilespmem:v22+s19+$0x0], $0xffff;
	v5 =	vmul.f32 v5, v15  }
0x2cc: {  	v0 =	vadd.f32 v2, v0;
	v2 =	vmul.f32 v7, v11;
	v11 =	vld.idx.msk [tilespmem:v16+s17+$0x0], $0xffff  }
0x2cd: {  	v1 =	vadd.f32 v5, v1;
	v5 =	vld [tilespmem:$0x1FEF0];
	_ =	sdelay $0x4  }
0x2ce: {  	v0 =	vadd.f32 v2, v0;
	v2 =	vmul.f32 v9, v17;
	v9 =	vld.idx.msk [tilespmem:v16+s19+$0x0], $0xffff;
	v5 =	vmul.f32 v5, v11  }
0x2cf: {  	v16 =	vld.idx.msk [tilespmem:v14+s17+$0x0], $0xffff  }
0x2d0: {  	v1 =	vadd.f32 v5, v1;
	v5 =	vld [tilespmem:$0x1FEE0]  }
0x2d1: {  	v3 =	vld.idx.msk [tilespmem:v20+s19+$0x0], $0xffff;
	_ =	sdelay $0x3  }
0x2d2: {  	v7 =	vld.idx.msk [tilespmem:v18+s19+$0x0], $0xffff;
	v5 =	vmul.f32 v5, v16  }
0x2d3: {  	v0 =	vadd.f32 v2, v0;
	v2 =	vmul.f32 v3, v13;
	v13 =	vld.idx.msk [tilespmem:v12+s17+$0x0], $0xffff  }
0x2d4: {  	v1 =	vadd.f32 v5, v1;
	v5 =	vld [tilespmem:$0x1FED0];
	_ =	sdelay $0x3  }
0x2d5: {  	v3 =	vld.idx.msk [tilespmem:v14+s19+$0x0], $0xffff  }
0x2d6: {  	v0 =	vadd.f32 v2, v0;
	v2 =	vmul.f32 v7, v15;
	v7 =	vld.idx.msk [tilespmem:v12+s19+$0x0], $0xffff;
	v5 =	vmul.f32 v5, v13  }
0x2d7: {  	v12 =	vld.idx.msk [tilespmem:v10+s17+$0x0], $0xffff  }
0x2d8: {  	v1 =	vadd.f32 v5, v1;
	v5 =	vld [tilespmem:$0x1FEC0];
	_ =	sdelay $0x1  }
0x2d9: {  	v0 =	vadd.f32 v2, v0;
	v2 =	vmul.f32 v9, v11;
	v9 =	vld.idx.msk [tilespmem:v10+s19+$0x0], $0xffff  }
0x2da: {  	v10 =	vld.idx.msk [tilespmem:v8+s17+$0x0], $0xffff  }
0x2db: {  	v0 =	vadd.f32 v2, v0;
	v2 =	vmul.f32 v3, v16;
	v3 =	vld.idx.msk [tilespmem:v8+s19+$0x0], $0xffff  }
0x2dc: {  	v8 =	vld.idx.msk [tilespmem:v6+s20+$0x0], $0xffff;
	v5 =	vmul.f32 v5, v12  }
0x2dd: {  	v0 =	vadd.f32 v2, v0;
	v2 =	vmul.f32 v7, v13;
	v7 =	vld.idx.msk [tilespmem:v6+s22+$0x0], $0xffff  }
0x2de: {  	v1 =	vadd.f32 v5, v1;
	v5 =	vld [tilespmem:$0x1FEB0]  }
0x2df: {  	v6 =	vld [tilespmem:$0x1FF10];
	_ =	sdelay $0x3  }
0x2e0: {  	v5 =	vmul.f32 v5, v10  }
0x2e1: {  	v38 =	vor.u32 $0x100, v6;
	v6 =	vlaneseq.u32  }
0x2e2: {  	v6 =	vor.u32 s24, v6;
	v1 =	vadd.f32 v5, v1;
	v5 =	vld [tilespmem:$0x1FEA0]  }
0x2e3: {  	v0 =	vadd.f32 v2, v0;
	v2 =	vmul.f32 v9, v12;
	v9 =	vand.u32 $0x78, v4;
	v4 =	vmovc v6;
	v6 =	vld [tilespmem:$0x1FE90];
	_ =	sdelay $0x2  }
0x2e4: {  	v0 =	vadd.f32 v2, v0;
	v2 =	vmul.f32 v3, v10;
	v3 =	vor.u32 v38, v9  }
0x2e5: {  	v5 =	vadd.f32 v5, v8  }
0x2e6: {  	v0 =	vadd.f32 v2, v0;
	v2 =	vadd.f32 v7, v8;
	v6 =	vand.u32 v6, v4  }
0x2e7: {  	v1 =	vadd.f32 v5, v1  }
0x2e8: {  	v0 =	vadd.f32 v2, v0  }
0x2e9: {  	[tilespmem:v3+s4+$0x0] =	vst.idx.msk $0xffff, v1  }
0x2ea: {  	v53 =	vshll.u32 v4, $0x5;
	[tilespmem:v3+s23+$0x0] =	vst.idx.msk $0xffff, v0  }
0x2eb: {  	v8 =	vor.u32 $0x1F, v53;
	v0 =	vld.idx.msk [tilespmem:v6+s21+$0x0], $0xffff;
	_ =	sdelay $0x4  }
0x2ec: {  	v10 =	vor.u32 $0x1E, v53;
	[tilespmem:$0x1FEA0] =	vst v0;
	v0 =	vld.idx.msk [tilespmem:v8+s18+$0x0], $0xffff;
	_ =	sdelay $0x4  }
0x2ed: {  	v12 =	vor.u32 $0x1D, v53;
	[tilespmem:$0x1FEB0] =	vst v0;
	v0 =	vld.idx.msk [tilespmem:v10+s18+$0x0], $0xffff  }
0x2ee: {  	v20 =	vor.u32 $0x19, v53  }
0x2ef: {  	v22 =	vor.u32 $0x18, v53  }
0x2f0: {  	v25 =	vor.u32 $0x17, v53  }
0x2f1: {  	v27 =	vor.u32 $0x16, v53  }
0x2f2: {  	v14 =	vor.u32 $0x1C, v53;
	[tilespmem:$0x1FEC0] =	vst v0;
	v0 =	vld.idx.msk [tilespmem:v12+s18+$0x0], $0xffff  }
0x2f3: {  	v29 =	vor.u32 $0x15, v53;
	v19 =	vld.idx.msk [tilespmem:v20+s18+$0x0], $0xffff  }
0x2f4: {  	v31 =	vor.u32 $0x14, v53;
	v21 =	vld.idx.msk [tilespmem:v22+s18+$0x0], $0xffff  }
0x2f5: {  	v33 =	vor.u32 $0x13, v53;
	v24 =	vld.idx.msk [tilespmem:v25+s18+$0x0], $0xffff  }
0x2f6: {  	v35 =	vor.u32 $0x12, v53;
	v26 =	vld.idx.msk [tilespmem:v27+s18+$0x0], $0xffff  }
0x2f7: {  	v16 =	vor.u32 $0x1B, v53;
	[tilespmem:$0x1FED0] =	vst v0;
	v0 =	vld.idx.msk [tilespmem:v14+s18+$0x0], $0xffff  }
0x2f8: {  	v37 =	vor.u32 $0x11, v53;
	v28 =	vld.idx.msk [tilespmem:v29+s18+$0x0], $0xffff  }
0x2f9: {  	v40 =	vor.u32 $0x10, v53;
	v30 =	vld.idx.msk [tilespmem:v31+s18+$0x0], $0xffff  }
0x2fa: {  	v42 =	vor.u32 $0xF, v53;
	v32 =	vld.idx.msk [tilespmem:v33+s18+$0x0], $0xffff  }
0x2fb: {  	v44 =	vor.u32 $0xE, v53;
	v34 =	vld.idx.msk [tilespmem:v35+s18+$0x0], $0xffff  }
0x2fc: {  	v18 =	vor.u32 $0x1A, v53;
	[tilespmem:$0x1FEE0] =	vst v0;
	v0 =	vld.idx.msk [tilespmem:v16+s18+$0x0], $0xffff  }
0x2fd: {  	v46 =	vor.u32 $0xD, v53;
	v36 =	vld.idx.msk [tilespmem:v37+s18+$0x0], $0xffff  }
0x2fe: {  	v48 =	vor.u32 $0xC, v53;
	v39 =	vld.idx.msk [tilespmem:v40+s18+$0x0], $0xffff  }
0x2ff: {  	v50 =	vor.u32 $0xB, v53;
	v41 =	vld.idx.msk [tilespmem:v42+s18+$0x0], $0xffff  }
0x300: {  	v52 =	vor.u32 $0xA, v53;
	v43 =	vld.idx.msk [tilespmem:v44+s18+$0x0], $0xffff  }
0x301: {  	v55 =	vor.u32 $0x9, v53;
	[tilespmem:$0x1FEF0] =	vst v0;
	v0 =	vld.idx.msk [tilespmem:v18+s18+$0x0], $0xffff  }
0x302: {  	v57 =	vor.u32 $0x8, v53;
	v45 =	vld.idx.msk [tilespmem:v46+s18+$0x0], $0xffff  }
0x303: {  	v59 =	vor.u32 $0x7, v53;
	v47 =	vld.idx.msk [tilespmem:v48+s18+$0x0], $0xffff  }
0x304: {  	v61 =	vor.u32 $0x6, v53;
	v49 =	vld.idx.msk [tilespmem:v50+s18+$0x0], $0xffff  }
0x305: {  	v63 =	vor.u32 $0x5, v53;
	v51 =	vld.idx.msk [tilespmem:v52+s18+$0x0], $0xffff  }
0x306: {  	p0 =	sne.s32 s24, $0x70;
	v54 =	vld.idx.msk [tilespmem:v55+s18+$0x0], $0xffff;
	[tilespmem:$0x1FF00] =	vst v0;
	v0 =	vor.u32 $0x4, v53  }
.Ltmp2:
0x307: {  	v56 =	vld.idx.msk [tilespmem:v57+s18+$0x0], $0xffff;
	(pc) =	sbr.rel @p0 .LBB2_6-.Ltmp2, $4  }
0x308: {  	v58 =	vld.idx.msk [tilespmem:v59+s18+$0x0], $0xffff  }
0x309: {  	v60 =	vld.idx.msk [tilespmem:v61+s18+$0x0], $0xffff  }
0x30a: {  	v62 =	vld.idx.msk [tilespmem:v63+s18+$0x0], $0xffff  }
0x30b: {  	s24 =	sadd.s32 $0x10, s24;
	v2 =	vor.u32 $0x3, v53;
	v23 =	vor.u32 $0x1, v53;
	v3 =	vor.u32 $0x2, v53;
	v1 =	vld.idx.msk [tilespmem:v0+s18+$0x0], $0xffff  }
0x30c: {  	_ =	sdelay $0x3  }
0x30d: {  	v5 =	vld.idx.msk [tilespmem:v53+s18+$0x0], $0xffff  }
0x30e: {  	v7 =	vld.idx.msk [tilespmem:v53+s17+$0x0], $0xffff  }
0x30f: {  	v9 =	vld.idx.msk [tilespmem:v53+s19+$0x0], $0xffff  }
0x310: {  	v11 =	vld.idx.msk [tilespmem:v23+s18+$0x0], $0xffff  }
0x311: {  	v13 =	vld.idx.msk [tilespmem:v23+s17+$0x0], $0xffff  }
0x312: {  	v15 =	vld.idx.msk [tilespmem:v23+s19+$0x0], $0xffff  }
0x313: {  	v17 =	vld.idx.msk [tilespmem:v3+s18+$0x0], $0xffff  }
0x314: {  	v23 =	vld.idx.msk [tilespmem:v3+s17+$0x0], $0xffff  }
0x315: {  	v3 =	vld.idx.msk [tilespmem:v3+s19+$0x0], $0xffff  }
0x316: {  	v53 =	vld.idx.msk [tilespmem:v2+s18+$0x0], $0xffff;
	v5 =	vmul.f32 v5, v7  }
0x317: {  	v7 =	vmul.f32 v9, v7;
	v9 =	vld.idx.msk [tilespmem:v2+s17+$0x0], $0xffff  }
0x318: {  	v2 =	vld.idx.msk [tilespmem:v2+s19+$0x0], $0xffff;
	v11 =	vmul.f32 v11, v13;
	v5 =	vadd.f32 $0.0e+00, v5  }
0x319: {  	v13 =	vmul.f32 v15, v13;
	v15 =	vld.idx.msk [tilespmem:v0+s17+$0x0], $0xffff;
	v7 =	vadd.f32 $0.0e+00, v7  }
0x31a: {  	v0 =	vld.idx.msk [tilespmem:v0+s19+$0x0], $0xffff;
	v5 =	vadd.f32 v11, v5;
	v11 =	vmul.f32 v17, v23  }
0x31b: {  	v3 =	vmul.f32 v3, v23;
	v7 =	vadd.f32 v13, v7;
	v13 =	vld.idx.msk [tilespmem:v63+s17+$0x0], $0xffff  }
0x31c: {  	v17 =	vmul.f32 v53, v9;
	v5 =	vadd.f32 v11, v5;
	v11 =	vld.idx.msk [tilespmem:v63+s19+$0x0], $0xffff  }
0x31d: {  	v2 =	vmul.f32 v2, v9;
	v3 =	vadd.f32 v3, v7;
	v7 =	vld.idx.msk [tilespmem:v61+s17+$0x0], $0xffff  }
0x31e: {  	v9 =	vld.idx.msk [tilespmem:v61+s19+$0x0], $0xffff;
	v1 =	vmul.f32 v1, v15;
	v5 =	vadd.f32 v17, v5  }
0x31f: {  	v0 =	vmul.f32 v0, v15;
	v2 =	vadd.f32 v2, v3;
	v3 =	vld.idx.msk [tilespmem:v59+s17+$0x0], $0xffff  }
0x320: {  	v15 =	vmul.f32 v62, v13;
	v1 =	vadd.f32 v1, v5  }
0x321: {  	v0 =	vadd.f32 v0, v2;
	v2 =	vmul.f32 v11, v13;
	v11 =	vld.idx.msk [tilespmem:v57+s17+$0x0], $0xffff  }
0x322: {  	v5 =	vld.idx.msk [tilespmem:v59+s19+$0x0], $0xffff;
	v1 =	vadd.f32 v15, v1;
	v15 =	vmul.f32 v60, v7  }
0x323: {  	v0 =	vadd.f32 v2, v0;
	v2 =	vld.idx.msk [tilespmem:v55+s17+$0x0], $0xffff  }
0x324: {  	v13 =	vld.idx.msk [tilespmem:v57+s19+$0x0], $0xffff;
	v7 =	vmul.f32 v9, v7;
	v1 =	vadd.f32 v15, v1;
	v15 =	vmul.f32 v58, v3  }
0x325: {  	v17 =	vld.idx.msk [tilespmem:v52+s17+$0x0], $0xffff  }
0x326: {  	v9 =	vld.idx.msk [tilespmem:v55+s19+$0x0], $0xffff;
	v0 =	vadd.f32 v7, v0;
	v1 =	vadd.f32 v15, v1;
	v7 =	vmul.f32 v56, v11  }
0x327: {  	v3 =	vmul.f32 v5, v3;
	v15 =	vld.idx.msk [tilespmem:v50+s17+$0x0], $0xffff  }
0x328: {  	v5 =	vld.idx.msk [tilespmem:v52+s19+$0x0], $0xffff;
	v1 =	vadd.f32 v7, v1;
	v7 =	vmul.f32 v54, v2  }
0x329: {  	v0 =	vadd.f32 v3, v0;
	v3 =	vmul.f32 v13, v11;
	v13 =	vld.idx.msk [tilespmem:v48+s17+$0x0], $0xffff  }
0x32a: {  	v11 =	vld.idx.msk [tilespmem:v50+s19+$0x0], $0xffff;
	v1 =	vadd.f32 v7, v1;
	v7 =	vmul.f32 v51, v17  }
0x32b: {  	v2 =	vmul.f32 v9, v2;
	v9 =	vld.idx.msk [tilespmem:v46+s17+$0x0], $0xffff;
	v0 =	vadd.f32 v3, v0  }
0x32c: {  	v3 =	vld.idx.msk [tilespmem:v48+s19+$0x0], $0xffff;
	v1 =	vadd.f32 v7, v1;
	v7 =	vmul.f32 v49, v15  }
0x32d: {  	v0 =	vadd.f32 v2, v0;
	v2 =	vmul.f32 v5, v17;
	v17 =	vld.idx.msk [tilespmem:v44+s17+$0x0], $0xffff  }
0x32e: {  	v5 =	vld.idx.msk [tilespmem:v46+s19+$0x0], $0xffff;
	v1 =	vadd.f32 v7, v1;
	v7 =	vmul.f32 v47, v13  }
0x32f: {  	v0 =	vadd.f32 v2, v0;
	v2 =	vmul.f32 v11, v15;
	v15 =	vld.idx.msk [tilespmem:v42+s17+$0x0], $0xffff  }
0x330: {  	v11 =	vld.idx.msk [tilespmem:v44+s19+$0x0], $0xffff;
	v1 =	vadd.f32 v7, v1;
	v7 =	vmul.f32 v45, v9  }
0x331: {  	v0 =	vadd.f32 v2, v0;
	v2 =	vmul.f32 v3, v13;
	v13 =	vld.idx.msk [tilespmem:v40+s17+$0x0], $0xffff  }
0x332: {  	v3 =	vld.idx.msk [tilespmem:v42+s19+$0x0], $0xffff;
	v1 =	vadd.f32 v7, v1;
	v7 =	vmul.f32 v43, v17  }
0x333: {  	v0 =	vadd.f32 v2, v0;
	v2 =	vmul.f32 v5, v9;
	v9 =	vld.idx.msk [tilespmem:v37+s17+$0x0], $0xffff  }
0x334: {  	v5 =	vld.idx.msk [tilespmem:v40+s19+$0x0], $0xffff;
	v1 =	vadd.f32 v7, v1;
	v7 =	vmul.f32 v41, v15  }
0x335: {  	v0 =	vadd.f32 v2, v0;
	v2 =	vmul.f32 v11, v17;
	v17 =	vld.idx.msk [tilespmem:v35+s17+$0x0], $0xffff  }
0x336: {  	v11 =	vld.idx.msk [tilespmem:v37+s19+$0x0], $0xffff;
	v1 =	vadd.f32 v7, v1;
	v7 =	vmul.f32 v39, v13  }
0x337: {  	v0 =	vadd.f32 v2, v0;
	v2 =	vmul.f32 v3, v15;
	v15 =	vld.idx.msk [tilespmem:v33+s17+$0x0], $0xffff  }
0x338: {  	v3 =	vld.idx.msk [tilespmem:v35+s19+$0x0], $0xffff;
	v1 =	vadd.f32 v7, v1;
	v7 =	vmul.f32 v36, v9  }
0x339: {  	v0 =	vadd.f32 v2, v0;
	v2 =	vmul.f32 v5, v13;
	v13 =	vld.idx.msk [tilespmem:v31+s17+$0x0], $0xffff  }
0x33a: {  	v5 =	vld.idx.msk [tilespmem:v33+s19+$0x0], $0xffff;
	v1 =	vadd.f32 v7, v1;
	v7 =	vmul.f32 v34, v17  }
0x33b: {  	v0 =	vadd.f32 v2, v0;
	v2 =	vmul.f32 v11, v9;
	v11 =	vld.idx.msk [tilespmem:v29+s17+$0x0], $0xffff  }
0x33c: {  	v9 =	vld.idx.msk [tilespmem:v31+s19+$0x0], $0xffff;
	v1 =	vadd.f32 v7, v1;
	v7 =	vmul.f32 v32, v15  }
0x33d: {  	v0 =	vadd.f32 v2, v0;
	v2 =	vmul.f32 v3, v17;
	v17 =	vld.idx.msk [tilespmem:v27+s17+$0x0], $0xffff  }
0x33e: {  	v3 =	vld.idx.msk [tilespmem:v29+s19+$0x0], $0xffff;
	v1 =	vadd.f32 v7, v1;
	v7 =	vmul.f32 v30, v13  }
0x33f: {  	v0 =	vadd.f32 v2, v0;
	v2 =	vmul.f32 v5, v15;
	v15 =	vld.idx.msk [tilespmem:v25+s17+$0x0], $0xffff  }
0x340: {  	v1 =	vadd.f32 v7, v1;
	v7 =	vmul.f32 v28, v11  }
0x341: {  	v0 =	vadd.f32 v2, v0;
	v2 =	vmul.f32 v9, v13;
	v13 =	vld.idx.msk [tilespmem:v22+s17+$0x0], $0xffff  }
0x342: {  	v1 =	vadd.f32 v7, v1;
	v7 =	vmul.f32 v26, v17  }
0x343: {  	v0 =	vadd.f32 v2, v0;
	v2 =	vmul.f32 v3, v11;
	v11 =	vld.idx.msk [tilespmem:v20+s17+$0x0], $0xffff  }
0x344: {  	v5 =	vld.idx.msk [tilespmem:v27+s19+$0x0], $0xffff;
	v1 =	vadd.f32 v7, v1;
	v7 =	vmul.f32 v24, v15;
	_ =	sdelay $0x1  }
0x345: {  	v1 =	vadd.f32 v7, v1;
	v7 =	vmul.f32 v21, v13;
	_ =	sdelay $0x1  }
0x346: {  	v1 =	vadd.f32 v7, v1;
	v7 =	vmul.f32 v19, v11  }
0x347: {  	v0 =	vadd.f32 v2, v0;
	v2 =	vmul.f32 v5, v17;
	v17 =	vld.idx.msk [tilespmem:v18+s17+$0x0], $0xffff  }
0x348: {  	v1 =	vadd.f32 v7, v1;
	v7 =	vld [tilespmem:$0x1FF00]  }
0x349: {  	v9 =	vld.idx.msk [tilespmem:v25+s19+$0x0], $0xffff;
	_ =	sdelay $0x3  }
0x34a: {  	v7 =	vmul.f32 v7, v17  }
0x34b: {  	v0 =	vadd.f32 v2, v0;
	v2 =	vmul.f32 v9, v15;
	v15 =	vld.idx.msk [tilespmem:v16+s17+$0x0], $0xffff  }
0x34c: {  	v1 =	vadd.f32 v7, v1;
	v7 =	vld [tilespmem:$0x1FEF0]  }
0x34d: {  	v3 =	vld.idx.msk [tilespmem:v22+s19+$0x0], $0xffff;
	_ =	sdelay $0x3  }
0x34e: {  	v5 =	vld.idx.msk [tilespmem:v20+s19+$0x0], $0xffff;
	v7 =	vmul.f32 v7, v15  }
0x34f: {  	v0 =	vadd.f32 v2, v0;
	v2 =	vmul.f32 v3, v13;
	v13 =	vld.idx.msk [tilespmem:v14+s17+$0x0], $0xffff  }
0x350: {  	v1 =	vadd.f32 v7, v1;
	v7 =	vld [tilespmem:$0x1FEE0];
	_ =	sdelay $0x2  }
0x351: {  	v9 =	vld.idx.msk [tilespmem:v18+s19+$0x0], $0xffff  }
0x352: {  	v3 =	vld.idx.msk [tilespmem:v16+s19+$0x0], $0xffff  }
0x353: {  	v0 =	vadd.f32 v2, v0;
	v2 =	vmul.f32 v5, v11;
	v5 =	vld.idx.msk [tilespmem:v14+s19+$0x0], $0xffff;
	v7 =	vmul.f32 v7, v13  }
0x354: {  	v11 =	vld.idx.msk [tilespmem:v12+s17+$0x0], $0xffff  }
0x355: {  	v1 =	vadd.f32 v7, v1;
	v7 =	vld [tilespmem:$0x1FED0]  }
0x356: {  	v0 =	vadd.f32 v2, v0;
	v2 =	vmul.f32 v9, v17  }
0x357: {  	v9 =	vld.idx.msk [tilespmem:v12+s19+$0x0], $0xffff  }
0x358: {  	v12 =	vld.idx.msk [tilespmem:v10+s17+$0x0], $0xffff;
	v0 =	vadd.f32 v2, v0;
	v2 =	vmul.f32 v3, v15  }
0x359: {  	v3 =	vld.idx.msk [tilespmem:v10+s19+$0x0], $0xffff  }
0x35a: {  	v0 =	vadd.f32 v2, v0;
	v2 =	vmul.f32 v5, v13;
	v7 =	vmul.f32 v7, v11;
	_ =	sdelay $0x1  }
0x35b: {  	v0 =	vadd.f32 v2, v0;
	v2 =	vmul.f32 v9, v11;
	v1 =	vadd.f32 v7, v1;
	v7 =	vld [tilespmem:$0x1FEC0]  }
0x35c: {  	v10 =	vld.idx.msk [tilespmem:v8+s17+$0x0], $0xffff  }
0x35d: {  	v0 =	vadd.f32 v2, v0;
	v2 =	vmul.f32 v3, v12;
	v3 =	vld [tilespmem:$0x1FEB0];
	_ =	sdelay $0x2  }
0x35e: {  	v7 =	vmul.f32 v7, v12;
	_ =	sdelay $0x1  }
0x35f: {  	v5 =	vld.idx.msk [tilespmem:v8+s19+$0x0], $0xffff;
	v3 =	vmul.f32 v3, v10;
	v1 =	vadd.f32 v7, v1  }
0x360: {  	v8 =	vld.idx.msk [tilespmem:v6+s20+$0x0], $0xffff  }
0x361: {  	v1 =	vadd.f32 v3, v1;
	v3 =	vld [tilespmem:$0x1FEA0]  }
0x362: {  	v6 =	vld.idx.msk [tilespmem:v6+s22+$0x0], $0xffff;
	_ =	sdelay $0x1  }
0x363: {  	v4 =	vand.u32 $0x78, v4  }
0x364: {  	v4 =	vor.u32 v38, v4;
	v0 =	vadd.f32 v2, v0;
	v2 =	vmul.f32 v5, v10  }
0x365: {  	v3 =	vadd.f32 v3, v8  }
0x366: {  	v0 =	vadd.f32 v2, v0;
	v2 =	vadd.f32 v6, v8  }
0x367: {  	v1 =	vadd.f32 v3, v1  }
0x368: {  	v0 =	vadd.f32 v2, v0  }
0x369: {  	[tilespmem:v4+s4+$0x0] =	vst.idx.msk $0xffff, v1  }
0x36a: {  	[tilespmem:v4+s23+$0x0] =	vst.idx.msk $0xffff, v0  }
0x36b: {  	_ =	swait.ge [sflag:s0], $0x1000  }
0x36c: {  	[sflag:s0] =	ssyncset.done $0x0  }
0x36d: {  	[sflag:s0] =	ssyncadd.s32 $0xFFFFF000  }
0x36e: {  	_ =	swait.ge [sflag:s0], $0x1000  }
0x36f: {  	[sflag:s0] =	ssyncset.done $0x0  }
0x370: {  	[sflag:s0] =	ssyncadd.s32 $0xFFFFF000  }
0x371: {  	_ =	swait.ge [sflag:s0], $0x1000  }
0x372: {  	[sflag:s0] =	ssyncset.done $0x0  }
0x373: {  	[sflag:s0] =	ssyncadd.s32 $0xFFFFF000  }
0x374: {  	_ =	swait.ge [sflag:s0], $0x80  }
0x375: {  	[sflag:s0] =	ssyncset.done $0x0  }
0x376: {  	s24 =	simm.s32 $0x0;
	v0 =	vlaneseq.u32;
	[sflag:s0] =	ssyncadd.s32 $0xFFFFFF80  }
0x377: {  	v0 =	vor.u32 s24, v0;
	_ =	swait.ge [sflag:s0], $0x80  }
0x378: {  	v1 =	vand.u32 $0x78, v0;
	v38 =	vshll.u32 v0, $0x5;
	v0 =	vld [tilespmem:$0x1FF20];
	_ =	sdelay $0x4  }
0x379: {  	[sflag:s0] =	ssyncset.done $0x0;
	v6 =	vor.u32 v0, v1  }
0x37a: {  	[tilespmem:$0x1FE20] =	vst v1;
	[sflag:s0] =	ssyncadd.s32 $0xFFFFFF80  }
0x37b: {  	_ =	swait.ge [sflag:s0], $0x80  }
0x37c: {  	[sflag:s0] =	ssyncset.done $0x0  }
0x37d: {  	v18 =	vor.u32 $0x101A, v38;
	[sflag:s0] =	ssyncadd.s32 $0xFFFFFF80  }
0x37e: {  	v8 =	vor.u32 $0x101F, v38;
	v0 =	vld.idx.msk [tilespmem:v6+s21+$0x0], $0xffff  }
0x37f: {  	v20 =	vor.u32 $0x1019, v38  }
0x380: {  	v22 =	vor.u32 $0x1018, v38  }
0x381: {  	v24 =	vor.u32 $0x1017, v38  }
0x382: {  	v26 =	vor.u32 $0x1016, v38;
	v17 =	vld.idx.msk [tilespmem:v18+s18+$0x0], $0xffff  }
0x383: {  	v10 =	vor.u32 $0x101E, v38;
	[tilespmem:$0x1FE30] =	vst v0;
	v0 =	vld.idx.msk [tilespmem:v8+s18+$0x0], $0xffff  }
0x384: {  	v28 =	vor.u32 $0x1015, v38;
	v19 =	vld.idx.msk [tilespmem:v20+s18+$0x0], $0xffff  }
0x385: {  	v30 =	vor.u32 $0x1014, v38;
	v21 =	vld.idx.msk [tilespmem:v22+s18+$0x0], $0xffff  }
0x386: {  	v32 =	vor.u32 $0x1013, v38;
	v23 =	vld.idx.msk [tilespmem:v24+s18+$0x0], $0xffff  }
0x387: {  	v34 =	vor.u32 $0x1012, v38;
	v25 =	vld.idx.msk [tilespmem:v26+s18+$0x0], $0xffff  }
0x388: {  	v12 =	vor.u32 $0x101D, v38;
	[tilespmem:$0x1FE40] =	vst v0;
	v0 =	vld.idx.msk [tilespmem:v10+s18+$0x0], $0xffff  }
0x389: {  	v36 =	vor.u32 $0x1011, v38;
	v27 =	vld.idx.msk [tilespmem:v28+s18+$0x0], $0xffff  }
0x38a: {  	v39 =	vor.u32 $0x1010, v38;
	v29 =	vld.idx.msk [tilespmem:v30+s18+$0x0], $0xffff  }
0x38b: {  	v41 =	vor.u32 $0x100F, v38;
	v31 =	vld.idx.msk [tilespmem:v32+s18+$0x0], $0xffff  }
0x38c: {  	v43 =	vor.u32 $0x100E, v38;
	v33 =	vld.idx.msk [tilespmem:v34+s18+$0x0], $0xffff  }
0x38d: {  	v14 =	vor.u32 $0x101C, v38;
	[tilespmem:$0x1FE50] =	vst v0;
	v0 =	vld.idx.msk [tilespmem:v12+s18+$0x0], $0xffff  }
0x38e: {  	v45 =	vor.u32 $0x100D, v38;
	v35 =	vld.idx.msk [tilespmem:v36+s18+$0x0], $0xffff  }
0x38f: {  	v47 =	vor.u32 $0x100C, v38;
	v37 =	vld.idx.msk [tilespmem:v39+s18+$0x0], $0xffff  }
0x390: {  	v49 =	vor.u32 $0x100B, v38;
	v40 =	vld.idx.msk [tilespmem:v41+s18+$0x0], $0xffff  }
0x391: {  	v51 =	vor.u32 $0x100A, v38;
	v42 =	vld.idx.msk [tilespmem:v43+s18+$0x0], $0xffff  }
0x392: {  	v16 =	vor.u32 $0x101B, v38;
	[tilespmem:$0x1FE60] =	vst v0;
	v0 =	vld.idx.msk [tilespmem:v14+s18+$0x0], $0xffff  }
0x393: {  	v53 =	vor.u32 $0x1009, v38;
	v44 =	vld.idx.msk [tilespmem:v45+s18+$0x0], $0xffff  }
0x394: {  	v55 =	vor.u32 $0x1008, v38;
	v46 =	vld.idx.msk [tilespmem:v47+s18+$0x0], $0xffff  }
0x395: {  	v57 =	vor.u32 $0x1007, v38;
	v48 =	vld.idx.msk [tilespmem:v49+s18+$0x0], $0xffff  }
0x396: {  	v59 =	vor.u32 $0x1006, v38;
	v50 =	vld.idx.msk [tilespmem:v51+s18+$0x0], $0xffff  }
0x397: {  	v61 =	vor.u32 $0x1005, v38;
	[tilespmem:$0x1FE70] =	vst v0;
	v0 =	vld.idx.msk [tilespmem:v16+s18+$0x0], $0xffff  }
0x398: {  	v52 =	vld.idx.msk [tilespmem:v53+s18+$0x0], $0xffff  }
0x399: {  	v54 =	vld.idx.msk [tilespmem:v55+s18+$0x0], $0xffff  }
0x39a: {  	v56 =	vld.idx.msk [tilespmem:v57+s18+$0x0], $0xffff  }
0x39b: {  	v2 =	vor.u32 $0x1002, v38;
	v3 =	vor.u32 $0x1001, v38;
	v58 =	vld.idx.msk [tilespmem:v59+s18+$0x0], $0xffff  }
0x39c: {  	s24 =	simm.s32 $0x10;
	v62 =	vor.u32 $0x1000, v38;
	v1 =	vor.u32 $0x1003, v38;
	v60 =	vld.idx.msk [tilespmem:v61+s18+$0x0], $0xffff;
	[tilespmem:$0x1FE80] =	vst v0;
	v0 =	vor.u32 $0x1004, v38  }
.LBB2_8:
0x39d: {  	_ =	sdelay $0x3  }
0x39e: {  	v38 =	vld.idx.msk [tilespmem:v0+s18+$0x0], $0xffff  }
0x39f: {  	v63 =	vld.idx.msk [tilespmem:v1+s18+$0x0], $0xffff  }
0x3a0: {  	v5 =	vld.idx.msk [tilespmem:v2+s18+$0x0], $0xffff  }
0x3a1: {  	v7 =	vld.idx.msk [tilespmem:v3+s18+$0x0], $0xffff  }
0x3a2: {  	v9 =	vld.idx.msk [tilespmem:v62+s18+$0x0], $0xffff  }
0x3a3: {  	v11 =	vld.idx.msk [tilespmem:v62+s17+$0x0], $0xffff  }
0x3a4: {  	v62 =	vld.idx.msk [tilespmem:v62+s19+$0x0], $0xffff  }
0x3a5: {  	v13 =	vld.idx.msk [tilespmem:v3+s17+$0x0], $0xffff  }
0x3a6: {  	v3 =	vld.idx.msk [tilespmem:v3+s19+$0x0], $0xffff  }
0x3a7: {  	v15 =	vld.idx.msk [tilespmem:v2+s17+$0x0], $0xffff  }
0x3a8: {  	v2 =	vld.idx.msk [tilespmem:v2+s19+$0x0], $0xffff;
	v9 =	vmul.f32 v9, v11  }
0x3a9: {  	v4 =	vld.idx.msk [tilespmem:v1+s17+$0x0], $0xffff  }
0x3aa: {  	v1 =	vld.idx.msk [tilespmem:v1+s19+$0x0], $0xffff;
	v7 =	vmul.f32 v7, v13;
	v9 =	vadd.f32 $0.0e+00, v9  }
0x3ab: {  	v11 =	vmul.f32 v62, v11;
	v62 =	vld.idx.msk [tilespmem:v0+s17+$0x0], $0xffff  }
0x3ac: {  	v5 =	vmul.f32 v5, v15;
	v7 =	vadd.f32 v7, v9  }
0x3ad: {  	v3 =	vmul.f32 v3, v13;
	v11 =	vadd.f32 $0.0e+00, v11;
	v9 =	vld.idx.msk [tilespmem:v61+s17+$0x0], $0xffff  }
0x3ae: {  	v0 =	vld.idx.msk [tilespmem:v0+s19+$0x0], $0xffff;
	v5 =	vadd.f32 v5, v7;
	v7 =	vmul.f32 v63, v4  }
0x3af: {  	v2 =	vmul.f32 v2, v15;
	v13 =	vld.idx.msk [tilespmem:v59+s17+$0x0], $0xffff;
	v3 =	vadd.f32 v3, v11  }
0x3b0: {  	v1 =	vmul.f32 v1, v4;
	v11 =	vld.idx.msk [tilespmem:v61+s19+$0x0], $0xffff;
	v4 =	vadd.f32 v7, v5;
	v5 =	vmul.f32 v38, v62  }
0x3b1: {  	v2 =	vadd.f32 v2, v3;
	v7 =	vld.idx.msk [tilespmem:v57+s17+$0x0], $0xffff  }
0x3b2: {  	v3 =	vld.idx.msk [tilespmem:v59+s19+$0x0], $0xffff;
	v4 =	vadd.f32 v5, v4;
	v5 =	vmul.f32 v60, v9  }
0x3b3: {  	v15 =	vld.idx.msk [tilespmem:v55+s17+$0x0], $0xffff;
	v0 =	vmul.f32 v0, v62;
	v1 =	vadd.f32 v1, v2  }
0x3b4: {  	v2 =	vld.idx.msk [tilespmem:v57+s19+$0x0], $0xffff;
	v4 =	vadd.f32 v5, v4;
	v5 =	vmul.f32 v58, v13  }
0x3b5: {  	v0 =	vadd.f32 v0, v1;
	v1 =	vmul.f32 v11, v9;
	v11 =	vld.idx.msk [tilespmem:v53+s17+$0x0], $0xffff  }
0x3b6: {  	v9 =	vld.idx.msk [tilespmem:v55+s19+$0x0], $0xffff;
	v4 =	vadd.f32 v5, v4;
	v5 =	vmul.f32 v56, v7  }
0x3b7: {  	v0 =	vadd.f32 v1, v0;
	v1 =	vmul.f32 v3, v13;
	v13 =	vld.idx.msk [tilespmem:v51+s17+$0x0], $0xffff  }
0x3b8: {  	v3 =	vld.idx.msk [tilespmem:v53+s19+$0x0], $0xffff;
	v4 =	vadd.f32 v5, v4;
	v5 =	vmul.f32 v54, v15  }
0x3b9: {  	v0 =	vadd.f32 v1, v0;
	v1 =	vmul.f32 v2, v7;
	v7 =	vld.idx.msk [tilespmem:v49+s17+$0x0], $0xffff  }
0x3ba: {  	v2 =	vld.idx.msk [tilespmem:v51+s19+$0x0], $0xffff;
	v4 =	vadd.f32 v5, v4;
	v5 =	vmul.f32 v52, v11  }
0x3bb: {  	v0 =	vadd.f32 v1, v0;
	v1 =	vmul.f32 v9, v15;
	v15 =	vld.idx.msk [tilespmem:v47+s17+$0x0], $0xffff  }
0x3bc: {  	v9 =	vld.idx.msk [tilespmem:v49+s19+$0x0], $0xffff;
	v4 =	vadd.f32 v5, v4;
	v5 =	vmul.f32 v50, v13  }
0x3bd: {  	v0 =	vadd.f32 v1, v0;
	v1 =	vmul.f32 v3, v11;
	v11 =	vld.idx.msk [tilespmem:v45+s17+$0x0], $0xffff  }
0x3be: {  	v3 =	vld.idx.msk [tilespmem:v47+s19+$0x0], $0xffff;
	v4 =	vadd.f32 v5, v4;
	v5 =	vmul.f32 v48, v7  }
0x3bf: {  	v0 =	vadd.f32 v1, v0;
	v1 =	vmul.f32 v2, v13;
	v13 =	vld.idx.msk [tilespmem:v43+s17+$0x0], $0xffff  }
0x3c0: {  	v2 =	vld.idx.msk [tilespmem:v45+s19+$0x0], $0xffff;
	v4 =	vadd.f32 v5, v4;
	v5 =	vmul.f32 v46, v15  }
0x3c1: {  	v0 =	vadd.f32 v1, v0;
	v1 =	vmul.f32 v9, v7;
	v9 =	vld.idx.msk [tilespmem:v41+s17+$0x0], $0xffff  }
0x3c2: {  	v7 =	vld.idx.msk [tilespmem:v43+s19+$0x0], $0xffff;
	v4 =	vadd.f32 v5, v4;
	v5 =	vmul.f32 v44, v11  }
0x3c3: {  	v0 =	vadd.f32 v1, v0;
	v1 =	vmul.f32 v3, v15;
	v15 =	vld.idx.msk [tilespmem:v39+s17+$0x0], $0xffff  }
0x3c4: {  	v3 =	vld.idx.msk [tilespmem:v41+s19+$0x0], $0xffff;
	v4 =	vadd.f32 v5, v4;
	v5 =	vmul.f32 v42, v13  }
0x3c5: {  	v0 =	vadd.f32 v1, v0;
	v1 =	vmul.f32 v2, v11;
	v11 =	vld.idx.msk [tilespmem:v36+s17+$0x0], $0xffff  }
0x3c6: {  	v2 =	vld.idx.msk [tilespmem:v39+s19+$0x0], $0xffff;
	v4 =	vadd.f32 v5, v4;
	v5 =	vmul.f32 v40, v9  }
0x3c7: {  	v0 =	vadd.f32 v1, v0;
	v1 =	vmul.f32 v7, v13;
	v13 =	vld.idx.msk [tilespmem:v34+s17+$0x0], $0xffff  }
0x3c8: {  	v7 =	vld.idx.msk [tilespmem:v36+s19+$0x0], $0xffff;
	v4 =	vadd.f32 v5, v4;
	v5 =	vmul.f32 v37, v15  }
0x3c9: {  	v0 =	vadd.f32 v1, v0;
	v1 =	vmul.f32 v3, v9;
	v9 =	vld.idx.msk [tilespmem:v32+s17+$0x0], $0xffff  }
0x3ca: {  	v3 =	vld.idx.msk [tilespmem:v34+s19+$0x0], $0xffff;
	v4 =	vadd.f32 v5, v4;
	v5 =	vmul.f32 v35, v11  }
0x3cb: {  	v0 =	vadd.f32 v1, v0;
	v1 =	vmul.f32 v2, v15;
	v15 =	vld.idx.msk [tilespmem:v30+s17+$0x0], $0xffff  }
0x3cc: {  	v2 =	vld.idx.msk [tilespmem:v32+s19+$0x0], $0xffff;
	v4 =	vadd.f32 v5, v4;
	v5 =	vmul.f32 v33, v13  }
0x3cd: {  	v0 =	vadd.f32 v1, v0;
	v1 =	vmul.f32 v7, v11;
	v11 =	vld.idx.msk [tilespmem:v28+s17+$0x0], $0xffff  }
0x3ce: {  	v7 =	vld.idx.msk [tilespmem:v30+s19+$0x0], $0xffff;
	v4 =	vadd.f32 v5, v4;
	v5 =	vmul.f32 v31, v9  }
0x3cf: {  	v0 =	vadd.f32 v1, v0;
	v1 =	vmul.f32 v3, v13;
	v13 =	vld.idx.msk [tilespmem:v26+s17+$0x0], $0xffff  }
0x3d0: {  	v3 =	vld.idx.msk [tilespmem:v28+s19+$0x0], $0xffff;
	v4 =	vadd.f32 v5, v4;
	v5 =	vmul.f32 v29, v15  }
0x3d1: {  	v0 =	vadd.f32 v1, v0;
	v1 =	vmul.f32 v2, v9;
	v9 =	vld.idx.msk [tilespmem:v24+s17+$0x0], $0xffff  }
0x3d2: {  	v2 =	vld.idx.msk [tilespmem:v26+s19+$0x0], $0xffff;
	v4 =	vadd.f32 v5, v4;
	v5 =	vmul.f32 v27, v11  }
0x3d3: {  	v0 =	vadd.f32 v1, v0;
	v1 =	vmul.f32 v7, v15;
	v15 =	vld.idx.msk [tilespmem:v22+s17+$0x0], $0xffff  }
0x3d4: {  	v4 =	vadd.f32 v5, v4;
	v5 =	vmul.f32 v25, v13  }
0x3d5: {  	v0 =	vadd.f32 v1, v0;
	v1 =	vmul.f32 v3, v11;
	v11 =	vld.idx.msk [tilespmem:v20+s17+$0x0], $0xffff  }
0x3d6: {  	v4 =	vadd.f32 v5, v4;
	v5 =	vmul.f32 v23, v9  }
0x3d7: {  	v0 =	vadd.f32 v1, v0;
	v1 =	vmul.f32 v2, v13;
	v13 =	vld.idx.msk [tilespmem:v18+s17+$0x0], $0xffff  }
0x3d8: {  	v7 =	vld.idx.msk [tilespmem:v24+s19+$0x0], $0xffff;
	v4 =	vadd.f32 v5, v4;
	v5 =	vmul.f32 v21, v15;
	_ =	sdelay $0x1  }
0x3d9: {  	v4 =	vadd.f32 v5, v4;
	v5 =	vmul.f32 v19, v11;
	_ =	sdelay $0x1  }
0x3da: {  	v4 =	vadd.f32 v5, v4;
	v5 =	vmul.f32 v17, v13  }
0x3db: {  	v0 =	vadd.f32 v1, v0;
	v1 =	vmul.f32 v7, v9;
	v9 =	vld.idx.msk [tilespmem:v16+s17+$0x0], $0xffff  }
0x3dc: {  	v4 =	vadd.f32 v5, v4;
	v5 =	vld [tilespmem:$0x1FE80]  }
0x3dd: {  	v3 =	vld.idx.msk [tilespmem:v22+s19+$0x0], $0xffff;
	_ =	sdelay $0x3  }
0x3de: {  	v5 =	vmul.f32 v5, v9  }
0x3df: {  	v0 =	vadd.f32 v1, v0;
	v1 =	vmul.f32 v3, v15;
	v15 =	vld.idx.msk [tilespmem:v14+s17+$0x0], $0xffff  }
0x3e0: {  	v4 =	vadd.f32 v5, v4;
	v5 =	vld [tilespmem:$0x1FE70]  }
0x3e1: {  	v2 =	vld.idx.msk [tilespmem:v20+s19+$0x0], $0xffff;
	_ =	sdelay $0x3  }
0x3e2: {  	v7 =	vld.idx.msk [tilespmem:v18+s19+$0x0], $0xffff;
	v5 =	vmul.f32 v5, v15  }
0x3e3: {  	v0 =	vadd.f32 v1, v0;
	v1 =	vmul.f32 v2, v11;
	v11 =	vld.idx.msk [tilespmem:v12+s17+$0x0], $0xffff  }
0x3e4: {  	v4 =	vadd.f32 v5, v4;
	v5 =	vld [tilespmem:$0x1FE60]  }
0x3e5: {  	v3 =	vld.idx.msk [tilespmem:v16+s19+$0x0], $0xffff;
	_ =	sdelay $0x1  }
0x3e6: {  	v2 =	vld.idx.msk [tilespmem:v14+s19+$0x0], $0xffff  }
0x3e7: {  	v0 =	vadd.f32 v1, v0;
	v1 =	vmul.f32 v7, v13  }
0x3e8: {  	v7 =	vld.idx.msk [tilespmem:v12+s19+$0x0], $0xffff;
	v5 =	vmul.f32 v5, v11  }
0x3e9: {  	v12 =	vld.idx.msk [tilespmem:v10+s17+$0x0], $0xffff;
	v0 =	vadd.f32 v1, v0;
	v1 =	vmul.f32 v3, v9  }
0x3ea: {  	v4 =	vadd.f32 v5, v4;
	v5 =	vld [tilespmem:$0x1FE50]  }
0x3eb: {  	v3 =	vld.idx.msk [tilespmem:v10+s19+$0x0], $0xffff;
	v0 =	vadd.f32 v1, v0;
	v1 =	vmul.f32 v2, v15  }
0x3ec: {  	v2 =	vld.idx.msk [tilespmem:v8+s19+$0x0], $0xffff  }
0x3ed: {  	v0 =	vadd.f32 v1, v0;
	v1 =	vmul.f32 v7, v11;
	v7 =	vld.idx.msk [tilespmem:v6+s22+$0x0], $0xffff  }
0x3ee: {  	v9 =	vld.idx.msk [tilespmem:v8+s17+$0x0], $0xffff  }
0x3ef: {  	v8 =	vld.idx.msk [tilespmem:v6+s20+$0x0], $0xffff;
	v5 =	vmul.f32 v5, v12  }
0x3f0: {  	v6 =	vld [tilespmem:$0x1FF10]  }
0x3f1: {  	v4 =	vadd.f32 v5, v4;
	v5 =	vld [tilespmem:$0x1FE40];
	_ =	sdelay $0x2  }
0x3f2: {  	v0 =	vadd.f32 v1, v0  }
0x3f3: {  	v1 =	vmul.f32 v3, v12;
	v38 =	vor.u32 $0x180, v6;
	v6 =	vlaneseq.u32  }
0x3f4: {  	v6 =	vor.u32 s24, v6;
	v5 =	vmul.f32 v5, v9  }
0x3f5: {  	v0 =	vadd.f32 v1, v0;
	v1 =	vmul.f32 v2, v9;
	v2 =	vld [tilespmem:$0x1FE20];
	v3 =	vand.u32 $0x78, v6  }
0x3f6: {  	v10 =	vmov v3;
	v3 =	vadd.f32 v5, v4;
	v4 =	vld [tilespmem:$0x1FE30]  }
0x3f7: {  	v5 =	vld [tilespmem:$0x1FF20];
	_ =	sdelay $0x2  }
0x3f8: {  	v2 =	vor.u32 v38, v2  }
0x3f9: {  	v0 =	vadd.f32 v1, v0;
	v4 =	vadd.f32 v4, v8  }
0x3fa: {  	v1 =	vadd.f32 v7, v8;
	v9 =	vshll.u32 v6, $0x5;
	v6 =	vor.u32 v5, v10  }
0x3fb: {  	v3 =	vadd.f32 v4, v3  }
0x3fc: {  	v0 =	vadd.f32 v1, v0  }
0x3fd: {  	[tilespmem:v2+s4+$0x0] =	vst.idx.msk $0xffff, v3  }
0x3fe: {  	v18 =	vor.u32 $0x101A, v9;
	[tilespmem:v2+s23+$0x0] =	vst.idx.msk $0xffff, v0  }
0x3ff: {  	v8 =	vor.u32 $0x101F, v9;
	v0 =	vld.idx.msk [tilespmem:v6+s21+$0x0], $0xffff  }
0x400: {  	v20 =	vor.u32 $0x1019, v9  }
0x401: {  	v22 =	vor.u32 $0x1018, v9  }
0x402: {  	v24 =	vor.u32 $0x1017, v9  }
0x403: {  	[tilespmem:$0x1FE20] =	vst v10;
	v26 =	vor.u32 $0x1016, v9;
	v17 =	vld.idx.msk [tilespmem:v18+s18+$0x0], $0xffff  }
0x404: {  	v10 =	vor.u32 $0x101E, v9;
	[tilespmem:$0x1FE30] =	vst v0;
	v0 =	vld.idx.msk [tilespmem:v8+s18+$0x0], $0xffff  }
0x405: {  	v28 =	vor.u32 $0x1015, v9;
	v19 =	vld.idx.msk [tilespmem:v20+s18+$0x0], $0xffff  }
0x406: {  	v30 =	vor.u32 $0x1014, v9;
	v21 =	vld.idx.msk [tilespmem:v22+s18+$0x0], $0xffff  }
0x407: {  	v32 =	vor.u32 $0x1013, v9;
	v23 =	vld.idx.msk [tilespmem:v24+s18+$0x0], $0xffff  }
0x408: {  	v34 =	vor.u32 $0x1012, v9;
	v25 =	vld.idx.msk [tilespmem:v26+s18+$0x0], $0xffff  }
0x409: {  	v12 =	vor.u32 $0x101D, v9;
	[tilespmem:$0x1FE40] =	vst v0;
	v0 =	vld.idx.msk [tilespmem:v10+s18+$0x0], $0xffff  }
0x40a: {  	v36 =	vor.u32 $0x1011, v9;
	v27 =	vld.idx.msk [tilespmem:v28+s18+$0x0], $0xffff  }
0x40b: {  	v39 =	vor.u32 $0x1010, v9;
	v29 =	vld.idx.msk [tilespmem:v30+s18+$0x0], $0xffff  }
0x40c: {  	v41 =	vor.u32 $0x100F, v9;
	v31 =	vld.idx.msk [tilespmem:v32+s18+$0x0], $0xffff  }
0x40d: {  	v43 =	vor.u32 $0x100E, v9;
	v33 =	vld.idx.msk [tilespmem:v34+s18+$0x0], $0xffff  }
0x40e: {  	v14 =	vor.u32 $0x101C, v9;
	[tilespmem:$0x1FE50] =	vst v0;
	v0 =	vld.idx.msk [tilespmem:v12+s18+$0x0], $0xffff  }
0x40f: {  	v45 =	vor.u32 $0x100D, v9;
	v35 =	vld.idx.msk [tilespmem:v36+s18+$0x0], $0xffff  }
0x410: {  	v47 =	vor.u32 $0x100C, v9;
	v37 =	vld.idx.msk [tilespmem:v39+s18+$0x0], $0xffff  }
0x411: {  	v49 =	vor.u32 $0x100B, v9;
	v40 =	vld.idx.msk [tilespmem:v41+s18+$0x0], $0xffff  }
0x412: {  	v51 =	vor.u32 $0x100A, v9;
	v42 =	vld.idx.msk [tilespmem:v43+s18+$0x0], $0xffff  }
0x413: {  	v16 =	vor.u32 $0x101B, v9;
	[tilespmem:$0x1FE60] =	vst v0;
	v0 =	vld.idx.msk [tilespmem:v14+s18+$0x0], $0xffff  }
0x414: {  	v53 =	vor.u32 $0x1009, v9;
	v44 =	vld.idx.msk [tilespmem:v45+s18+$0x0], $0xffff  }
0x415: {  	v55 =	vor.u32 $0x1008, v9;
	v46 =	vld.idx.msk [tilespmem:v47+s18+$0x0], $0xffff  }
0x416: {  	v57 =	vor.u32 $0x1007, v9;
	v48 =	vld.idx.msk [tilespmem:v49+s18+$0x0], $0xffff  }
0x417: {  	v59 =	vor.u32 $0x1006, v9;
	v50 =	vld.idx.msk [tilespmem:v51+s18+$0x0], $0xffff  }
0x418: {  	p0 =	sne.s32 s24, $0x70;
	v61 =	vor.u32 $0x1005, v9;
	[tilespmem:$0x1FE70] =	vst v0;
	v0 =	vld.idx.msk [tilespmem:v16+s18+$0x0], $0xffff  }
.Ltmp3:
0x419: {  	v52 =	vld.idx.msk [tilespmem:v53+s18+$0x0], $0xffff;
	(pc) =	sbr.rel @p0 .LBB2_8-.Ltmp3, $4  }
0x41a: {  	v54 =	vld.idx.msk [tilespmem:v55+s18+$0x0], $0xffff  }
0x41b: {  	v56 =	vld.idx.msk [tilespmem:v57+s18+$0x0], $0xffff  }
0x41c: {  	v1 =	vor.u32 $0x1003, v9;
	v62 =	vor.u32 $0x1000, v9;
	v58 =	vld.idx.msk [tilespmem:v59+s18+$0x0], $0xffff  }
0x41d: {  	s24 =	sadd.s32 $0x10, s24;
	v3 =	vor.u32 $0x1001, v9;
	v2 =	vor.u32 $0x1002, v9;
	v60 =	vld.idx.msk [tilespmem:v61+s18+$0x0], $0xffff;
	[tilespmem:$0x1FE80] =	vst v0;
	v0 =	vor.u32 $0x1004, v9  }
0x41e: {  	_ =	sdelay $0x3  }
0x41f: {  	v4 =	vld.idx.msk [tilespmem:v62+s18+$0x0], $0xffff  }
0x420: {  	v5 =	vld.idx.msk [tilespmem:v62+s17+$0x0], $0xffff  }
0x421: {  	v7 =	vld.idx.msk [tilespmem:v62+s19+$0x0], $0xffff  }
0x422: {  	v9 =	vld.idx.msk [tilespmem:v3+s18+$0x0], $0xffff  }
0x423: {  	v11 =	vld.idx.msk [tilespmem:v3+s17+$0x0], $0xffff  }
0x424: {  	v3 =	vld.idx.msk [tilespmem:v3+s19+$0x0], $0xffff  }
0x425: {  	v13 =	vld.idx.msk [tilespmem:v2+s18+$0x0], $0xffff  }
0x426: {  	v15 =	vld.idx.msk [tilespmem:v2+s17+$0x0], $0xffff  }
0x427: {  	v62 =	vld.idx.msk [tilespmem:v1+s18+$0x0], $0xffff  }
0x428: {  	v63 =	vld.idx.msk [tilespmem:v1+s17+$0x0], $0xffff  }
0x429: {  	v1 =	vld.idx.msk [tilespmem:v1+s19+$0x0], $0xffff  }
0x42a: {  	v2 =	vld.idx.msk [tilespmem:v2+s19+$0x0], $0xffff;
	v4 =	vmul.f32 v4, v5  }
0x42b: {  	v5 =	vmul.f32 v7, v5;
	v7 =	vmul.f32 v9, v11;
	v9 =	vld.idx.msk [tilespmem:v0+s18+$0x0], $0xffff  }
0x42c: {  	v3 =	vmul.f32 v3, v11;
	v11 =	vld.idx.msk [tilespmem:v0+s17+$0x0], $0xffff  }
0x42d: {  	v0 =	vld.idx.msk [tilespmem:v0+s19+$0x0], $0xffff;
	v5 =	vadd.f32 $0.0e+00, v5  }
0x42e: {  	v62 =	vmul.f32 v62, v63;
	v1 =	vmul.f32 v1, v63;
	v63 =	vld.idx.msk [tilespmem:v55+s19+$0x0], $0xffff;
	v4 =	vadd.f32 $0.0e+00, v4  }
0x42f: {  	v2 =	vmul.f32 v2, v15;
	v3 =	vadd.f32 v3, v5;
	v5 =	vld.idx.msk [tilespmem:v61+s17+$0x0], $0xffff  }
0x430: {  	v13 =	vmul.f32 v13, v15;
	v4 =	vadd.f32 v7, v4;
	v7 =	vld.idx.msk [tilespmem:v61+s19+$0x0], $0xffff  }
0x431: {  	v2 =	vadd.f32 v2, v3;
	v3 =	vld.idx.msk [tilespmem:v59+s17+$0x0], $0xffff  }
0x432: {  	v4 =	vadd.f32 v13, v4;
	v13 =	vld.idx.msk [tilespmem:v59+s19+$0x0], $0xffff  }
0x433: {  	v59 =	vld.idx.msk [tilespmem:v57+s19+$0x0], $0xffff  }
0x434: {  	v1 =	vadd.f32 v1, v2;
	v2 =	vld.idx.msk [tilespmem:v57+s17+$0x0], $0xffff  }
0x435: {  	v0 =	vmul.f32 v0, v11;
	v4 =	vadd.f32 v62, v4;
	v62 =	vld.idx.msk [tilespmem:v55+s17+$0x0], $0xffff  }
0x436: {  	v9 =	vmul.f32 v9, v11;
	v55 =	vld.idx.msk [tilespmem:v53+s19+$0x0], $0xffff  }
0x437: {  	v57 =	vld.idx.msk [tilespmem:v51+s19+$0x0], $0xffff;
	v0 =	vadd.f32 v0, v1;
	v1 =	vmul.f32 v7, v5  }
0x438: {  	v61 =	vmul.f32 v60, v5;
	v60 =	vld.idx.msk [tilespmem:v49+s19+$0x0], $0xffff;
	v4 =	vadd.f32 v9, v4  }
0x439: {  	v15 =	vmul.f32 v58, v3;
	v0 =	vadd.f32 v1, v0;
	v1 =	vmul.f32 v13, v3;
	v3 =	vld.idx.msk [tilespmem:v53+s17+$0x0], $0xffff  }
0x43a: {  	v4 =	vadd.f32 v61, v4;
	v58 =	vmul.f32 v54, v62;
	v54 =	vld.idx.msk [tilespmem:v39+s19+$0x0], $0xffff  }
0x43b: {  	v56 =	vmul.f32 v56, v2;
	v0 =	vadd.f32 v1, v0;
	v1 =	vmul.f32 v59, v2;
	v2 =	vld.idx.msk [tilespmem:v51+s17+$0x0], $0xffff  }
0x43c: {  	v4 =	vadd.f32 v15, v4;
	v59 =	vld.idx.msk [tilespmem:v49+s17+$0x0], $0xffff  }
0x43d: {  	v49 =	vld.idx.msk [tilespmem:v43+s17+$0x0], $0xffff  }
0x43e: {  	v4 =	vadd.f32 v56, v4;
	v0 =	vadd.f32 v1, v0;
	v1 =	vmul.f32 v63, v62;
	v62 =	vld.idx.msk [tilespmem:v47+s19+$0x0], $0xffff  }
0x43f: {  	v56 =	vld.idx.msk [tilespmem:v36+s17+$0x0], $0xffff  }
0x440: {  	v61 =	vmul.f32 v52, v3;
	v52 =	vld.idx.msk [tilespmem:v41+s19+$0x0], $0xffff;
	v4 =	vadd.f32 v58, v4  }
0x441: {  	v0 =	vadd.f32 v1, v0;
	v1 =	vmul.f32 v55, v3;
	v3 =	vld.idx.msk [tilespmem:v47+s17+$0x0], $0xffff  }
0x442: {  	v47 =	vld.idx.msk [tilespmem:v45+s19+$0x0], $0xffff;
	v63 =	vmul.f32 v50, v2;
	v4 =	vadd.f32 v61, v4  }
0x443: {  	v0 =	vadd.f32 v1, v0;
	v1 =	vmul.f32 v57, v2;
	v2 =	vld.idx.msk [tilespmem:v45+s17+$0x0], $0xffff  }
0x444: {  	v48 =	vmul.f32 v48, v59;
	v50 =	vld.idx.msk [tilespmem:v43+s19+$0x0], $0xffff;
	v4 =	vadd.f32 v63, v4  }
0x445: {  	v43 =	vld.idx.msk [tilespmem:v20+s19+$0x0], $0xffff;
	v0 =	vadd.f32 v1, v0;
	v1 =	vmul.f32 v60, v59  }
0x446: {  	v57 =	vld.idx.msk [tilespmem:v36+s19+$0x0], $0xffff;
	v51 =	vmul.f32 v46, v3;
	v4 =	vadd.f32 v48, v4  }
0x447: {  	v0 =	vadd.f32 v1, v0;
	v1 =	vmul.f32 v62, v3;
	v3 =	vld.idx.msk [tilespmem:v41+s17+$0x0], $0xffff  }
0x448: {  	v61 =	vld.idx.msk [tilespmem:v32+s19+$0x0], $0xffff;
	v53 =	vmul.f32 v44, v2;
	v4 =	vadd.f32 v51, v4  }
0x449: {  	v0 =	vadd.f32 v1, v0;
	v1 =	vmul.f32 v47, v2;
	v2 =	vld.idx.msk [tilespmem:v39+s17+$0x0], $0xffff  }
0x44a: {  	v55 =	vmul.f32 v42, v49;
	v45 =	vld.idx.msk [tilespmem:v18+s17+$0x0], $0xffff;
	v4 =	vadd.f32 v53, v4  }
0x44b: {  	v59 =	vld.idx.msk [tilespmem:v34+s19+$0x0], $0xffff;
	v0 =	vadd.f32 v1, v0;
	v1 =	vmul.f32 v50, v49  }
0x44c: {  	v63 =	vld.idx.msk [tilespmem:v30+s17+$0x0], $0xffff;
	v58 =	vmul.f32 v40, v3;
	v4 =	vadd.f32 v55, v4  }
0x44d: {  	v0 =	vadd.f32 v1, v0;
	v1 =	vmul.f32 v52, v3;
	v3 =	vld.idx.msk [tilespmem:v34+s17+$0x0], $0xffff  }
0x44e: {  	v30 =	vld.idx.msk [tilespmem:v30+s19+$0x0], $0xffff;
	v60 =	vmul.f32 v37, v2;
	v4 =	vadd.f32 v58, v4  }
0x44f: {  	v0 =	vadd.f32 v1, v0;
	v1 =	vmul.f32 v54, v2;
	v2 =	vld.idx.msk [tilespmem:v32+s17+$0x0], $0xffff  }
0x450: {  	v46 =	vld.idx.msk [tilespmem:v18+s19+$0x0], $0xffff;
	v62 =	vmul.f32 v35, v56;
	v4 =	vadd.f32 v60, v4  }
0x451: {  	v35 =	vld.idx.msk [tilespmem:v26+s19+$0x0], $0xffff;
	v0 =	vadd.f32 v1, v0;
	v1 =	vmul.f32 v57, v56  }
0x452: {  	v41 =	vld.idx.msk [tilespmem:v22+s19+$0x0], $0xffff;
	v32 =	vmul.f32 v33, v3;
	v4 =	vadd.f32 v62, v4  }
0x453: {  	v0 =	vadd.f32 v1, v0;
	v1 =	vmul.f32 v59, v3;
	v3 =	vld.idx.msk [tilespmem:v28+s17+$0x0], $0xffff  }
0x454: {  	v33 =	vld.idx.msk [tilespmem:v28+s19+$0x0], $0xffff;
	v34 =	vmul.f32 v31, v2;
	v4 =	vadd.f32 v32, v4  }
0x455: {  	v0 =	vadd.f32 v1, v0;
	v1 =	vmul.f32 v61, v2;
	v2 =	vld.idx.msk [tilespmem:v26+s17+$0x0], $0xffff  }
0x456: {  	v48 =	vld.idx.msk [tilespmem:v16+s19+$0x0], $0xffff;
	v36 =	vmul.f32 v29, v63;
	v4 =	vadd.f32 v34, v4  }
0x457: {  	v37 =	vld.idx.msk [tilespmem:v24+s17+$0x0], $0xffff;
	v0 =	vadd.f32 v1, v0;
	v1 =	vmul.f32 v30, v63  }
0x458: {  	v39 =	vld.idx.msk [tilespmem:v24+s19+$0x0], $0xffff;
	v40 =	vmul.f32 v27, v3;
	v4 =	vadd.f32 v36, v4  }
0x459: {  	v0 =	vadd.f32 v1, v0;
	v1 =	vmul.f32 v33, v3;
	v3 =	vld.idx.msk [tilespmem:v22+s17+$0x0], $0xffff  }
0x45a: {  	v50 =	vld.idx.msk [tilespmem:v14+s19+$0x0], $0xffff;
	v42 =	vmul.f32 v25, v2;
	v4 =	vadd.f32 v40, v4  }
0x45b: {  	v0 =	vadd.f32 v1, v0;
	v1 =	vmul.f32 v35, v2;
	v2 =	vld.idx.msk [tilespmem:v20+s17+$0x0], $0xffff  }
0x45c: {  	v53 =	vld.idx.msk [tilespmem:v12+s19+$0x0], $0xffff;
	v44 =	vmul.f32 v23, v37;
	v4 =	vadd.f32 v42, v4  }
0x45d: {  	v52 =	vld.idx.msk [tilespmem:v12+s17+$0x0], $0xffff;
	v0 =	vadd.f32 v1, v0;
	v1 =	vmul.f32 v39, v37  }
0x45e: {  	v54 =	vld [tilespmem:$0x1FE80];
	v47 =	vmul.f32 v21, v3;
	v4 =	vadd.f32 v44, v4  }
0x45f: {  	v0 =	vadd.f32 v1, v0;
	v1 =	vmul.f32 v41, v3;
	v3 =	vld.idx.msk [tilespmem:v16+s17+$0x0], $0xffff  }
0x460: {  	v56 =	vld [tilespmem:$0x1FE70];
	v49 =	vmul.f32 v19, v2;
	v4 =	vadd.f32 v47, v4  }
0x461: {  	v0 =	vadd.f32 v1, v0;
	v1 =	vmul.f32 v43, v2;
	v2 =	vld.idx.msk [tilespmem:v14+s17+$0x0], $0xffff  }
0x462: {  	v51 =	vmul.f32 v17, v45;
	v55 =	vld.idx.msk [tilespmem:v10+s19+$0x0], $0xffff;
	v4 =	vadd.f32 v49, v4  }
0x463: {  	v58 =	vld [tilespmem:$0x1FE60];
	v0 =	vadd.f32 v1, v0;
	v1 =	vmul.f32 v46, v45  }
0x464: {  	v61 =	vld [tilespmem:$0x1FE50];
	v12 =	vmul.f32 v54, v3;
	v4 =	vadd.f32 v51, v4  }
0x465: {  	v0 =	vadd.f32 v1, v0;
	v1 =	vmul.f32 v48, v3;
	v3 =	vld.idx.msk [tilespmem:v10+s17+$0x0], $0xffff  }
0x466: {  	v57 =	vld.idx.msk [tilespmem:v8+s19+$0x0], $0xffff;
	v11 =	vmul.f32 v56, v2;
	v4 =	vadd.f32 v12, v4  }
0x467: {  	v62 =	vld [tilespmem:$0x1FE40];
	v0 =	vadd.f32 v1, v0;
	v1 =	vmul.f32 v50, v2  }
0x468: {  	v9 =	vmul.f32 v58, v52;
	v2 =	vld.idx.msk [tilespmem:v8+s17+$0x0], $0xffff;
	v4 =	vadd.f32 v11, v4  }
0x469: {  	v0 =	vadd.f32 v1, v0;
	v1 =	vmul.f32 v53, v52  }
0x46a: {  	v7 =	vmul.f32 v61, v3;
	v4 =	vadd.f32 v9, v4  }
0x46b: {  	v0 =	vadd.f32 v1, v0;
	v1 =	vmul.f32 v55, v3  }
0x46c: {  	v59 =	vld.idx.msk [tilespmem:v6+s20+$0x0], $0xffff;
	v3 =	vadd.f32 v7, v4  }
0x46d: {  	v4 =	vmul.f32 v62, v2;
	v0 =	vadd.f32 v1, v0;
	v1 =	vmul.f32 v57, v2;
	v2 =	vld [tilespmem:$0x1FE20]  }
0x46e: {  	v63 =	vld [tilespmem:$0x1FE30]  }
0x46f: {  	v60 =	vld.idx.msk [tilespmem:v6+s22+$0x0], $0xffff;
	_ =	sdelay $0x2  }
0x470: {  	v2 =	vor.u32 v38, v2  }
0x471: {  	v3 =	vadd.f32 v4, v3;
	v4 =	vadd.f32 v63, v59  }
0x472: {  	v0 =	vadd.f32 v1, v0;
	v1 =	vadd.f32 v60, v59  }
0x473: {  	v3 =	vadd.f32 v4, v3  }
0x474: {  	v0 =	vadd.f32 v1, v0  }
0x475: {  	[tilespmem:v2+s4+$0x0] =	vst.idx.msk $0xffff, v3  }
0x476: {  	[tilespmem:v2+s23+$0x0] =	vst.idx.msk $0xffff, v0  }
0x477: {  	[hbm4b:s10+s3] =	stream.linear.scatter [tilespmem:s4], [sflag:$0x2], $0x200, $0x38;
	[tilespmem:$0x6D00] =	vst v63  }
0x478: {  	s31 =	sadd.s32 $0x1, s31;
	_ =	swait.ge [sflag:s13], $0x200  }
0x479: {  	p0 =	sne.s32 s31, s12;
	[sflag:s13] =	ssyncset.done $0x0  }
.Ltmp4:
0x47a: {  	[sflag:s13] =	ssyncadd.s32 $0xFFFFFE00;
	(pc) =	sbr.rel @p0 .LBB2_1-.Ltmp4, $4  }
0x47b: {  	[hbm4b:s11+s3] =	stream.linear.scatter [tilespmem:s23], [sflag:$0x2], $0x200, $0x38;
	[tilespmem:$0x6D00] =	vst v63  }
0x47c: {  	_ =	swait.ge [sflag:s13], $0x200  }
0x47d: {  	[sflag:s13] =	ssyncset.done $0x0  }
0x47e: {  	v0 =	vlaneseq.u32;
	v1 =	vld [tilespmem:$0x1FFF0];
	[sflag:s13] =	ssyncadd.s32 $0xFFFFFE00  }
0x47f: {  	_ =	sfence.sel $0x180000  }
0x480: {  	[bflag:$0x0] =	sbarrier.arrive $0xFFFF  }
0x481: {  	_ =	strace $0x90000047  }
0x482: {  	s0 =	stileid.u32;
	[bflag:$0x2] =	sbarrier.arrive $0xFFFF  }
0x483: {  	p0 =	sne.s32 s0, $0x0;
	s0 =	rddreg [dreg:$0x6]  }
0x484: {  	s0 =	sadd.s32 @!p0 $0x100000, s0  }
0x485: {  	[sflag:s0] =	ssyncadd.tile.s32 @!p0 $0x1;
	_ =	shalt  }
.Lfunc_end2:
_tile_overlayer_lowered:
.L_overlay_start_2:
0x486: {  	(tag) =	ssettag $0x2  }
0x487: {  	s0 =	rddreg [dreg:$0x0];
	s2 =	stileid.u32  }
0x488: {  	s1 =	rddreg [dreg:$0x1];
	p0 =	sne.s32 s2, $0x0  }
0x489: {  	s3 =	rddreg [dreg:$0x2];
	[bflag:$0x3] =	sbarrier.arrive $0xFFFF;
	s2 =	simm.s32 @!p0 $0x1C02  }
0x48a: {  	[timem:s3], [sflag:s2] =	dma.local @!p0 [hbm:s0], s1  }
0x48b: {  	s0 =	simm.s32 @!p0 $0x2  }
0x48c: {  	_ =	swait.ge @!p0 [sflag:s0], s1  }
0x48d: {  	s1 =	ssub.s32 @!p0 $0x0, s1;
	[sflag:s0] =	ssyncset.done @!p0 $0x0  }
0x48e: {  	[sflag:s0] =	ssyncadd.s32 @!p0 s1  }
0x48f: {  	[bflag:$0x3] =	sbarrier.arrive $0xFFFF  }
0x490: {  	_ =	shalt  }

</sc_bundles>
